<compile_context>
chip_gen: v7x
topology: tpu7x:2x2x1
jax: 0.10.2.dev20260603
libtpu: 0.0.44.dev20260713+nightly
codegen_flags: <defaults>
</compile_context>

<pallas_src>
import functools

import jax
import jax.numpy as jnp
from jax import lax
from jax.experimental import pallas as pl
from jax.experimental.pallas import tpu as pltpu
from jax.experimental.pallas import tpu_sc as plsc

NUM_EXPERTS = 64
TOP_K = 8
N_GROUP = 8
TOPK_GROUP = 4
EXPERTS_PER_GROUP = NUM_EXPERTS // N_GROUP
ROUTED_SCALING_FACTOR = 2.5

NEG = float("-inf")
_T = 1024


def _gate_body(x_ref, g_ref, b_ref, s_ref, sr_ref):
    logits = jnp.dot(
        x_ref[...].astype(jnp.bfloat16),
        g_ref[...].astype(jnp.bfloat16),
        preferred_element_type=jnp.float32,
    )
    s = jax.nn.sigmoid(logits)
    s_ref[...] = s
    sr_ref[...] = s + b_ref[...]


def _tree(op, xs):
    xs = list(xs)
    while len(xs) > 1:
        nxt = [op(xs[i], xs[i + 1]) for i in range(0, len(xs) - 1, 2)]
        if len(xs) % 2:
            nxt.append(xs[-1])
        xs = nxt
    return xs[0]


def _route_body(sr_hbm, bias_hbm, idx_hbm, w_hbm, sr_v, bias_v, idx_v, w_v):
    info = plsc.get_sparse_core_info()
    nc, ns, lanes = info.num_cores, info.num_subcores, info.num_lanes
    nw = nc * ns
    n_tokens = sr_hbm.shape[0] // NUM_EXPERTS
    tpw = n_tokens // nw

    wid = lax.axis_index("s") * nc + lax.axis_index("c")
    base = wid * tpw
    pltpu.sync_copy(sr_hbm.at[pl.ds(base * NUM_EXPERTS, tpw * NUM_EXPERTS)], sr_v)
    pltpu.sync_copy(bias_hbm, bias_v)

    lane = lax.iota(jnp.int32, lanes)
    neg_v = jnp.full((lanes,), NEG, jnp.float32)

    @plsc.parallel_loop(0, tpw // lanes, unroll=4)
    def chunk(c):
        tok = c * lanes + lane
        row0 = tok * NUM_EXPERTS

        m1 = [None] * N_GROUP
        m2 = [None] * N_GROUP
        for g in range(N_GROUP):
            for j in range(EXPERTS_PER_GROUP):
                e = g * EXPERTS_PER_GROUP + j
                v = plsc.load_gather(sr_v, [row0 + e])
                if j == 0:
                    m1[g], m2[g] = v, neg_v
                else:
                    m2[g] = jnp.maximum(m2[g], jnp.minimum(m1[g], v))
                    m1[g] = jnp.maximum(m1[g], v)
        gs = [m1[g] + m2[g] for g in range(N_GROUP)]

        gmax = [None] * N_GROUP
        for g in range(N_GROUP):
            r = jnp.zeros((lanes,), jnp.int32)
            for h in range(N_GROUP):
                if h == g:
                    continue
                if h < g:
                    r = r + (gs[h] >= gs[g]).astype(jnp.int32)
                else:
                    r = r + (gs[h] > gs[g]).astype(jnp.int32)
            gmax[g] = jnp.where(r < TOPK_GROUP, m1[g], neg_v)

        idx_sel = [None] * TOP_K
        w_sel = [None] * TOP_K
        big = jnp.full((lanes,), 1 << 14, jnp.int32)
        for p in range(TOP_K):
            m = _tree(jnp.maximum, gmax)
            gstar = _tree(jnp.minimum, [
                jnp.where(gmax[g] == m, jnp.full((lanes,), g, jnp.int32), big)
                for g in range(N_GROUP)
            ])
            gstar = jnp.minimum(gstar, N_GROUP - 1)
            col0 = gstar * EXPERTS_PER_GROUP
            cols = [col0 + j for j in range(EXPERTS_PER_GROUP)]
            vals = [
                plsc.load_gather(sr_v, [row0 + cols[j]])
                for j in range(EXPERTS_PER_GROUP)
            ]
            estar = _tree(jnp.minimum, [
                jnp.where(vals[j] == m, cols[j], big)
                for j in range(EXPERTS_PER_GROUP)
            ])
            estar = jnp.minimum(estar, NUM_EXPERTS - 1)
            idx_sel[p] = estar
            w_sel[p] = m - plsc.load_gather(bias_v, [estar])
            plsc.store_scatter(sr_v, [row0 + estar], neg_v)
            newmax = _tree(jnp.maximum, [
                jnp.where(cols[j] == estar, neg_v, vals[j])
                for j in range(EXPERTS_PER_GROUP)
            ])
            for g in range(N_GROUP):
                hit = gstar == jnp.full((lanes,), g, jnp.int32)
                gmax[g] = jnp.where(hit, newmax, gmax[g])

        wsum = w_sel[0]
        for p in range(1, TOP_K):
            wsum = wsum + w_sel[p]
        scale = ROUTED_SCALING_FACTOR / (wsum + 1e-20)
        out0 = tok * TOP_K
        for p in range(TOP_K):
            plsc.store_scatter(idx_v, [out0 + p], idx_sel[p])
            plsc.store_scatter(w_v, [out0 + p], w_sel[p] * scale)

    pltpu.sync_copy(idx_v, idx_hbm.at[pl.ds(base * TOP_K, tpw * TOP_K)])
    pltpu.sync_copy(w_v, w_hbm.at[pl.ds(base * TOP_K, tpw * TOP_K)])


@jax.jit
def kernel(x, gate_kernel, e_score_correction_bias):
    n_tokens = x.shape[0]
    hidden = x.shape[1]
    grid = (n_tokens // _T,)
    bias2d = e_score_correction_bias.reshape(1, NUM_EXPERTS)
    scores, sr = pl.pallas_call(
        _gate_body,
        grid=grid,
        in_specs=[
            pl.BlockSpec((_T, hidden), lambda i: (i, 0)),
            pl.BlockSpec((hidden, NUM_EXPERTS), lambda i: (0, 0)),
            pl.BlockSpec((1, NUM_EXPERTS), lambda i: (0, 0)),
        ],
        out_specs=(
            pl.BlockSpec((_T, NUM_EXPERTS), lambda i: (i, 0)),
            pl.BlockSpec((_T, NUM_EXPERTS), lambda i: (i, 0)),
        ),
        out_shape=(
            jax.ShapeDtypeStruct((n_tokens, NUM_EXPERTS), jnp.float32),
            jax.ShapeDtypeStruct((n_tokens, NUM_EXPERTS), jnp.float32),
        ),
    )(x, gate_kernel, bias2d)

    info = plsc.get_sparse_core_info()
    nw = info.num_cores * info.num_subcores
    tpw = n_tokens // nw
    route = functools.partial(
        pl.kernel,
        mesh=plsc.VectorSubcoreMesh(core_axis_name="c", subcore_axis_name="s"),
        compiler_params=pltpu.CompilerParams(needs_layout_passes=False),
        out_type=(
            jax.ShapeDtypeStruct((n_tokens * TOP_K,), jnp.int32),
            jax.ShapeDtypeStruct((n_tokens * TOP_K,), jnp.float32),
        ),
        scratch_types=[
            pltpu.VMEM((tpw * NUM_EXPERTS,), jnp.float32),
            pltpu.VMEM((NUM_EXPERTS,), jnp.float32),
            pltpu.VMEM((tpw * TOP_K,), jnp.int32),
            pltpu.VMEM((tpw * TOP_K,), jnp.float32),
        ],
    )(_route_body)
    idxs, ws = route(sr.reshape(n_tokens * NUM_EXPERTS), e_score_correction_bias)
    return (
        idxs.reshape(n_tokens, TOP_K),
        ws.reshape(n_tokens, TOP_K),
        scores,
    )

# --- scband reference (transcript-rebuilt; emitter-appended) ---
"""Pipeline reference for scband-mo-erouter-40407052320886 (READ-ONLY COPY).

The authoritative reference and input builder live on the scoring server;
editing this copy changes nothing except your own understanding.
"""

import jax, jax.numpy as jnp
import numpy as np

NUM_EXPERTS = 64
TOP_K = 8
N_GROUP = 8
TOPK_GROUP = 4
HIDDEN = 768
NORM_TOPK_PROB = True
ROUTED_SCALING_FACTOR = 2.5
N_TOKENS = 32768  # batch=4 * seq_len=8192


def setup_inputs(seed: int = 0) -> dict:
    key = jax.random.key(seed)
    k1, k2 = jax.random.split(key)
    x = jax.random.normal(k1, (N_TOKENS, HIDDEN), dtype=jnp.float32)
    gate_kernel = jax.random.normal(k2, (HIDDEN, NUM_EXPERTS), dtype=jnp.float32) * (1.0 / np.sqrt(HIDDEN))
    e_score_correction_bias = jnp.zeros((NUM_EXPERTS,), dtype=jnp.float32)
    return {"x": x, "gate_kernel": gate_kernel, "e_score_correction_bias": e_score_correction_bias}


def _group_topk_routing(scores, scores_for_routing):
    N = scores.shape[0]
    experts_per_group = NUM_EXPERTS // N_GROUP
    grouped = scores_for_routing.reshape(N, N_GROUP, experts_per_group)
    group_scores = jax.lax.top_k(grouped, min(2, experts_per_group))[0]
    group_scores = group_scores.sum(axis=-1)
    topk_group_indices = jax.lax.top_k(group_scores, TOPK_GROUP)[1]
    group_mask = jnp.zeros((N, N_GROUP), dtype=jnp.bool_)
    group_mask = group_mask.at[jnp.arange(N)[:, None], topk_group_indices].set(True)
    expert_mask = jnp.repeat(group_mask, experts_per_group, axis=1)
    masked_scores = jnp.where(expert_mask, scores_for_routing, -jnp.inf)
    topk_indices = jax.lax.top_k(masked_scores, TOP_K)[1]
    topk_weights = jnp.take_along_axis(scores, topk_indices, axis=1)
    return topk_indices, topk_weights


def reference(x, gate_kernel, e_score_correction_bias):
    logits = x @ gate_kernel
    scores = jax.nn.sigmoid(logits.astype(jnp.float32))
    scores_for_routing = scores + e_score_correction_bias
    topk_indices, topk_weights = _group_topk_routing(scores, scores_for_routing)
    if NORM_TOPK_PROB:
        topk_weights = topk_weights / (topk_weights.sum(-1, keepdims=True) + 1e-20)
    topk_weights = topk_weights * ROUTED_SCALING_FACTOR
    return (topk_indices, topk_weights, scores)

if __name__ == "__main__":
    import jax
    _d = setup_inputs()
    print(jax.jit(kernel)(*tuple(_d.values())))

</pallas_src>

<mosaic_0001>
#map = affine_map<(d0, d1) -> (0)>
module attributes {stable_mosaic.version = 14 : i64} {
  func.func @_route_body(%arg0: i32, %arg1: i32, %arg2: memref<2097152xf32, #tpu.memory_space<hbm>>, %arg3: memref<64xf32, #tpu.memory_space<hbm>>, %arg4: memref<262144xi32, #tpu.memory_space<hbm>>, %arg5: memref<262144xf32, #tpu.memory_space<hbm>>, %arg6: memref<65536xf32, #tpu.memory_space<vmem>>, %arg7: memref<64xf32, #tpu.memory_space<vmem>>, %arg8: memref<8192xi32, #tpu.memory_space<vmem>>, %arg9: memref<8192xf32, #tpu.memory_space<vmem>>) attributes {dimension_semantics = [#tpu.dimension_semantics<core_parallel>, #tpu.dimension_semantics<subcore_parallel>], iteration_bounds = array<i64: 2, 16>, scalar_prefetch = 0 : i64, scratch_operands = 4 : i64, tpu.core_type = #tpu.core_type<sc_vector_subcore>, window_params = [{transform_indices = #map}, {transform_indices = #map}, {transform_indices = #map}, {transform_indices = #map}]} {
    %mul3A = arith.constant 2 : i32
    %mul3A_0 = arith.muli %arg1, %mul3A : i32
    %add3A = arith.addi %mul3A_0, %arg0 : i32
    %mul3A_1 = arith.constant 1024 : i32
    %mul3A_2 = arith.muli %add3A, %mul3A_1 : i32
    %mul3A_3 = arith.constant 64 : i32
    %mul3A_4 = arith.muli %mul3A_2, %mul3A_3 : i32
    "tpu.region"() ({
      %run_scoped3A = tpu.sem_alloc : memref<!tpu.dma_semaphore, #tpu.memory_space<semaphore_mem>>
      %dma_start3A = tpu.memref_slice %arg2[%mul3A_4] : memref<2097152xf32, #tpu.memory_space<hbm>> -> memref<65536xf32, #tpu.memory_space<hbm>>
      %dma_start3A_12 = tpu.memref_slice %arg2[%mul3A_4] : memref<2097152xf32, #tpu.memory_space<hbm>> -> memref<65536xf32, #tpu.memory_space<hbm>>
      tpu.enqueue_dma source(%dma_start3A_12 : memref<65536xf32, #tpu.memory_space<hbm>>) target(%arg6 : memref<65536xf32, #tpu.memory_space<vmem>>) target_semaphore(%run_scoped3A : memref<!tpu.dma_semaphore, #tpu.memory_space<semaphore_mem>>)
      %dma_wait3A = tpu.memref_slice %arg2[%mul3A_4] : memref<2097152xf32, #tpu.memory_space<hbm>> -> memref<65536xf32, #tpu.memory_space<hbm>>
      %dma_wait3A_13 = tpu.memref_slice %arg2[%mul3A_4] : memref<2097152xf32, #tpu.memory_space<hbm>> -> memref<65536xf32, #tpu.memory_space<hbm>>
      tpu.wait_dma2 semaphore(%run_scoped3A : memref<!tpu.dma_semaphore, #tpu.memory_space<semaphore_mem>>) src(%dma_wait3A_13 : memref<65536xf32, #tpu.memory_space<hbm>>) dst(%arg6 : memref<65536xf32, #tpu.memory_space<vmem>>)
      tpu.yield
    }) : () -> ()
    "tpu.region"() ({
      %run_scoped3A = tpu.sem_alloc : memref<!tpu.dma_semaphore, #tpu.memory_space<semaphore_mem>>
      tpu.enqueue_dma source(%arg3 : memref<64xf32, #tpu.memory_space<hbm>>) target(%arg7 : memref<64xf32, #tpu.memory_space<vmem>>) target_semaphore(%run_scoped3A : memref<!tpu.dma_semaphore, #tpu.memory_space<semaphore_mem>>)
      tpu.wait_dma2 semaphore(%run_scoped3A : memref<!tpu.dma_semaphore, #tpu.memory_space<semaphore_mem>>) src(%arg3 : memref<64xf32, #tpu.memory_space<hbm>>) dst(%arg7 : memref<64xf32, #tpu.memory_space<vmem>>)
      tpu.yield
    }) : () -> ()
    %iota3A = tpu.iota {dimensions = array<i32: 0>} : vector<16xi32>
    %broadcast_in_dim3A = arith.constant 0xFF800000 : f32
    %broadcast_in_dim3A_5 = vector.broadcast %broadcast_in_dim3A : f32 to vector<16xf32>
    %parallel_loop3A = arith.constant 0 : i32
    %parallel_loop3A_6 = arith.constant 64 : i32
    %parallel_loop3A_7 = arith.constant 1 : i32
    scf.for %parallel_loop3A_12 = %parallel_loop3A to %parallel_loop3A_6 step %parallel_loop3A_7  : i32 {
      %parallel_loop3A_13 = arith.constant 16 : i32
      %parallel_loop3A_14 = arith.muli %parallel_loop3A_12, %parallel_loop3A_13 : i32
      %parallel_loop3A_15 = vector.broadcast %parallel_loop3A_14 : i32 to vector<16xi32>
      %parallel_loop3A_16 = arith.addi %parallel_loop3A_15, %iota3A : vector<16xi32>
      %parallel_loop3A_17 = arith.constant 64 : i32
      %parallel_loop3A_18 = vector.broadcast %parallel_loop3A_17 : i32 to vector<16xi32>
      %parallel_loop3A_19 = arith.muli %parallel_loop3A_16, %parallel_loop3A_18 : vector<16xi32>
      %parallel_loop3A_20 = arith.constant 0 : i32
      %parallel_loop3A_21 = vector.broadcast %parallel_loop3A_20 : i32 to vector<16xi32>
      %parallel_loop3A_22 = arith.addi %parallel_loop3A_19, %parallel_loop3A_21 : vector<16xi32>
      %parallel_loop3A_23 = tpu.vector_load_idx %arg6[%parallel_loop3A_22] : memref<65536xf32, #tpu.memory_space<vmem>>[vector<16xi32>], vector<16xf32>,
      %parallel_loop3A_24 = arith.constant 1 : i32
      %parallel_loop3A_25 = vector.broadcast %parallel_loop3A_24 : i32 to vector<16xi32>
      %parallel_loop3A_26 = arith.addi %parallel_loop3A_19, %parallel_loop3A_25 : vector<16xi32>
      %parallel_loop3A_27 = tpu.vector_load_idx %arg6[%parallel_loop3A_26] : memref<65536xf32, #tpu.memory_space<vmem>>[vector<16xi32>], vector<16xf32>,
      %parallel_loop3A_28 = arith.minimumf %parallel_loop3A_23, %parallel_loop3A_27 : vector<16xf32>
      %parallel_loop3A_29 = arith.maximumf %broadcast_in_dim3A_5, %parallel_loop3A_28 : vector<16xf32>
      %parallel_loop3A_30 = arith.maximumf %parallel_loop3A_23, %parallel_loop3A_27 : vector<16xf32>
      %parallel_loop3A_31 = arith.constant 2 : i32
      %parallel_loop3A_32 = vector.broadcast %parallel_loop3A_31 : i32 to vector<16xi32>
      %parallel_loop3A_33 = arith.addi %parallel_loop3A_19, %parallel_loop3A_32 : vector<16xi32>
      %parallel_loop3A_34 = tpu.vector_load_idx %arg6[%parallel_loop3A_33] : memref<65536xf32, #tpu.memory_space<vmem>>[vector<16xi32>], vector<16xf32>,
      %parallel_loop3A_35 = arith.minimumf %parallel_loop3A_30, %parallel_loop3A_34 : vector<16xf32>
      %parallel_loop3A_36 = arith.maximumf %parallel_loop3A_29, %parallel_loop3A_35 : vector<16xf32>
      %parallel_loop3A_37 = arith.maximumf %parallel_loop3A_30, %parallel_loop3A_34 : vector<16xf32>
      %parallel_loop3A_38 = arith.constant 3 : i32
      %parallel_loop3A_39 = vector.broadcast %parallel_loop3A_38 : i32 to vector<16xi32>
      %parallel_loop3A_40 = arith.addi %parallel_loop3A_19, %parallel_loop3A_39 : vector<16xi32>
      %parallel_loop3A_41 = tpu.vector_load_idx %arg6[%parallel_loop3A_40] : memref<65536xf32, #tpu.memory_space<vmem>>[vector<16xi32>], vector<16xf32>,
      %parallel_loop3A_42 = arith.minimumf %parallel_loop3A_37, %parallel_loop3A_41 : vector<16xf32>
      %parallel_loop3A_43 = arith.maximumf %parallel_loop3A_36, %parallel_loop3A_42 : vector<16xf32>
      %parallel_loop3A_44 = arith.maximumf %parallel_loop3A_37, %parallel_loop3A_41 : vector<16xf32>
      %parallel_loop3A_45 = arith.constant 4 : i32
      %parallel_loop3A_46 = vector.broadcast %parallel_loop3A_45 : i32 to vector<16xi32>
      %parallel_loop3A_47 = arith.addi %parallel_loop3A_19, %parallel_loop3A_46 : vector<16xi32>
      %parallel_loop3A_48 = tpu.vector_load_idx %arg6[%parallel_loop3A_47] : memref<65536xf32, #tpu.memory_space<vmem>>[vector<16xi32>], vector<16xf32>,
      %parallel_loop3A_49 = arith.minimumf %parallel_loop3A_44, %parallel_loop3A_48 : vector<16xf32>
      %parallel_loop3A_50 = arith.maximumf %parallel_loop3A_43, %parallel_loop3A_49 : vector<16xf32>
      %parallel_loop3A_51 = arith.maximumf %parallel_loop3A_44, %parallel_loop3A_48 : vector<16xf32>
      %parallel_loop3A_52 = arith.constant 5 : i32
      %parallel_loop3A_53 = vector.broadcast %parallel_loop3A_52 : i32 to vector<16xi32>
      %parallel_loop3A_54 = arith.addi %parallel_loop3A_19, %parallel_loop3A_53 : vector<16xi32>
      %parallel_loop3A_55 = tpu.vector_load_idx %arg6[%parallel_loop3A_54] : memref<65536xf32, #tpu.memory_space<vmem>>[vector<16xi32>], vector<16xf32>,
      %parallel_loop3A_56 = arith.minimumf %parallel_loop3A_51, %parallel_loop3A_55 : vector<16xf32>
      %parallel_loop3A_57 = arith.maximumf %parallel_loop3A_50, %parallel_loop3A_56 : vector<16xf32>
      %parallel_loop3A_58 = arith.maximumf %parallel_loop3A_51, %parallel_loop3A_55 : vector<16xf32>
      %parallel_loop3A_59 = arith.constant 6 : i32
      %parallel_loop3A_60 = vector.broadcast %parallel_loop3A_59 : i32 to vector<16xi32>
      %parallel_loop3A_61 = arith.addi %parallel_loop3A_19, %parallel_loop3A_60 : vector<16xi32>
      %parallel_loop3A_62 = tpu.vector_load_idx %arg6[%parallel_loop3A_61] : memref<65536xf32, #tpu.memory_space<vmem>>[vector<16xi32>], vector<16xf32>,
      %parallel_loop3A_63 = arith.minimumf %parallel_loop3A_58, %parallel_loop3A_62 : vector<16xf32>
      %parallel_loop3A_64 = arith.maximumf %parallel_loop3A_57, %parallel_loop3A_63 : vector<16xf32>
      %parallel_loop3A_65 = arith.maximumf %parallel_loop3A_58, %parallel_loop3A_62 : vector<16xf32>
      %parallel_loop3A_66 = arith.constant 7 : i32
      %parallel_loop3A_67 = vector.broadcast %parallel_loop3A_66 : i32 to vector<16xi32>
      %parallel_loop3A_68 = arith.addi %parallel_loop3A_19, %parallel_loop3A_67 : vector<16xi32>
      %parallel_loop3A_69 = tpu.vector_load_idx %arg6[%parallel_loop3A_68] : memref<65536xf32, #tpu.memory_space<vmem>>[vector<16xi32>], vector<16xf32>,
      %parallel_loop3A_70 = arith.minimumf %parallel_loop3A_65, %parallel_loop3A_69 : vector<16xf32>
      %parallel_loop3A_71 = arith.maximumf %parallel_loop3A_64, %parallel_loop3A_70 : vector<16xf32>
      %parallel_loop3A_72 = arith.maximumf %parallel_loop3A_65, %parallel_loop3A_69 : vector<16xf32>
      %parallel_loop3A_73 = arith.constant 8 : i32
      %parallel_loop3A_74 = vector.broadcast %parallel_loop3A_73 : i32 to vector<16xi32>
      %parallel_loop3A_75 = arith.addi %parallel_loop3A_19, %parallel_loop3A_74 : vector<16xi32>
      %parallel_loop3A_76 = tpu.vector_load_idx %arg6[%parallel_loop3A_75] : memref<65536xf32, #tpu.memory_space<vmem>>[vector<16xi32>], vector<16xf32>,
      %parallel_loop3A_77 = arith.constant 9 : i32
      %parallel_loop3A_78 = vector.broadcast %parallel_loop3A_77 : i32 to vector<16xi32>
      %parallel_loop3A_79 = arith.addi %parallel_loop3A_19, %parallel_loop3A_78 : vector<16xi32>
      %parallel_loop3A_80 = tpu.vector_load_idx %arg6[%parallel_loop3A_79] : memref<65536xf32, #tpu.memory_space<vmem>>[vector<16xi32>], vector<16xf32>,
      %parallel_loop3A_81 = arith.minimumf %parallel_loop3A_76, %parallel_loop3A_80 : vector<16xf32>
      %parallel_loop3A_82 = arith.maximumf %broadcast_in_dim3A_5, %parallel_loop3A_81 : vector<16xf32>
      %parallel_loop3A_83 = arith.maximumf %parallel_loop3A_76, %parallel_loop3A_80 : vector<16xf32>
      %parallel_loop3A_84 = arith.constant 10 : i32
      %parallel_loop3A_85 = vector.broadcast %parallel_loop3A_84 : i32 to vector<16xi32>
      %parallel_loop3A_86 = arith.addi %parallel_loop3A_19, %parallel_loop3A_85 : vector<16xi32>
      %parallel_loop3A_87 = tpu.vector_load_idx %arg6[%parallel_loop3A_86] : memref<65536xf32, #tpu.memory_space<vmem>>[vector<16xi32>], vector<16xf32>,
      %parallel_loop3A_88 = arith.minimumf %parallel_loop3A_83, %parallel_loop3A_87 : vector<16xf32>
      %parallel_loop3A_89 = arith.maximumf %parallel_loop3A_82, %parallel_loop3A_88 : vector<16xf32>
      %parallel_loop3A_90 = arith.maximumf %parallel_loop3A_83, %parallel_loop3A_87 : vector<16xf32>
      %parallel_loop3A_91 = arith.constant 11 : i32
      %parallel_loop3A_92 = vector.broadcast %parallel_loop3A_91 : i32 to vector<16xi32>
      %parallel_loop3A_93 = arith.addi %parallel_loop3A_19, %parallel_loop3A_92 : vector<16xi32>
      %parallel_loop3A_94 = tpu.vector_load_idx %arg6[%parallel_loop3A_93] : memref<65536xf32, #tpu.memory_space<vmem>>[vector<16xi32>], vector<16xf32>,
      %parallel_loop3A_95 = arith.minimumf %parallel_loop3A_90, %parallel_loop3A_94 : vector<16xf32>
      %parallel_loop3A_96 = arith.maximumf %parallel_loop3A_89, %parallel_loop3A_95 : vector<16xf32>
      %parallel_loop3A_97 = arith.maximumf %parallel_loop3A_90, %parallel_loop3A_94 : vector<16xf32>
      %parallel_loop3A_98 = arith.constant 12 : i32
      %parallel_loop3A_99 = vector.broadcast %parallel_loop3A_98 : i32 to vector<16xi32>
      %parallel_loop3A_100 = arith.addi %parallel_loop3A_19, %parallel_loop3A_99 : vector<16xi32>
      %parallel_loop3A_101 = tpu.vector_load_idx %arg6[%parallel_loop3A_100] : memref<65536xf32, #tpu.memory_space<vmem>>[vector<16xi32>], vector<16xf32>,
      %parallel_loop3A_102 = arith.minimumf %parallel_loop3A_97, %parallel_loop3A_101 : vector<16xf32>
      %parallel_loop3A_103 = arith.maximumf %parallel_loop3A_96, %parallel_loop3A_102 : vector<16xf32>
      %parallel_loop3A_104 = arith.maximumf %parallel_loop3A_97, %parallel_loop3A_101 : vector<16xf32>
      %parallel_loop3A_105 = arith.constant 13 : i32
      %parallel_loop3A_106 = vector.broadcast %parallel_loop3A_105 : i32 to vector<16xi32>
      %parallel_loop3A_107 = arith.addi %parallel_loop3A_19, %parallel_loop3A_106 : vector<16xi32>
      %parallel_loop3A_108 = tpu.vector_load_idx %arg6[%parallel_loop3A_107] : memref<65536xf32, #tpu.memory_space<vmem>>[vector<16xi32>], vector<16xf32>,
      %parallel_loop3A_109 = arith.minimumf %parallel_loop3A_104, %parallel_loop3A_108 : vector<16xf32>
      %parallel_loop3A_110 = arith.maximumf %parallel_loop3A_103, %parallel_loop3A_109 : vector<16xf32>
      %parallel_loop3A_111 = arith.maximumf %parallel_loop3A_104, %parallel_loop3A_108 : vector<16xf32>
      %parallel_loop3A_112 = arith.constant 14 : i32
      %parallel_loop3A_113 = vector.broadcast %parallel_loop3A_112 : i32 to vector<16xi32>
      %parallel_loop3A_114 = arith.addi %parallel_loop3A_19, %parallel_loop3A_113 : vector<16xi32>
      %parallel_loop3A_115 = tpu.vector_load_idx %arg6[%parallel_loop3A_114] : memref<65536xf32, #tpu.memory_space<vmem>>[vector<16xi32>], vector<16xf32>,
      %parallel_loop3A_116 = arith.minimumf %parallel_loop3A_111, %parallel_loop3A_115 : vector<16xf32>
      %parallel_loop3A_117 = arith.maximumf %parallel_loop3A_110, %parallel_loop3A_116 : vector<16xf32>
      %parallel_loop3A_118 = arith.maximumf %parallel_loop3A_111, %parallel_loop3A_115 : vector<16xf32>
      %parallel_loop3A_119 = arith.constant 15 : i32
      %parallel_loop3A_120 = vector.broadcast %parallel_loop3A_119 : i32 to vector<16xi32>
      %parallel_loop3A_121 = arith.addi %parallel_loop3A_19, %parallel_loop3A_120 : vector<16xi32>
      %parallel_loop3A_122 = tpu.vector_load_idx %arg6[%parallel_loop3A_121] : memref<65536xf32, #tpu.memory_space<vmem>>[vector<16xi32>], vector<16xf32>,
      %parallel_loop3A_123 = arith.minimumf %parallel_loop3A_118, %parallel_loop3A_122 : vector<16xf32>
      %parallel_loop3A_124 = arith.maximumf %parallel_loop3A_117, %parallel_loop3A_123 : vector<16xf32>
      %parallel_loop3A_125 = arith.maximumf %parallel_loop3A_118, %parallel_loop3A_122 : vector<16xf32>
      %parallel_loop3A_126 = arith.constant 16 : i32
      %parallel_loop3A_127 = vector.broadcast %parallel_loop3A_126 : i32 to vector<16xi32>
      %parallel_loop3A_128 = arith.addi %parallel_loop3A_19, %parallel_loop3A_127 : vector<16xi32>
      %parallel_loop3A_129 = tpu.vector_load_idx %arg6[%parallel_loop3A_128] : memref<65536xf32, #tpu.memory_space<vmem>>[vector<16xi32>], vector<16xf32>,
      %parallel_loop3A_130 = arith.constant 17 : i32
      %parallel_loop3A_131 = vector.broadcast %parallel_loop3A_130 : i32 to vector<16xi32>
      %parallel_loop3A_132 = arith.addi %parallel_loop3A_19, %parallel_loop3A_131 : vector<16xi32>
      %parallel_loop3A_133 = tpu.vector_load_idx %arg6[%parallel_loop3A_132] : memref<65536xf32, #tpu.memory_space<vmem>>[vector<16xi32>], vector<16xf32>,
      %parallel_loop3A_134 = arith.minimumf %parallel_loop3A_129, %parallel_loop3A_133 : vector<16xf32>
      %parallel_loop3A_135 = arith.maximumf %broadcast_in_dim3A_5, %parallel_loop3A_134 : vector<16xf32>
      %parallel_loop3A_136 = arith.maximumf %parallel_loop3A_129, %parallel_loop3A_133 : vector<16xf32>
      %parallel_loop3A_137 = arith.constant 18 : i32
      %parallel_loop3A_138 = vector.broadcast %parallel_loop3A_137 : i32 to vector<16xi32>
      %parallel_loop3A_139 = arith.addi %parallel_loop3A_19, %parallel_loop3A_138 : vector<16xi32>
      %parallel_loop3A_140 = tpu.vector_load_idx %arg6[%parallel_loop3A_139] : memref<65536xf32, #tpu.memory_space<vmem>>[vector<16xi32>], vector<16xf32>,
      %parallel_loop3A_141 = arith.minimumf %parallel_loop3A_136, %parallel_loop3A_140 : vector<16xf32>
      %parallel_loop3A_142 = arith.maximumf %parallel_loop3A_135, %parallel_loop3A_141 : vector<16xf32>
      %parallel_loop3A_143 = arith.maximumf %parallel_loop3A_136, %parallel_loop3A_140 : vector<16xf32>
      %parallel_loop3A_144 = arith.constant 19 : i32
      %parallel_loop3A_145 = vector.broadcast %parallel_loop3A_144 : i32 to vector<16xi32>
      %parallel_loop3A_146 = arith.addi %parallel_loop3A_19, %parallel_loop3A_145 : vector<16xi32>
      %parallel_loop3A_147 = tpu.vector_load_idx %arg6[%parallel_loop3A_146] : memref<65536xf32, #tpu.memory_space<vmem>>[vector<16xi32>], vector<16xf32>,
      %parallel_loop3A_148 = arith.minimumf %parallel_loop3A_143, %parallel_loop3A_147 : vector<16xf32>
      %parallel_loop3A_149 = arith.maximumf %parallel_loop3A_142, %parallel_loop3A_148 : vector<16xf32>
      %parallel_loop3A_150 = arith.maximumf %parallel_loop3A_143, %parallel_loop3A_147 : vector<16xf32>
      %parallel_loop3A_151 = arith.constant 20 : i32
      %parallel_loop3A_152 = vector.broadcast %parallel_loop3A_151 : i32 to vector<16xi32>
      %parallel_loop3A_153 = arith.addi %parallel_loop3A_19, %parallel_loop3A_152 : vector<16xi32>
      %parallel_loop3A_154 = tpu.vector_load_idx %arg6[%parallel_loop3A_153] : memref<65536xf32, #tpu.memory_space<vmem>>[vector<16xi32>], vector<16xf32>,
      %parallel_loop3A_155 = arith.minimumf %parallel_loop3A_150, %parallel_loop3A_154 : vector<16xf32>
      %parallel_loop3A_156 = arith.maximumf %parallel_loop3A_149, %parallel_loop3A_155 : vector<16xf32>
      %parallel_loop3A_157 = arith.maximumf %parallel_loop3A_150, %parallel_loop3A_154 : vector<16xf32>
      %parallel_loop3A_158 = arith.constant 21 : i32
      %parallel_loop3A_159 = vector.broadcast %parallel_loop3A_158 : i32 to vector<16xi32>
      %parallel_loop3A_160 = arith.addi %parallel_loop3A_19, %parallel_loop3A_159 : vector<16xi32>
      %parallel_loop3A_161 = tpu.vector_load_idx %arg6[%parallel_loop3A_160] : memref<65536xf32, #tpu.memory_space<vmem>>[vector<16xi32>], vector<16xf32>,
      %parallel_loop3A_162 = arith.minimumf %parallel_loop3A_157, %parallel_loop3A_161 : vector<16xf32>
      %parallel_loop3A_163 = arith.maximumf %parallel_loop3A_156, %parallel_loop3A_162 : vector<16xf32>
      %parallel_loop3A_164 = arith.maximumf %parallel_loop3A_157, %parallel_loop3A_161 : vector<16xf32>
      %parallel_loop3A_165 = arith.constant 22 : i32
      %parallel_loop3A_166 = vector.broadcast %parallel_loop3A_165 : i32 to vector<16xi32>
      %parallel_loop3A_167 = arith.addi %parallel_loop3A_19, %parallel_loop3A_166 : vector<16xi32>
      %parallel_loop3A_168 = tpu.vector_load_idx %arg6[%parallel_loop3A_167] : memref<65536xf32, #tpu.memory_space<vmem>>[vector<16xi32>], vector<16xf32>,
      %parallel_loop3A_169 = arith.minimumf %parallel_loop3A_164, %parallel_loop3A_168 : vector<16xf32>
      %parallel_loop3A_170 = arith.maximumf %parallel_loop3A_163, %parallel_loop3A_169 : vector<16xf32>
      %parallel_loop3A_171 = arith.maximumf %parallel_loop3A_164, %parallel_loop3A_168 : vector<16xf32>
      %parallel_loop3A_172 = arith.constant 23 : i32
      %parallel_loop3A_173 = vector.broadcast %parallel_loop3A_172 : i32 to vector<16xi32>
      %parallel_loop3A_174 = arith.addi %parallel_loop3A_19, %parallel_loop3A_173 : vector<16xi32>
      %parallel_loop3A_175 = tpu.vector_load_idx %arg6[%parallel_loop3A_174] : memref<65536xf32, #tpu.memory_space<vmem>>[vector<16xi32>], vector<16xf32>,
      %parallel_loop3A_176 = arith.minimumf %parallel_loop3A_171, %parallel_loop3A_175 : vector<16xf32>
      %parallel_loop3A_177 = arith.maximumf %parallel_loop3A_170, %parallel_loop3A_176 : vector<16xf32>
      %parallel_loop3A_178 = arith.maximumf %parallel_loop3A_171, %parallel_loop3A_175 : vector<16xf32>
      %parallel_loop3A_179 = arith.constant 24 : i32
      %parallel_loop3A_180 = vector.broadcast %parallel_loop3A_179 : i32 to vector<16xi32>
      %parallel_loop3A_181 = arith.addi %parallel_loop3A_19, %parallel_loop3A_180 : vector<16xi32>
      %parallel_loop3A_182 = tpu.vector_load_idx %arg6[%parallel_loop3A_181] : memref<65536xf32, #tpu.memory_space<vmem>>[vector<16xi32>], vector<16xf32>,
      %parallel_loop3A_183 = arith.constant 25 : i32
      %parallel_loop3A_184 = vector.broadcast %parallel_loop3A_183 : i32 to vector<16xi32>
      %parallel_loop3A_185 = arith.addi %parallel_loop3A_19, %parallel_loop3A_184 : vector<16xi32>
      %parallel_loop3A_186 = tpu.vector_load_idx %arg6[%parallel_loop3A_185] : memref<65536xf32, #tpu.memory_space<vmem>>[vector<16xi32>], vector<16xf32>,
      %parallel_loop3A_187 = arith.minimumf %parallel_loop3A_182, %parallel_loop3A_186 : vector<16xf32>
      %parallel_loop3A_188 = arith.maximumf %broadcast_in_dim3A_5, %parallel_loop3A_187 : vector<16xf32>
      %parallel_loop3A_189 = arith.maximumf %parallel_loop3A_182, %parallel_loop3A_186 : vector<16xf32>
      %parallel_loop3A_190 = arith.constant 26 : i32
      %parallel_loop3A_191 = vector.broadcast %parallel_loop3A_190 : i32 to vector<16xi32>
      %parallel_loop3A_192 = arith.addi %parallel_loop3A_19, %parallel_loop3A_191 : vector<16xi32>
      %parallel_loop3A_193 = tpu.vector_load_idx %arg6[%parallel_loop3A_192] : memref<65536xf32, #tpu.memory_space<vmem>>[vector<16xi32>], vector<16xf32>,
      %parallel_loop3A_194 = arith.minimumf %parallel_loop3A_189, %parallel_loop3A_193 : vector<16xf32>
      %parallel_loop3A_195 = arith.maximumf %parallel_loop3A_188, %parallel_loop3A_194 : vector<16xf32>
      %parallel_loop3A_196 = arith.maximumf %parallel_loop3A_189, %parallel_loop3A_193 : vector<16xf32>
      %parallel_loop3A_197 = arith.constant 27 : i32
      %parallel_loop3A_198 = vector.broadcast %parallel_loop3A_197 : i32 to vector<16xi32>
      %parallel_loop3A_199 = arith.addi %parallel_loop3A_19, %parallel_loop3A_198 : vector<16xi32>
      %parallel_loop3A_200 = tpu.vector_load_idx %arg6[%parallel_loop3A_199] : memref<65536xf32, #tpu.memory_space<vmem>>[vector<16xi32>], vector<16xf32>,
      %parallel_loop3A_201 = arith.minimumf %parallel_loop3A_196, %parallel_loop3A_200 : vector<16xf32>
      %parallel_loop3A_202 = arith.maximumf %parallel_loop3A_195, %parallel_loop3A_201 : vector<16xf32>
      %parallel_loop3A_203 = arith.maximumf %parallel_loop3A_196, %parallel_loop3A_200 : vector<16xf32>
      %parallel_loop3A_204 = arith.constant 28 : i32
      %parallel_loop3A_205 = vector.broadcast %parallel_loop3A_204 : i32 to vector<16xi32>
      %parallel_loop3A_206 = arith.addi %parallel_loop3A_19, %parallel_loop3A_205 : vector<16xi32>
      %parallel_loop3A_207 = tpu.vector_load_idx %arg6[%parallel_loop3A_206] : memref<65536xf32, #tpu.memory_space<vmem>>[vector<16xi32>], vector<16xf32>,
      %parallel_loop3A_208 = arith.minimumf %parallel_loop3A_203, %parallel_loop3A_207 : vector<16xf32>
      %parallel_loop3A_209 = arith.maximumf %parallel_loop3A_202, %parallel_loop3A_208 : vector<16xf32>
      %parallel_loop3A_210 = arith.maximumf %parallel_loop3A_203, %parallel_loop3A_207 : vector<16xf32>
      %parallel_loop3A_211 = arith.constant 29 : i32
      %parallel_loop3A_212 = vector.broadcast %parallel_loop3A_211 : i32 to vector<16xi32>
      %parallel_loop3A_213 = arith.addi %parallel_loop3A_19, %parallel_loop3A_212 : vector<16xi32>
      %parallel_loop3A_214 = tpu.vector_load_idx %arg6[%parallel_loop3A_213] : memref<65536xf32, #tpu.memory_space<vmem>>[vector<16xi32>], vector<16xf32>,
      %parallel_loop3A_215 = arith.minimumf %parallel_loop3A_210, %parallel_loop3A_214 : vector<16xf32>
      %parallel_loop3A_216 = arith.maximumf %parallel_loop3A_209, %parallel_loop3A_215 : vector<16xf32>
      %parallel_loop3A_217 = arith.maximumf %parallel_loop3A_210, %parallel_loop3A_214 : vector<16xf32>
      %parallel_loop3A_218 = arith.constant 30 : i32
      %parallel_loop3A_219 = vector.broadcast %parallel_loop3A_218 : i32 to vector<16xi32>
      %parallel_loop3A_220 = arith.addi %parallel_loop3A_19, %parallel_loop3A_219 : vector<16xi32>
      %parallel_loop3A_221 = tpu.vector_load_idx %arg6[%parallel_loop3A_220] : memref<65536xf32, #tpu.memory_space<vmem>>[vector<16xi32>], vector<16xf32>,
      %parallel_loop3A_222 = arith.minimumf %parallel_loop3A_217, %parallel_loop3A_221 : vector<16xf32>
      %parallel_loop3A_223 = arith.maximumf %parallel_loop3A_216, %parallel_loop3A_222 : vector<16xf32>
      %parallel_loop3A_224 = arith.maximumf %parallel_loop3A_217, %parallel_loop3A_221 : vector<16xf32>
      %parallel_loop3A_225 = arith.constant 31 : i32
      %parallel_loop3A_226 = vector.broadcast %parallel_loop3A_225 : i32 to vector<16xi32>
      %parallel_loop3A_227 = arith.addi %parallel_loop3A_19, %parallel_loop3A_226 : vector<16xi32>
      %parallel_loop3A_228 = tpu.vector_load_idx %arg6[%parallel_loop3A_227] : memref<65536xf32, #tpu.memory_space<vmem>>[vector<16xi32>], vector<16xf32>,
      %parallel_loop3A_229 = arith.minimumf %parallel_loop3A_224, %parallel_loop3A_228 : vector<16xf32>
      %parallel_loop3A_230 = arith.maximumf %parallel_loop3A_223, %parallel_loop3A_229 : vector<16xf32>
      %parallel_loop3A_231 = arith.maximumf %parallel_loop3A_224, %parallel_loop3A_228 : vector<16xf32>
      %parallel_loop3A_232 = arith.constant 32 : i32
      %parallel_loop3A_233 = vector.broadcast %parallel_loop3A_232 : i32 to vector<16xi32>
      %parallel_loop3A_234 = arith.addi %parallel_loop3A_19, %parallel_loop3A_233 : vector<16xi32>
      %parallel_loop3A_235 = tpu.vector_load_idx %arg6[%parallel_loop3A_234] : memref<65536xf32, #tpu.memory_space<vmem>>[vector<16xi32>], vector<16xf32>,
      %parallel_loop3A_236 = arith.constant 33 : i32
      %parallel_loop3A_237 = vector.broadcast %parallel_loop3A_236 : i32 to vector<16xi32>
      %parallel_loop3A_238 = arith.addi %parallel_loop3A_19, %parallel_loop3A_237 : vector<16xi32>
      %parallel_loop3A_239 = tpu.vector_load_idx %arg6[%parallel_loop3A_238] : memref<65536xf32, #tpu.memory_space<vmem>>[vector<16xi32>], vector<16xf32>,
      %parallel_loop3A_240 = arith.minimumf %parallel_loop3A_235, %parallel_loop3A_239 : vector<16xf32>
      %parallel_loop3A_241 = arith.maximumf %broadcast_in_dim3A_5, %parallel_loop3A_240 : vector<16xf32>
      %parallel_loop3A_242 = arith.maximumf %parallel_loop3A_235, %parallel_loop3A_239 : vector<16xf32>
      %parallel_loop3A_243 = arith.constant 34 : i32
      %parallel_loop3A_244 = vector.broadcast %parallel_loop3A_243 : i32 to vector<16xi32>
      %parallel_loop3A_245 = arith.addi %parallel_loop3A_19, %parallel_loop3A_244 : vector<16xi32>
      %parallel_loop3A_246 = tpu.vector_load_idx %arg6[%parallel_loop3A_245] : memref<65536xf32, #tpu.memory_space<vmem>>[vector<16xi32>], vector<16xf32>,
      %parallel_loop3A_247 = arith.minimumf %parallel_loop3A_242, %parallel_loop3A_246 : vector<16xf32>
      %parallel_loop3A_248 = arith.maximumf %parallel_loop3A_241, %parallel_loop3A_247 : vector<16xf32>
      %parallel_loop3A_249 = arith.maximumf %parallel_loop3A_242, %parallel_loop3A_246 : vector<16xf32>
      %parallel_loop3A_250 = arith.constant 35 : i32
      %parallel_loop3A_251 = vector.broadcast %parallel_loop3A_250 : i32 to vector<16xi32>
      %parallel_loop3A_252 = arith.addi %parallel_loop3A_19, %parallel_loop3A_251 : vector<16xi32>
      %parallel_loop3A_253 = tpu.vector_load_idx %arg6[%parallel_loop3A_252] : memref<65536xf32, #tpu.memory_space<vmem>>[vector<16xi32>], vector<16xf32>,
      %parallel_loop3A_254 = arith.minimumf %parallel_loop3A_249, %parallel_loop3A_253 : vector<16xf32>
      %parallel_loop3A_255 = arith.maximumf %parallel_loop3A_248, %parallel_loop3A_254 : vector<16xf32>
      %parallel_loop3A_256 = arith.maximumf %parallel_loop3A_249, %parallel_loop3A_253 : vector<16xf32>
      %parallel_loop3A_257 = arith.constant 36 : i32
      %parallel_loop3A_258 = vector.broadcast %parallel_loop3A_257 : i32 to vector<16xi32>
      %parallel_loop3A_259 = arith.addi %parallel_loop3A_19, %parallel_loop3A_258 : vector<16xi32>
      %parallel_loop3A_260 = tpu.vector_load_idx %arg6[%parallel_loop3A_259] : memref<65536xf32, #tpu.memory_space<vmem>>[vector<16xi32>], vector<16xf32>,
      %parallel_loop3A_261 = arith.minimumf %parallel_loop3A_256, %parallel_loop3A_260 : vector<16xf32>
      %parallel_loop3A_262 = arith.maximumf %parallel_loop3A_255, %parallel_loop3A_261 : vector<16xf32>
      %parallel_loop3A_263 = arith.maximumf %parallel_loop3A_256, %parallel_loop3A_260 : vector<16xf32>
      %parallel_loop3A_264 = arith.constant 37 : i32
      %parallel_loop3A_265 = vector.broadcast %parallel_loop3A_264 : i32 to vector<16xi32>
      %parallel_loop3A_266 = arith.addi %parallel_loop3A_19, %parallel_loop3A_265 : vector<16xi32>
      %parallel_loop3A_267 = tpu.vector_load_idx %arg6[%parallel_loop3A_266] : memref<65536xf32, #tpu.memory_space<vmem>>[vector<16xi32>], vector<16xf32>,
      %parallel_loop3A_268 = arith.minimumf %parallel_loop3A_263, %parallel_loop3A_267 : vector<16xf32>
      %parallel_loop3A_269 = arith.maximumf %parallel_loop3A_262, %parallel_loop3A_268 : vector<16xf32>
      %parallel_loop3A_270 = arith.maximumf %parallel_loop3A_263, %parallel_loop3A_267 : vector<16xf32>
      %parallel_loop3A_271 = arith.constant 38 : i32
      %parallel_loop3A_272 = vector.broadcast %parallel_loop3A_271 : i32 to vector<16xi32>
      %parallel_loop3A_273 = arith.addi %parallel_loop3A_19, %parallel_loop3A_272 : vector<16xi32>
      %parallel_loop3A_274 = tpu.vector_load_idx %arg6[%parallel_loop3A_273] : memref<65536xf32, #tpu.memory_space<vmem>>[vector<16xi32>], vector<16xf32>,
      %parallel_loop3A_275 = arith.minimumf %parallel_loop3A_270, %parallel_loop3A_274 : vector<16xf32>
      %parallel_loop3A_276 = arith.maximumf %parallel_loop3A_269, %parallel_loop3A_275 : vector<16xf32>
      %parallel_loop3A_277 = arith.maximumf %parallel_loop3A_270, %parallel_loop3A_274 : vector<16xf32>
      %parallel_loop3A_278 = arith.constant 39 : i32
      %parallel_loop3A_279 = vector.broadcast %parallel_loop3A_278 : i32 to vector<16xi32>
      %parallel_loop3A_280 = arith.addi %parallel_loop3A_19, %parallel_loop3A_279 : vector<16xi32>
      %parallel_loop3A_281 = tpu.vector_load_idx %arg6[%parallel_loop3A_280] : memref<65536xf32, #tpu.memory_space<vmem>>[vector<16xi32>], vector<16xf32>,
      %parallel_loop3A_282 = arith.minimumf %parallel_loop3A_277, %parallel_loop3A_281 : vector<16xf32>
      %parallel_loop3A_283 = arith.maximumf %parallel_loop3A_276, %parallel_loop3A_282 : vector<16xf32>
      %parallel_loop3A_284 = arith.maximumf %parallel_loop3A_277, %parallel_loop3A_281 : vector<16xf32>
      %parallel_loop3A_285 = arith.constant 40 : i32
      %parallel_loop3A_286 = vector.broadcast %parallel_loop3A_285 : i32 to vector<16xi32>
      %parallel_loop3A_287 = arith.addi %parallel_loop3A_19, %parallel_loop3A_286 : vector<16xi32>
      %parallel_loop3A_288 = tpu.vector_load_idx %arg6[%parallel_loop3A_287] : memref<65536xf32, #tpu.memory_space<vmem>>[vector<16xi32>], vector<16xf32>,
      %parallel_loop3A_289 = arith.constant 41 : i32
      %parallel_loop3A_290 = vector.broadcast %parallel_loop3A_289 : i32 to vector<16xi32>
      %parallel_loop3A_291 = arith.addi %parallel_loop3A_19, %parallel_loop3A_290 : vector<16xi32>
      %parallel_loop3A_292 = tpu.vector_load_idx %arg6[%parallel_loop3A_291] : memref<65536xf32, #tpu.memory_space<vmem>>[vector<16xi32>], vector<16xf32>,
      %parallel_loop3A_293 = arith.minimumf %parallel_loop3A_288, %parallel_loop3A_292 : vector<16xf32>
      %parallel_loop3A_294 = arith.maximumf %broadcast_in_dim3A_5, %parallel_loop3A_293 : vector<16xf32>
      %parallel_loop3A_295 = arith.maximumf %parallel_loop3A_288, %parallel_loop3A_292 : vector<16xf32>
      %parallel_loop3A_296 = arith.constant 42 : i32
      %parallel_loop3A_297 = vector.broadcast %parallel_loop3A_296 : i32 to vector<16xi32>
      %parallel_loop3A_298 = arith.addi %parallel_loop3A_19, %parallel_loop3A_297 : vector<16xi32>
      %parallel_loop3A_299 = tpu.vector_load_idx %arg6[%parallel_loop3A_298] : memref<65536xf32, #tpu.memory_space<vmem>>[vector<16xi32>], vector<16xf32>,
      %parallel_loop3A_300 = arith.minimumf %parallel_loop3A_295, %parallel_loop3A_299 : vector<16xf32>
      %parallel_loop3A_301 = arith.maximumf %parallel_loop3A_294, %parallel_loop3A_300 : vector<16xf32>
      %parallel_loop3A_302 = arith.maximumf %parallel_loop3A_295, %parallel_loop3A_299 : vector<16xf32>
      %parallel_loop3A_303 = arith.constant 43 : i32
      %parallel_loop3A_304 = vector.broadcast %parallel_loop3A_303 : i32 to vector<16xi32>
      %parallel_loop3A_305 = arith.addi %parallel_loop3A_19, %parallel_loop3A_304 : vector<16xi32>
      %parallel_loop3A_306 = tpu.vector_load_idx %arg6[%parallel_loop3A_305] : memref<65536xf32, #tpu.memory_space<vmem>>[vector<16xi32>], vector<16xf32>,
      %parallel_loop3A_307 = arith.minimumf %parallel_loop3A_302, %parallel_loop3A_306 : vector<16xf32>
      %parallel_loop3A_308 = arith.maximumf %parallel_loop3A_301, %parallel_loop3A_307 : vector<16xf32>
      %parallel_loop3A_309 = arith.maximumf %parallel_loop3A_302, %parallel_loop3A_306 : vector<16xf32>
      %parallel_loop3A_310 = arith.constant 44 : i32
      %parallel_loop3A_311 = vector.broadcast %parallel_loop3A_310 : i32 to vector<16xi32>
      %parallel_loop3A_312 = arith.addi %parallel_loop3A_19, %parallel_loop3A_311 : vector<16xi32>
      %parallel_loop3A_313 = tpu.vector_load_idx %arg6[%parallel_loop3A_312] : memref<65536xf32, #tpu.memory_space<vmem>>[vector<16xi32>], vector<16xf32>,
      %parallel_loop3A_314 = arith.minimumf %parallel_loop3A_309, %parallel_loop3A_313 : vector<16xf32>
      %parallel_loop3A_315 = arith.maximumf %parallel_loop3A_308, %parallel_loop3A_314 : vector<16xf32>
      %parallel_loop3A_316 = arith.maximumf %parallel_loop3A_309, %parallel_loop3A_313 : vector<16xf32>
      %parallel_loop3A_317 = arith.constant 45 : i32
      %parallel_loop3A_318 = vector.broadcast %parallel_loop3A_317 : i32 to vector<16xi32>
      %parallel_loop3A_319 = arith.addi %parallel_loop3A_19, %parallel_loop3A_318 : vector<16xi32>
      %parallel_loop3A_320 = tpu.vector_load_idx %arg6[%parallel_loop3A_319] : memref<65536xf32, #tpu.memory_space<vmem>>[vector<16xi32>], vector<16xf32>,
      %parallel_loop3A_321 = arith.minimumf %parallel_loop3A_316, %parallel_loop3A_320 : vector<16xf32>
      %parallel_loop3A_322 = arith.maximumf %parallel_loop3A_315, %parallel_loop3A_321 : vector<16xf32>
      %parallel_loop3A_323 = arith.maximumf %parallel_loop3A_316, %parallel_loop3A_320 : vector<16xf32>
      %parallel_loop3A_324 = arith.constant 46 : i32
      %parallel_loop3A_325 = vector.broadcast %parallel_loop3A_324 : i32 to vector<16xi32>
      %parallel_loop3A_326 = arith.addi %parallel_loop3A_19, %parallel_loop3A_325 : vector<16xi32>
      %parallel_loop3A_327 = tpu.vector_load_idx %arg6[%parallel_loop3A_326] : memref<65536xf32, #tpu.memory_space<vmem>>[vector<16xi32>], vector<16xf32>,
      %parallel_loop3A_328 = arith.minimumf %parallel_loop3A_323, %parallel_loop3A_327 : vector<16xf32>
      %parallel_loop3A_329 = arith.maximumf %parallel_loop3A_322, %parallel_loop3A_328 : vector<16xf32>
      %parallel_loop3A_330 = arith.maximumf %parallel_loop3A_323, %parallel_loop3A_327 : vector<16xf32>
      %parallel_loop3A_331 = arith.constant 47 : i32
      %parallel_loop3A_332 = vector.broadcast %parallel_loop3A_331 : i32 to vector<16xi32>
      %parallel_loop3A_333 = arith.addi %parallel_loop3A_19, %parallel_loop3A_332 : vector<16xi32>
      %parallel_loop3A_334 = tpu.vector_load_idx %arg6[%parallel_loop3A_333] : memref<65536xf32, #tpu.memory_space<vmem>>[vector<16xi32>], vector<16xf32>,
      %parallel_loop3A_335 = arith.minimumf %parallel_loop3A_330, %parallel_loop3A_334 : vector<16xf32>
      %parallel_loop3A_336 = arith.maximumf %parallel_loop3A_329, %parallel_loop3A_335 : vector<16xf32>
      %parallel_loop3A_337 = arith.maximumf %parallel_loop3A_330, %parallel_loop3A_334 : vector<16xf32>
      %parallel_loop3A_338 = arith.constant 48 : i32
      %parallel_loop3A_339 = vector.broadcast %parallel_loop3A_338 : i32 to vector<16xi32>
      %parallel_loop3A_340 = arith.addi %parallel_loop3A_19, %parallel_loop3A_339 : vector<16xi32>
      %parallel_loop3A_341 = tpu.vector_load_idx %arg6[%parallel_loop3A_340] : memref<65536xf32, #tpu.memory_space<vmem>>[vector<16xi32>], vector<16xf32>,
      %parallel_loop3A_342 = arith.constant 49 : i32
      %parallel_loop3A_343 = vector.broadcast %parallel_loop3A_342 : i32 to vector<16xi32>
      %parallel_loop3A_344 = arith.addi %parallel_loop3A_19, %parallel_loop3A_343 : vector<16xi32>
      %parallel_loop3A_345 = tpu.vector_load_idx %arg6[%parallel_loop3A_344] : memref<65536xf32, #tpu.memory_space<vmem>>[vector<16xi32>], vector<16xf32>,
      %parallel_loop3A_346 = arith.minimumf %parallel_loop3A_341, %parallel_loop3A_345 : vector<16xf32>
      %parallel_loop3A_347 = arith.maximumf %broadcast_in_dim3A_5, %parallel_loop3A_346 : vector<16xf32>
      %parallel_loop3A_348 = arith.maximumf %parallel_loop3A_341, %parallel_loop3A_345 : vector<16xf32>
      %parallel_loop3A_349 = arith.constant 50 : i32
      %parallel_loop3A_350 = vector.broadcast %parallel_loop3A_349 : i32 to vector<16xi32>
      %parallel_loop3A_351 = arith.addi %parallel_loop3A_19, %parallel_loop3A_350 : vector<16xi32>
      %parallel_loop3A_352 = tpu.vector_load_idx %arg6[%parallel_loop3A_351] : memref<65536xf32, #tpu.memory_space<vmem>>[vector<16xi32>], vector<16xf32>,
      %parallel_loop3A_353 = arith.minimumf %parallel_loop3A_348, %parallel_loop3A_352 : vector<16xf32>
      %parallel_loop3A_354 = arith.maximumf %parallel_loop3A_347, %parallel_loop3A_353 : vector<16xf32>
      %parallel_loop3A_355 = arith.maximumf %parallel_loop3A_348, %parallel_loop3A_352 : vector<16xf32>
      %parallel_loop3A_356 = arith.constant 51 : i32
      %parallel_loop3A_357 = vector.broadcast %parallel_loop3A_356 : i32 to vector<16xi32>
      %parallel_loop3A_358 = arith.addi %parallel_loop3A_19, %parallel_loop3A_357 : vector<16xi32>
      %parallel_loop3A_359 = tpu.vector_load_idx %arg6[%parallel_loop3A_358] : memref<65536xf32, #tpu.memory_space<vmem>>[vector<16xi32>], vector<16xf32>,
      %parallel_loop3A_360 = arith.minimumf %parallel_loop3A_355, %parallel_loop3A_359 : vector<16xf32>
      %parallel_loop3A_361 = arith.maximumf %parallel_loop3A_354, %parallel_loop3A_360 : vector<16xf32>
      %parallel_loop3A_362 = arith.maximumf %parallel_loop3A_355, %parallel_loop3A_359 : vector<16xf32>
      %parallel_loop3A_363 = arith.constant 52 : i32
      %parallel_loop3A_364 = vector.broadcast %parallel_loop3A_363 : i32 to vector<16xi32>
      %parallel_loop3A_365 = arith.addi %parallel_loop3A_19, %parallel_loop3A_364 : vector<16xi32>
      %parallel_loop3A_366 = tpu.vector_load_idx %arg6[%parallel_loop3A_365] : memref<65536xf32, #tpu.memory_space<vmem>>[vector<16xi32>], vector<16xf32>,
      %parallel_loop3A_367 = arith.minimumf %parallel_loop3A_362, %parallel_loop3A_366 : vector<16xf32>
      %parallel_loop3A_368 = arith.maximumf %parallel_loop3A_361, %parallel_loop3A_367 : vector<16xf32>
      %parallel_loop3A_369 = arith.maximumf %parallel_loop3A_362, %parallel_loop3A_366 : vector<16xf32>
      %parallel_loop3A_370 = arith.constant 53 : i32
      %parallel_loop3A_371 = vector.broadcast %parallel_loop3A_370 : i32 to vector<16xi32>
      %parallel_loop3A_372 = arith.addi %parallel_loop3A_19, %parallel_loop3A_371 : vector<16xi32>
      %parallel_loop3A_373 = tpu.vector_load_idx %arg6[%parallel_loop3A_372] : memref<65536xf32, #tpu.memory_space<vmem>>[vector<16xi32>], vector<16xf32>,
      %parallel_loop3A_374 = arith.minimumf %parallel_loop3A_369, %parallel_loop3A_373 : vector<16xf32>
      %parallel_loop3A_375 = arith.maximumf %parallel_loop3A_368, %parallel_loop3A_374 : vector<16xf32>
      %parallel_loop3A_376 = arith.maximumf %parallel_loop3A_369, %parallel_loop3A_373 : vector<16xf32>
      %parallel_loop3A_377 = arith.constant 54 : i32
      %parallel_loop3A_378 = vector.broadcast %parallel_loop3A_377 : i32 to vector<16xi32>
      %parallel_loop3A_379 = arith.addi %parallel_loop3A_19, %parallel_loop3A_378 : vector<16xi32>
      %parallel_loop3A_380 = tpu.vector_load_idx %arg6[%parallel_loop3A_379] : memref<65536xf32, #tpu.memory_space<vmem>>[vector<16xi32>], vector<16xf32>,
      %parallel_loop3A_381 = arith.minimumf %parallel_loop3A_376, %parallel_loop3A_380 : vector<16xf32>
      %parallel_loop3A_382 = arith.maximumf %parallel_loop3A_375, %parallel_loop3A_381 : vector<16xf32>
      %parallel_loop3A_383 = arith.maximumf %parallel_loop3A_376, %parallel_loop3A_380 : vector<16xf32>
      %parallel_loop3A_384 = arith.constant 55 : i32
      %parallel_loop3A_385 = vector.broadcast %parallel_loop3A_384 : i32 to vector<16xi32>
      %parallel_loop3A_386 = arith.addi %parallel_loop3A_19, %parallel_loop3A_385 : vector<16xi32>
      %parallel_loop3A_387 = tpu.vector_load_idx %arg6[%parallel_loop3A_386] : memref<65536xf32, #tpu.memory_space<vmem>>[vector<16xi32>], vector<16xf32>,
      %parallel_loop3A_388 = arith.minimumf %parallel_loop3A_383, %parallel_loop3A_387 : vector<16xf32>
      %parallel_loop3A_389 = arith.maximumf %parallel_loop3A_382, %parallel_loop3A_388 : vector<16xf32>
      %parallel_loop3A_390 = arith.maximumf %parallel_loop3A_383, %parallel_loop3A_387 : vector<16xf32>
      %parallel_loop3A_391 = arith.constant 56 : i32
      %parallel_loop3A_392 = vector.broadcast %parallel_loop3A_391 : i32 to vector<16xi32>
      %parallel_loop3A_393 = arith.addi %parallel_loop3A_19, %parallel_loop3A_392 : vector<16xi32>
      %parallel_loop3A_394 = tpu.vector_load_idx %arg6[%parallel_loop3A_393] : memref<65536xf32, #tpu.memory_space<vmem>>[vector<16xi32>], vector<16xf32>,
      %parallel_loop3A_395 = arith.constant 57 : i32
      %parallel_loop3A_396 = vector.broadcast %parallel_loop3A_395 : i32 to vector<16xi32>
      %parallel_loop3A_397 = arith.addi %parallel_loop3A_19, %parallel_loop3A_396 : vector<16xi32>
      %parallel_loop3A_398 = tpu.vector_load_idx %arg6[%parallel_loop3A_397] : memref<65536xf32, #tpu.memory_space<vmem>>[vector<16xi32>], vector<16xf32>,
      %parallel_loop3A_399 = arith.minimumf %parallel_loop3A_394, %parallel_loop3A_398 : vector<16xf32>
      %parallel_loop3A_400 = arith.maximumf %broadcast_in_dim3A_5, %parallel_loop3A_399 : vector<16xf32>
      %parallel_loop3A_401 = arith.maximumf %parallel_loop3A_394, %parallel_loop3A_398 : vector<16xf32>
      %parallel_loop3A_402 = arith.constant 58 : i32
      %parallel_loop3A_403 = vector.broadcast %parallel_loop3A_402 : i32 to vector<16xi32>
      %parallel_loop3A_404 = arith.addi %parallel_loop3A_19, %parallel_loop3A_403 : vector<16xi32>
      %parallel_loop3A_405 = tpu.vector_load_idx %arg6[%parallel_loop3A_404] : memref<65536xf32, #tpu.memory_space<vmem>>[vector<16xi32>], vector<16xf32>,
      %parallel_loop3A_406 = arith.minimumf %parallel_loop3A_401, %parallel_loop3A_405 : vector<16xf32>
      %parallel_loop3A_407 = arith.maximumf %parallel_loop3A_400, %parallel_loop3A_406 : vector<16xf32>
      %parallel_loop3A_408 = arith.maximumf %parallel_loop3A_401, %parallel_loop3A_405 : vector<16xf32>
      %parallel_loop3A_409 = arith.constant 59 : i32
      %parallel_loop3A_410 = vector.broadcast %parallel_loop3A_409 : i32 to vector<16xi32>
      %parallel_loop3A_411 = arith.addi %parallel_loop3A_19, %parallel_loop3A_410 : vector<16xi32>
      %parallel_loop3A_412 = tpu.vector_load_idx %arg6[%parallel_loop3A_411] : memref<65536xf32, #tpu.memory_space<vmem>>[vector<16xi32>], vector<16xf32>,
      %parallel_loop3A_413 = arith.minimumf %parallel_loop3A_408, %parallel_loop3A_412 : vector<16xf32>
      %parallel_loop3A_414 = arith.maximumf %parallel_loop3A_407, %parallel_loop3A_413 : vector<16xf32>
      %parallel_loop3A_415 = arith.maximumf %parallel_loop3A_408, %parallel_loop3A_412 : vector<16xf32>
      %parallel_loop3A_416 = arith.constant 60 : i32
      %parallel_loop3A_417 = vector.broadcast %parallel_loop3A_416 : i32 to vector<16xi32>
      %parallel_loop3A_418 = arith.addi %parallel_loop3A_19, %parallel_loop3A_417 : vector<16xi32>
      %parallel_loop3A_419 = tpu.vector_load_idx %arg6[%parallel_loop3A_418] : memref<65536xf32, #tpu.memory_space<vmem>>[vector<16xi32>], vector<16xf32>,
      %parallel_loop3A_420 = arith.minimumf %parallel_loop3A_415, %parallel_loop3A_419 : vector<16xf32>
      %parallel_loop3A_421 = arith.maximumf %parallel_loop3A_414, %parallel_loop3A_420 : vector<16xf32>
      %parallel_loop3A_422 = arith.maximumf %parallel_loop3A_415, %parallel_loop3A_419 : vector<16xf32>
      %parallel_loop3A_423 = arith.constant 61 : i32
      %parallel_loop3A_424 = vector.broadcast %parallel_loop3A_423 : i32 to vector<16xi32>
      %parallel_loop3A_425 = arith.addi %parallel_loop3A_19, %parallel_loop3A_424 : vector<16xi32>
      %parallel_loop3A_426 = tpu.vector_load_idx %arg6[%parallel_loop3A_425] : memref<65536xf32, #tpu.memory_space<vmem>>[vector<16xi32>], vector<16xf32>,
      %parallel_loop3A_427 = arith.minimumf %parallel_loop3A_422, %parallel_loop3A_426 : vector<16xf32>
      %parallel_loop3A_428 = arith.maximumf %parallel_loop3A_421, %parallel_loop3A_427 : vector<16xf32>
      %parallel_loop3A_429 = arith.maximumf %parallel_loop3A_422, %parallel_loop3A_426 : vector<16xf32>
      %parallel_loop3A_430 = arith.constant 62 : i32
      %parallel_loop3A_431 = vector.broadcast %parallel_loop3A_430 : i32 to vector<16xi32>
      %parallel_loop3A_432 = arith.addi %parallel_loop3A_19, %parallel_loop3A_431 : vector<16xi32>
      %parallel_loop3A_433 = tpu.vector_load_idx %arg6[%parallel_loop3A_432] : memref<65536xf32, #tpu.memory_space<vmem>>[vector<16xi32>], vector<16xf32>,
      %parallel_loop3A_434 = arith.minimumf %parallel_loop3A_429, %parallel_loop3A_433 : vector<16xf32>
      %parallel_loop3A_435 = arith.maximumf %parallel_loop3A_428, %parallel_loop3A_434 : vector<16xf32>
      %parallel_loop3A_436 = arith.maximumf %parallel_loop3A_429, %parallel_loop3A_433 : vector<16xf32>
      %parallel_loop3A_437 = arith.constant 63 : i32
      %parallel_loop3A_438 = vector.broadcast %parallel_loop3A_437 : i32 to vector<16xi32>
      %parallel_loop3A_439 = arith.addi %parallel_loop3A_19, %parallel_loop3A_438 : vector<16xi32>
      %parallel_loop3A_440 = tpu.vector_load_idx %arg6[%parallel_loop3A_439] : memref<65536xf32, #tpu.memory_space<vmem>>[vector<16xi32>], vector<16xf32>,
      %parallel_loop3A_441 = arith.minimumf %parallel_loop3A_436, %parallel_loop3A_440 : vector<16xf32>
      %parallel_loop3A_442 = arith.maximumf %parallel_loop3A_435, %parallel_loop3A_441 : vector<16xf32>
      %parallel_loop3A_443 = arith.maximumf %parallel_loop3A_436, %parallel_loop3A_440 : vector<16xf32>
      %parallel_loop3A_444 = arith.addf %parallel_loop3A_72, %parallel_loop3A_71 : vector<16xf32>
      %parallel_loop3A_445 = arith.addf %parallel_loop3A_125, %parallel_loop3A_124 : vector<16xf32>
      %parallel_loop3A_446 = arith.addf %parallel_loop3A_178, %parallel_loop3A_177 : vector<16xf32>
      %parallel_loop3A_447 = arith.addf %parallel_loop3A_231, %parallel_loop3A_230 : vector<16xf32>
      %parallel_loop3A_448 = arith.addf %parallel_loop3A_284, %parallel_loop3A_283 : vector<16xf32>
      %parallel_loop3A_449 = arith.addf %parallel_loop3A_337, %parallel_loop3A_336 : vector<16xf32>
      %parallel_loop3A_450 = arith.addf %parallel_loop3A_390, %parallel_loop3A_389 : vector<16xf32>
      %parallel_loop3A_451 = arith.addf %parallel_loop3A_443, %parallel_loop3A_442 : vector<16xf32>
      %parallel_loop3A_452 = arith.constant 0 : i32
      %parallel_loop3A_453 = vector.broadcast %parallel_loop3A_452 : i32 to vector<16xi32>
      %parallel_loop3A_454 = arith.cmpf ogt, %parallel_loop3A_445, %parallel_loop3A_444 : vector<16xf32>
      %parallel_loop3A_455 = arith.extui %parallel_loop3A_454 : vector<16xi1> to vector<16xi32>
      %parallel_loop3A_456 = arith.addi %parallel_loop3A_453, %parallel_loop3A_455 : vector<16xi32>
      %parallel_loop3A_457 = arith.cmpf ogt, %parallel_loop3A_446, %parallel_loop3A_444 : vector<16xf32>
      %parallel_loop3A_458 = arith.extui %parallel_loop3A_457 : vector<16xi1> to vector<16xi32>
      %parallel_loop3A_459 = arith.addi %parallel_loop3A_456, %parallel_loop3A_458 : vector<16xi32>
      %parallel_loop3A_460 = arith.cmpf ogt, %parallel_loop3A_447, %parallel_loop3A_444 : vector<16xf32>
      %parallel_loop3A_461 = arith.extui %parallel_loop3A_460 : vector<16xi1> to vector<16xi32>
      %parallel_loop3A_462 = arith.addi %parallel_loop3A_459, %parallel_loop3A_461 : vector<16xi32>
      %parallel_loop3A_463 = arith.cmpf ogt, %parallel_loop3A_448, %parallel_loop3A_444 : vector<16xf32>
      %parallel_loop3A_464 = arith.extui %parallel_loop3A_463 : vector<16xi1> to vector<16xi32>
      %parallel_loop3A_465 = arith.addi %parallel_loop3A_462, %parallel_loop3A_464 : vector<16xi32>
      %parallel_loop3A_466 = arith.cmpf ogt, %parallel_loop3A_449, %parallel_loop3A_444 : vector<16xf32>
      %parallel_loop3A_467 = arith.extui %parallel_loop3A_466 : vector<16xi1> to vector<16xi32>
      %parallel_loop3A_468 = arith.addi %parallel_loop3A_465, %parallel_loop3A_467 : vector<16xi32>
      %parallel_loop3A_469 = arith.cmpf ogt, %parallel_loop3A_450, %parallel_loop3A_444 : vector<16xf32>
      %parallel_loop3A_470 = arith.extui %parallel_loop3A_469 : vector<16xi1> to vector<16xi32>
      %parallel_loop3A_471 = arith.addi %parallel_loop3A_468, %parallel_loop3A_470 : vector<16xi32>
      %parallel_loop3A_472 = arith.cmpf ogt, %parallel_loop3A_451, %parallel_loop3A_444 : vector<16xf32>
      %parallel_loop3A_473 = arith.extui %parallel_loop3A_472 : vector<16xi1> to vector<16xi32>
      %parallel_loop3A_474 = arith.addi %parallel_loop3A_471, %parallel_loop3A_473 : vector<16xi32>
      %parallel_loop3A_475 = arith.constant 4 : i32
      %parallel_loop3A_476 = vector.broadcast %parallel_loop3A_475 : i32 to vector<16xi32>
      %parallel_loop3A_477 = arith.cmpi slt, %parallel_loop3A_474, %parallel_loop3A_476 : vector<16xi32>
      %parallel_loop3A_478 = arith.select %parallel_loop3A_477, %parallel_loop3A_72, %broadcast_in_dim3A_5 : vector<16xi1>, vector<16xf32>
      %parallel_loop3A_479 = arith.constant 0 : i32
      %parallel_loop3A_480 = vector.broadcast %parallel_loop3A_479 : i32 to vector<16xi32>
      %parallel_loop3A_481 = arith.cmpf oge, %parallel_loop3A_444, %parallel_loop3A_445 : vector<16xf32>
      %parallel_loop3A_482 = arith.extui %parallel_loop3A_481 : vector<16xi1> to vector<16xi32>
      %parallel_loop3A_483 = arith.addi %parallel_loop3A_480, %parallel_loop3A_482 : vector<16xi32>
      %parallel_loop3A_484 = arith.cmpf ogt, %parallel_loop3A_446, %parallel_loop3A_445 : vector<16xf32>
      %parallel_loop3A_485 = arith.extui %parallel_loop3A_484 : vector<16xi1> to vector<16xi32>
      %parallel_loop3A_486 = arith.addi %parallel_loop3A_483, %parallel_loop3A_485 : vector<16xi32>
      %parallel_loop3A_487 = arith.cmpf ogt, %parallel_loop3A_447, %parallel_loop3A_445 : vector<16xf32>
      %parallel_loop3A_488 = arith.extui %parallel_loop3A_487 : vector<16xi1> to vector<16xi32>
      %parallel_loop3A_489 = arith.addi %parallel_loop3A_486, %parallel_loop3A_488 : vector<16xi32>
      %parallel_loop3A_490 = arith.cmpf ogt, %parallel_loop3A_448, %parallel_loop3A_445 : vector<16xf32>
      %parallel_loop3A_491 = arith.extui %parallel_loop3A_490 : vector<16xi1> to vector<16xi32>
      %parallel_loop3A_492 = arith.addi %parallel_loop3A_489, %parallel_loop3A_491 : vector<16xi32>
      %parallel_loop3A_493 = arith.cmpf ogt, %parallel_loop3A_449, %parallel_loop3A_445 : vector<16xf32>
      %parallel_loop3A_494 = arith.extui %parallel_loop3A_493 : vector<16xi1> to vector<16xi32>
      %parallel_loop3A_495 = arith.addi %parallel_loop3A_492, %parallel_loop3A_494 : vector<16xi32>
      %parallel_loop3A_496 = arith.cmpf ogt, %parallel_loop3A_450, %parallel_loop3A_445 : vector<16xf32>
      %parallel_loop3A_497 = arith.extui %parallel_loop3A_496 : vector<16xi1> to vector<16xi32>
      %parallel_loop3A_498 = arith.addi %parallel_loop3A_495, %parallel_loop3A_497 : vector<16xi32>
      %parallel_loop3A_499 = arith.cmpf ogt, %parallel_loop3A_451, %parallel_loop3A_445 : vector<16xf32>
      %parallel_loop3A_500 = arith.extui %parallel_loop3A_499 : vector<16xi1> to vector<16xi32>
      %parallel_loop3A_501 = arith.addi %parallel_loop3A_498, %parallel_loop3A_500 : vector<16xi32>
      %parallel_loop3A_502 = arith.constant 4 : i32
      %parallel_loop3A_503 = vector.broadcast %parallel_loop3A_502 : i32 to vector<16xi32>
      %parallel_loop3A_504 = arith.cmpi slt, %parallel_loop3A_501, %parallel_loop3A_503 : vector<16xi32>
      %parallel_loop3A_505 = arith.select %parallel_loop3A_504, %parallel_loop3A_125, %broadcast_in_dim3A_5 : vector<16xi1>, vector<16xf32>
      %parallel_loop3A_506 = arith.constant 0 : i32
      %parallel_loop3A_507 = vector.broadcast %parallel_loop3A_506 : i32 to vector<16xi32>
      %parallel_loop3A_508 = arith.cmpf oge, %parallel_loop3A_444, %parallel_loop3A_446 : vector<16xf32>
      %parallel_loop3A_509 = arith.extui %parallel_loop3A_508 : vector<16xi1> to vector<16xi32>
      %parallel_loop3A_510 = arith.addi %parallel_loop3A_507, %parallel_loop3A_509 : vector<16xi32>
      %parallel_loop3A_511 = arith.cmpf oge, %parallel_loop3A_445, %parallel_loop3A_446 : vector<16xf32>
      %parallel_loop3A_512 = arith.extui %parallel_loop3A_511 : vector<16xi1> to vector<16xi32>
      %parallel_loop3A_513 = arith.addi %parallel_loop3A_510, %parallel_loop3A_512 : vector<16xi32>
      %parallel_loop3A_514 = arith.cmpf ogt, %parallel_loop3A_447, %parallel_loop3A_446 : vector<16xf32>
      %parallel_loop3A_515 = arith.extui %parallel_loop3A_514 : vector<16xi1> to vector<16xi32>
      %parallel_loop3A_516 = arith.addi %parallel_loop3A_513, %parallel_loop3A_515 : vector<16xi32>
      %parallel_loop3A_517 = arith.cmpf ogt, %parallel_loop3A_448, %parallel_loop3A_446 : vector<16xf32>
      %parallel_loop3A_518 = arith.extui %parallel_loop3A_517 : vector<16xi1> to vector<16xi32>
      %parallel_loop3A_519 = arith.addi %parallel_loop3A_516, %parallel_loop3A_518 : vector<16xi32>
      %parallel_loop3A_520 = arith.cmpf ogt, %parallel_loop3A_449, %parallel_loop3A_446 : vector<16xf32>
      %parallel_loop3A_521 = arith.extui %parallel_loop3A_520 : vector<16xi1> to vector<16xi32>
      %parallel_loop3A_522 = arith.addi %parallel_loop3A_519, %parallel_loop3A_521 : vector<16xi32>
      %parallel_loop3A_523 = arith.cmpf ogt, %parallel_loop3A_450, %parallel_loop3A_446 : vector<16xf32>
      %parallel_loop3A_524 = arith.extui %parallel_loop3A_523 : vector<16xi1> to vector<16xi32>
      %parallel_loop3A_525 = arith.addi %parallel_loop3A_522, %parallel_loop3A_524 : vector<16xi32>
      %parallel_loop3A_526 = arith.cmpf ogt, %parallel_loop3A_451, %parallel_loop3A_446 : vector<16xf32>
      %parallel_loop3A_527 = arith.extui %parallel_loop3A_526 : vector<16xi1> to vector<16xi32>
      %parallel_loop3A_528 = arith.addi %parallel_loop3A_525, %parallel_loop3A_527 : vector<16xi32>
      %parallel_loop3A_529 = arith.constant 4 : i32
      %parallel_loop3A_530 = vector.broadcast %parallel_loop3A_529 : i32 to vector<16xi32>
      %parallel_loop3A_531 = arith.cmpi slt, %parallel_loop3A_528, %parallel_loop3A_530 : vector<16xi32>
      %parallel_loop3A_532 = arith.select %parallel_loop3A_531, %parallel_loop3A_178, %broadcast_in_dim3A_5 : vector<16xi1>, vector<16xf32>
      %parallel_loop3A_533 = arith.constant 0 : i32
      %parallel_loop3A_534 = vector.broadcast %parallel_loop3A_533 : i32 to vector<16xi32>
      %parallel_loop3A_535 = arith.cmpf oge, %parallel_loop3A_444, %parallel_loop3A_447 : vector<16xf32>
      %parallel_loop3A_536 = arith.extui %parallel_loop3A_535 : vector<16xi1> to vector<16xi32>
      %parallel_loop3A_537 = arith.addi %parallel_loop3A_534, %parallel_loop3A_536 : vector<16xi32>
      %parallel_loop3A_538 = arith.cmpf oge, %parallel_loop3A_445, %parallel_loop3A_447 : vector<16xf32>
      %parallel_loop3A_539 = arith.extui %parallel_loop3A_538 : vector<16xi1> to vector<16xi32>
      %parallel_loop3A_540 = arith.addi %parallel_loop3A_537, %parallel_loop3A_539 : vector<16xi32>
      %parallel_loop3A_541 = arith.cmpf oge, %parallel_loop3A_446, %parallel_loop3A_447 : vector<16xf32>
      %parallel_loop3A_542 = arith.extui %parallel_loop3A_541 : vector<16xi1> to vector<16xi32>
      %parallel_loop3A_543 = arith.addi %parallel_loop3A_540, %parallel_loop3A_542 : vector<16xi32>
      %parallel_loop3A_544 = arith.cmpf ogt, %parallel_loop3A_448, %parallel_loop3A_447 : vector<16xf32>
      %parallel_loop3A_545 = arith.extui %parallel_loop3A_544 : vector<16xi1> to vector<16xi32>
      %parallel_loop3A_546 = arith.addi %parallel_loop3A_543, %parallel_loop3A_545 : vector<16xi32>
      %parallel_loop3A_547 = arith.cmpf ogt, %parallel_loop3A_449, %parallel_loop3A_447 : vector<16xf32>
      %parallel_loop3A_548 = arith.extui %parallel_loop3A_547 : vector<16xi1> to vector<16xi32>
      %parallel_loop3A_549 = arith.addi %parallel_loop3A_546, %parallel_loop3A_548 : vector<16xi32>
      %parallel_loop3A_550 = arith.cmpf ogt, %parallel_loop3A_450, %parallel_loop3A_447 : vector<16xf32>
      %parallel_loop3A_551 = arith.extui %parallel_loop3A_550 : vector<16xi1> to vector<16xi32>
      %parallel_loop3A_552 = arith.addi %parallel_loop3A_549, %parallel_loop3A_551 : vector<16xi32>
      %parallel_loop3A_553 = arith.cmpf ogt, %parallel_loop3A_451, %parallel_loop3A_447 : vector<16xf32>
      %parallel_loop3A_554 = arith.extui %parallel_loop3A_553 : vector<16xi1> to vector<16xi32>
      %parallel_loop3A_555 = arith.addi %parallel_loop3A_552, %parallel_loop3A_554 : vector<16xi32>
      %parallel_loop3A_556 = arith.constant 4 : i32
      %parallel_loop3A_557 = vector.broadcast %parallel_loop3A_556 : i32 to vector<16xi32>
      %parallel_loop3A_558 = arith.cmpi slt, %parallel_loop3A_555, %parallel_loop3A_557 : vector<16xi32>
      %parallel_loop3A_559 = arith.select %parallel_loop3A_558, %parallel_loop3A_231, %broadcast_in_dim3A_5 : vector<16xi1>, vector<16xf32>
      %parallel_loop3A_560 = arith.constant 0 : i32
      %parallel_loop3A_561 = vector.broadcast %parallel_loop3A_560 : i32 to vector<16xi32>
      %parallel_loop3A_562 = arith.cmpf oge, %parallel_loop3A_444, %parallel_loop3A_448 : vector<16xf32>
      %parallel_loop3A_563 = arith.extui %parallel_loop3A_562 : vector<16xi1> to vector<16xi32>
      %parallel_loop3A_564 = arith.addi %parallel_loop3A_561, %parallel_loop3A_563 : vector<16xi32>
      %parallel_loop3A_565 = arith.cmpf oge, %parallel_loop3A_445, %parallel_loop3A_448 : vector<16xf32>
      %parallel_loop3A_566 = arith.extui %parallel_loop3A_565 : vector<16xi1> to vector<16xi32>
      %parallel_loop3A_567 = arith.addi %parallel_loop3A_564, %parallel_loop3A_566 : vector<16xi32>
      %parallel_loop3A_568 = arith.cmpf oge, %parallel_loop3A_446, %parallel_loop3A_448 : vector<16xf32>
      %parallel_loop3A_569 = arith.extui %parallel_loop3A_568 : vector<16xi1> to vector<16xi32>
      %parallel_loop3A_570 = arith.addi %parallel_loop3A_567, %parallel_loop3A_569 : vector<16xi32>
      %parallel_loop3A_571 = arith.cmpf oge, %parallel_loop3A_447, %parallel_loop3A_448 : vector<16xf32>
      %parallel_loop3A_572 = arith.extui %parallel_loop3A_571 : vector<16xi1> to vector<16xi32>
      %parallel_loop3A_573 = arith.addi %parallel_loop3A_570, %parallel_loop3A_572 : vector<16xi32>
      %parallel_loop3A_574 = arith.cmpf ogt, %parallel_loop3A_449, %parallel_loop3A_448 : vector<16xf32>
      %parallel_loop3A_575 = arith.extui %parallel_loop3A_574 : vector<16xi1> to vector<16xi32>
      %parallel_loop3A_576 = arith.addi %parallel_loop3A_573, %parallel_loop3A_575 : vector<16xi32>
      %parallel_loop3A_577 = arith.cmpf ogt, %parallel_loop3A_450, %parallel_loop3A_448 : vector<16xf32>
      %parallel_loop3A_578 = arith.extui %parallel_loop3A_577 : vector<16xi1> to vector<16xi32>
      %parallel_loop3A_579 = arith.addi %parallel_loop3A_576, %parallel_loop3A_578 : vector<16xi32>
      %parallel_loop3A_580 = arith.cmpf ogt, %parallel_loop3A_451, %parallel_loop3A_448 : vector<16xf32>
      %parallel_loop3A_581 = arith.extui %parallel_loop3A_580 : vector<16xi1> to vector<16xi32>
      %parallel_loop3A_582 = arith.addi %parallel_loop3A_579, %parallel_loop3A_581 : vector<16xi32>
      %parallel_loop3A_583 = arith.constant 4 : i32
      %parallel_loop3A_584 = vector.broadcast %parallel_loop3A_583 : i32 to vector<16xi32>
      %parallel_loop3A_585 = arith.cmpi slt, %parallel_loop3A_582, %parallel_loop3A_584 : vector<16xi32>
      %parallel_loop3A_586 = arith.select %parallel_loop3A_585, %parallel_loop3A_284, %broadcast_in_dim3A_5 : vector<16xi1>, vector<16xf32>
      %parallel_loop3A_587 = arith.constant 0 : i32
      %parallel_loop3A_588 = vector.broadcast %parallel_loop3A_587 : i32 to vector<16xi32>
      %parallel_loop3A_589 = arith.cmpf oge, %parallel_loop3A_444, %parallel_loop3A_449 : vector<16xf32>
      %parallel_loop3A_590 = arith.extui %parallel_loop3A_589 : vector<16xi1> to vector<16xi32>
      %parallel_loop3A_591 = arith.addi %parallel_loop3A_588, %parallel_loop3A_590 : vector<16xi32>
      %parallel_loop3A_592 = arith.cmpf oge, %parallel_loop3A_445, %parallel_loop3A_449 : vector<16xf32>
      %parallel_loop3A_593 = arith.extui %parallel_loop3A_592 : vector<16xi1> to vector<16xi32>
      %parallel_loop3A_594 = arith.addi %parallel_loop3A_591, %parallel_loop3A_593 : vector<16xi32>
      %parallel_loop3A_595 = arith.cmpf oge, %parallel_loop3A_446, %parallel_loop3A_449 : vector<16xf32>
      %parallel_loop3A_596 = arith.extui %parallel_loop3A_595 : vector<16xi1> to vector<16xi32>
      %parallel_loop3A_597 = arith.addi %parallel_loop3A_594, %parallel_loop3A_596 : vector<16xi32>
      %parallel_loop3A_598 = arith.cmpf oge, %parallel_loop3A_447, %parallel_loop3A_449 : vector<16xf32>
      %parallel_loop3A_599 = arith.extui %parallel_loop3A_598 : vector<16xi1> to vector<16xi32>
      %parallel_loop3A_600 = arith.addi %parallel_loop3A_597, %parallel_loop3A_599 : vector<16xi32>
      %parallel_loop3A_601 = arith.cmpf oge, %parallel_loop3A_448, %parallel_loop3A_449 : vector<16xf32>
      %parallel_loop3A_602 = arith.extui %parallel_loop3A_601 : vector<16xi1> to vector<16xi32>
      %parallel_loop3A_603 = arith.addi %parallel_loop3A_600, %parallel_loop3A_602 : vector<16xi32>
      %parallel_loop3A_604 = arith.cmpf ogt, %parallel_loop3A_450, %parallel_loop3A_449 : vector<16xf32>
      %parallel_loop3A_605 = arith.extui %parallel_loop3A_604 : vector<16xi1> to vector<16xi32>
      %parallel_loop3A_606 = arith.addi %parallel_loop3A_603, %parallel_loop3A_605 : vector<16xi32>
      %parallel_loop3A_607 = arith.cmpf ogt, %parallel_loop3A_451, %parallel_loop3A_449 : vector<16xf32>
      %parallel_loop3A_608 = arith.extui %parallel_loop3A_607 : vector<16xi1> to vector<16xi32>
      %parallel_loop3A_609 = arith.addi %parallel_loop3A_606, %parallel_loop3A_608 : vector<16xi32>
      %parallel_loop3A_610 = arith.constant 4 : i32
      %parallel_loop3A_611 = vector.broadcast %parallel_loop3A_610 : i32 to vector<16xi32>
      %parallel_loop3A_612 = arith.cmpi slt, %parallel_loop3A_609, %parallel_loop3A_611 : vector<16xi32>
      %parallel_loop3A_613 = arith.select %parallel_loop3A_612, %parallel_loop3A_337, %broadcast_in_dim3A_5 : vector<16xi1>, vector<16xf32>
      %parallel_loop3A_614 = arith.constant 0 : i32
      %parallel_loop3A_615 = vector.broadcast %parallel_loop3A_614 : i32 to vector<16xi32>
      %parallel_loop3A_616 = arith.cmpf oge, %parallel_loop3A_444, %parallel_loop3A_450 : vector<16xf32>
      %parallel_loop3A_617 = arith.extui %parallel_loop3A_616 : vector<16xi1> to vector<16xi32>
      %parallel_loop3A_618 = arith.addi %parallel_loop3A_615, %parallel_loop3A_617 : vector<16xi32>
      %parallel_loop3A_619 = arith.cmpf oge, %parallel_loop3A_445, %parallel_loop3A_450 : vector<16xf32>
      %parallel_loop3A_620 = arith.extui %parallel_loop3A_619 : vector<16xi1> to vector<16xi32>
      %parallel_loop3A_621 = arith.addi %parallel_loop3A_618, %parallel_loop3A_620 : vector<16xi32>
      %parallel_loop3A_622 = arith.cmpf oge, %parallel_loop3A_446, %parallel_loop3A_450 : vector<16xf32>
      %parallel_loop3A_623 = arith.extui %parallel_loop3A_622 : vector<16xi1> to vector<16xi32>
      %parallel_loop3A_624 = arith.addi %parallel_loop3A_621, %parallel_loop3A_623 : vector<16xi32>
      %parallel_loop3A_625 = arith.cmpf oge, %parallel_loop3A_447, %parallel_loop3A_450 : vector<16xf32>
      %parallel_loop3A_626 = arith.extui %parallel_loop3A_625 : vector<16xi1> to vector<16xi32>
      %parallel_loop3A_627 = arith.addi %parallel_loop3A_624, %parallel_loop3A_626 : vector<16xi32>
      %parallel_loop3A_628 = arith.cmpf oge, %parallel_loop3A_448, %parallel_loop3A_450 : vector<16xf32>
      %parallel_loop3A_629 = arith.extui %parallel_loop3A_628 : vector<16xi1> to vector<16xi32>
      %parallel_loop3A_630 = arith.addi %parallel_loop3A_627, %parallel_loop3A_629 : vector<16xi32>
      %parallel_loop3A_631 = arith.cmpf oge, %parallel_loop3A_449, %parallel_loop3A_450 : vector<16xf32>
      %parallel_loop3A_632 = arith.extui %parallel_loop3A_631 : vector<16xi1> to vector<16xi32>
      %parallel_loop3A_633 = arith.addi %parallel_loop3A_630, %parallel_loop3A_632 : vector<16xi32>
      %parallel_loop3A_634 = arith.cmpf ogt, %parallel_loop3A_451, %parallel_loop3A_450 : vector<16xf32>
      %parallel_loop3A_635 = arith.extui %parallel_loop3A_634 : vector<16xi1> to vector<16xi32>
      %parallel_loop3A_636 = arith.addi %parallel_loop3A_633, %parallel_loop3A_635 : vector<16xi32>
      %parallel_loop3A_637 = arith.constant 4 : i32
      %parallel_loop3A_638 = vector.broadcast %parallel_loop3A_637 : i32 to vector<16xi32>
      %parallel_loop3A_639 = arith.cmpi slt, %parallel_loop3A_636, %parallel_loop3A_638 : vector<16xi32>
      %parallel_loop3A_640 = arith.select %parallel_loop3A_639, %parallel_loop3A_390, %broadcast_in_dim3A_5 : vector<16xi1>, vector<16xf32>
      %parallel_loop3A_641 = arith.constant 0 : i32
      %parallel_loop3A_642 = vector.broadcast %parallel_loop3A_641 : i32 to vector<16xi32>
      %parallel_loop3A_643 = arith.cmpf oge, %parallel_loop3A_444, %parallel_loop3A_451 : vector<16xf32>
      %parallel_loop3A_644 = arith.extui %parallel_loop3A_643 : vector<16xi1> to vector<16xi32>
      %parallel_loop3A_645 = arith.addi %parallel_loop3A_642, %parallel_loop3A_644 : vector<16xi32>
      %parallel_loop3A_646 = arith.cmpf oge, %parallel_loop3A_445, %parallel_loop3A_451 : vector<16xf32>
      %parallel_loop3A_647 = arith.extui %parallel_loop3A_646 : vector<16xi1> to vector<16xi32>
      %parallel_loop3A_648 = arith.addi %parallel_loop3A_645, %parallel_loop3A_647 : vector<16xi32>
      %parallel_loop3A_649 = arith.cmpf oge, %parallel_loop3A_446, %parallel_loop3A_451 : vector<16xf32>
      %parallel_loop3A_650 = arith.extui %parallel_loop3A_649 : vector<16xi1> to vector<16xi32>
      %parallel_loop3A_651 = arith.addi %parallel_loop3A_648, %parallel_loop3A_650 : vector<16xi32>
      %parallel_loop3A_652 = arith.cmpf oge, %parallel_loop3A_447, %parallel_loop3A_451 : vector<16xf32>
      %parallel_loop3A_653 = arith.extui %parallel_loop3A_652 : vector<16xi1> to vector<16xi32>
      %parallel_loop3A_654 = arith.addi %parallel_loop3A_651, %parallel_loop3A_653 : vector<16xi32>
      %parallel_loop3A_655 = arith.cmpf oge, %parallel_loop3A_448, %parallel_loop3A_451 : vector<16xf32>
      %parallel_loop3A_656 = arith.extui %parallel_loop3A_655 : vector<16xi1> to vector<16xi32>
      %parallel_loop3A_657 = arith.addi %parallel_loop3A_654, %parallel_loop3A_656 : vector<16xi32>
      %parallel_loop3A_658 = arith.cmpf oge, %parallel_loop3A_449, %parallel_loop3A_451 : vector<16xf32>
      %parallel_loop3A_659 = arith.extui %parallel_loop3A_658 : vector<16xi1> to vector<16xi32>
      %parallel_loop3A_660 = arith.addi %parallel_loop3A_657, %parallel_loop3A_659 : vector<16xi32>
      %parallel_loop3A_661 = arith.cmpf oge, %parallel_loop3A_450, %parallel_loop3A_451 : vector<16xf32>
      %parallel_loop3A_662 = arith.extui %parallel_loop3A_661 : vector<16xi1> to vector<16xi32>
      %parallel_loop3A_663 = arith.addi %parallel_loop3A_660, %parallel_loop3A_662 : vector<16xi32>
      %parallel_loop3A_664 = arith.constant 4 : i32
      %parallel_loop3A_665 = vector.broadcast %parallel_loop3A_664 : i32 to vector<16xi32>
      %parallel_loop3A_666 = arith.cmpi slt, %parallel_loop3A_663, %parallel_loop3A_665 : vector<16xi32>
      %parallel_loop3A_667 = arith.select %parallel_loop3A_666, %parallel_loop3A_443, %broadcast_in_dim3A_5 : vector<16xi1>, vector<16xf32>
      %parallel_loop3A_668 = arith.constant 16384 : i32
      %parallel_loop3A_669 = vector.broadcast %parallel_loop3A_668 : i32 to vector<16xi32>
      %parallel_loop3A_670 = arith.maximumf %parallel_loop3A_478, %parallel_loop3A_505 : vector<16xf32>
      %parallel_loop3A_671 = arith.maximumf %parallel_loop3A_532, %parallel_loop3A_559 : vector<16xf32>
      %parallel_loop3A_672 = arith.maximumf %parallel_loop3A_586, %parallel_loop3A_613 : vector<16xf32>
      %parallel_loop3A_673 = arith.maximumf %parallel_loop3A_640, %parallel_loop3A_667 : vector<16xf32>
      %parallel_loop3A_674 = arith.maximumf %parallel_loop3A_670, %parallel_loop3A_671 : vector<16xf32>
      %parallel_loop3A_675 = arith.maximumf %parallel_loop3A_672, %parallel_loop3A_673 : vector<16xf32>
      %parallel_loop3A_676 = arith.maximumf %parallel_loop3A_674, %parallel_loop3A_675 : vector<16xf32>
      %parallel_loop3A_677 = arith.cmpf oeq, %parallel_loop3A_478, %parallel_loop3A_676 : vector<16xf32>
      %parallel_loop3A_678 = arith.constant 0 : i32
      %parallel_loop3A_679 = vector.broadcast %parallel_loop3A_678 : i32 to vector<16xi32>
      %parallel_loop3A_680 = arith.select %parallel_loop3A_677, %parallel_loop3A_679, %parallel_loop3A_669 : vector<16xi1>, vector<16xi32>
      %parallel_loop3A_681 = arith.cmpf oeq, %parallel_loop3A_505, %parallel_loop3A_676 : vector<16xf32>
      %parallel_loop3A_682 = arith.constant 1 : i32
      %parallel_loop3A_683 = vector.broadcast %parallel_loop3A_682 : i32 to vector<16xi32>
      %parallel_loop3A_684 = arith.select %parallel_loop3A_681, %parallel_loop3A_683, %parallel_loop3A_669 : vector<16xi1>, vector<16xi32>
      %parallel_loop3A_685 = arith.cmpf oeq, %parallel_loop3A_532, %parallel_loop3A_676 : vector<16xf32>
      %parallel_loop3A_686 = arith.constant 2 : i32
      %parallel_loop3A_687 = vector.broadcast %parallel_loop3A_686 : i32 to vector<16xi32>
      %parallel_loop3A_688 = arith.select %parallel_loop3A_685, %parallel_loop3A_687, %parallel_loop3A_669 : vector<16xi1>, vector<16xi32>
      %parallel_loop3A_689 = arith.cmpf oeq, %parallel_loop3A_559, %parallel_loop3A_676 : vector<16xf32>
      %parallel_loop3A_690 = arith.constant 3 : i32
      %parallel_loop3A_691 = vector.broadcast %parallel_loop3A_690 : i32 to vector<16xi32>
      %parallel_loop3A_692 = arith.select %parallel_loop3A_689, %parallel_loop3A_691, %parallel_loop3A_669 : vector<16xi1>, vector<16xi32>
      %parallel_loop3A_693 = arith.cmpf oeq, %parallel_loop3A_586, %parallel_loop3A_676 : vector<16xf32>
      %parallel_loop3A_694 = arith.constant 4 : i32
      %parallel_loop3A_695 = vector.broadcast %parallel_loop3A_694 : i32 to vector<16xi32>
      %parallel_loop3A_696 = arith.select %parallel_loop3A_693, %parallel_loop3A_695, %parallel_loop3A_669 : vector<16xi1>, vector<16xi32>
      %parallel_loop3A_697 = arith.cmpf oeq, %parallel_loop3A_613, %parallel_loop3A_676 : vector<16xf32>
      %parallel_loop3A_698 = arith.constant 5 : i32
      %parallel_loop3A_699 = vector.broadcast %parallel_loop3A_698 : i32 to vector<16xi32>
      %parallel_loop3A_700 = arith.select %parallel_loop3A_697, %parallel_loop3A_699, %parallel_loop3A_669 : vector<16xi1>, vector<16xi32>
      %parallel_loop3A_701 = arith.cmpf oeq, %parallel_loop3A_640, %parallel_loop3A_676 : vector<16xf32>
      %parallel_loop3A_702 = arith.constant 6 : i32
      %parallel_loop3A_703 = vector.broadcast %parallel_loop3A_702 : i32 to vector<16xi32>
      %parallel_loop3A_704 = arith.select %parallel_loop3A_701, %parallel_loop3A_703, %parallel_loop3A_669 : vector<16xi1>, vector<16xi32>
      %parallel_loop3A_705 = arith.cmpf oeq, %parallel_loop3A_667, %parallel_loop3A_676 : vector<16xf32>
      %parallel_loop3A_706 = arith.constant 7 : i32
      %parallel_loop3A_707 = vector.broadcast %parallel_loop3A_706 : i32 to vector<16xi32>
      %parallel_loop3A_708 = arith.select %parallel_loop3A_705, %parallel_loop3A_707, %parallel_loop3A_669 : vector<16xi1>, vector<16xi32>
      %parallel_loop3A_709 = arith.minsi %parallel_loop3A_680, %parallel_loop3A_684 : vector<16xi32>
      %parallel_loop3A_710 = arith.minsi %parallel_loop3A_688, %parallel_loop3A_692 : vector<16xi32>
      %parallel_loop3A_711 = arith.minsi %parallel_loop3A_696, %parallel_loop3A_700 : vector<16xi32>
      %parallel_loop3A_712 = arith.minsi %parallel_loop3A_704, %parallel_loop3A_708 : vector<16xi32>
      %parallel_loop3A_713 = arith.minsi %parallel_loop3A_709, %parallel_loop3A_710 : vector<16xi32>
      %parallel_loop3A_714 = arith.minsi %parallel_loop3A_711, %parallel_loop3A_712 : vector<16xi32>
      %parallel_loop3A_715 = arith.minsi %parallel_loop3A_713, %parallel_loop3A_714 : vector<16xi32>
      %parallel_loop3A_716 = arith.constant 7 : i32
      %parallel_loop3A_717 = vector.broadcast %parallel_loop3A_716 : i32 to vector<16xi32>
      %parallel_loop3A_718 = arith.minsi %parallel_loop3A_715, %parallel_loop3A_717 : vector<16xi32>
      %parallel_loop3A_719 = arith.constant 8 : i32
      %parallel_loop3A_720 = vector.broadcast %parallel_loop3A_719 : i32 to vector<16xi32>
      %parallel_loop3A_721 = arith.muli %parallel_loop3A_718, %parallel_loop3A_720 : vector<16xi32>
      %parallel_loop3A_722 = arith.constant 0 : i32
      %parallel_loop3A_723 = vector.broadcast %parallel_loop3A_722 : i32 to vector<16xi32>
      %parallel_loop3A_724 = arith.addi %parallel_loop3A_721, %parallel_loop3A_723 : vector<16xi32>
      %parallel_loop3A_725 = arith.constant 1 : i32
      %parallel_loop3A_726 = vector.broadcast %parallel_loop3A_725 : i32 to vector<16xi32>
      %parallel_loop3A_727 = arith.addi %parallel_loop3A_721, %parallel_loop3A_726 : vector<16xi32>
      %parallel_loop3A_728 = arith.constant 2 : i32
      %parallel_loop3A_729 = vector.broadcast %parallel_loop3A_728 : i32 to vector<16xi32>
      %parallel_loop3A_730 = arith.addi %parallel_loop3A_721, %parallel_loop3A_729 : vector<16xi32>
      %parallel_loop3A_731 = arith.constant 3 : i32
      %parallel_loop3A_732 = vector.broadcast %parallel_loop3A_731 : i32 to vector<16xi32>
      %parallel_loop3A_733 = arith.addi %parallel_loop3A_721, %parallel_loop3A_732 : vector<16xi32>
      %parallel_loop3A_734 = arith.constant 4 : i32
      %parallel_loop3A_735 = vector.broadcast %parallel_loop3A_734 : i32 to vector<16xi32>
      %parallel_loop3A_736 = arith.addi %parallel_loop3A_721, %parallel_loop3A_735 : vector<16xi32>
      %parallel_loop3A_737 = arith.constant 5 : i32
      %parallel_loop3A_738 = vector.broadcast %parallel_loop3A_737 : i32 to vector<16xi32>
      %parallel_loop3A_739 = arith.addi %parallel_loop3A_721, %parallel_loop3A_738 : vector<16xi32>
      %parallel_loop3A_740 = arith.constant 6 : i32
      %parallel_loop3A_741 = vector.broadcast %parallel_loop3A_740 : i32 to vector<16xi32>
      %parallel_loop3A_742 = arith.addi %parallel_loop3A_721, %parallel_loop3A_741 : vector<16xi32>
      %parallel_loop3A_743 = arith.constant 7 : i32
      %parallel_loop3A_744 = vector.broadcast %parallel_loop3A_743 : i32 to vector<16xi32>
      %parallel_loop3A_745 = arith.addi %parallel_loop3A_721, %parallel_loop3A_744 : vector<16xi32>
      %parallel_loop3A_746 = arith.addi %parallel_loop3A_19, %parallel_loop3A_724 : vector<16xi32>
      %parallel_loop3A_747 = tpu.vector_load_idx %arg6[%parallel_loop3A_746] : memref<65536xf32, #tpu.memory_space<vmem>>[vector<16xi32>], vector<16xf32>,
      %parallel_loop3A_748 = arith.addi %parallel_loop3A_19, %parallel_loop3A_727 : vector<16xi32>
      %parallel_loop3A_749 = tpu.vector_load_idx %arg6[%parallel_loop3A_748] : memref<65536xf32, #tpu.memory_space<vmem>>[vector<16xi32>], vector<16xf32>,
      %parallel_loop3A_750 = arith.addi %parallel_loop3A_19, %parallel_loop3A_730 : vector<16xi32>
      %parallel_loop3A_751 = tpu.vector_load_idx %arg6[%parallel_loop3A_750] : memref<65536xf32, #tpu.memory_space<vmem>>[vector<16xi32>], vector<16xf32>,
      %parallel_loop3A_752 = arith.addi %parallel_loop3A_19, %parallel_loop3A_733 : vector<16xi32>
      %parallel_loop3A_753 = tpu.vector_load_idx %arg6[%parallel_loop3A_752] : memref<65536xf32, #tpu.memory_space<vmem>>[vector<16xi32>], vector<16xf32>,
      %parallel_loop3A_754 = arith.addi %parallel_loop3A_19, %parallel_loop3A_736 : vector<16xi32>
      %parallel_loop3A_755 = tpu.vector_load_idx %arg6[%parallel_loop3A_754] : memref<65536xf32, #tpu.memory_space<vmem>>[vector<16xi32>], vector<16xf32>,
      %parallel_loop3A_756 = arith.addi %parallel_loop3A_19, %parallel_loop3A_739 : vector<16xi32>
      %parallel_loop3A_757 = tpu.vector_load_idx %arg6[%parallel_loop3A_756] : memref<65536xf32, #tpu.memory_space<vmem>>[vector<16xi32>], vector<16xf32>,
      %parallel_loop3A_758 = arith.addi %parallel_loop3A_19, %parallel_loop3A_742 : vector<16xi32>
      %parallel_loop3A_759 = tpu.vector_load_idx %arg6[%parallel_loop3A_758] : memref<65536xf32, #tpu.memory_space<vmem>>[vector<16xi32>], vector<16xf32>,
      %parallel_loop3A_760 = arith.addi %parallel_loop3A_19, %parallel_loop3A_745 : vector<16xi32>
      %parallel_loop3A_761 = tpu.vector_load_idx %arg6[%parallel_loop3A_760] : memref<65536xf32, #tpu.memory_space<vmem>>[vector<16xi32>], vector<16xf32>,
      %parallel_loop3A_762 = arith.cmpf oeq, %parallel_loop3A_747, %parallel_loop3A_676 : vector<16xf32>
      %parallel_loop3A_763 = arith.select %parallel_loop3A_762, %parallel_loop3A_724, %parallel_loop3A_669 : vector<16xi1>, vector<16xi32>
      %parallel_loop3A_764 = arith.cmpf oeq, %parallel_loop3A_749, %parallel_loop3A_676 : vector<16xf32>
      %parallel_loop3A_765 = arith.select %parallel_loop3A_764, %parallel_loop3A_727, %parallel_loop3A_669 : vector<16xi1>, vector<16xi32>
      %parallel_loop3A_766 = arith.cmpf oeq, %parallel_loop3A_751, %parallel_loop3A_676 : vector<16xf32>
      %parallel_loop3A_767 = arith.select %parallel_loop3A_766, %parallel_loop3A_730, %parallel_loop3A_669 : vector<16xi1>, vector<16xi32>
      %parallel_loop3A_768 = arith.cmpf oeq, %parallel_loop3A_753, %parallel_loop3A_676 : vector<16xf32>
      %parallel_loop3A_769 = arith.select %parallel_loop3A_768, %parallel_loop3A_733, %parallel_loop3A_669 : vector<16xi1>, vector<16xi32>
      %parallel_loop3A_770 = arith.cmpf oeq, %parallel_loop3A_755, %parallel_loop3A_676 : vector<16xf32>
      %parallel_loop3A_771 = arith.select %parallel_loop3A_770, %parallel_loop3A_736, %parallel_loop3A_669 : vector<16xi1>, vector<16xi32>
      %parallel_loop3A_772 = arith.cmpf oeq, %parallel_loop3A_757, %parallel_loop3A_676 : vector<16xf32>
      %parallel_loop3A_773 = arith.select %parallel_loop3A_772, %parallel_loop3A_739, %parallel_loop3A_669 : vector<16xi1>, vector<16xi32>
      %parallel_loop3A_774 = arith.cmpf oeq, %parallel_loop3A_759, %parallel_loop3A_676 : vector<16xf32>
      %parallel_loop3A_775 = arith.select %parallel_loop3A_774, %parallel_loop3A_742, %parallel_loop3A_669 : vector<16xi1>, vector<16xi32>
      %parallel_loop3A_776 = arith.cmpf oeq, %parallel_loop3A_761, %parallel_loop3A_676 : vector<16xf32>
      %parallel_loop3A_777 = arith.select %parallel_loop3A_776, %parallel_loop3A_745, %parallel_loop3A_669 : vector<16xi1>, vector<16xi32>
      %parallel_loop3A_778 = arith.minsi %parallel_loop3A_763, %parallel_loop3A_765 : vector<16xi32>
      %parallel_loop3A_779 = arith.minsi %parallel_loop3A_767, %parallel_loop3A_769 : vector<16xi32>
      %parallel_loop3A_780 = arith.minsi %parallel_loop3A_771, %parallel_loop3A_773 : vector<16xi32>
      %parallel_loop3A_781 = arith.minsi %parallel_loop3A_775, %parallel_loop3A_777 : vector<16xi32>
      %parallel_loop3A_782 = arith.minsi %parallel_loop3A_778, %parallel_loop3A_779 : vector<16xi32>
      %parallel_loop3A_783 = arith.minsi %parallel_loop3A_780, %parallel_loop3A_781 : vector<16xi32>
      %parallel_loop3A_784 = arith.minsi %parallel_loop3A_782, %parallel_loop3A_783 : vector<16xi32>
      %parallel_loop3A_785 = arith.constant 63 : i32
      %parallel_loop3A_786 = vector.broadcast %parallel_loop3A_785 : i32 to vector<16xi32>
      %parallel_loop3A_787 = arith.minsi %parallel_loop3A_784, %parallel_loop3A_786 : vector<16xi32>
      %parallel_loop3A_788 = tpu.vector_load_idx %arg7[%parallel_loop3A_787] : memref<64xf32, #tpu.memory_space<vmem>>[vector<16xi32>], vector<16xf32>,
      %parallel_loop3A_789 = arith.subf %parallel_loop3A_676, %parallel_loop3A_788 : vector<16xf32>
      %parallel_loop3A_790 = arith.addi %parallel_loop3A_19, %parallel_loop3A_787 : vector<16xi32>
      tpu.vector_store_idx %arg6[%parallel_loop3A_790], %broadcast_in_dim3A_5 : memref<65536xf32, #tpu.memory_space<vmem>>[vector<16xi32>], vector<16xf32>,
      %parallel_loop3A_791 = arith.cmpi eq, %parallel_loop3A_724, %parallel_loop3A_787 : vector<16xi32>
      %parallel_loop3A_792 = arith.select %parallel_loop3A_791, %broadcast_in_dim3A_5, %parallel_loop3A_747 : vector<16xi1>, vector<16xf32>
      %parallel_loop3A_793 = arith.cmpi eq, %parallel_loop3A_727, %parallel_loop3A_787 : vector<16xi32>
      %parallel_loop3A_794 = arith.select %parallel_loop3A_793, %broadcast_in_dim3A_5, %parallel_loop3A_749 : vector<16xi1>, vector<16xf32>
      %parallel_loop3A_795 = arith.cmpi eq, %parallel_loop3A_730, %parallel_loop3A_787 : vector<16xi32>
      %parallel_loop3A_796 = arith.select %parallel_loop3A_795, %broadcast_in_dim3A_5, %parallel_loop3A_751 : vector<16xi1>, vector<16xf32>
      %parallel_loop3A_797 = arith.cmpi eq, %parallel_loop3A_733, %parallel_loop3A_787 : vector<16xi32>
      %parallel_loop3A_798 = arith.select %parallel_loop3A_797, %broadcast_in_dim3A_5, %parallel_loop3A_753 : vector<16xi1>, vector<16xf32>
      %parallel_loop3A_799 = arith.cmpi eq, %parallel_loop3A_736, %parallel_loop3A_787 : vector<16xi32>
      %parallel_loop3A_800 = arith.select %parallel_loop3A_799, %broadcast_in_dim3A_5, %parallel_loop3A_755 : vector<16xi1>, vector<16xf32>
      %parallel_loop3A_801 = arith.cmpi eq, %parallel_loop3A_739, %parallel_loop3A_787 : vector<16xi32>
      %parallel_loop3A_802 = arith.select %parallel_loop3A_801, %broadcast_in_dim3A_5, %parallel_loop3A_757 : vector<16xi1>, vector<16xf32>
      %parallel_loop3A_803 = arith.cmpi eq, %parallel_loop3A_742, %parallel_loop3A_787 : vector<16xi32>
      %parallel_loop3A_804 = arith.select %parallel_loop3A_803, %broadcast_in_dim3A_5, %parallel_loop3A_759 : vector<16xi1>, vector<16xf32>
      %parallel_loop3A_805 = arith.cmpi eq, %parallel_loop3A_745, %parallel_loop3A_787 : vector<16xi32>
      %parallel_loop3A_806 = arith.select %parallel_loop3A_805, %broadcast_in_dim3A_5, %parallel_loop3A_761 : vector<16xi1>, vector<16xf32>
      %parallel_loop3A_807 = arith.maximumf %parallel_loop3A_792, %parallel_loop3A_794 : vector<16xf32>
      %parallel_loop3A_808 = arith.maximumf %parallel_loop3A_796, %parallel_loop3A_798 : vector<16xf32>
      %parallel_loop3A_809 = arith.maximumf %parallel_loop3A_800, %parallel_loop3A_802 : vector<16xf32>
      %parallel_loop3A_810 = arith.maximumf %parallel_loop3A_804, %parallel_loop3A_806 : vector<16xf32>
      %parallel_loop3A_811 = arith.maximumf %parallel_loop3A_807, %parallel_loop3A_808 : vector<16xf32>
      %parallel_loop3A_812 = arith.maximumf %parallel_loop3A_809, %parallel_loop3A_810 : vector<16xf32>
      %parallel_loop3A_813 = arith.maximumf %parallel_loop3A_811, %parallel_loop3A_812 : vector<16xf32>
      %parallel_loop3A_814 = arith.constant 0 : i32
      %parallel_loop3A_815 = vector.broadcast %parallel_loop3A_814 : i32 to vector<16xi32>
      %parallel_loop3A_816 = arith.cmpi eq, %parallel_loop3A_718, %parallel_loop3A_815 : vector<16xi32>
      %parallel_loop3A_817 = arith.select %parallel_loop3A_816, %parallel_loop3A_813, %parallel_loop3A_478 : vector<16xi1>, vector<16xf32>
      %parallel_loop3A_818 = arith.constant 1 : i32
      %parallel_loop3A_819 = vector.broadcast %parallel_loop3A_818 : i32 to vector<16xi32>
      %parallel_loop3A_820 = arith.cmpi eq, %parallel_loop3A_718, %parallel_loop3A_819 : vector<16xi32>
      %parallel_loop3A_821 = arith.select %parallel_loop3A_820, %parallel_loop3A_813, %parallel_loop3A_505 : vector<16xi1>, vector<16xf32>
      %parallel_loop3A_822 = arith.constant 2 : i32
      %parallel_loop3A_823 = vector.broadcast %parallel_loop3A_822 : i32 to vector<16xi32>
      %parallel_loop3A_824 = arith.cmpi eq, %parallel_loop3A_718, %parallel_loop3A_823 : vector<16xi32>
      %parallel_loop3A_825 = arith.select %parallel_loop3A_824, %parallel_loop3A_813, %parallel_loop3A_532 : vector<16xi1>, vector<16xf32>
      %parallel_loop3A_826 = arith.constant 3 : i32
      %parallel_loop3A_827 = vector.broadcast %parallel_loop3A_826 : i32 to vector<16xi32>
      %parallel_loop3A_828 = arith.cmpi eq, %parallel_loop3A_718, %parallel_loop3A_827 : vector<16xi32>
      %parallel_loop3A_829 = arith.select %parallel_loop3A_828, %parallel_loop3A_813, %parallel_loop3A_559 : vector<16xi1>, vector<16xf32>
      %parallel_loop3A_830 = arith.constant 4 : i32
      %parallel_loop3A_831 = vector.broadcast %parallel_loop3A_830 : i32 to vector<16xi32>
      %parallel_loop3A_832 = arith.cmpi eq, %parallel_loop3A_718, %parallel_loop3A_831 : vector<16xi32>
      %parallel_loop3A_833 = arith.select %parallel_loop3A_832, %parallel_loop3A_813, %parallel_loop3A_586 : vector<16xi1>, vector<16xf32>
      %parallel_loop3A_834 = arith.constant 5 : i32
      %parallel_loop3A_835 = vector.broadcast %parallel_loop3A_834 : i32 to vector<16xi32>
      %parallel_loop3A_836 = arith.cmpi eq, %parallel_loop3A_718, %parallel_loop3A_835 : vector<16xi32>
      %parallel_loop3A_837 = arith.select %parallel_loop3A_836, %parallel_loop3A_813, %parallel_loop3A_613 : vector<16xi1>, vector<16xf32>
      %parallel_loop3A_838 = arith.constant 6 : i32
      %parallel_loop3A_839 = vector.broadcast %parallel_loop3A_838 : i32 to vector<16xi32>
      %parallel_loop3A_840 = arith.cmpi eq, %parallel_loop3A_718, %parallel_loop3A_839 : vector<16xi32>
      %parallel_loop3A_841 = arith.select %parallel_loop3A_840, %parallel_loop3A_813, %parallel_loop3A_640 : vector<16xi1>, vector<16xf32>
      %parallel_loop3A_842 = arith.constant 7 : i32
      %parallel_loop3A_843 = vector.broadcast %parallel_loop3A_842 : i32 to vector<16xi32>
      %parallel_loop3A_844 = arith.cmpi eq, %parallel_loop3A_718, %parallel_loop3A_843 : vector<16xi32>
      %parallel_loop3A_845 = arith.select %parallel_loop3A_844, %parallel_loop3A_813, %parallel_loop3A_667 : vector<16xi1>, vector<16xf32>
      %parallel_loop3A_846 = arith.maximumf %parallel_loop3A_817, %parallel_loop3A_821 : vector<16xf32>
      %parallel_loop3A_847 = arith.maximumf %parallel_loop3A_825, %parallel_loop3A_829 : vector<16xf32>
      %parallel_loop3A_848 = arith.maximumf %parallel_loop3A_833, %parallel_loop3A_837 : vector<16xf32>
      %parallel_loop3A_849 = arith.maximumf %parallel_loop3A_841, %parallel_loop3A_845 : vector<16xf32>
      %parallel_loop3A_850 = arith.maximumf %parallel_loop3A_846, %parallel_loop3A_847 : vector<16xf32>
      %parallel_loop3A_851 = arith.maximumf %parallel_loop3A_848, %parallel_loop3A_849 : vector<16xf32>
      %parallel_loop3A_852 = arith.maximumf %parallel_loop3A_850, %parallel_loop3A_851 : vector<16xf32>
      %parallel_loop3A_853 = arith.cmpf oeq, %parallel_loop3A_817, %parallel_loop3A_852 : vector<16xf32>
      %parallel_loop3A_854 = arith.constant 0 : i32
      %parallel_loop3A_855 = vector.broadcast %parallel_loop3A_854 : i32 to vector<16xi32>
      %parallel_loop3A_856 = arith.select %parallel_loop3A_853, %parallel_loop3A_855, %parallel_loop3A_669 : vector<16xi1>, vector<16xi32>
      %parallel_loop3A_857 = arith.cmpf oeq, %parallel_loop3A_821, %parallel_loop3A_852 : vector<16xf32>
      %parallel_loop3A_858 = arith.constant 1 : i32
      %parallel_loop3A_859 = vector.broadcast %parallel_loop3A_858 : i32 to vector<16xi32>
      %parallel_loop3A_860 = arith.select %parallel_loop3A_857, %parallel_loop3A_859, %parallel_loop3A_669 : vector<16xi1>, vector<16xi32>
      %parallel_loop3A_861 = arith.cmpf oeq, %parallel_loop3A_825, %parallel_loop3A_852 : vector<16xf32>
      %parallel_loop3A_862 = arith.constant 2 : i32
      %parallel_loop3A_863 = vector.broadcast %parallel_loop3A_862 : i32 to vector<16xi32>
      %parallel_loop3A_864 = arith.select %parallel_loop3A_861, %parallel_loop3A_863, %parallel_loop3A_669 : vector<16xi1>, vector<16xi32>
      %parallel_loop3A_865 = arith.cmpf oeq, %parallel_loop3A_829, %parallel_loop3A_852 : vector<16xf32>
      %parallel_loop3A_866 = arith.constant 3 : i32
      %parallel_loop3A_867 = vector.broadcast %parallel_loop3A_866 : i32 to vector<16xi32>
      %parallel_loop3A_868 = arith.select %parallel_loop3A_865, %parallel_loop3A_867, %parallel_loop3A_669 : vector<16xi1>, vector<16xi32>
      %parallel_loop3A_869 = arith.cmpf oeq, %parallel_loop3A_833, %parallel_loop3A_852 : vector<16xf32>
      %parallel_loop3A_870 = arith.constant 4 : i32
      %parallel_loop3A_871 = vector.broadcast %parallel_loop3A_870 : i32 to vector<16xi32>
      %parallel_loop3A_872 = arith.select %parallel_loop3A_869, %parallel_loop3A_871, %parallel_loop3A_669 : vector<16xi1>, vector<16xi32>
      %parallel_loop3A_873 = arith.cmpf oeq, %parallel_loop3A_837, %parallel_loop3A_852 : vector<16xf32>
      %parallel_loop3A_874 = arith.constant 5 : i32
      %parallel_loop3A_875 = vector.broadcast %parallel_loop3A_874 : i32 to vector<16xi32>
      %parallel_loop3A_876 = arith.select %parallel_loop3A_873, %parallel_loop3A_875, %parallel_loop3A_669 : vector<16xi1>, vector<16xi32>
      %parallel_loop3A_877 = arith.cmpf oeq, %parallel_loop3A_841, %parallel_loop3A_852 : vector<16xf32>
      %parallel_loop3A_878 = arith.constant 6 : i32
      %parallel_loop3A_879 = vector.broadcast %parallel_loop3A_878 : i32 to vector<16xi32>
      %parallel_loop3A_880 = arith.select %parallel_loop3A_877, %parallel_loop3A_879, %parallel_loop3A_669 : vector<16xi1>, vector<16xi32>
      %parallel_loop3A_881 = arith.cmpf oeq, %parallel_loop3A_845, %parallel_loop3A_852 : vector<16xf32>
      %parallel_loop3A_882 = arith.constant 7 : i32
      %parallel_loop3A_883 = vector.broadcast %parallel_loop3A_882 : i32 to vector<16xi32>
      %parallel_loop3A_884 = arith.select %parallel_loop3A_881, %parallel_loop3A_883, %parallel_loop3A_669 : vector<16xi1>, vector<16xi32>
      %parallel_loop3A_885 = arith.minsi %parallel_loop3A_856, %parallel_loop3A_860 : vector<16xi32>
      %parallel_loop3A_886 = arith.minsi %parallel_loop3A_864, %parallel_loop3A_868 : vector<16xi32>
      %parallel_loop3A_887 = arith.minsi %parallel_loop3A_872, %parallel_loop3A_876 : vector<16xi32>
      %parallel_loop3A_888 = arith.minsi %parallel_loop3A_880, %parallel_loop3A_884 : vector<16xi32>
      %parallel_loop3A_889 = arith.minsi %parallel_loop3A_885, %parallel_loop3A_886 : vector<16xi32>
      %parallel_loop3A_890 = arith.minsi %parallel_loop3A_887, %parallel_loop3A_888 : vector<16xi32>
      %parallel_loop3A_891 = arith.minsi %parallel_loop3A_889, %parallel_loop3A_890 : vector<16xi32>
      %parallel_loop3A_892 = arith.constant 7 : i32
      %parallel_loop3A_893 = vector.broadcast %parallel_loop3A_892 : i32 to vector<16xi32>
      %parallel_loop3A_894 = arith.minsi %parallel_loop3A_891, %parallel_loop3A_893 : vector<16xi32>
      %parallel_loop3A_895 = arith.constant 8 : i32
      %parallel_loop3A_896 = vector.broadcast %parallel_loop3A_895 : i32 to vector<16xi32>
      %parallel_loop3A_897 = arith.muli %parallel_loop3A_894, %parallel_loop3A_896 : vector<16xi32>
      %parallel_loop3A_898 = arith.constant 0 : i32
      %parallel_loop3A_899 = vector.broadcast %parallel_loop3A_898 : i32 to vector<16xi32>
      %parallel_loop3A_900 = arith.addi %parallel_loop3A_897, %parallel_loop3A_899 : vector<16xi32>
      %parallel_loop3A_901 = arith.constant 1 : i32
      %parallel_loop3A_902 = vector.broadcast %parallel_loop3A_901 : i32 to vector<16xi32>
      %parallel_loop3A_903 = arith.addi %parallel_loop3A_897, %parallel_loop3A_902 : vector<16xi32>
      %parallel_loop3A_904 = arith.constant 2 : i32
      %parallel_loop3A_905 = vector.broadcast %parallel_loop3A_904 : i32 to vector<16xi32>
      %parallel_loop3A_906 = arith.addi %parallel_loop3A_897, %parallel_loop3A_905 : vector<16xi32>
      %parallel_loop3A_907 = arith.constant 3 : i32
      %parallel_loop3A_908 = vector.broadcast %parallel_loop3A_907 : i32 to vector<16xi32>
      %parallel_loop3A_909 = arith.addi %parallel_loop3A_897, %parallel_loop3A_908 : vector<16xi32>
      %parallel_loop3A_910 = arith.constant 4 : i32
      %parallel_loop3A_911 = vector.broadcast %parallel_loop3A_910 : i32 to vector<16xi32>
      %parallel_loop3A_912 = arith.addi %parallel_loop3A_897, %parallel_loop3A_911 : vector<16xi32>
      %parallel_loop3A_913 = arith.constant 5 : i32
      %parallel_loop3A_914 = vector.broadcast %parallel_loop3A_913 : i32 to vector<16xi32>
      %parallel_loop3A_915 = arith.addi %parallel_loop3A_897, %parallel_loop3A_914 : vector<16xi32>
      %parallel_loop3A_916 = arith.constant 6 : i32
      %parallel_loop3A_917 = vector.broadcast %parallel_loop3A_916 : i32 to vector<16xi32>
      %parallel_loop3A_918 = arith.addi %parallel_loop3A_897, %parallel_loop3A_917 : vector<16xi32>
      %parallel_loop3A_919 = arith.constant 7 : i32
      %parallel_loop3A_920 = vector.broadcast %parallel_loop3A_919 : i32 to vector<16xi32>
      %parallel_loop3A_921 = arith.addi %parallel_loop3A_897, %parallel_loop3A_920 : vector<16xi32>
      %parallel_loop3A_922 = arith.addi %parallel_loop3A_19, %parallel_loop3A_900 : vector<16xi32>
      %parallel_loop3A_923 = tpu.vector_load_idx %arg6[%parallel_loop3A_922] : memref<65536xf32, #tpu.memory_space<vmem>>[vector<16xi32>], vector<16xf32>,
      %parallel_loop3A_924 = arith.addi %parallel_loop3A_19, %parallel_loop3A_903 : vector<16xi32>
      %parallel_loop3A_925 = tpu.vector_load_idx %arg6[%parallel_loop3A_924] : memref<65536xf32, #tpu.memory_space<vmem>>[vector<16xi32>], vector<16xf32>,
      %parallel_loop3A_926 = arith.addi %parallel_loop3A_19, %parallel_loop3A_906 : vector<16xi32>
      %parallel_loop3A_927 = tpu.vector_load_idx %arg6[%parallel_loop3A_926] : memref<65536xf32, #tpu.memory_space<vmem>>[vector<16xi32>], vector<16xf32>,
      %parallel_loop3A_928 = arith.addi %parallel_loop3A_19, %parallel_loop3A_909 : vector<16xi32>
      %parallel_loop3A_929 = tpu.vector_load_idx %arg6[%parallel_loop3A_928] : memref<65536xf32, #tpu.memory_space<vmem>>[vector<16xi32>], vector<16xf32>,
      %parallel_loop3A_930 = arith.addi %parallel_loop3A_19, %parallel_loop3A_912 : vector<16xi32>
      %parallel_loop3A_931 = tpu.vector_load_idx %arg6[%parallel_loop3A_930] : memref<65536xf32, #tpu.memory_space<vmem>>[vector<16xi32>], vector<16xf32>,
      %parallel_loop3A_932 = arith.addi %parallel_loop3A_19, %parallel_loop3A_915 : vector<16xi32>
      %parallel_loop3A_933 = tpu.vector_load_idx %arg6[%parallel_loop3A_932] : memref<65536xf32, #tpu.memory_space<vmem>>[vector<16xi32>], vector<16xf32>,
      %parallel_loop3A_934 = arith.addi %parallel_loop3A_19, %parallel_loop3A_918 : vector<16xi32>
      %parallel_loop3A_935 = tpu.vector_load_idx %arg6[%parallel_loop3A_934] : memref<65536xf32, #tpu.memory_space<vmem>>[vector<16xi32>], vector<16xf32>,
      %parallel_loop3A_936 = arith.addi %parallel_loop3A_19, %parallel_loop3A_921 : vector<16xi32>
      %parallel_loop3A_937 = tpu.vector_load_idx %arg6[%parallel_loop3A_936] : memref<65536xf32, #tpu.memory_space<vmem>>[vector<16xi32>], vector<16xf32>,
      %parallel_loop3A_938 = arith.cmpf oeq, %parallel_loop3A_923, %parallel_loop3A_852 : vector<16xf32>
      %parallel_loop3A_939 = arith.select %parallel_loop3A_938, %parallel_loop3A_900, %parallel_loop3A_669 : vector<16xi1>, vector<16xi32>
      %parallel_loop3A_940 = arith.cmpf oeq, %parallel_loop3A_925, %parallel_loop3A_852 : vector<16xf32>
      %parallel_loop3A_941 = arith.select %parallel_loop3A_940, %parallel_loop3A_903, %parallel_loop3A_669 : vector<16xi1>, vector<16xi32>
      %parallel_loop3A_942 = arith.cmpf oeq, %parallel_loop3A_927, %parallel_loop3A_852 : vector<16xf32>
      %parallel_loop3A_943 = arith.select %parallel_loop3A_942, %parallel_loop3A_906, %parallel_loop3A_669 : vector<16xi1>, vector<16xi32>
      %parallel_loop3A_944 = arith.cmpf oeq, %parallel_loop3A_929, %parallel_loop3A_852 : vector<16xf32>
      %parallel_loop3A_945 = arith.select %parallel_loop3A_944, %parallel_loop3A_909, %parallel_loop3A_669 : vector<16xi1>, vector<16xi32>
      %parallel_loop3A_946 = arith.cmpf oeq, %parallel_loop3A_931, %parallel_loop3A_852 : vector<16xf32>
      %parallel_loop3A_947 = arith.select %parallel_loop3A_946, %parallel_loop3A_912, %parallel_loop3A_669 : vector<16xi1>, vector<16xi32>
      %parallel_loop3A_948 = arith.cmpf oeq, %parallel_loop3A_933, %parallel_loop3A_852 : vector<16xf32>
      %parallel_loop3A_949 = arith.select %parallel_loop3A_948, %parallel_loop3A_915, %parallel_loop3A_669 : vector<16xi1>, vector<16xi32>
      %parallel_loop3A_950 = arith.cmpf oeq, %parallel_loop3A_935, %parallel_loop3A_852 : vector<16xf32>
      %parallel_loop3A_951 = arith.select %parallel_loop3A_950, %parallel_loop3A_918, %parallel_loop3A_669 : vector<16xi1>, vector<16xi32>
      %parallel_loop3A_952 = arith.cmpf oeq, %parallel_loop3A_937, %parallel_loop3A_852 : vector<16xf32>
      %parallel_loop3A_953 = arith.select %parallel_loop3A_952, %parallel_loop3A_921, %parallel_loop3A_669 : vector<16xi1>, vector<16xi32>
      %parallel_loop3A_954 = arith.minsi %parallel_loop3A_939, %parallel_loop3A_941 : vector<16xi32>
      %parallel_loop3A_955 = arith.minsi %parallel_loop3A_943, %parallel_loop3A_945 : vector<16xi32>
      %parallel_loop3A_956 = arith.minsi %parallel_loop3A_947, %parallel_loop3A_949 : vector<16xi32>
      %parallel_loop3A_957 = arith.minsi %parallel_loop3A_951, %parallel_loop3A_953 : vector<16xi32>
      %parallel_loop3A_958 = arith.minsi %parallel_loop3A_954, %parallel_loop3A_955 : vector<16xi32>
      %parallel_loop3A_959 = arith.minsi %parallel_loop3A_956, %parallel_loop3A_957 : vector<16xi32>
      %parallel_loop3A_960 = arith.minsi %parallel_loop3A_958, %parallel_loop3A_959 : vector<16xi32>
      %parallel_loop3A_961 = arith.constant 63 : i32
      %parallel_loop3A_962 = vector.broadcast %parallel_loop3A_961 : i32 to vector<16xi32>
      %parallel_loop3A_963 = arith.minsi %parallel_loop3A_960, %parallel_loop3A_962 : vector<16xi32>
      %parallel_loop3A_964 = tpu.vector_load_idx %arg7[%parallel_loop3A_963] : memref<64xf32, #tpu.memory_space<vmem>>[vector<16xi32>], vector<16xf32>,
      %parallel_loop3A_965 = arith.subf %parallel_loop3A_852, %parallel_loop3A_964 : vector<16xf32>
      %parallel_loop3A_966 = arith.addi %parallel_loop3A_19, %parallel_loop3A_963 : vector<16xi32>
      tpu.vector_store_idx %arg6[%parallel_loop3A_966], %broadcast_in_dim3A_5 : memref<65536xf32, #tpu.memory_space<vmem>>[vector<16xi32>], vector<16xf32>,
      %parallel_loop3A_967 = arith.cmpi eq, %parallel_loop3A_900, %parallel_loop3A_963 : vector<16xi32>
      %parallel_loop3A_968 = arith.select %parallel_loop3A_967, %broadcast_in_dim3A_5, %parallel_loop3A_923 : vector<16xi1>, vector<16xf32>
      %parallel_loop3A_969 = arith.cmpi eq, %parallel_loop3A_903, %parallel_loop3A_963 : vector<16xi32>
      %parallel_loop3A_970 = arith.select %parallel_loop3A_969, %broadcast_in_dim3A_5, %parallel_loop3A_925 : vector<16xi1>, vector<16xf32>
      %parallel_loop3A_971 = arith.cmpi eq, %parallel_loop3A_906, %parallel_loop3A_963 : vector<16xi32>
      %parallel_loop3A_972 = arith.select %parallel_loop3A_971, %broadcast_in_dim3A_5, %parallel_loop3A_927 : vector<16xi1>, vector<16xf32>
      %parallel_loop3A_973 = arith.cmpi eq, %parallel_loop3A_909, %parallel_loop3A_963 : vector<16xi32>
      %parallel_loop3A_974 = arith.select %parallel_loop3A_973, %broadcast_in_dim3A_5, %parallel_loop3A_929 : vector<16xi1>, vector<16xf32>
      %parallel_loop3A_975 = arith.cmpi eq, %parallel_loop3A_912, %parallel_loop3A_963 : vector<16xi32>
      %parallel_loop3A_976 = arith.select %parallel_loop3A_975, %broadcast_in_dim3A_5, %parallel_loop3A_931 : vector<16xi1>, vector<16xf32>
      %parallel_loop3A_977 = arith.cmpi eq, %parallel_loop3A_915, %parallel_loop3A_963 : vector<16xi32>
      %parallel_loop3A_978 = arith.select %parallel_loop3A_977, %broadcast_in_dim3A_5, %parallel_loop3A_933 : vector<16xi1>, vector<16xf32>
      %parallel_loop3A_979 = arith.cmpi eq, %parallel_loop3A_918, %parallel_loop3A_963 : vector<16xi32>
      %parallel_loop3A_980 = arith.select %parallel_loop3A_979, %broadcast_in_dim3A_5, %parallel_loop3A_935 : vector<16xi1>, vector<16xf32>
      %parallel_loop3A_981 = arith.cmpi eq, %parallel_loop3A_921, %parallel_loop3A_963 : vector<16xi32>
      %parallel_loop3A_982 = arith.select %parallel_loop3A_981, %broadcast_in_dim3A_5, %parallel_loop3A_937 : vector<16xi1>, vector<16xf32>
      %parallel_loop3A_983 = arith.maximumf %parallel_loop3A_968, %parallel_loop3A_970 : vector<16xf32>
      %parallel_loop3A_984 = arith.maximumf %parallel_loop3A_972, %parallel_loop3A_974 : vector<16xf32>
      %parallel_loop3A_985 = arith.maximumf %parallel_loop3A_976, %parallel_loop3A_978 : vector<16xf32>
      %parallel_loop3A_986 = arith.maximumf %parallel_loop3A_980, %parallel_loop3A_982 : vector<16xf32>
      %parallel_loop3A_987 = arith.maximumf %parallel_loop3A_983, %parallel_loop3A_984 : vector<16xf32>
      %parallel_loop3A_988 = arith.maximumf %parallel_loop3A_985, %parallel_loop3A_986 : vector<16xf32>
      %parallel_loop3A_989 = arith.maximumf %parallel_loop3A_987, %parallel_loop3A_988 : vector<16xf32>
      %parallel_loop3A_990 = arith.constant 0 : i32
      %parallel_loop3A_991 = vector.broadcast %parallel_loop3A_990 : i32 to vector<16xi32>
      %parallel_loop3A_992 = arith.cmpi eq, %parallel_loop3A_894, %parallel_loop3A_991 : vector<16xi32>
      %parallel_loop3A_993 = arith.select %parallel_loop3A_992, %parallel_loop3A_989, %parallel_loop3A_817 : vector<16xi1>, vector<16xf32>
      %parallel_loop3A_994 = arith.constant 1 : i32
      %parallel_loop3A_995 = vector.broadcast %parallel_loop3A_994 : i32 to vector<16xi32>
      %parallel_loop3A_996 = arith.cmpi eq, %parallel_loop3A_894, %parallel_loop3A_995 : vector<16xi32>
      %parallel_loop3A_997 = arith.select %parallel_loop3A_996, %parallel_loop3A_989, %parallel_loop3A_821 : vector<16xi1>, vector<16xf32>
      %parallel_loop3A_998 = arith.constant 2 : i32
      %parallel_loop3A_999 = vector.broadcast %parallel_loop3A_998 : i32 to vector<16xi32>
      %parallel_loop3A_1000 = arith.cmpi eq, %parallel_loop3A_894, %parallel_loop3A_999 : vector<16xi32>
      %parallel_loop3A_1001 = arith.select %parallel_loop3A_1000, %parallel_loop3A_989, %parallel_loop3A_825 : vector<16xi1>, vector<16xf32>
      %parallel_loop3A_1002 = arith.constant 3 : i32
      %parallel_loop3A_1003 = vector.broadcast %parallel_loop3A_1002 : i32 to vector<16xi32>
      %parallel_loop3A_1004 = arith.cmpi eq, %parallel_loop3A_894, %parallel_loop3A_1003 : vector<16xi32>
      %parallel_loop3A_1005 = arith.select %parallel_loop3A_1004, %parallel_loop3A_989, %parallel_loop3A_829 : vector<16xi1>, vector<16xf32>
      %parallel_loop3A_1006 = arith.constant 4 : i32
      %parallel_loop3A_1007 = vector.broadcast %parallel_loop3A_1006 : i32 to vector<16xi32>
      %parallel_loop3A_1008 = arith.cmpi eq, %parallel_loop3A_894, %parallel_loop3A_1007 : vector<16xi32>
      %parallel_loop3A_1009 = arith.select %parallel_loop3A_1008, %parallel_loop3A_989, %parallel_loop3A_833 : vector<16xi1>, vector<16xf32>
      %parallel_loop3A_1010 = arith.constant 5 : i32
      %parallel_loop3A_1011 = vector.broadcast %parallel_loop3A_1010 : i32 to vector<16xi32>
      %parallel_loop3A_1012 = arith.cmpi eq, %parallel_loop3A_894, %parallel_loop3A_1011 : vector<16xi32>
      %parallel_loop3A_1013 = arith.select %parallel_loop3A_1012, %parallel_loop3A_989, %parallel_loop3A_837 : vector<16xi1>, vector<16xf32>
      %parallel_loop3A_1014 = arith.constant 6 : i32
      %parallel_loop3A_1015 = vector.broadcast %parallel_loop3A_1014 : i32 to vector<16xi32>
      %parallel_loop3A_1016 = arith.cmpi eq, %parallel_loop3A_894, %parallel_loop3A_1015 : vector<16xi32>
      %parallel_loop3A_1017 = arith.select %parallel_loop3A_1016, %parallel_loop3A_989, %parallel_loop3A_841 : vector<16xi1>, vector<16xf32>
      %parallel_loop3A_1018 = arith.constant 7 : i32
      %parallel_loop3A_1019 = vector.broadcast %parallel_loop3A_1018 : i32 to vector<16xi32>
      %parallel_loop3A_1020 = arith.cmpi eq, %parallel_loop3A_894, %parallel_loop3A_1019 : vector<16xi32>
      %parallel_loop3A_1021 = arith.select %parallel_loop3A_1020, %parallel_loop3A_989, %parallel_loop3A_845 : vector<16xi1>, vector<16xf32>
      %parallel_loop3A_1022 = arith.maximumf %parallel_loop3A_993, %parallel_loop3A_997 : vector<16xf32>
      %parallel_loop3A_1023 = arith.maximumf %parallel_loop3A_1001, %parallel_loop3A_1005 : vector<16xf32>
      %parallel_loop3A_1024 = arith.maximumf %parallel_loop3A_1009, %parallel_loop3A_1013 : vector<16xf32>
      %parallel_loop3A_1025 = arith.maximumf %parallel_loop3A_1017, %parallel_loop3A_1021 : vector<16xf32>
      %parallel_loop3A_1026 = arith.maximumf %parallel_loop3A_1022, %parallel_loop3A_1023 : vector<16xf32>
      %parallel_loop3A_1027 = arith.maximumf %parallel_loop3A_1024, %parallel_loop3A_1025 : vector<16xf32>
      %parallel_loop3A_1028 = arith.maximumf %parallel_loop3A_1026, %parallel_loop3A_1027 : vector<16xf32>
      %parallel_loop3A_1029 = arith.cmpf oeq, %parallel_loop3A_993, %parallel_loop3A_1028 : vector<16xf32>
      %parallel_loop3A_1030 = arith.constant 0 : i32
      %parallel_loop3A_1031 = vector.broadcast %parallel_loop3A_1030 : i32 to vector<16xi32>
      %parallel_loop3A_1032 = arith.select %parallel_loop3A_1029, %parallel_loop3A_1031, %parallel_loop3A_669 : vector<16xi1>, vector<16xi32>
      %parallel_loop3A_1033 = arith.cmpf oeq, %parallel_loop3A_997, %parallel_loop3A_1028 : vector<16xf32>
      %parallel_loop3A_1034 = arith.constant 1 : i32
      %parallel_loop3A_1035 = vector.broadcast %parallel_loop3A_1034 : i32 to vector<16xi32>
      %parallel_loop3A_1036 = arith.select %parallel_loop3A_1033, %parallel_loop3A_1035, %parallel_loop3A_669 : vector<16xi1>, vector<16xi32>
      %parallel_loop3A_1037 = arith.cmpf oeq, %parallel_loop3A_1001, %parallel_loop3A_1028 : vector<16xf32>
      %parallel_loop3A_1038 = arith.constant 2 : i32
      %parallel_loop3A_1039 = vector.broadcast %parallel_loop3A_1038 : i32 to vector<16xi32>
      %parallel_loop3A_1040 = arith.select %parallel_loop3A_1037, %parallel_loop3A_1039, %parallel_loop3A_669 : vector<16xi1>, vector<16xi32>
      %parallel_loop3A_1041 = arith.cmpf oeq, %parallel_loop3A_1005, %parallel_loop3A_1028 : vector<16xf32>
      %parallel_loop3A_1042 = arith.constant 3 : i32
      %parallel_loop3A_1043 = vector.broadcast %parallel_loop3A_1042 : i32 to vector<16xi32>
      %parallel_loop3A_1044 = arith.select %parallel_loop3A_1041, %parallel_loop3A_1043, %parallel_loop3A_669 : vector<16xi1>, vector<16xi32>
      %parallel_loop3A_1045 = arith.cmpf oeq, %parallel_loop3A_1009, %parallel_loop3A_1028 : vector<16xf32>
      %parallel_loop3A_1046 = arith.constant 4 : i32
      %parallel_loop3A_1047 = vector.broadcast %parallel_loop3A_1046 : i32 to vector<16xi32>
      %parallel_loop3A_1048 = arith.select %parallel_loop3A_1045, %parallel_loop3A_1047, %parallel_loop3A_669 : vector<16xi1>, vector<16xi32>
      %parallel_loop3A_1049 = arith.cmpf oeq, %parallel_loop3A_1013, %parallel_loop3A_1028 : vector<16xf32>
      %parallel_loop3A_1050 = arith.constant 5 : i32
      %parallel_loop3A_1051 = vector.broadcast %parallel_loop3A_1050 : i32 to vector<16xi32>
      %parallel_loop3A_1052 = arith.select %parallel_loop3A_1049, %parallel_loop3A_1051, %parallel_loop3A_669 : vector<16xi1>, vector<16xi32>
      %parallel_loop3A_1053 = arith.cmpf oeq, %parallel_loop3A_1017, %parallel_loop3A_1028 : vector<16xf32>
      %parallel_loop3A_1054 = arith.constant 6 : i32
      %parallel_loop3A_1055 = vector.broadcast %parallel_loop3A_1054 : i32 to vector<16xi32>
      %parallel_loop3A_1056 = arith.select %parallel_loop3A_1053, %parallel_loop3A_1055, %parallel_loop3A_669 : vector<16xi1>, vector<16xi32>
      %parallel_loop3A_1057 = arith.cmpf oeq, %parallel_loop3A_1021, %parallel_loop3A_1028 : vector<16xf32>
      %parallel_loop3A_1058 = arith.constant 7 : i32
      %parallel_loop3A_1059 = vector.broadcast %parallel_loop3A_1058 : i32 to vector<16xi32>
      %parallel_loop3A_1060 = arith.select %parallel_loop3A_1057, %parallel_loop3A_1059, %parallel_loop3A_669 : vector<16xi1>, vector<16xi32>
      %parallel_loop3A_1061 = arith.minsi %parallel_loop3A_1032, %parallel_loop3A_1036 : vector<16xi32>
      %parallel_loop3A_1062 = arith.minsi %parallel_loop3A_1040, %parallel_loop3A_1044 : vector<16xi32>
      %parallel_loop3A_1063 = arith.minsi %parallel_loop3A_1048, %parallel_loop3A_1052 : vector<16xi32>
      %parallel_loop3A_1064 = arith.minsi %parallel_loop3A_1056, %parallel_loop3A_1060 : vector<16xi32>
      %parallel_loop3A_1065 = arith.minsi %parallel_loop3A_1061, %parallel_loop3A_1062 : vector<16xi32>
      %parallel_loop3A_1066 = arith.minsi %parallel_loop3A_1063, %parallel_loop3A_1064 : vector<16xi32>
      %parallel_loop3A_1067 = arith.minsi %parallel_loop3A_1065, %parallel_loop3A_1066 : vector<16xi32>
      %parallel_loop3A_1068 = arith.constant 7 : i32
      %parallel_loop3A_1069 = vector.broadcast %parallel_loop3A_1068 : i32 to vector<16xi32>
      %parallel_loop3A_1070 = arith.minsi %parallel_loop3A_1067, %parallel_loop3A_1069 : vector<16xi32>
      %parallel_loop3A_1071 = arith.constant 8 : i32
      %parallel_loop3A_1072 = vector.broadcast %parallel_loop3A_1071 : i32 to vector<16xi32>
      %parallel_loop3A_1073 = arith.muli %parallel_loop3A_1070, %parallel_loop3A_1072 : vector<16xi32>
      %parallel_loop3A_1074 = arith.constant 0 : i32
      %parallel_loop3A_1075 = vector.broadcast %parallel_loop3A_1074 : i32 to vector<16xi32>
      %parallel_loop3A_1076 = arith.addi %parallel_loop3A_1073, %parallel_loop3A_1075 : vector<16xi32>
      %parallel_loop3A_1077 = arith.constant 1 : i32
      %parallel_loop3A_1078 = vector.broadcast %parallel_loop3A_1077 : i32 to vector<16xi32>
      %parallel_loop3A_1079 = arith.addi %parallel_loop3A_1073, %parallel_loop3A_1078 : vector<16xi32>
      %parallel_loop3A_1080 = arith.constant 2 : i32
      %parallel_loop3A_1081 = vector.broadcast %parallel_loop3A_1080 : i32 to vector<16xi32>
      %parallel_loop3A_1082 = arith.addi %parallel_loop3A_1073, %parallel_loop3A_1081 : vector<16xi32>
      %parallel_loop3A_1083 = arith.constant 3 : i32
      %parallel_loop3A_1084 = vector.broadcast %parallel_loop3A_1083 : i32 to vector<16xi32>
      %parallel_loop3A_1085 = arith.addi %parallel_loop3A_1073, %parallel_loop3A_1084 : vector<16xi32>
      %parallel_loop3A_1086 = arith.constant 4 : i32
      %parallel_loop3A_1087 = vector.broadcast %parallel_loop3A_1086 : i32 to vector<16xi32>
      %parallel_loop3A_1088 = arith.addi %parallel_loop3A_1073, %parallel_loop3A_1087 : vector<16xi32>
      %parallel_loop3A_1089 = arith.constant 5 : i32
      %parallel_loop3A_1090 = vector.broadcast %parallel_loop3A_1089 : i32 to vector<16xi32>
      %parallel_loop3A_1091 = arith.addi %parallel_loop3A_1073, %parallel_loop3A_1090 : vector<16xi32>
      %parallel_loop3A_1092 = arith.constant 6 : i32
      %parallel_loop3A_1093 = vector.broadcast %parallel_loop3A_1092 : i32 to vector<16xi32>
      %parallel_loop3A_1094 = arith.addi %parallel_loop3A_1073, %parallel_loop3A_1093 : vector<16xi32>
      %parallel_loop3A_1095 = arith.constant 7 : i32
      %parallel_loop3A_1096 = vector.broadcast %parallel_loop3A_1095 : i32 to vector<16xi32>
      %parallel_loop3A_1097 = arith.addi %parallel_loop3A_1073, %parallel_loop3A_1096 : vector<16xi32>
      %parallel_loop3A_1098 = arith.addi %parallel_loop3A_19, %parallel_loop3A_1076 : vector<16xi32>
      %parallel_loop3A_1099 = tpu.vector_load_idx %arg6[%parallel_loop3A_1098] : memref<65536xf32, #tpu.memory_space<vmem>>[vector<16xi32>], vector<16xf32>,
      %parallel_loop3A_1100 = arith.addi %parallel_loop3A_19, %parallel_loop3A_1079 : vector<16xi32>
      %parallel_loop3A_1101 = tpu.vector_load_idx %arg6[%parallel_loop3A_1100] : memref<65536xf32, #tpu.memory_space<vmem>>[vector<16xi32>], vector<16xf32>,
      %parallel_loop3A_1102 = arith.addi %parallel_loop3A_19, %parallel_loop3A_1082 : vector<16xi32>
      %parallel_loop3A_1103 = tpu.vector_load_idx %arg6[%parallel_loop3A_1102] : memref<65536xf32, #tpu.memory_space<vmem>>[vector<16xi32>], vector<16xf32>,
      %parallel_loop3A_1104 = arith.addi %parallel_loop3A_19, %parallel_loop3A_1085 : vector<16xi32>
      %parallel_loop3A_1105 = tpu.vector_load_idx %arg6[%parallel_loop3A_1104] : memref<65536xf32, #tpu.memory_space<vmem>>[vector<16xi32>], vector<16xf32>,
      %parallel_loop3A_1106 = arith.addi %parallel_loop3A_19, %parallel_loop3A_1088 : vector<16xi32>
      %parallel_loop3A_1107 = tpu.vector_load_idx %arg6[%parallel_loop3A_1106] : memref<65536xf32, #tpu.memory_space<vmem>>[vector<16xi32>], vector<16xf32>,
      %parallel_loop3A_1108 = arith.addi %parallel_loop3A_19, %parallel_loop3A_1091 : vector<16xi32>
      %parallel_loop3A_1109 = tpu.vector_load_idx %arg6[%parallel_loop3A_1108] : memref<65536xf32, #tpu.memory_space<vmem>>[vector<16xi32>], vector<16xf32>,
      %parallel_loop3A_1110 = arith.addi %parallel_loop3A_19, %parallel_loop3A_1094 : vector<16xi32>
      %parallel_loop3A_1111 = tpu.vector_load_idx %arg6[%parallel_loop3A_1110] : memref<65536xf32, #tpu.memory_space<vmem>>[vector<16xi32>], vector<16xf32>,
      %parallel_loop3A_1112 = arith.addi %parallel_loop3A_19, %parallel_loop3A_1097 : vector<16xi32>
      %parallel_loop3A_1113 = tpu.vector_load_idx %arg6[%parallel_loop3A_1112] : memref<65536xf32, #tpu.memory_space<vmem>>[vector<16xi32>], vector<16xf32>,
      %parallel_loop3A_1114 = arith.cmpf oeq, %parallel_loop3A_1099, %parallel_loop3A_1028 : vector<16xf32>
      %parallel_loop3A_1115 = arith.select %parallel_loop3A_1114, %parallel_loop3A_1076, %parallel_loop3A_669 : vector<16xi1>, vector<16xi32>
      %parallel_loop3A_1116 = arith.cmpf oeq, %parallel_loop3A_1101, %parallel_loop3A_1028 : vector<16xf32>
      %parallel_loop3A_1117 = arith.select %parallel_loop3A_1116, %parallel_loop3A_1079, %parallel_loop3A_669 : vector<16xi1>, vector<16xi32>
      %parallel_loop3A_1118 = arith.cmpf oeq, %parallel_loop3A_1103, %parallel_loop3A_1028 : vector<16xf32>
      %parallel_loop3A_1119 = arith.select %parallel_loop3A_1118, %parallel_loop3A_1082, %parallel_loop3A_669 : vector<16xi1>, vector<16xi32>
      %parallel_loop3A_1120 = arith.cmpf oeq, %parallel_loop3A_1105, %parallel_loop3A_1028 : vector<16xf32>
      %parallel_loop3A_1121 = arith.select %parallel_loop3A_1120, %parallel_loop3A_1085, %parallel_loop3A_669 : vector<16xi1>, vector<16xi32>
      %parallel_loop3A_1122 = arith.cmpf oeq, %parallel_loop3A_1107, %parallel_loop3A_1028 : vector<16xf32>
      %parallel_loop3A_1123 = arith.select %parallel_loop3A_1122, %parallel_loop3A_1088, %parallel_loop3A_669 : vector<16xi1>, vector<16xi32>
      %parallel_loop3A_1124 = arith.cmpf oeq, %parallel_loop3A_1109, %parallel_loop3A_1028 : vector<16xf32>
      %parallel_loop3A_1125 = arith.select %parallel_loop3A_1124, %parallel_loop3A_1091, %parallel_loop3A_669 : vector<16xi1>, vector<16xi32>
      %parallel_loop3A_1126 = arith.cmpf oeq, %parallel_loop3A_1111, %parallel_loop3A_1028 : vector<16xf32>
      %parallel_loop3A_1127 = arith.select %parallel_loop3A_1126, %parallel_loop3A_1094, %parallel_loop3A_669 : vector<16xi1>, vector<16xi32>
      %parallel_loop3A_1128 = arith.cmpf oeq, %parallel_loop3A_1113, %parallel_loop3A_1028 : vector<16xf32>
      %parallel_loop3A_1129 = arith.select %parallel_loop3A_1128, %parallel_loop3A_1097, %parallel_loop3A_669 : vector<16xi1>, vector<16xi32>
      %parallel_loop3A_1130 = arith.minsi %parallel_loop3A_1115, %parallel_loop3A_1117 : vector<16xi32>
      %parallel_loop3A_1131 = arith.minsi %parallel_loop3A_1119, %parallel_loop3A_1121 : vector<16xi32>
      %parallel_loop3A_1132 = arith.minsi %parallel_loop3A_1123, %parallel_loop3A_1125 : vector<16xi32>
      %parallel_loop3A_1133 = arith.minsi %parallel_loop3A_1127, %parallel_loop3A_1129 : vector<16xi32>
      %parallel_loop3A_1134 = arith.minsi %parallel_loop3A_1130, %parallel_loop3A_1131 : vector<16xi32>
      %parallel_loop3A_1135 = arith.minsi %parallel_loop3A_1132, %parallel_loop3A_1133 : vector<16xi32>
      %parallel_loop3A_1136 = arith.minsi %parallel_loop3A_1134, %parallel_loop3A_1135 : vector<16xi32>
      %parallel_loop3A_1137 = arith.constant 63 : i32
      %parallel_loop3A_1138 = vector.broadcast %parallel_loop3A_1137 : i32 to vector<16xi32>
      %parallel_loop3A_1139 = arith.minsi %parallel_loop3A_1136, %parallel_loop3A_1138 : vector<16xi32>
      %parallel_loop3A_1140 = tpu.vector_load_idx %arg7[%parallel_loop3A_1139] : memref<64xf32, #tpu.memory_space<vmem>>[vector<16xi32>], vector<16xf32>,
      %parallel_loop3A_1141 = arith.subf %parallel_loop3A_1028, %parallel_loop3A_1140 : vector<16xf32>
      %parallel_loop3A_1142 = arith.addi %parallel_loop3A_19, %parallel_loop3A_1139 : vector<16xi32>
      tpu.vector_store_idx %arg6[%parallel_loop3A_1142], %broadcast_in_dim3A_5 : memref<65536xf32, #tpu.memory_space<vmem>>[vector<16xi32>], vector<16xf32>,
      %parallel_loop3A_1143 = arith.cmpi eq, %parallel_loop3A_1076, %parallel_loop3A_1139 : vector<16xi32>
      %parallel_loop3A_1144 = arith.select %parallel_loop3A_1143, %broadcast_in_dim3A_5, %parallel_loop3A_1099 : vector<16xi1>, vector<16xf32>
      %parallel_loop3A_1145 = arith.cmpi eq, %parallel_loop3A_1079, %parallel_loop3A_1139 : vector<16xi32>
      %parallel_loop3A_1146 = arith.select %parallel_loop3A_1145, %broadcast_in_dim3A_5, %parallel_loop3A_1101 : vector<16xi1>, vector<16xf32>
      %parallel_loop3A_1147 = arith.cmpi eq, %parallel_loop3A_1082, %parallel_loop3A_1139 : vector<16xi32>
      %parallel_loop3A_1148 = arith.select %parallel_loop3A_1147, %broadcast_in_dim3A_5, %parallel_loop3A_1103 : vector<16xi1>, vector<16xf32>
      %parallel_loop3A_1149 = arith.cmpi eq, %parallel_loop3A_1085, %parallel_loop3A_1139 : vector<16xi32>
      %parallel_loop3A_1150 = arith.select %parallel_loop3A_1149, %broadcast_in_dim3A_5, %parallel_loop3A_1105 : vector<16xi1>, vector<16xf32>
      %parallel_loop3A_1151 = arith.cmpi eq, %parallel_loop3A_1088, %parallel_loop3A_1139 : vector<16xi32>
      %parallel_loop3A_1152 = arith.select %parallel_loop3A_1151, %broadcast_in_dim3A_5, %parallel_loop3A_1107 : vector<16xi1>, vector<16xf32>
      %parallel_loop3A_1153 = arith.cmpi eq, %parallel_loop3A_1091, %parallel_loop3A_1139 : vector<16xi32>
      %parallel_loop3A_1154 = arith.select %parallel_loop3A_1153, %broadcast_in_dim3A_5, %parallel_loop3A_1109 : vector<16xi1>, vector<16xf32>
      %parallel_loop3A_1155 = arith.cmpi eq, %parallel_loop3A_1094, %parallel_loop3A_1139 : vector<16xi32>
      %parallel_loop3A_1156 = arith.select %parallel_loop3A_1155, %broadcast_in_dim3A_5, %parallel_loop3A_1111 : vector<16xi1>, vector<16xf32>
      %parallel_loop3A_1157 = arith.cmpi eq, %parallel_loop3A_1097, %parallel_loop3A_1139 : vector<16xi32>
      %parallel_loop3A_1158 = arith.select %parallel_loop3A_1157, %broadcast_in_dim3A_5, %parallel_loop3A_1113 : vector<16xi1>, vector<16xf32>
      %parallel_loop3A_1159 = arith.maximumf %parallel_loop3A_1144, %parallel_loop3A_1146 : vector<16xf32>
      %parallel_loop3A_1160 = arith.maximumf %parallel_loop3A_1148, %parallel_loop3A_1150 : vector<16xf32>
      %parallel_loop3A_1161 = arith.maximumf %parallel_loop3A_1152, %parallel_loop3A_1154 : vector<16xf32>
      %parallel_loop3A_1162 = arith.maximumf %parallel_loop3A_1156, %parallel_loop3A_1158 : vector<16xf32>
      %parallel_loop3A_1163 = arith.maximumf %parallel_loop3A_1159, %parallel_loop3A_1160 : vector<16xf32>
      %parallel_loop3A_1164 = arith.maximumf %parallel_loop3A_1161, %parallel_loop3A_1162 : vector<16xf32>
      %parallel_loop3A_1165 = arith.maximumf %parallel_loop3A_1163, %parallel_loop3A_1164 : vector<16xf32>
      %parallel_loop3A_1166 = arith.constant 0 : i32
      %parallel_loop3A_1167 = vector.broadcast %parallel_loop3A_1166 : i32 to vector<16xi32>
      %parallel_loop3A_1168 = arith.cmpi eq, %parallel_loop3A_1070, %parallel_loop3A_1167 : vector<16xi32>
      %parallel_loop3A_1169 = arith.select %parallel_loop3A_1168, %parallel_loop3A_1165, %parallel_loop3A_993 : vector<16xi1>, vector<16xf32>
      %parallel_loop3A_1170 = arith.constant 1 : i32
      %parallel_loop3A_1171 = vector.broadcast %parallel_loop3A_1170 : i32 to vector<16xi32>
      %parallel_loop3A_1172 = arith.cmpi eq, %parallel_loop3A_1070, %parallel_loop3A_1171 : vector<16xi32>
      %parallel_loop3A_1173 = arith.select %parallel_loop3A_1172, %parallel_loop3A_1165, %parallel_loop3A_997 : vector<16xi1>, vector<16xf32>
      %parallel_loop3A_1174 = arith.constant 2 : i32
      %parallel_loop3A_1175 = vector.broadcast %parallel_loop3A_1174 : i32 to vector<16xi32>
      %parallel_loop3A_1176 = arith.cmpi eq, %parallel_loop3A_1070, %parallel_loop3A_1175 : vector<16xi32>
      %parallel_loop3A_1177 = arith.select %parallel_loop3A_1176, %parallel_loop3A_1165, %parallel_loop3A_1001 : vector<16xi1>, vector<16xf32>
      %parallel_loop3A_1178 = arith.constant 3 : i32
      %parallel_loop3A_1179 = vector.broadcast %parallel_loop3A_1178 : i32 to vector<16xi32>
      %parallel_loop3A_1180 = arith.cmpi eq, %parallel_loop3A_1070, %parallel_loop3A_1179 : vector<16xi32>
      %parallel_loop3A_1181 = arith.select %parallel_loop3A_1180, %parallel_loop3A_1165, %parallel_loop3A_1005 : vector<16xi1>, vector<16xf32>
      %parallel_loop3A_1182 = arith.constant 4 : i32
      %parallel_loop3A_1183 = vector.broadcast %parallel_loop3A_1182 : i32 to vector<16xi32>
      %parallel_loop3A_1184 = arith.cmpi eq, %parallel_loop3A_1070, %parallel_loop3A_1183 : vector<16xi32>
      %parallel_loop3A_1185 = arith.select %parallel_loop3A_1184, %parallel_loop3A_1165, %parallel_loop3A_1009 : vector<16xi1>, vector<16xf32>
      %parallel_loop3A_1186 = arith.constant 5 : i32
      %parallel_loop3A_1187 = vector.broadcast %parallel_loop3A_1186 : i32 to vector<16xi32>
      %parallel_loop3A_1188 = arith.cmpi eq, %parallel_loop3A_1070, %parallel_loop3A_1187 : vector<16xi32>
      %parallel_loop3A_1189 = arith.select %parallel_loop3A_1188, %parallel_loop3A_1165, %parallel_loop3A_1013 : vector<16xi1>, vector<16xf32>
      %parallel_loop3A_1190 = arith.constant 6 : i32
      %parallel_loop3A_1191 = vector.broadcast %parallel_loop3A_1190 : i32 to vector<16xi32>
      %parallel_loop3A_1192 = arith.cmpi eq, %parallel_loop3A_1070, %parallel_loop3A_1191 : vector<16xi32>
      %parallel_loop3A_1193 = arith.select %parallel_loop3A_1192, %parallel_loop3A_1165, %parallel_loop3A_1017 : vector<16xi1>, vector<16xf32>
      %parallel_loop3A_1194 = arith.constant 7 : i32
      %parallel_loop3A_1195 = vector.broadcast %parallel_loop3A_1194 : i32 to vector<16xi32>
      %parallel_loop3A_1196 = arith.cmpi eq, %parallel_loop3A_1070, %parallel_loop3A_1195 : vector<16xi32>
      %parallel_loop3A_1197 = arith.select %parallel_loop3A_1196, %parallel_loop3A_1165, %parallel_loop3A_1021 : vector<16xi1>, vector<16xf32>
      %parallel_loop3A_1198 = arith.maximumf %parallel_loop3A_1169, %parallel_loop3A_1173 : vector<16xf32>
      %parallel_loop3A_1199 = arith.maximumf %parallel_loop3A_1177, %parallel_loop3A_1181 : vector<16xf32>
      %parallel_loop3A_1200 = arith.maximumf %parallel_loop3A_1185, %parallel_loop3A_1189 : vector<16xf32>
      %parallel_loop3A_1201 = arith.maximumf %parallel_loop3A_1193, %parallel_loop3A_1197 : vector<16xf32>
      %parallel_loop3A_1202 = arith.maximumf %parallel_loop3A_1198, %parallel_loop3A_1199 : vector<16xf32>
      %parallel_loop3A_1203 = arith.maximumf %parallel_loop3A_1200, %parallel_loop3A_1201 : vector<16xf32>
      %parallel_loop3A_1204 = arith.maximumf %parallel_loop3A_1202, %parallel_loop3A_1203 : vector<16xf32>
      %parallel_loop3A_1205 = arith.cmpf oeq, %parallel_loop3A_1169, %parallel_loop3A_1204 : vector<16xf32>
      %parallel_loop3A_1206 = arith.constant 0 : i32
      %parallel_loop3A_1207 = vector.broadcast %parallel_loop3A_1206 : i32 to vector<16xi32>
      %parallel_loop3A_1208 = arith.select %parallel_loop3A_1205, %parallel_loop3A_1207, %parallel_loop3A_669 : vector<16xi1>, vector<16xi32>
      %parallel_loop3A_1209 = arith.cmpf oeq, %parallel_loop3A_1173, %parallel_loop3A_1204 : vector<16xf32>
      %parallel_loop3A_1210 = arith.constant 1 : i32
      %parallel_loop3A_1211 = vector.broadcast %parallel_loop3A_1210 : i32 to vector<16xi32>
      %parallel_loop3A_1212 = arith.select %parallel_loop3A_1209, %parallel_loop3A_1211, %parallel_loop3A_669 : vector<16xi1>, vector<16xi32>
      %parallel_loop3A_1213 = arith.cmpf oeq, %parallel_loop3A_1177, %parallel_loop3A_1204 : vector<16xf32>
      %parallel_loop3A_1214 = arith.constant 2 : i32
      %parallel_loop3A_1215 = vector.broadcast %parallel_loop3A_1214 : i32 to vector<16xi32>
      %parallel_loop3A_1216 = arith.select %parallel_loop3A_1213, %parallel_loop3A_1215, %parallel_loop3A_669 : vector<16xi1>, vector<16xi32>
      %parallel_loop3A_1217 = arith.cmpf oeq, %parallel_loop3A_1181, %parallel_loop3A_1204 : vector<16xf32>
      %parallel_loop3A_1218 = arith.constant 3 : i32
      %parallel_loop3A_1219 = vector.broadcast %parallel_loop3A_1218 : i32 to vector<16xi32>
      %parallel_loop3A_1220 = arith.select %parallel_loop3A_1217, %parallel_loop3A_1219, %parallel_loop3A_669 : vector<16xi1>, vector<16xi32>
      %parallel_loop3A_1221 = arith.cmpf oeq, %parallel_loop3A_1185, %parallel_loop3A_1204 : vector<16xf32>
      %parallel_loop3A_1222 = arith.constant 4 : i32
      %parallel_loop3A_1223 = vector.broadcast %parallel_loop3A_1222 : i32 to vector<16xi32>
      %parallel_loop3A_1224 = arith.select %parallel_loop3A_1221, %parallel_loop3A_1223, %parallel_loop3A_669 : vector<16xi1>, vector<16xi32>
      %parallel_loop3A_1225 = arith.cmpf oeq, %parallel_loop3A_1189, %parallel_loop3A_1204 : vector<16xf32>
      %parallel_loop3A_1226 = arith.constant 5 : i32
      %parallel_loop3A_1227 = vector.broadcast %parallel_loop3A_1226 : i32 to vector<16xi32>
      %parallel_loop3A_1228 = arith.select %parallel_loop3A_1225, %parallel_loop3A_1227, %parallel_loop3A_669 : vector<16xi1>, vector<16xi32>
      %parallel_loop3A_1229 = arith.cmpf oeq, %parallel_loop3A_1193, %parallel_loop3A_1204 : vector<16xf32>
      %parallel_loop3A_1230 = arith.constant 6 : i32
      %parallel_loop3A_1231 = vector.broadcast %parallel_loop3A_1230 : i32 to vector<16xi32>
      %parallel_loop3A_1232 = arith.select %parallel_loop3A_1229, %parallel_loop3A_1231, %parallel_loop3A_669 : vector<16xi1>, vector<16xi32>
      %parallel_loop3A_1233 = arith.cmpf oeq, %parallel_loop3A_1197, %parallel_loop3A_1204 : vector<16xf32>
      %parallel_loop3A_1234 = arith.constant 7 : i32
      %parallel_loop3A_1235 = vector.broadcast %parallel_loop3A_1234 : i32 to vector<16xi32>
      %parallel_loop3A_1236 = arith.select %parallel_loop3A_1233, %parallel_loop3A_1235, %parallel_loop3A_669 : vector<16xi1>, vector<16xi32>
      %parallel_loop3A_1237 = arith.minsi %parallel_loop3A_1208, %parallel_loop3A_1212 : vector<16xi32>
      %parallel_loop3A_1238 = arith.minsi %parallel_loop3A_1216, %parallel_loop3A_1220 : vector<16xi32>
      %parallel_loop3A_1239 = arith.minsi %parallel_loop3A_1224, %parallel_loop3A_1228 : vector<16xi32>
      %parallel_loop3A_1240 = arith.minsi %parallel_loop3A_1232, %parallel_loop3A_1236 : vector<16xi32>
      %parallel_loop3A_1241 = arith.minsi %parallel_loop3A_1237, %parallel_loop3A_1238 : vector<16xi32>
      %parallel_loop3A_1242 = arith.minsi %parallel_loop3A_1239, %parallel_loop3A_1240 : vector<16xi32>
      %parallel_loop3A_1243 = arith.minsi %parallel_loop3A_1241, %parallel_loop3A_1242 : vector<16xi32>
      %parallel_loop3A_1244 = arith.constant 7 : i32
      %parallel_loop3A_1245 = vector.broadcast %parallel_loop3A_1244 : i32 to vector<16xi32>
      %parallel_loop3A_1246 = arith.minsi %parallel_loop3A_1243, %parallel_loop3A_1245 : vector<16xi32>
      %parallel_loop3A_1247 = arith.constant 8 : i32
      %parallel_loop3A_1248 = vector.broadcast %parallel_loop3A_1247 : i32 to vector<16xi32>
      %parallel_loop3A_1249 = arith.muli %parallel_loop3A_1246, %parallel_loop3A_1248 : vector<16xi32>
      %parallel_loop3A_1250 = arith.constant 0 : i32
      %parallel_loop3A_1251 = vector.broadcast %parallel_loop3A_1250 : i32 to vector<16xi32>
      %parallel_loop3A_1252 = arith.addi %parallel_loop3A_1249, %parallel_loop3A_1251 : vector<16xi32>
      %parallel_loop3A_1253 = arith.constant 1 : i32
      %parallel_loop3A_1254 = vector.broadcast %parallel_loop3A_1253 : i32 to vector<16xi32>
      %parallel_loop3A_1255 = arith.addi %parallel_loop3A_1249, %parallel_loop3A_1254 : vector<16xi32>
      %parallel_loop3A_1256 = arith.constant 2 : i32
      %parallel_loop3A_1257 = vector.broadcast %parallel_loop3A_1256 : i32 to vector<16xi32>
      %parallel_loop3A_1258 = arith.addi %parallel_loop3A_1249, %parallel_loop3A_1257 : vector<16xi32>
      %parallel_loop3A_1259 = arith.constant 3 : i32
      %parallel_loop3A_1260 = vector.broadcast %parallel_loop3A_1259 : i32 to vector<16xi32>
      %parallel_loop3A_1261 = arith.addi %parallel_loop3A_1249, %parallel_loop3A_1260 : vector<16xi32>
      %parallel_loop3A_1262 = arith.constant 4 : i32
      %parallel_loop3A_1263 = vector.broadcast %parallel_loop3A_1262 : i32 to vector<16xi32>
      %parallel_loop3A_1264 = arith.addi %parallel_loop3A_1249, %parallel_loop3A_1263 : vector<16xi32>
      %parallel_loop3A_1265 = arith.constant 5 : i32
      %parallel_loop3A_1266 = vector.broadcast %parallel_loop3A_1265 : i32 to vector<16xi32>
      %parallel_loop3A_1267 = arith.addi %parallel_loop3A_1249, %parallel_loop3A_1266 : vector<16xi32>
      %parallel_loop3A_1268 = arith.constant 6 : i32
      %parallel_loop3A_1269 = vector.broadcast %parallel_loop3A_1268 : i32 to vector<16xi32>
      %parallel_loop3A_1270 = arith.addi %parallel_loop3A_1249, %parallel_loop3A_1269 : vector<16xi32>
      %parallel_loop3A_1271 = arith.constant 7 : i32
      %parallel_loop3A_1272 = vector.broadcast %parallel_loop3A_1271 : i32 to vector<16xi32>
      %parallel_loop3A_1273 = arith.addi %parallel_loop3A_1249, %parallel_loop3A_1272 : vector<16xi32>
      %parallel_loop3A_1274 = arith.addi %parallel_loop3A_19, %parallel_loop3A_1252 : vector<16xi32>
      %parallel_loop3A_1275 = tpu.vector_load_idx %arg6[%parallel_loop3A_1274] : memref<65536xf32, #tpu.memory_space<vmem>>[vector<16xi32>], vector<16xf32>,
      %parallel_loop3A_1276 = arith.addi %parallel_loop3A_19, %parallel_loop3A_1255 : vector<16xi32>
      %parallel_loop3A_1277 = tpu.vector_load_idx %arg6[%parallel_loop3A_1276] : memref<65536xf32, #tpu.memory_space<vmem>>[vector<16xi32>], vector<16xf32>,
      %parallel_loop3A_1278 = arith.addi %parallel_loop3A_19, %parallel_loop3A_1258 : vector<16xi32>
      %parallel_loop3A_1279 = tpu.vector_load_idx %arg6[%parallel_loop3A_1278] : memref<65536xf32, #tpu.memory_space<vmem>>[vector<16xi32>], vector<16xf32>,
      %parallel_loop3A_1280 = arith.addi %parallel_loop3A_19, %parallel_loop3A_1261 : vector<16xi32>
      %parallel_loop3A_1281 = tpu.vector_load_idx %arg6[%parallel_loop3A_1280] : memref<65536xf32, #tpu.memory_space<vmem>>[vector<16xi32>], vector<16xf32>,
      %parallel_loop3A_1282 = arith.addi %parallel_loop3A_19, %parallel_loop3A_1264 : vector<16xi32>
      %parallel_loop3A_1283 = tpu.vector_load_idx %arg6[%parallel_loop3A_1282] : memref<65536xf32, #tpu.memory_space<vmem>>[vector<16xi32>], vector<16xf32>,
      %parallel_loop3A_1284 = arith.addi %parallel_loop3A_19, %parallel_loop3A_1267 : vector<16xi32>
      %parallel_loop3A_1285 = tpu.vector_load_idx %arg6[%parallel_loop3A_1284] : memref<65536xf32, #tpu.memory_space<vmem>>[vector<16xi32>], vector<16xf32>,
      %parallel_loop3A_1286 = arith.addi %parallel_loop3A_19, %parallel_loop3A_1270 : vector<16xi32>
      %parallel_loop3A_1287 = tpu.vector_load_idx %arg6[%parallel_loop3A_1286] : memref<65536xf32, #tpu.memory_space<vmem>>[vector<16xi32>], vector<16xf32>,
      %parallel_loop3A_1288 = arith.addi %parallel_loop3A_19, %parallel_loop3A_1273 : vector<16xi32>
      %parallel_loop3A_1289 = tpu.vector_load_idx %arg6[%parallel_loop3A_1288] : memref<65536xf32, #tpu.memory_space<vmem>>[vector<16xi32>], vector<16xf32>,
      %parallel_loop3A_1290 = arith.cmpf oeq, %parallel_loop3A_1275, %parallel_loop3A_1204 : vector<16xf32>
      %parallel_loop3A_1291 = arith.select %parallel_loop3A_1290, %parallel_loop3A_1252, %parallel_loop3A_669 : vector<16xi1>, vector<16xi32>
      %parallel_loop3A_1292 = arith.cmpf oeq, %parallel_loop3A_1277, %parallel_loop3A_1204 : vector<16xf32>
      %parallel_loop3A_1293 = arith.select %parallel_loop3A_1292, %parallel_loop3A_1255, %parallel_loop3A_669 : vector<16xi1>, vector<16xi32>
      %parallel_loop3A_1294 = arith.cmpf oeq, %parallel_loop3A_1279, %parallel_loop3A_1204 : vector<16xf32>
      %parallel_loop3A_1295 = arith.select %parallel_loop3A_1294, %parallel_loop3A_1258, %parallel_loop3A_669 : vector<16xi1>, vector<16xi32>
      %parallel_loop3A_1296 = arith.cmpf oeq, %parallel_loop3A_1281, %parallel_loop3A_1204 : vector<16xf32>
      %parallel_loop3A_1297 = arith.select %parallel_loop3A_1296, %parallel_loop3A_1261, %parallel_loop3A_669 : vector<16xi1>, vector<16xi32>
      %parallel_loop3A_1298 = arith.cmpf oeq, %parallel_loop3A_1283, %parallel_loop3A_1204 : vector<16xf32>
      %parallel_loop3A_1299 = arith.select %parallel_loop3A_1298, %parallel_loop3A_1264, %parallel_loop3A_669 : vector<16xi1>, vector<16xi32>
      %parallel_loop3A_1300 = arith.cmpf oeq, %parallel_loop3A_1285, %parallel_loop3A_1204 : vector<16xf32>
      %parallel_loop3A_1301 = arith.select %parallel_loop3A_1300, %parallel_loop3A_1267, %parallel_loop3A_669 : vector<16xi1>, vector<16xi32>
      %parallel_loop3A_1302 = arith.cmpf oeq, %parallel_loop3A_1287, %parallel_loop3A_1204 : vector<16xf32>
      %parallel_loop3A_1303 = arith.select %parallel_loop3A_1302, %parallel_loop3A_1270, %parallel_loop3A_669 : vector<16xi1>, vector<16xi32>
      %parallel_loop3A_1304 = arith.cmpf oeq, %parallel_loop3A_1289, %parallel_loop3A_1204 : vector<16xf32>
      %parallel_loop3A_1305 = arith.select %parallel_loop3A_1304, %parallel_loop3A_1273, %parallel_loop3A_669 : vector<16xi1>, vector<16xi32>
      %parallel_loop3A_1306 = arith.minsi %parallel_loop3A_1291, %parallel_loop3A_1293 : vector<16xi32>
      %parallel_loop3A_1307 = arith.minsi %parallel_loop3A_1295, %parallel_loop3A_1297 : vector<16xi32>
      %parallel_loop3A_1308 = arith.minsi %parallel_loop3A_1299, %parallel_loop3A_1301 : vector<16xi32>
      %parallel_loop3A_1309 = arith.minsi %parallel_loop3A_1303, %parallel_loop3A_1305 : vector<16xi32>
      %parallel_loop3A_1310 = arith.minsi %parallel_loop3A_1306, %parallel_loop3A_1307 : vector<16xi32>
      %parallel_loop3A_1311 = arith.minsi %parallel_loop3A_1308, %parallel_loop3A_1309 : vector<16xi32>
      %parallel_loop3A_1312 = arith.minsi %parallel_loop3A_1310, %parallel_loop3A_1311 : vector<16xi32>
      %parallel_loop3A_1313 = arith.constant 63 : i32
      %parallel_loop3A_1314 = vector.broadcast %parallel_loop3A_1313 : i32 to vector<16xi32>
      %parallel_loop3A_1315 = arith.minsi %parallel_loop3A_1312, %parallel_loop3A_1314 : vector<16xi32>
      %parallel_loop3A_1316 = tpu.vector_load_idx %arg7[%parallel_loop3A_1315] : memref<64xf32, #tpu.memory_space<vmem>>[vector<16xi32>], vector<16xf32>,
      %parallel_loop3A_1317 = arith.subf %parallel_loop3A_1204, %parallel_loop3A_1316 : vector<16xf32>
      %parallel_loop3A_1318 = arith.addi %parallel_loop3A_19, %parallel_loop3A_1315 : vector<16xi32>
      tpu.vector_store_idx %arg6[%parallel_loop3A_1318], %broadcast_in_dim3A_5 : memref<65536xf32, #tpu.memory_space<vmem>>[vector<16xi32>], vector<16xf32>,
      %parallel_loop3A_1319 = arith.cmpi eq, %parallel_loop3A_1252, %parallel_loop3A_1315 : vector<16xi32>
      %parallel_loop3A_1320 = arith.select %parallel_loop3A_1319, %broadcast_in_dim3A_5, %parallel_loop3A_1275 : vector<16xi1>, vector<16xf32>
      %parallel_loop3A_1321 = arith.cmpi eq, %parallel_loop3A_1255, %parallel_loop3A_1315 : vector<16xi32>
      %parallel_loop3A_1322 = arith.select %parallel_loop3A_1321, %broadcast_in_dim3A_5, %parallel_loop3A_1277 : vector<16xi1>, vector<16xf32>
      %parallel_loop3A_1323 = arith.cmpi eq, %parallel_loop3A_1258, %parallel_loop3A_1315 : vector<16xi32>
      %parallel_loop3A_1324 = arith.select %parallel_loop3A_1323, %broadcast_in_dim3A_5, %parallel_loop3A_1279 : vector<16xi1>, vector<16xf32>
      %parallel_loop3A_1325 = arith.cmpi eq, %parallel_loop3A_1261, %parallel_loop3A_1315 : vector<16xi32>
      %parallel_loop3A_1326 = arith.select %parallel_loop3A_1325, %broadcast_in_dim3A_5, %parallel_loop3A_1281 : vector<16xi1>, vector<16xf32>
      %parallel_loop3A_1327 = arith.cmpi eq, %parallel_loop3A_1264, %parallel_loop3A_1315 : vector<16xi32>
      %parallel_loop3A_1328 = arith.select %parallel_loop3A_1327, %broadcast_in_dim3A_5, %parallel_loop3A_1283 : vector<16xi1>, vector<16xf32>
      %parallel_loop3A_1329 = arith.cmpi eq, %parallel_loop3A_1267, %parallel_loop3A_1315 : vector<16xi32>
      %parallel_loop3A_1330 = arith.select %parallel_loop3A_1329, %broadcast_in_dim3A_5, %parallel_loop3A_1285 : vector<16xi1>, vector<16xf32>
      %parallel_loop3A_1331 = arith.cmpi eq, %parallel_loop3A_1270, %parallel_loop3A_1315 : vector<16xi32>
      %parallel_loop3A_1332 = arith.select %parallel_loop3A_1331, %broadcast_in_dim3A_5, %parallel_loop3A_1287 : vector<16xi1>, vector<16xf32>
      %parallel_loop3A_1333 = arith.cmpi eq, %parallel_loop3A_1273, %parallel_loop3A_1315 : vector<16xi32>
      %parallel_loop3A_1334 = arith.select %parallel_loop3A_1333, %broadcast_in_dim3A_5, %parallel_loop3A_1289 : vector<16xi1>, vector<16xf32>
      %parallel_loop3A_1335 = arith.maximumf %parallel_loop3A_1320, %parallel_loop3A_1322 : vector<16xf32>
      %parallel_loop3A_1336 = arith.maximumf %parallel_loop3A_1324, %parallel_loop3A_1326 : vector<16xf32>
      %parallel_loop3A_1337 = arith.maximumf %parallel_loop3A_1328, %parallel_loop3A_1330 : vector<16xf32>
      %parallel_loop3A_1338 = arith.maximumf %parallel_loop3A_1332, %parallel_loop3A_1334 : vector<16xf32>
      %parallel_loop3A_1339 = arith.maximumf %parallel_loop3A_1335, %parallel_loop3A_1336 : vector<16xf32>
      %parallel_loop3A_1340 = arith.maximumf %parallel_loop3A_1337, %parallel_loop3A_1338 : vector<16xf32>
      %parallel_loop3A_1341 = arith.maximumf %parallel_loop3A_1339, %parallel_loop3A_1340 : vector<16xf32>
      %parallel_loop3A_1342 = arith.constant 0 : i32
      %parallel_loop3A_1343 = vector.broadcast %parallel_loop3A_1342 : i32 to vector<16xi32>
      %parallel_loop3A_1344 = arith.cmpi eq, %parallel_loop3A_1246, %parallel_loop3A_1343 : vector<16xi32>
      %parallel_loop3A_1345 = arith.select %parallel_loop3A_1344, %parallel_loop3A_1341, %parallel_loop3A_1169 : vector<16xi1>, vector<16xf32>
      %parallel_loop3A_1346 = arith.constant 1 : i32
      %parallel_loop3A_1347 = vector.broadcast %parallel_loop3A_1346 : i32 to vector<16xi32>
      %parallel_loop3A_1348 = arith.cmpi eq, %parallel_loop3A_1246, %parallel_loop3A_1347 : vector<16xi32>
      %parallel_loop3A_1349 = arith.select %parallel_loop3A_1348, %parallel_loop3A_1341, %parallel_loop3A_1173 : vector<16xi1>, vector<16xf32>
      %parallel_loop3A_1350 = arith.constant 2 : i32
      %parallel_loop3A_1351 = vector.broadcast %parallel_loop3A_1350 : i32 to vector<16xi32>
      %parallel_loop3A_1352 = arith.cmpi eq, %parallel_loop3A_1246, %parallel_loop3A_1351 : vector<16xi32>
      %parallel_loop3A_1353 = arith.select %parallel_loop3A_1352, %parallel_loop3A_1341, %parallel_loop3A_1177 : vector<16xi1>, vector<16xf32>
      %parallel_loop3A_1354 = arith.constant 3 : i32
      %parallel_loop3A_1355 = vector.broadcast %parallel_loop3A_1354 : i32 to vector<16xi32>
      %parallel_loop3A_1356 = arith.cmpi eq, %parallel_loop3A_1246, %parallel_loop3A_1355 : vector<16xi32>
      %parallel_loop3A_1357 = arith.select %parallel_loop3A_1356, %parallel_loop3A_1341, %parallel_loop3A_1181 : vector<16xi1>, vector<16xf32>
      %parallel_loop3A_1358 = arith.constant 4 : i32
      %parallel_loop3A_1359 = vector.broadcast %parallel_loop3A_1358 : i32 to vector<16xi32>
      %parallel_loop3A_1360 = arith.cmpi eq, %parallel_loop3A_1246, %parallel_loop3A_1359 : vector<16xi32>
      %parallel_loop3A_1361 = arith.select %parallel_loop3A_1360, %parallel_loop3A_1341, %parallel_loop3A_1185 : vector<16xi1>, vector<16xf32>
      %parallel_loop3A_1362 = arith.constant 5 : i32
      %parallel_loop3A_1363 = vector.broadcast %parallel_loop3A_1362 : i32 to vector<16xi32>
      %parallel_loop3A_1364 = arith.cmpi eq, %parallel_loop3A_1246, %parallel_loop3A_1363 : vector<16xi32>
      %parallel_loop3A_1365 = arith.select %parallel_loop3A_1364, %parallel_loop3A_1341, %parallel_loop3A_1189 : vector<16xi1>, vector<16xf32>
      %parallel_loop3A_1366 = arith.constant 6 : i32
      %parallel_loop3A_1367 = vector.broadcast %parallel_loop3A_1366 : i32 to vector<16xi32>
      %parallel_loop3A_1368 = arith.cmpi eq, %parallel_loop3A_1246, %parallel_loop3A_1367 : vector<16xi32>
      %parallel_loop3A_1369 = arith.select %parallel_loop3A_1368, %parallel_loop3A_1341, %parallel_loop3A_1193 : vector<16xi1>, vector<16xf32>
      %parallel_loop3A_1370 = arith.constant 7 : i32
      %parallel_loop3A_1371 = vector.broadcast %parallel_loop3A_1370 : i32 to vector<16xi32>
      %parallel_loop3A_1372 = arith.cmpi eq, %parallel_loop3A_1246, %parallel_loop3A_1371 : vector<16xi32>
      %parallel_loop3A_1373 = arith.select %parallel_loop3A_1372, %parallel_loop3A_1341, %parallel_loop3A_1197 : vector<16xi1>, vector<16xf32>
      %parallel_loop3A_1374 = arith.maximumf %parallel_loop3A_1345, %parallel_loop3A_1349 : vector<16xf32>
      %parallel_loop3A_1375 = arith.maximumf %parallel_loop3A_1353, %parallel_loop3A_1357 : vector<16xf32>
      %parallel_loop3A_1376 = arith.maximumf %parallel_loop3A_1361, %parallel_loop3A_1365 : vector<16xf32>
      %parallel_loop3A_1377 = arith.maximumf %parallel_loop3A_1369, %parallel_loop3A_1373 : vector<16xf32>
      %parallel_loop3A_1378 = arith.maximumf %parallel_loop3A_1374, %parallel_loop3A_1375 : vector<16xf32>
      %parallel_loop3A_1379 = arith.maximumf %parallel_loop3A_1376, %parallel_loop3A_1377 : vector<16xf32>
      %parallel_loop3A_1380 = arith.maximumf %parallel_loop3A_1378, %parallel_loop3A_1379 : vector<16xf32>
      %parallel_loop3A_1381 = arith.cmpf oeq, %parallel_loop3A_1345, %parallel_loop3A_1380 : vector<16xf32>
      %parallel_loop3A_1382 = arith.constant 0 : i32
      %parallel_loop3A_1383 = vector.broadcast %parallel_loop3A_1382 : i32 to vector<16xi32>
      %parallel_loop3A_1384 = arith.select %parallel_loop3A_1381, %parallel_loop3A_1383, %parallel_loop3A_669 : vector<16xi1>, vector<16xi32>
      %parallel_loop3A_1385 = arith.cmpf oeq, %parallel_loop3A_1349, %parallel_loop3A_1380 : vector<16xf32>
      %parallel_loop3A_1386 = arith.constant 1 : i32
      %parallel_loop3A_1387 = vector.broadcast %parallel_loop3A_1386 : i32 to vector<16xi32>
      %parallel_loop3A_1388 = arith.select %parallel_loop3A_1385, %parallel_loop3A_1387, %parallel_loop3A_669 : vector<16xi1>, vector<16xi32>
      %parallel_loop3A_1389 = arith.cmpf oeq, %parallel_loop3A_1353, %parallel_loop3A_1380 : vector<16xf32>
      %parallel_loop3A_1390 = arith.constant 2 : i32
      %parallel_loop3A_1391 = vector.broadcast %parallel_loop3A_1390 : i32 to vector<16xi32>
      %parallel_loop3A_1392 = arith.select %parallel_loop3A_1389, %parallel_loop3A_1391, %parallel_loop3A_669 : vector<16xi1>, vector<16xi32>
      %parallel_loop3A_1393 = arith.cmpf oeq, %parallel_loop3A_1357, %parallel_loop3A_1380 : vector<16xf32>
      %parallel_loop3A_1394 = arith.constant 3 : i32
      %parallel_loop3A_1395 = vector.broadcast %parallel_loop3A_1394 : i32 to vector<16xi32>
      %parallel_loop3A_1396 = arith.select %parallel_loop3A_1393, %parallel_loop3A_1395, %parallel_loop3A_669 : vector<16xi1>, vector<16xi32>
      %parallel_loop3A_1397 = arith.cmpf oeq, %parallel_loop3A_1361, %parallel_loop3A_1380 : vector<16xf32>
      %parallel_loop3A_1398 = arith.constant 4 : i32
      %parallel_loop3A_1399 = vector.broadcast %parallel_loop3A_1398 : i32 to vector<16xi32>
      %parallel_loop3A_1400 = arith.select %parallel_loop3A_1397, %parallel_loop3A_1399, %parallel_loop3A_669 : vector<16xi1>, vector<16xi32>
      %parallel_loop3A_1401 = arith.cmpf oeq, %parallel_loop3A_1365, %parallel_loop3A_1380 : vector<16xf32>
      %parallel_loop3A_1402 = arith.constant 5 : i32
      %parallel_loop3A_1403 = vector.broadcast %parallel_loop3A_1402 : i32 to vector<16xi32>
      %parallel_loop3A_1404 = arith.select %parallel_loop3A_1401, %parallel_loop3A_1403, %parallel_loop3A_669 : vector<16xi1>, vector<16xi32>
      %parallel_loop3A_1405 = arith.cmpf oeq, %parallel_loop3A_1369, %parallel_loop3A_1380 : vector<16xf32>
      %parallel_loop3A_1406 = arith.constant 6 : i32
      %parallel_loop3A_1407 = vector.broadcast %parallel_loop3A_1406 : i32 to vector<16xi32>
      %parallel_loop3A_1408 = arith.select %parallel_loop3A_1405, %parallel_loop3A_1407, %parallel_loop3A_669 : vector<16xi1>, vector<16xi32>
      %parallel_loop3A_1409 = arith.cmpf oeq, %parallel_loop3A_1373, %parallel_loop3A_1380 : vector<16xf32>
      %parallel_loop3A_1410 = arith.constant 7 : i32
      %parallel_loop3A_1411 = vector.broadcast %parallel_loop3A_1410 : i32 to vector<16xi32>
      %parallel_loop3A_1412 = arith.select %parallel_loop3A_1409, %parallel_loop3A_1411, %parallel_loop3A_669 : vector<16xi1>, vector<16xi32>
      %parallel_loop3A_1413 = arith.minsi %parallel_loop3A_1384, %parallel_loop3A_1388 : vector<16xi32>
      %parallel_loop3A_1414 = arith.minsi %parallel_loop3A_1392, %parallel_loop3A_1396 : vector<16xi32>
      %parallel_loop3A_1415 = arith.minsi %parallel_loop3A_1400, %parallel_loop3A_1404 : vector<16xi32>
      %parallel_loop3A_1416 = arith.minsi %parallel_loop3A_1408, %parallel_loop3A_1412 : vector<16xi32>
      %parallel_loop3A_1417 = arith.minsi %parallel_loop3A_1413, %parallel_loop3A_1414 : vector<16xi32>
      %parallel_loop3A_1418 = arith.minsi %parallel_loop3A_1415, %parallel_loop3A_1416 : vector<16xi32>
      %parallel_loop3A_1419 = arith.minsi %parallel_loop3A_1417, %parallel_loop3A_1418 : vector<16xi32>
      %parallel_loop3A_1420 = arith.constant 7 : i32
      %parallel_loop3A_1421 = vector.broadcast %parallel_loop3A_1420 : i32 to vector<16xi32>
      %parallel_loop3A_1422 = arith.minsi %parallel_loop3A_1419, %parallel_loop3A_1421 : vector<16xi32>
      %parallel_loop3A_1423 = arith.constant 8 : i32
      %parallel_loop3A_1424 = vector.broadcast %parallel_loop3A_1423 : i32 to vector<16xi32>
      %parallel_loop3A_1425 = arith.muli %parallel_loop3A_1422, %parallel_loop3A_1424 : vector<16xi32>
      %parallel_loop3A_1426 = arith.constant 0 : i32
      %parallel_loop3A_1427 = vector.broadcast %parallel_loop3A_1426 : i32 to vector<16xi32>
      %parallel_loop3A_1428 = arith.addi %parallel_loop3A_1425, %parallel_loop3A_1427 : vector<16xi32>
      %parallel_loop3A_1429 = arith.constant 1 : i32
      %parallel_loop3A_1430 = vector.broadcast %parallel_loop3A_1429 : i32 to vector<16xi32>
      %parallel_loop3A_1431 = arith.addi %parallel_loop3A_1425, %parallel_loop3A_1430 : vector<16xi32>
      %parallel_loop3A_1432 = arith.constant 2 : i32
      %parallel_loop3A_1433 = vector.broadcast %parallel_loop3A_1432 : i32 to vector<16xi32>
      %parallel_loop3A_1434 = arith.addi %parallel_loop3A_1425, %parallel_loop3A_1433 : vector<16xi32>
      %parallel_loop3A_1435 = arith.constant 3 : i32
      %parallel_loop3A_1436 = vector.broadcast %parallel_loop3A_1435 : i32 to vector<16xi32>
      %parallel_loop3A_1437 = arith.addi %parallel_loop3A_1425, %parallel_loop3A_1436 : vector<16xi32>
      %parallel_loop3A_1438 = arith.constant 4 : i32
      %parallel_loop3A_1439 = vector.broadcast %parallel_loop3A_1438 : i32 to vector<16xi32>
      %parallel_loop3A_1440 = arith.addi %parallel_loop3A_1425, %parallel_loop3A_1439 : vector<16xi32>
      %parallel_loop3A_1441 = arith.constant 5 : i32
      %parallel_loop3A_1442 = vector.broadcast %parallel_loop3A_1441 : i32 to vector<16xi32>
      %parallel_loop3A_1443 = arith.addi %parallel_loop3A_1425, %parallel_loop3A_1442 : vector<16xi32>
      %parallel_loop3A_1444 = arith.constant 6 : i32
      %parallel_loop3A_1445 = vector.broadcast %parallel_loop3A_1444 : i32 to vector<16xi32>
      %parallel_loop3A_1446 = arith.addi %parallel_loop3A_1425, %parallel_loop3A_1445 : vector<16xi32>
      %parallel_loop3A_1447 = arith.constant 7 : i32
      %parallel_loop3A_1448 = vector.broadcast %parallel_loop3A_1447 : i32 to vector<16xi32>
      %parallel_loop3A_1449 = arith.addi %parallel_loop3A_1425, %parallel_loop3A_1448 : vector<16xi32>
      %parallel_loop3A_1450 = arith.addi %parallel_loop3A_19, %parallel_loop3A_1428 : vector<16xi32>
      %parallel_loop3A_1451 = tpu.vector_load_idx %arg6[%parallel_loop3A_1450] : memref<65536xf32, #tpu.memory_space<vmem>>[vector<16xi32>], vector<16xf32>,
      %parallel_loop3A_1452 = arith.addi %parallel_loop3A_19, %parallel_loop3A_1431 : vector<16xi32>
      %parallel_loop3A_1453 = tpu.vector_load_idx %arg6[%parallel_loop3A_1452] : memref<65536xf32, #tpu.memory_space<vmem>>[vector<16xi32>], vector<16xf32>,
      %parallel_loop3A_1454 = arith.addi %parallel_loop3A_19, %parallel_loop3A_1434 : vector<16xi32>
      %parallel_loop3A_1455 = tpu.vector_load_idx %arg6[%parallel_loop3A_1454] : memref<65536xf32, #tpu.memory_space<vmem>>[vector<16xi32>], vector<16xf32>,
      %parallel_loop3A_1456 = arith.addi %parallel_loop3A_19, %parallel_loop3A_1437 : vector<16xi32>
      %parallel_loop3A_1457 = tpu.vector_load_idx %arg6[%parallel_loop3A_1456] : memref<65536xf32, #tpu.memory_space<vmem>>[vector<16xi32>], vector<16xf32>,
      %parallel_loop3A_1458 = arith.addi %parallel_loop3A_19, %parallel_loop3A_1440 : vector<16xi32>
      %parallel_loop3A_1459 = tpu.vector_load_idx %arg6[%parallel_loop3A_1458] : memref<65536xf32, #tpu.memory_space<vmem>>[vector<16xi32>], vector<16xf32>,
      %parallel_loop3A_1460 = arith.addi %parallel_loop3A_19, %parallel_loop3A_1443 : vector<16xi32>
      %parallel_loop3A_1461 = tpu.vector_load_idx %arg6[%parallel_loop3A_1460] : memref<65536xf32, #tpu.memory_space<vmem>>[vector<16xi32>], vector<16xf32>,
      %parallel_loop3A_1462 = arith.addi %parallel_loop3A_19, %parallel_loop3A_1446 : vector<16xi32>
      %parallel_loop3A_1463 = tpu.vector_load_idx %arg6[%parallel_loop3A_1462] : memref<65536xf32, #tpu.memory_space<vmem>>[vector<16xi32>], vector<16xf32>,
      %parallel_loop3A_1464 = arith.addi %parallel_loop3A_19, %parallel_loop3A_1449 : vector<16xi32>
      %parallel_loop3A_1465 = tpu.vector_load_idx %arg6[%parallel_loop3A_1464] : memref<65536xf32, #tpu.memory_space<vmem>>[vector<16xi32>], vector<16xf32>,
      %parallel_loop3A_1466 = arith.cmpf oeq, %parallel_loop3A_1451, %parallel_loop3A_1380 : vector<16xf32>
      %parallel_loop3A_1467 = arith.select %parallel_loop3A_1466, %parallel_loop3A_1428, %parallel_loop3A_669 : vector<16xi1>, vector<16xi32>
      %parallel_loop3A_1468 = arith.cmpf oeq, %parallel_loop3A_1453, %parallel_loop3A_1380 : vector<16xf32>
      %parallel_loop3A_1469 = arith.select %parallel_loop3A_1468, %parallel_loop3A_1431, %parallel_loop3A_669 : vector<16xi1>, vector<16xi32>
      %parallel_loop3A_1470 = arith.cmpf oeq, %parallel_loop3A_1455, %parallel_loop3A_1380 : vector<16xf32>
      %parallel_loop3A_1471 = arith.select %parallel_loop3A_1470, %parallel_loop3A_1434, %parallel_loop3A_669 : vector<16xi1>, vector<16xi32>
      %parallel_loop3A_1472 = arith.cmpf oeq, %parallel_loop3A_1457, %parallel_loop3A_1380 : vector<16xf32>
      %parallel_loop3A_1473 = arith.select %parallel_loop3A_1472, %parallel_loop3A_1437, %parallel_loop3A_669 : vector<16xi1>, vector<16xi32>
      %parallel_loop3A_1474 = arith.cmpf oeq, %parallel_loop3A_1459, %parallel_loop3A_1380 : vector<16xf32>
      %parallel_loop3A_1475 = arith.select %parallel_loop3A_1474, %parallel_loop3A_1440, %parallel_loop3A_669 : vector<16xi1>, vector<16xi32>
      %parallel_loop3A_1476 = arith.cmpf oeq, %parallel_loop3A_1461, %parallel_loop3A_1380 : vector<16xf32>
      %parallel_loop3A_1477 = arith.select %parallel_loop3A_1476, %parallel_loop3A_1443, %parallel_loop3A_669 : vector<16xi1>, vector<16xi32>
      %parallel_loop3A_1478 = arith.cmpf oeq, %parallel_loop3A_1463, %parallel_loop3A_1380 : vector<16xf32>
      %parallel_loop3A_1479 = arith.select %parallel_loop3A_1478, %parallel_loop3A_1446, %parallel_loop3A_669 : vector<16xi1>, vector<16xi32>
      %parallel_loop3A_1480 = arith.cmpf oeq, %parallel_loop3A_1465, %parallel_loop3A_1380 : vector<16xf32>
      %parallel_loop3A_1481 = arith.select %parallel_loop3A_1480, %parallel_loop3A_1449, %parallel_loop3A_669 : vector<16xi1>, vector<16xi32>
      %parallel_loop3A_1482 = arith.minsi %parallel_loop3A_1467, %parallel_loop3A_1469 : vector<16xi32>
      %parallel_loop3A_1483 = arith.minsi %parallel_loop3A_1471, %parallel_loop3A_1473 : vector<16xi32>
      %parallel_loop3A_1484 = arith.minsi %parallel_loop3A_1475, %parallel_loop3A_1477 : vector<16xi32>
      %parallel_loop3A_1485 = arith.minsi %parallel_loop3A_1479, %parallel_loop3A_1481 : vector<16xi32>
      %parallel_loop3A_1486 = arith.minsi %parallel_loop3A_1482, %parallel_loop3A_1483 : vector<16xi32>
      %parallel_loop3A_1487 = arith.minsi %parallel_loop3A_1484, %parallel_loop3A_1485 : vector<16xi32>
      %parallel_loop3A_1488 = arith.minsi %parallel_loop3A_1486, %parallel_loop3A_1487 : vector<16xi32>
      %parallel_loop3A_1489 = arith.constant 63 : i32
      %parallel_loop3A_1490 = vector.broadcast %parallel_loop3A_1489 : i32 to vector<16xi32>
      %parallel_loop3A_1491 = arith.minsi %parallel_loop3A_1488, %parallel_loop3A_1490 : vector<16xi32>
      %parallel_loop3A_1492 = tpu.vector_load_idx %arg7[%parallel_loop3A_1491] : memref<64xf32, #tpu.memory_space<vmem>>[vector<16xi32>], vector<16xf32>,
      %parallel_loop3A_1493 = arith.subf %parallel_loop3A_1380, %parallel_loop3A_1492 : vector<16xf32>
      %parallel_loop3A_1494 = arith.addi %parallel_loop3A_19, %parallel_loop3A_1491 : vector<16xi32>
      tpu.vector_store_idx %arg6[%parallel_loop3A_1494], %broadcast_in_dim3A_5 : memref<65536xf32, #tpu.memory_space<vmem>>[vector<16xi32>], vector<16xf32>,
      %parallel_loop3A_1495 = arith.cmpi eq, %parallel_loop3A_1428, %parallel_loop3A_1491 : vector<16xi32>
      %parallel_loop3A_1496 = arith.select %parallel_loop3A_1495, %broadcast_in_dim3A_5, %parallel_loop3A_1451 : vector<16xi1>, vector<16xf32>
      %parallel_loop3A_1497 = arith.cmpi eq, %parallel_loop3A_1431, %parallel_loop3A_1491 : vector<16xi32>
      %parallel_loop3A_1498 = arith.select %parallel_loop3A_1497, %broadcast_in_dim3A_5, %parallel_loop3A_1453 : vector<16xi1>, vector<16xf32>
      %parallel_loop3A_1499 = arith.cmpi eq, %parallel_loop3A_1434, %parallel_loop3A_1491 : vector<16xi32>
      %parallel_loop3A_1500 = arith.select %parallel_loop3A_1499, %broadcast_in_dim3A_5, %parallel_loop3A_1455 : vector<16xi1>, vector<16xf32>
      %parallel_loop3A_1501 = arith.cmpi eq, %parallel_loop3A_1437, %parallel_loop3A_1491 : vector<16xi32>
      %parallel_loop3A_1502 = arith.select %parallel_loop3A_1501, %broadcast_in_dim3A_5, %parallel_loop3A_1457 : vector<16xi1>, vector<16xf32>
      %parallel_loop3A_1503 = arith.cmpi eq, %parallel_loop3A_1440, %parallel_loop3A_1491 : vector<16xi32>
      %parallel_loop3A_1504 = arith.select %parallel_loop3A_1503, %broadcast_in_dim3A_5, %parallel_loop3A_1459 : vector<16xi1>, vector<16xf32>
      %parallel_loop3A_1505 = arith.cmpi eq, %parallel_loop3A_1443, %parallel_loop3A_1491 : vector<16xi32>
      %parallel_loop3A_1506 = arith.select %parallel_loop3A_1505, %broadcast_in_dim3A_5, %parallel_loop3A_1461 : vector<16xi1>, vector<16xf32>
      %parallel_loop3A_1507 = arith.cmpi eq, %parallel_loop3A_1446, %parallel_loop3A_1491 : vector<16xi32>
      %parallel_loop3A_1508 = arith.select %parallel_loop3A_1507, %broadcast_in_dim3A_5, %parallel_loop3A_1463 : vector<16xi1>, vector<16xf32>
      %parallel_loop3A_1509 = arith.cmpi eq, %parallel_loop3A_1449, %parallel_loop3A_1491 : vector<16xi32>
      %parallel_loop3A_1510 = arith.select %parallel_loop3A_1509, %broadcast_in_dim3A_5, %parallel_loop3A_1465 : vector<16xi1>, vector<16xf32>
      %parallel_loop3A_1511 = arith.maximumf %parallel_loop3A_1496, %parallel_loop3A_1498 : vector<16xf32>
      %parallel_loop3A_1512 = arith.maximumf %parallel_loop3A_1500, %parallel_loop3A_1502 : vector<16xf32>
      %parallel_loop3A_1513 = arith.maximumf %parallel_loop3A_1504, %parallel_loop3A_1506 : vector<16xf32>
      %parallel_loop3A_1514 = arith.maximumf %parallel_loop3A_1508, %parallel_loop3A_1510 : vector<16xf32>
      %parallel_loop3A_1515 = arith.maximumf %parallel_loop3A_1511, %parallel_loop3A_1512 : vector<16xf32>
      %parallel_loop3A_1516 = arith.maximumf %parallel_loop3A_1513, %parallel_loop3A_1514 : vector<16xf32>
      %parallel_loop3A_1517 = arith.maximumf %parallel_loop3A_1515, %parallel_loop3A_1516 : vector<16xf32>
      %parallel_loop3A_1518 = arith.constant 0 : i32
      %parallel_loop3A_1519 = vector.broadcast %parallel_loop3A_1518 : i32 to vector<16xi32>
      %parallel_loop3A_1520 = arith.cmpi eq, %parallel_loop3A_1422, %parallel_loop3A_1519 : vector<16xi32>
      %parallel_loop3A_1521 = arith.select %parallel_loop3A_1520, %parallel_loop3A_1517, %parallel_loop3A_1345 : vector<16xi1>, vector<16xf32>
      %parallel_loop3A_1522 = arith.constant 1 : i32
      %parallel_loop3A_1523 = vector.broadcast %parallel_loop3A_1522 : i32 to vector<16xi32>
      %parallel_loop3A_1524 = arith.cmpi eq, %parallel_loop3A_1422, %parallel_loop3A_1523 : vector<16xi32>
      %parallel_loop3A_1525 = arith.select %parallel_loop3A_1524, %parallel_loop3A_1517, %parallel_loop3A_1349 : vector<16xi1>, vector<16xf32>
      %parallel_loop3A_1526 = arith.constant 2 : i32
      %parallel_loop3A_1527 = vector.broadcast %parallel_loop3A_1526 : i32 to vector<16xi32>
      %parallel_loop3A_1528 = arith.cmpi eq, %parallel_loop3A_1422, %parallel_loop3A_1527 : vector<16xi32>
      %parallel_loop3A_1529 = arith.select %parallel_loop3A_1528, %parallel_loop3A_1517, %parallel_loop3A_1353 : vector<16xi1>, vector<16xf32>
      %parallel_loop3A_1530 = arith.constant 3 : i32
      %parallel_loop3A_1531 = vector.broadcast %parallel_loop3A_1530 : i32 to vector<16xi32>
      %parallel_loop3A_1532 = arith.cmpi eq, %parallel_loop3A_1422, %parallel_loop3A_1531 : vector<16xi32>
      %parallel_loop3A_1533 = arith.select %parallel_loop3A_1532, %parallel_loop3A_1517, %parallel_loop3A_1357 : vector<16xi1>, vector<16xf32>
      %parallel_loop3A_1534 = arith.constant 4 : i32
      %parallel_loop3A_1535 = vector.broadcast %parallel_loop3A_1534 : i32 to vector<16xi32>
      %parallel_loop3A_1536 = arith.cmpi eq, %parallel_loop3A_1422, %parallel_loop3A_1535 : vector<16xi32>
      %parallel_loop3A_1537 = arith.select %parallel_loop3A_1536, %parallel_loop3A_1517, %parallel_loop3A_1361 : vector<16xi1>, vector<16xf32>
      %parallel_loop3A_1538 = arith.constant 5 : i32
      %parallel_loop3A_1539 = vector.broadcast %parallel_loop3A_1538 : i32 to vector<16xi32>
      %parallel_loop3A_1540 = arith.cmpi eq, %parallel_loop3A_1422, %parallel_loop3A_1539 : vector<16xi32>
      %parallel_loop3A_1541 = arith.select %parallel_loop3A_1540, %parallel_loop3A_1517, %parallel_loop3A_1365 : vector<16xi1>, vector<16xf32>
      %parallel_loop3A_1542 = arith.constant 6 : i32
      %parallel_loop3A_1543 = vector.broadcast %parallel_loop3A_1542 : i32 to vector<16xi32>
      %parallel_loop3A_1544 = arith.cmpi eq, %parallel_loop3A_1422, %parallel_loop3A_1543 : vector<16xi32>
      %parallel_loop3A_1545 = arith.select %parallel_loop3A_1544, %parallel_loop3A_1517, %parallel_loop3A_1369 : vector<16xi1>, vector<16xf32>
      %parallel_loop3A_1546 = arith.constant 7 : i32
      %parallel_loop3A_1547 = vector.broadcast %parallel_loop3A_1546 : i32 to vector<16xi32>
      %parallel_loop3A_1548 = arith.cmpi eq, %parallel_loop3A_1422, %parallel_loop3A_1547 : vector<16xi32>
      %parallel_loop3A_1549 = arith.select %parallel_loop3A_1548, %parallel_loop3A_1517, %parallel_loop3A_1373 : vector<16xi1>, vector<16xf32>
      %parallel_loop3A_1550 = arith.maximumf %parallel_loop3A_1521, %parallel_loop3A_1525 : vector<16xf32>
      %parallel_loop3A_1551 = arith.maximumf %parallel_loop3A_1529, %parallel_loop3A_1533 : vector<16xf32>
      %parallel_loop3A_1552 = arith.maximumf %parallel_loop3A_1537, %parallel_loop3A_1541 : vector<16xf32>
      %parallel_loop3A_1553 = arith.maximumf %parallel_loop3A_1545, %parallel_loop3A_1549 : vector<16xf32>
      %parallel_loop3A_1554 = arith.maximumf %parallel_loop3A_1550, %parallel_loop3A_1551 : vector<16xf32>
      %parallel_loop3A_1555 = arith.maximumf %parallel_loop3A_1552, %parallel_loop3A_1553 : vector<16xf32>
      %parallel_loop3A_1556 = arith.maximumf %parallel_loop3A_1554, %parallel_loop3A_1555 : vector<16xf32>
      %parallel_loop3A_1557 = arith.cmpf oeq, %parallel_loop3A_1521, %parallel_loop3A_1556 : vector<16xf32>
      %parallel_loop3A_1558 = arith.constant 0 : i32
      %parallel_loop3A_1559 = vector.broadcast %parallel_loop3A_1558 : i32 to vector<16xi32>
      %parallel_loop3A_1560 = arith.select %parallel_loop3A_1557, %parallel_loop3A_1559, %parallel_loop3A_669 : vector<16xi1>, vector<16xi32>
      %parallel_loop3A_1561 = arith.cmpf oeq, %parallel_loop3A_1525, %parallel_loop3A_1556 : vector<16xf32>
      %parallel_loop3A_1562 = arith.constant 1 : i32
      %parallel_loop3A_1563 = vector.broadcast %parallel_loop3A_1562 : i32 to vector<16xi32>
      %parallel_loop3A_1564 = arith.select %parallel_loop3A_1561, %parallel_loop3A_1563, %parallel_loop3A_669 : vector<16xi1>, vector<16xi32>
      %parallel_loop3A_1565 = arith.cmpf oeq, %parallel_loop3A_1529, %parallel_loop3A_1556 : vector<16xf32>
      %parallel_loop3A_1566 = arith.constant 2 : i32
      %parallel_loop3A_1567 = vector.broadcast %parallel_loop3A_1566 : i32 to vector<16xi32>
      %parallel_loop3A_1568 = arith.select %parallel_loop3A_1565, %parallel_loop3A_1567, %parallel_loop3A_669 : vector<16xi1>, vector<16xi32>
      %parallel_loop3A_1569 = arith.cmpf oeq, %parallel_loop3A_1533, %parallel_loop3A_1556 : vector<16xf32>
      %parallel_loop3A_1570 = arith.constant 3 : i32
      %parallel_loop3A_1571 = vector.broadcast %parallel_loop3A_1570 : i32 to vector<16xi32>
      %parallel_loop3A_1572 = arith.select %parallel_loop3A_1569, %parallel_loop3A_1571, %parallel_loop3A_669 : vector<16xi1>, vector<16xi32>
      %parallel_loop3A_1573 = arith.cmpf oeq, %parallel_loop3A_1537, %parallel_loop3A_1556 : vector<16xf32>
      %parallel_loop3A_1574 = arith.constant 4 : i32
      %parallel_loop3A_1575 = vector.broadcast %parallel_loop3A_1574 : i32 to vector<16xi32>
      %parallel_loop3A_1576 = arith.select %parallel_loop3A_1573, %parallel_loop3A_1575, %parallel_loop3A_669 : vector<16xi1>, vector<16xi32>
      %parallel_loop3A_1577 = arith.cmpf oeq, %parallel_loop3A_1541, %parallel_loop3A_1556 : vector<16xf32>
      %parallel_loop3A_1578 = arith.constant 5 : i32
      %parallel_loop3A_1579 = vector.broadcast %parallel_loop3A_1578 : i32 to vector<16xi32>
      %parallel_loop3A_1580 = arith.select %parallel_loop3A_1577, %parallel_loop3A_1579, %parallel_loop3A_669 : vector<16xi1>, vector<16xi32>
      %parallel_loop3A_1581 = arith.cmpf oeq, %parallel_loop3A_1545, %parallel_loop3A_1556 : vector<16xf32>
      %parallel_loop3A_1582 = arith.constant 6 : i32
      %parallel_loop3A_1583 = vector.broadcast %parallel_loop3A_1582 : i32 to vector<16xi32>
      %parallel_loop3A_1584 = arith.select %parallel_loop3A_1581, %parallel_loop3A_1583, %parallel_loop3A_669 : vector<16xi1>, vector<16xi32>
      %parallel_loop3A_1585 = arith.cmpf oeq, %parallel_loop3A_1549, %parallel_loop3A_1556 : vector<16xf32>
      %parallel_loop3A_1586 = arith.constant 7 : i32
      %parallel_loop3A_1587 = vector.broadcast %parallel_loop3A_1586 : i32 to vector<16xi32>
      %parallel_loop3A_1588 = arith.select %parallel_loop3A_1585, %parallel_loop3A_1587, %parallel_loop3A_669 : vector<16xi1>, vector<16xi32>
      %parallel_loop3A_1589 = arith.minsi %parallel_loop3A_1560, %parallel_loop3A_1564 : vector<16xi32>
      %parallel_loop3A_1590 = arith.minsi %parallel_loop3A_1568, %parallel_loop3A_1572 : vector<16xi32>
      %parallel_loop3A_1591 = arith.minsi %parallel_loop3A_1576, %parallel_loop3A_1580 : vector<16xi32>
      %parallel_loop3A_1592 = arith.minsi %parallel_loop3A_1584, %parallel_loop3A_1588 : vector<16xi32>
      %parallel_loop3A_1593 = arith.minsi %parallel_loop3A_1589, %parallel_loop3A_1590 : vector<16xi32>
      %parallel_loop3A_1594 = arith.minsi %parallel_loop3A_1591, %parallel_loop3A_1592 : vector<16xi32>
      %parallel_loop3A_1595 = arith.minsi %parallel_loop3A_1593, %parallel_loop3A_1594 : vector<16xi32>
      %parallel_loop3A_1596 = arith.constant 7 : i32
      %parallel_loop3A_1597 = vector.broadcast %parallel_loop3A_1596 : i32 to vector<16xi32>
      %parallel_loop3A_1598 = arith.minsi %parallel_loop3A_1595, %parallel_loop3A_1597 : vector<16xi32>
      %parallel_loop3A_1599 = arith.constant 8 : i32
      %parallel_loop3A_1600 = vector.broadcast %parallel_loop3A_1599 : i32 to vector<16xi32>
      %parallel_loop3A_1601 = arith.muli %parallel_loop3A_1598, %parallel_loop3A_1600 : vector<16xi32>
      %parallel_loop3A_1602 = arith.constant 0 : i32
      %parallel_loop3A_1603 = vector.broadcast %parallel_loop3A_1602 : i32 to vector<16xi32>
      %parallel_loop3A_1604 = arith.addi %parallel_loop3A_1601, %parallel_loop3A_1603 : vector<16xi32>
      %parallel_loop3A_1605 = arith.constant 1 : i32
      %parallel_loop3A_1606 = vector.broadcast %parallel_loop3A_1605 : i32 to vector<16xi32>
      %parallel_loop3A_1607 = arith.addi %parallel_loop3A_1601, %parallel_loop3A_1606 : vector<16xi32>
      %parallel_loop3A_1608 = arith.constant 2 : i32
      %parallel_loop3A_1609 = vector.broadcast %parallel_loop3A_1608 : i32 to vector<16xi32>
      %parallel_loop3A_1610 = arith.addi %parallel_loop3A_1601, %parallel_loop3A_1609 : vector<16xi32>
      %parallel_loop3A_1611 = arith.constant 3 : i32
      %parallel_loop3A_1612 = vector.broadcast %parallel_loop3A_1611 : i32 to vector<16xi32>
      %parallel_loop3A_1613 = arith.addi %parallel_loop3A_1601, %parallel_loop3A_1612 : vector<16xi32>
      %parallel_loop3A_1614 = arith.constant 4 : i32
      %parallel_loop3A_1615 = vector.broadcast %parallel_loop3A_1614 : i32 to vector<16xi32>
      %parallel_loop3A_1616 = arith.addi %parallel_loop3A_1601, %parallel_loop3A_1615 : vector<16xi32>
      %parallel_loop3A_1617 = arith.constant 5 : i32
      %parallel_loop3A_1618 = vector.broadcast %parallel_loop3A_1617 : i32 to vector<16xi32>
      %parallel_loop3A_1619 = arith.addi %parallel_loop3A_1601, %parallel_loop3A_1618 : vector<16xi32>
      %parallel_loop3A_1620 = arith.constant 6 : i32
      %parallel_loop3A_1621 = vector.broadcast %parallel_loop3A_1620 : i32 to vector<16xi32>
      %parallel_loop3A_1622 = arith.addi %parallel_loop3A_1601, %parallel_loop3A_1621 : vector<16xi32>
      %parallel_loop3A_1623 = arith.constant 7 : i32
      %parallel_loop3A_1624 = vector.broadcast %parallel_loop3A_1623 : i32 to vector<16xi32>
      %parallel_loop3A_1625 = arith.addi %parallel_loop3A_1601, %parallel_loop3A_1624 : vector<16xi32>
      %parallel_loop3A_1626 = arith.addi %parallel_loop3A_19, %parallel_loop3A_1604 : vector<16xi32>
      %parallel_loop3A_1627 = tpu.vector_load_idx %arg6[%parallel_loop3A_1626] : memref<65536xf32, #tpu.memory_space<vmem>>[vector<16xi32>], vector<16xf32>,
      %parallel_loop3A_1628 = arith.addi %parallel_loop3A_19, %parallel_loop3A_1607 : vector<16xi32>
      %parallel_loop3A_1629 = tpu.vector_load_idx %arg6[%parallel_loop3A_1628] : memref<65536xf32, #tpu.memory_space<vmem>>[vector<16xi32>], vector<16xf32>,
      %parallel_loop3A_1630 = arith.addi %parallel_loop3A_19, %parallel_loop3A_1610 : vector<16xi32>
      %parallel_loop3A_1631 = tpu.vector_load_idx %arg6[%parallel_loop3A_1630] : memref<65536xf32, #tpu.memory_space<vmem>>[vector<16xi32>], vector<16xf32>,
      %parallel_loop3A_1632 = arith.addi %parallel_loop3A_19, %parallel_loop3A_1613 : vector<16xi32>
      %parallel_loop3A_1633 = tpu.vector_load_idx %arg6[%parallel_loop3A_1632] : memref<65536xf32, #tpu.memory_space<vmem>>[vector<16xi32>], vector<16xf32>,
      %parallel_loop3A_1634 = arith.addi %parallel_loop3A_19, %parallel_loop3A_1616 : vector<16xi32>
      %parallel_loop3A_1635 = tpu.vector_load_idx %arg6[%parallel_loop3A_1634] : memref<65536xf32, #tpu.memory_space<vmem>>[vector<16xi32>], vector<16xf32>,
      %parallel_loop3A_1636 = arith.addi %parallel_loop3A_19, %parallel_loop3A_1619 : vector<16xi32>
      %parallel_loop3A_1637 = tpu.vector_load_idx %arg6[%parallel_loop3A_1636] : memref<65536xf32, #tpu.memory_space<vmem>>[vector<16xi32>], vector<16xf32>,
      %parallel_loop3A_1638 = arith.addi %parallel_loop3A_19, %parallel_loop3A_1622 : vector<16xi32>
      %parallel_loop3A_1639 = tpu.vector_load_idx %arg6[%parallel_loop3A_1638] : memref<65536xf32, #tpu.memory_space<vmem>>[vector<16xi32>], vector<16xf32>,
      %parallel_loop3A_1640 = arith.addi %parallel_loop3A_19, %parallel_loop3A_1625 : vector<16xi32>
      %parallel_loop3A_1641 = tpu.vector_load_idx %arg6[%parallel_loop3A_1640] : memref<65536xf32, #tpu.memory_space<vmem>>[vector<16xi32>], vector<16xf32>,
      %parallel_loop3A_1642 = arith.cmpf oeq, %parallel_loop3A_1627, %parallel_loop3A_1556 : vector<16xf32>
      %parallel_loop3A_1643 = arith.select %parallel_loop3A_1642, %parallel_loop3A_1604, %parallel_loop3A_669 : vector<16xi1>, vector<16xi32>
      %parallel_loop3A_1644 = arith.cmpf oeq, %parallel_loop3A_1629, %parallel_loop3A_1556 : vector<16xf32>
      %parallel_loop3A_1645 = arith.select %parallel_loop3A_1644, %parallel_loop3A_1607, %parallel_loop3A_669 : vector<16xi1>, vector<16xi32>
      %parallel_loop3A_1646 = arith.cmpf oeq, %parallel_loop3A_1631, %parallel_loop3A_1556 : vector<16xf32>
      %parallel_loop3A_1647 = arith.select %parallel_loop3A_1646, %parallel_loop3A_1610, %parallel_loop3A_669 : vector<16xi1>, vector<16xi32>
      %parallel_loop3A_1648 = arith.cmpf oeq, %parallel_loop3A_1633, %parallel_loop3A_1556 : vector<16xf32>
      %parallel_loop3A_1649 = arith.select %parallel_loop3A_1648, %parallel_loop3A_1613, %parallel_loop3A_669 : vector<16xi1>, vector<16xi32>
      %parallel_loop3A_1650 = arith.cmpf oeq, %parallel_loop3A_1635, %parallel_loop3A_1556 : vector<16xf32>
      %parallel_loop3A_1651 = arith.select %parallel_loop3A_1650, %parallel_loop3A_1616, %parallel_loop3A_669 : vector<16xi1>, vector<16xi32>
      %parallel_loop3A_1652 = arith.cmpf oeq, %parallel_loop3A_1637, %parallel_loop3A_1556 : vector<16xf32>
      %parallel_loop3A_1653 = arith.select %parallel_loop3A_1652, %parallel_loop3A_1619, %parallel_loop3A_669 : vector<16xi1>, vector<16xi32>
      %parallel_loop3A_1654 = arith.cmpf oeq, %parallel_loop3A_1639, %parallel_loop3A_1556 : vector<16xf32>
      %parallel_loop3A_1655 = arith.select %parallel_loop3A_1654, %parallel_loop3A_1622, %parallel_loop3A_669 : vector<16xi1>, vector<16xi32>
      %parallel_loop3A_1656 = arith.cmpf oeq, %parallel_loop3A_1641, %parallel_loop3A_1556 : vector<16xf32>
      %parallel_loop3A_1657 = arith.select %parallel_loop3A_1656, %parallel_loop3A_1625, %parallel_loop3A_669 : vector<16xi1>, vector<16xi32>
      %parallel_loop3A_1658 = arith.minsi %parallel_loop3A_1643, %parallel_loop3A_1645 : vector<16xi32>
      %parallel_loop3A_1659 = arith.minsi %parallel_loop3A_1647, %parallel_loop3A_1649 : vector<16xi32>
      %parallel_loop3A_1660 = arith.minsi %parallel_loop3A_1651, %parallel_loop3A_1653 : vector<16xi32>
      %parallel_loop3A_1661 = arith.minsi %parallel_loop3A_1655, %parallel_loop3A_1657 : vector<16xi32>
      %parallel_loop3A_1662 = arith.minsi %parallel_loop3A_1658, %parallel_loop3A_1659 : vector<16xi32>
      %parallel_loop3A_1663 = arith.minsi %parallel_loop3A_1660, %parallel_loop3A_1661 : vector<16xi32>
      %parallel_loop3A_1664 = arith.minsi %parallel_loop3A_1662, %parallel_loop3A_1663 : vector<16xi32>
      %parallel_loop3A_1665 = arith.constant 63 : i32
      %parallel_loop3A_1666 = vector.broadcast %parallel_loop3A_1665 : i32 to vector<16xi32>
      %parallel_loop3A_1667 = arith.minsi %parallel_loop3A_1664, %parallel_loop3A_1666 : vector<16xi32>
      %parallel_loop3A_1668 = tpu.vector_load_idx %arg7[%parallel_loop3A_1667] : memref<64xf32, #tpu.memory_space<vmem>>[vector<16xi32>], vector<16xf32>,
      %parallel_loop3A_1669 = arith.subf %parallel_loop3A_1556, %parallel_loop3A_1668 : vector<16xf32>
      %parallel_loop3A_1670 = arith.addi %parallel_loop3A_19, %parallel_loop3A_1667 : vector<16xi32>
      tpu.vector_store_idx %arg6[%parallel_loop3A_1670], %broadcast_in_dim3A_5 : memref<65536xf32, #tpu.memory_space<vmem>>[vector<16xi32>], vector<16xf32>,
      %parallel_loop3A_1671 = arith.cmpi eq, %parallel_loop3A_1604, %parallel_loop3A_1667 : vector<16xi32>
      %parallel_loop3A_1672 = arith.select %parallel_loop3A_1671, %broadcast_in_dim3A_5, %parallel_loop3A_1627 : vector<16xi1>, vector<16xf32>
      %parallel_loop3A_1673 = arith.cmpi eq, %parallel_loop3A_1607, %parallel_loop3A_1667 : vector<16xi32>
      %parallel_loop3A_1674 = arith.select %parallel_loop3A_1673, %broadcast_in_dim3A_5, %parallel_loop3A_1629 : vector<16xi1>, vector<16xf32>
      %parallel_loop3A_1675 = arith.cmpi eq, %parallel_loop3A_1610, %parallel_loop3A_1667 : vector<16xi32>
      %parallel_loop3A_1676 = arith.select %parallel_loop3A_1675, %broadcast_in_dim3A_5, %parallel_loop3A_1631 : vector<16xi1>, vector<16xf32>
      %parallel_loop3A_1677 = arith.cmpi eq, %parallel_loop3A_1613, %parallel_loop3A_1667 : vector<16xi32>
      %parallel_loop3A_1678 = arith.select %parallel_loop3A_1677, %broadcast_in_dim3A_5, %parallel_loop3A_1633 : vector<16xi1>, vector<16xf32>
      %parallel_loop3A_1679 = arith.cmpi eq, %parallel_loop3A_1616, %parallel_loop3A_1667 : vector<16xi32>
      %parallel_loop3A_1680 = arith.select %parallel_loop3A_1679, %broadcast_in_dim3A_5, %parallel_loop3A_1635 : vector<16xi1>, vector<16xf32>
      %parallel_loop3A_1681 = arith.cmpi eq, %parallel_loop3A_1619, %parallel_loop3A_1667 : vector<16xi32>
      %parallel_loop3A_1682 = arith.select %parallel_loop3A_1681, %broadcast_in_dim3A_5, %parallel_loop3A_1637 : vector<16xi1>, vector<16xf32>
      %parallel_loop3A_1683 = arith.cmpi eq, %parallel_loop3A_1622, %parallel_loop3A_1667 : vector<16xi32>
      %parallel_loop3A_1684 = arith.select %parallel_loop3A_1683, %broadcast_in_dim3A_5, %parallel_loop3A_1639 : vector<16xi1>, vector<16xf32>
      %parallel_loop3A_1685 = arith.cmpi eq, %parallel_loop3A_1625, %parallel_loop3A_1667 : vector<16xi32>
      %parallel_loop3A_1686 = arith.select %parallel_loop3A_1685, %broadcast_in_dim3A_5, %parallel_loop3A_1641 : vector<16xi1>, vector<16xf32>
      %parallel_loop3A_1687 = arith.maximumf %parallel_loop3A_1672, %parallel_loop3A_1674 : vector<16xf32>
      %parallel_loop3A_1688 = arith.maximumf %parallel_loop3A_1676, %parallel_loop3A_1678 : vector<16xf32>
      %parallel_loop3A_1689 = arith.maximumf %parallel_loop3A_1680, %parallel_loop3A_1682 : vector<16xf32>
      %parallel_loop3A_1690 = arith.maximumf %parallel_loop3A_1684, %parallel_loop3A_1686 : vector<16xf32>
      %parallel_loop3A_1691 = arith.maximumf %parallel_loop3A_1687, %parallel_loop3A_1688 : vector<16xf32>
      %parallel_loop3A_1692 = arith.maximumf %parallel_loop3A_1689, %parallel_loop3A_1690 : vector<16xf32>
      %parallel_loop3A_1693 = arith.maximumf %parallel_loop3A_1691, %parallel_loop3A_1692 : vector<16xf32>
      %parallel_loop3A_1694 = arith.constant 0 : i32
      %parallel_loop3A_1695 = vector.broadcast %parallel_loop3A_1694 : i32 to vector<16xi32>
      %parallel_loop3A_1696 = arith.cmpi eq, %parallel_loop3A_1598, %parallel_loop3A_1695 : vector<16xi32>
      %parallel_loop3A_1697 = arith.select %parallel_loop3A_1696, %parallel_loop3A_1693, %parallel_loop3A_1521 : vector<16xi1>, vector<16xf32>
      %parallel_loop3A_1698 = arith.constant 1 : i32
      %parallel_loop3A_1699 = vector.broadcast %parallel_loop3A_1698 : i32 to vector<16xi32>
      %parallel_loop3A_1700 = arith.cmpi eq, %parallel_loop3A_1598, %parallel_loop3A_1699 : vector<16xi32>
      %parallel_loop3A_1701 = arith.select %parallel_loop3A_1700, %parallel_loop3A_1693, %parallel_loop3A_1525 : vector<16xi1>, vector<16xf32>
      %parallel_loop3A_1702 = arith.constant 2 : i32
      %parallel_loop3A_1703 = vector.broadcast %parallel_loop3A_1702 : i32 to vector<16xi32>
      %parallel_loop3A_1704 = arith.cmpi eq, %parallel_loop3A_1598, %parallel_loop3A_1703 : vector<16xi32>
      %parallel_loop3A_1705 = arith.select %parallel_loop3A_1704, %parallel_loop3A_1693, %parallel_loop3A_1529 : vector<16xi1>, vector<16xf32>
      %parallel_loop3A_1706 = arith.constant 3 : i32
      %parallel_loop3A_1707 = vector.broadcast %parallel_loop3A_1706 : i32 to vector<16xi32>
      %parallel_loop3A_1708 = arith.cmpi eq, %parallel_loop3A_1598, %parallel_loop3A_1707 : vector<16xi32>
      %parallel_loop3A_1709 = arith.select %parallel_loop3A_1708, %parallel_loop3A_1693, %parallel_loop3A_1533 : vector<16xi1>, vector<16xf32>
      %parallel_loop3A_1710 = arith.constant 4 : i32
      %parallel_loop3A_1711 = vector.broadcast %parallel_loop3A_1710 : i32 to vector<16xi32>
      %parallel_loop3A_1712 = arith.cmpi eq, %parallel_loop3A_1598, %parallel_loop3A_1711 : vector<16xi32>
      %parallel_loop3A_1713 = arith.select %parallel_loop3A_1712, %parallel_loop3A_1693, %parallel_loop3A_1537 : vector<16xi1>, vector<16xf32>
      %parallel_loop3A_1714 = arith.constant 5 : i32
      %parallel_loop3A_1715 = vector.broadcast %parallel_loop3A_1714 : i32 to vector<16xi32>
      %parallel_loop3A_1716 = arith.cmpi eq, %parallel_loop3A_1598, %parallel_loop3A_1715 : vector<16xi32>
      %parallel_loop3A_1717 = arith.select %parallel_loop3A_1716, %parallel_loop3A_1693, %parallel_loop3A_1541 : vector<16xi1>, vector<16xf32>
      %parallel_loop3A_1718 = arith.constant 6 : i32
      %parallel_loop3A_1719 = vector.broadcast %parallel_loop3A_1718 : i32 to vector<16xi32>
      %parallel_loop3A_1720 = arith.cmpi eq, %parallel_loop3A_1598, %parallel_loop3A_1719 : vector<16xi32>
      %parallel_loop3A_1721 = arith.select %parallel_loop3A_1720, %parallel_loop3A_1693, %parallel_loop3A_1545 : vector<16xi1>, vector<16xf32>
      %parallel_loop3A_1722 = arith.constant 7 : i32
      %parallel_loop3A_1723 = vector.broadcast %parallel_loop3A_1722 : i32 to vector<16xi32>
      %parallel_loop3A_1724 = arith.cmpi eq, %parallel_loop3A_1598, %parallel_loop3A_1723 : vector<16xi32>
      %parallel_loop3A_1725 = arith.select %parallel_loop3A_1724, %parallel_loop3A_1693, %parallel_loop3A_1549 : vector<16xi1>, vector<16xf32>
      %parallel_loop3A_1726 = arith.maximumf %parallel_loop3A_1697, %parallel_loop3A_1701 : vector<16xf32>
      %parallel_loop3A_1727 = arith.maximumf %parallel_loop3A_1705, %parallel_loop3A_1709 : vector<16xf32>
      %parallel_loop3A_1728 = arith.maximumf %parallel_loop3A_1713, %parallel_loop3A_1717 : vector<16xf32>
      %parallel_loop3A_1729 = arith.maximumf %parallel_loop3A_1721, %parallel_loop3A_1725 : vector<16xf32>
      %parallel_loop3A_1730 = arith.maximumf %parallel_loop3A_1726, %parallel_loop3A_1727 : vector<16xf32>
      %parallel_loop3A_1731 = arith.maximumf %parallel_loop3A_1728, %parallel_loop3A_1729 : vector<16xf32>
      %parallel_loop3A_1732 = arith.maximumf %parallel_loop3A_1730, %parallel_loop3A_1731 : vector<16xf32>
      %parallel_loop3A_1733 = arith.cmpf oeq, %parallel_loop3A_1697, %parallel_loop3A_1732 : vector<16xf32>
      %parallel_loop3A_1734 = arith.constant 0 : i32
      %parallel_loop3A_1735 = vector.broadcast %parallel_loop3A_1734 : i32 to vector<16xi32>
      %parallel_loop3A_1736 = arith.select %parallel_loop3A_1733, %parallel_loop3A_1735, %parallel_loop3A_669 : vector<16xi1>, vector<16xi32>
      %parallel_loop3A_1737 = arith.cmpf oeq, %parallel_loop3A_1701, %parallel_loop3A_1732 : vector<16xf32>
      %parallel_loop3A_1738 = arith.constant 1 : i32
      %parallel_loop3A_1739 = vector.broadcast %parallel_loop3A_1738 : i32 to vector<16xi32>
      %parallel_loop3A_1740 = arith.select %parallel_loop3A_1737, %parallel_loop3A_1739, %parallel_loop3A_669 : vector<16xi1>, vector<16xi32>
      %parallel_loop3A_1741 = arith.cmpf oeq, %parallel_loop3A_1705, %parallel_loop3A_1732 : vector<16xf32>
      %parallel_loop3A_1742 = arith.constant 2 : i32
      %parallel_loop3A_1743 = vector.broadcast %parallel_loop3A_1742 : i32 to vector<16xi32>
      %parallel_loop3A_1744 = arith.select %parallel_loop3A_1741, %parallel_loop3A_1743, %parallel_loop3A_669 : vector<16xi1>, vector<16xi32>
      %parallel_loop3A_1745 = arith.cmpf oeq, %parallel_loop3A_1709, %parallel_loop3A_1732 : vector<16xf32>
      %parallel_loop3A_1746 = arith.constant 3 : i32
      %parallel_loop3A_1747 = vector.broadcast %parallel_loop3A_1746 : i32 to vector<16xi32>
      %parallel_loop3A_1748 = arith.select %parallel_loop3A_1745, %parallel_loop3A_1747, %parallel_loop3A_669 : vector<16xi1>, vector<16xi32>
      %parallel_loop3A_1749 = arith.cmpf oeq, %parallel_loop3A_1713, %parallel_loop3A_1732 : vector<16xf32>
      %parallel_loop3A_1750 = arith.constant 4 : i32
      %parallel_loop3A_1751 = vector.broadcast %parallel_loop3A_1750 : i32 to vector<16xi32>
      %parallel_loop3A_1752 = arith.select %parallel_loop3A_1749, %parallel_loop3A_1751, %parallel_loop3A_669 : vector<16xi1>, vector<16xi32>
      %parallel_loop3A_1753 = arith.cmpf oeq, %parallel_loop3A_1717, %parallel_loop3A_1732 : vector<16xf32>
      %parallel_loop3A_1754 = arith.constant 5 : i32
      %parallel_loop3A_1755 = vector.broadcast %parallel_loop3A_1754 : i32 to vector<16xi32>
      %parallel_loop3A_1756 = arith.select %parallel_loop3A_1753, %parallel_loop3A_1755, %parallel_loop3A_669 : vector<16xi1>, vector<16xi32>
      %parallel_loop3A_1757 = arith.cmpf oeq, %parallel_loop3A_1721, %parallel_loop3A_1732 : vector<16xf32>
      %parallel_loop3A_1758 = arith.constant 6 : i32
      %parallel_loop3A_1759 = vector.broadcast %parallel_loop3A_1758 : i32 to vector<16xi32>
      %parallel_loop3A_1760 = arith.select %parallel_loop3A_1757, %parallel_loop3A_1759, %parallel_loop3A_669 : vector<16xi1>, vector<16xi32>
      %parallel_loop3A_1761 = arith.cmpf oeq, %parallel_loop3A_1725, %parallel_loop3A_1732 : vector<16xf32>
      %parallel_loop3A_1762 = arith.constant 7 : i32
      %parallel_loop3A_1763 = vector.broadcast %parallel_loop3A_1762 : i32 to vector<16xi32>
      %parallel_loop3A_1764 = arith.select %parallel_loop3A_1761, %parallel_loop3A_1763, %parallel_loop3A_669 : vector<16xi1>, vector<16xi32>
      %parallel_loop3A_1765 = arith.minsi %parallel_loop3A_1736, %parallel_loop3A_1740 : vector<16xi32>
      %parallel_loop3A_1766 = arith.minsi %parallel_loop3A_1744, %parallel_loop3A_1748 : vector<16xi32>
      %parallel_loop3A_1767 = arith.minsi %parallel_loop3A_1752, %parallel_loop3A_1756 : vector<16xi32>
      %parallel_loop3A_1768 = arith.minsi %parallel_loop3A_1760, %parallel_loop3A_1764 : vector<16xi32>
      %parallel_loop3A_1769 = arith.minsi %parallel_loop3A_1765, %parallel_loop3A_1766 : vector<16xi32>
      %parallel_loop3A_1770 = arith.minsi %parallel_loop3A_1767, %parallel_loop3A_1768 : vector<16xi32>
      %parallel_loop3A_1771 = arith.minsi %parallel_loop3A_1769, %parallel_loop3A_1770 : vector<16xi32>
      %parallel_loop3A_1772 = arith.constant 7 : i32
      %parallel_loop3A_1773 = vector.broadcast %parallel_loop3A_1772 : i32 to vector<16xi32>
      %parallel_loop3A_1774 = arith.minsi %parallel_loop3A_1771, %parallel_loop3A_1773 : vector<16xi32>
      %parallel_loop3A_1775 = arith.constant 8 : i32
      %parallel_loop3A_1776 = vector.broadcast %parallel_loop3A_1775 : i32 to vector<16xi32>
      %parallel_loop3A_1777 = arith.muli %parallel_loop3A_1774, %parallel_loop3A_1776 : vector<16xi32>
      %parallel_loop3A_1778 = arith.constant 0 : i32
      %parallel_loop3A_1779 = vector.broadcast %parallel_loop3A_1778 : i32 to vector<16xi32>
      %parallel_loop3A_1780 = arith.addi %parallel_loop3A_1777, %parallel_loop3A_1779 : vector<16xi32>
      %parallel_loop3A_1781 = arith.constant 1 : i32
      %parallel_loop3A_1782 = vector.broadcast %parallel_loop3A_1781 : i32 to vector<16xi32>
      %parallel_loop3A_1783 = arith.addi %parallel_loop3A_1777, %parallel_loop3A_1782 : vector<16xi32>
      %parallel_loop3A_1784 = arith.constant 2 : i32
      %parallel_loop3A_1785 = vector.broadcast %parallel_loop3A_1784 : i32 to vector<16xi32>
      %parallel_loop3A_1786 = arith.addi %parallel_loop3A_1777, %parallel_loop3A_1785 : vector<16xi32>
      %parallel_loop3A_1787 = arith.constant 3 : i32
      %parallel_loop3A_1788 = vector.broadcast %parallel_loop3A_1787 : i32 to vector<16xi32>
      %parallel_loop3A_1789 = arith.addi %parallel_loop3A_1777, %parallel_loop3A_1788 : vector<16xi32>
      %parallel_loop3A_1790 = arith.constant 4 : i32
      %parallel_loop3A_1791 = vector.broadcast %parallel_loop3A_1790 : i32 to vector<16xi32>
      %parallel_loop3A_1792 = arith.addi %parallel_loop3A_1777, %parallel_loop3A_1791 : vector<16xi32>
      %parallel_loop3A_1793 = arith.constant 5 : i32
      %parallel_loop3A_1794 = vector.broadcast %parallel_loop3A_1793 : i32 to vector<16xi32>
      %parallel_loop3A_1795 = arith.addi %parallel_loop3A_1777, %parallel_loop3A_1794 : vector<16xi32>
      %parallel_loop3A_1796 = arith.constant 6 : i32
      %parallel_loop3A_1797 = vector.broadcast %parallel_loop3A_1796 : i32 to vector<16xi32>
      %parallel_loop3A_1798 = arith.addi %parallel_loop3A_1777, %parallel_loop3A_1797 : vector<16xi32>
      %parallel_loop3A_1799 = arith.constant 7 : i32
      %parallel_loop3A_1800 = vector.broadcast %parallel_loop3A_1799 : i32 to vector<16xi32>
      %parallel_loop3A_1801 = arith.addi %parallel_loop3A_1777, %parallel_loop3A_1800 : vector<16xi32>
      %parallel_loop3A_1802 = arith.addi %parallel_loop3A_19, %parallel_loop3A_1780 : vector<16xi32>
      %parallel_loop3A_1803 = tpu.vector_load_idx %arg6[%parallel_loop3A_1802] : memref<65536xf32, #tpu.memory_space<vmem>>[vector<16xi32>], vector<16xf32>,
      %parallel_loop3A_1804 = arith.addi %parallel_loop3A_19, %parallel_loop3A_1783 : vector<16xi32>
      %parallel_loop3A_1805 = tpu.vector_load_idx %arg6[%parallel_loop3A_1804] : memref<65536xf32, #tpu.memory_space<vmem>>[vector<16xi32>], vector<16xf32>,
      %parallel_loop3A_1806 = arith.addi %parallel_loop3A_19, %parallel_loop3A_1786 : vector<16xi32>
      %parallel_loop3A_1807 = tpu.vector_load_idx %arg6[%parallel_loop3A_1806] : memref<65536xf32, #tpu.memory_space<vmem>>[vector<16xi32>], vector<16xf32>,
      %parallel_loop3A_1808 = arith.addi %parallel_loop3A_19, %parallel_loop3A_1789 : vector<16xi32>
      %parallel_loop3A_1809 = tpu.vector_load_idx %arg6[%parallel_loop3A_1808] : memref<65536xf32, #tpu.memory_space<vmem>>[vector<16xi32>], vector<16xf32>,
      %parallel_loop3A_1810 = arith.addi %parallel_loop3A_19, %parallel_loop3A_1792 : vector<16xi32>
      %parallel_loop3A_1811 = tpu.vector_load_idx %arg6[%parallel_loop3A_1810] : memref<65536xf32, #tpu.memory_space<vmem>>[vector<16xi32>], vector<16xf32>,
      %parallel_loop3A_1812 = arith.addi %parallel_loop3A_19, %parallel_loop3A_1795 : vector<16xi32>
      %parallel_loop3A_1813 = tpu.vector_load_idx %arg6[%parallel_loop3A_1812] : memref<65536xf32, #tpu.memory_space<vmem>>[vector<16xi32>], vector<16xf32>,
      %parallel_loop3A_1814 = arith.addi %parallel_loop3A_19, %parallel_loop3A_1798 : vector<16xi32>
      %parallel_loop3A_1815 = tpu.vector_load_idx %arg6[%parallel_loop3A_1814] : memref<65536xf32, #tpu.memory_space<vmem>>[vector<16xi32>], vector<16xf32>,
      %parallel_loop3A_1816 = arith.addi %parallel_loop3A_19, %parallel_loop3A_1801 : vector<16xi32>
      %parallel_loop3A_1817 = tpu.vector_load_idx %arg6[%parallel_loop3A_1816] : memref<65536xf32, #tpu.memory_space<vmem>>[vector<16xi32>], vector<16xf32>,
      %parallel_loop3A_1818 = arith.cmpf oeq, %parallel_loop3A_1803, %parallel_loop3A_1732 : vector<16xf32>
      %parallel_loop3A_1819 = arith.select %parallel_loop3A_1818, %parallel_loop3A_1780, %parallel_loop3A_669 : vector<16xi1>, vector<16xi32>
      %parallel_loop3A_1820 = arith.cmpf oeq, %parallel_loop3A_1805, %parallel_loop3A_1732 : vector<16xf32>
      %parallel_loop3A_1821 = arith.select %parallel_loop3A_1820, %parallel_loop3A_1783, %parallel_loop3A_669 : vector<16xi1>, vector<16xi32>
      %parallel_loop3A_1822 = arith.cmpf oeq, %parallel_loop3A_1807, %parallel_loop3A_1732 : vector<16xf32>
      %parallel_loop3A_1823 = arith.select %parallel_loop3A_1822, %parallel_loop3A_1786, %parallel_loop3A_669 : vector<16xi1>, vector<16xi32>
      %parallel_loop3A_1824 = arith.cmpf oeq, %parallel_loop3A_1809, %parallel_loop3A_1732 : vector<16xf32>
      %parallel_loop3A_1825 = arith.select %parallel_loop3A_1824, %parallel_loop3A_1789, %parallel_loop3A_669 : vector<16xi1>, vector<16xi32>
      %parallel_loop3A_1826 = arith.cmpf oeq, %parallel_loop3A_1811, %parallel_loop3A_1732 : vector<16xf32>
      %parallel_loop3A_1827 = arith.select %parallel_loop3A_1826, %parallel_loop3A_1792, %parallel_loop3A_669 : vector<16xi1>, vector<16xi32>
      %parallel_loop3A_1828 = arith.cmpf oeq, %parallel_loop3A_1813, %parallel_loop3A_1732 : vector<16xf32>
      %parallel_loop3A_1829 = arith.select %parallel_loop3A_1828, %parallel_loop3A_1795, %parallel_loop3A_669 : vector<16xi1>, vector<16xi32>
      %parallel_loop3A_1830 = arith.cmpf oeq, %parallel_loop3A_1815, %parallel_loop3A_1732 : vector<16xf32>
      %parallel_loop3A_1831 = arith.select %parallel_loop3A_1830, %parallel_loop3A_1798, %parallel_loop3A_669 : vector<16xi1>, vector<16xi32>
      %parallel_loop3A_1832 = arith.cmpf oeq, %parallel_loop3A_1817, %parallel_loop3A_1732 : vector<16xf32>
      %parallel_loop3A_1833 = arith.select %parallel_loop3A_1832, %parallel_loop3A_1801, %parallel_loop3A_669 : vector<16xi1>, vector<16xi32>
      %parallel_loop3A_1834 = arith.minsi %parallel_loop3A_1819, %parallel_loop3A_1821 : vector<16xi32>
      %parallel_loop3A_1835 = arith.minsi %parallel_loop3A_1823, %parallel_loop3A_1825 : vector<16xi32>
      %parallel_loop3A_1836 = arith.minsi %parallel_loop3A_1827, %parallel_loop3A_1829 : vector<16xi32>
      %parallel_loop3A_1837 = arith.minsi %parallel_loop3A_1831, %parallel_loop3A_1833 : vector<16xi32>
      %parallel_loop3A_1838 = arith.minsi %parallel_loop3A_1834, %parallel_loop3A_1835 : vector<16xi32>
      %parallel_loop3A_1839 = arith.minsi %parallel_loop3A_1836, %parallel_loop3A_1837 : vector<16xi32>
      %parallel_loop3A_1840 = arith.minsi %parallel_loop3A_1838, %parallel_loop3A_1839 : vector<16xi32>
      %parallel_loop3A_1841 = arith.constant 63 : i32
      %parallel_loop3A_1842 = vector.broadcast %parallel_loop3A_1841 : i32 to vector<16xi32>
      %parallel_loop3A_1843 = arith.minsi %parallel_loop3A_1840, %parallel_loop3A_1842 : vector<16xi32>
      %parallel_loop3A_1844 = tpu.vector_load_idx %arg7[%parallel_loop3A_1843] : memref<64xf32, #tpu.memory_space<vmem>>[vector<16xi32>], vector<16xf32>,
      %parallel_loop3A_1845 = arith.subf %parallel_loop3A_1732, %parallel_loop3A_1844 : vector<16xf32>
      %parallel_loop3A_1846 = arith.addi %parallel_loop3A_19, %parallel_loop3A_1843 : vector<16xi32>
      tpu.vector_store_idx %arg6[%parallel_loop3A_1846], %broadcast_in_dim3A_5 : memref<65536xf32, #tpu.memory_space<vmem>>[vector<16xi32>], vector<16xf32>,
      %parallel_loop3A_1847 = arith.cmpi eq, %parallel_loop3A_1780, %parallel_loop3A_1843 : vector<16xi32>
      %parallel_loop3A_1848 = arith.select %parallel_loop3A_1847, %broadcast_in_dim3A_5, %parallel_loop3A_1803 : vector<16xi1>, vector<16xf32>
      %parallel_loop3A_1849 = arith.cmpi eq, %parallel_loop3A_1783, %parallel_loop3A_1843 : vector<16xi32>
      %parallel_loop3A_1850 = arith.select %parallel_loop3A_1849, %broadcast_in_dim3A_5, %parallel_loop3A_1805 : vector<16xi1>, vector<16xf32>
      %parallel_loop3A_1851 = arith.cmpi eq, %parallel_loop3A_1786, %parallel_loop3A_1843 : vector<16xi32>
      %parallel_loop3A_1852 = arith.select %parallel_loop3A_1851, %broadcast_in_dim3A_5, %parallel_loop3A_1807 : vector<16xi1>, vector<16xf32>
      %parallel_loop3A_1853 = arith.cmpi eq, %parallel_loop3A_1789, %parallel_loop3A_1843 : vector<16xi32>
      %parallel_loop3A_1854 = arith.select %parallel_loop3A_1853, %broadcast_in_dim3A_5, %parallel_loop3A_1809 : vector<16xi1>, vector<16xf32>
      %parallel_loop3A_1855 = arith.cmpi eq, %parallel_loop3A_1792, %parallel_loop3A_1843 : vector<16xi32>
      %parallel_loop3A_1856 = arith.select %parallel_loop3A_1855, %broadcast_in_dim3A_5, %parallel_loop3A_1811 : vector<16xi1>, vector<16xf32>
      %parallel_loop3A_1857 = arith.cmpi eq, %parallel_loop3A_1795, %parallel_loop3A_1843 : vector<16xi32>
      %parallel_loop3A_1858 = arith.select %parallel_loop3A_1857, %broadcast_in_dim3A_5, %parallel_loop3A_1813 : vector<16xi1>, vector<16xf32>
      %parallel_loop3A_1859 = arith.cmpi eq, %parallel_loop3A_1798, %parallel_loop3A_1843 : vector<16xi32>
      %parallel_loop3A_1860 = arith.select %parallel_loop3A_1859, %broadcast_in_dim3A_5, %parallel_loop3A_1815 : vector<16xi1>, vector<16xf32>
      %parallel_loop3A_1861 = arith.cmpi eq, %parallel_loop3A_1801, %parallel_loop3A_1843 : vector<16xi32>
      %parallel_loop3A_1862 = arith.select %parallel_loop3A_1861, %broadcast_in_dim3A_5, %parallel_loop3A_1817 : vector<16xi1>, vector<16xf32>
      %parallel_loop3A_1863 = arith.maximumf %parallel_loop3A_1848, %parallel_loop3A_1850 : vector<16xf32>
      %parallel_loop3A_1864 = arith.maximumf %parallel_loop3A_1852, %parallel_loop3A_1854 : vector<16xf32>
      %parallel_loop3A_1865 = arith.maximumf %parallel_loop3A_1856, %parallel_loop3A_1858 : vector<16xf32>
      %parallel_loop3A_1866 = arith.maximumf %parallel_loop3A_1860, %parallel_loop3A_1862 : vector<16xf32>
      %parallel_loop3A_1867 = arith.maximumf %parallel_loop3A_1863, %parallel_loop3A_1864 : vector<16xf32>
      %parallel_loop3A_1868 = arith.maximumf %parallel_loop3A_1865, %parallel_loop3A_1866 : vector<16xf32>
      %parallel_loop3A_1869 = arith.maximumf %parallel_loop3A_1867, %parallel_loop3A_1868 : vector<16xf32>
      %parallel_loop3A_1870 = arith.constant 0 : i32
      %parallel_loop3A_1871 = vector.broadcast %parallel_loop3A_1870 : i32 to vector<16xi32>
      %parallel_loop3A_1872 = arith.cmpi eq, %parallel_loop3A_1774, %parallel_loop3A_1871 : vector<16xi32>
      %parallel_loop3A_1873 = arith.select %parallel_loop3A_1872, %parallel_loop3A_1869, %parallel_loop3A_1697 : vector<16xi1>, vector<16xf32>
      %parallel_loop3A_1874 = arith.constant 1 : i32
      %parallel_loop3A_1875 = vector.broadcast %parallel_loop3A_1874 : i32 to vector<16xi32>
      %parallel_loop3A_1876 = arith.cmpi eq, %parallel_loop3A_1774, %parallel_loop3A_1875 : vector<16xi32>
      %parallel_loop3A_1877 = arith.select %parallel_loop3A_1876, %parallel_loop3A_1869, %parallel_loop3A_1701 : vector<16xi1>, vector<16xf32>
      %parallel_loop3A_1878 = arith.constant 2 : i32
      %parallel_loop3A_1879 = vector.broadcast %parallel_loop3A_1878 : i32 to vector<16xi32>
      %parallel_loop3A_1880 = arith.cmpi eq, %parallel_loop3A_1774, %parallel_loop3A_1879 : vector<16xi32>
      %parallel_loop3A_1881 = arith.select %parallel_loop3A_1880, %parallel_loop3A_1869, %parallel_loop3A_1705 : vector<16xi1>, vector<16xf32>
      %parallel_loop3A_1882 = arith.constant 3 : i32
      %parallel_loop3A_1883 = vector.broadcast %parallel_loop3A_1882 : i32 to vector<16xi32>
      %parallel_loop3A_1884 = arith.cmpi eq, %parallel_loop3A_1774, %parallel_loop3A_1883 : vector<16xi32>
      %parallel_loop3A_1885 = arith.select %parallel_loop3A_1884, %parallel_loop3A_1869, %parallel_loop3A_1709 : vector<16xi1>, vector<16xf32>
      %parallel_loop3A_1886 = arith.constant 4 : i32
      %parallel_loop3A_1887 = vector.broadcast %parallel_loop3A_1886 : i32 to vector<16xi32>
      %parallel_loop3A_1888 = arith.cmpi eq, %parallel_loop3A_1774, %parallel_loop3A_1887 : vector<16xi32>
      %parallel_loop3A_1889 = arith.select %parallel_loop3A_1888, %parallel_loop3A_1869, %parallel_loop3A_1713 : vector<16xi1>, vector<16xf32>
      %parallel_loop3A_1890 = arith.constant 5 : i32
      %parallel_loop3A_1891 = vector.broadcast %parallel_loop3A_1890 : i32 to vector<16xi32>
      %parallel_loop3A_1892 = arith.cmpi eq, %parallel_loop3A_1774, %parallel_loop3A_1891 : vector<16xi32>
      %parallel_loop3A_1893 = arith.select %parallel_loop3A_1892, %parallel_loop3A_1869, %parallel_loop3A_1717 : vector<16xi1>, vector<16xf32>
      %parallel_loop3A_1894 = arith.constant 6 : i32
      %parallel_loop3A_1895 = vector.broadcast %parallel_loop3A_1894 : i32 to vector<16xi32>
      %parallel_loop3A_1896 = arith.cmpi eq, %parallel_loop3A_1774, %parallel_loop3A_1895 : vector<16xi32>
      %parallel_loop3A_1897 = arith.select %parallel_loop3A_1896, %parallel_loop3A_1869, %parallel_loop3A_1721 : vector<16xi1>, vector<16xf32>
      %parallel_loop3A_1898 = arith.constant 7 : i32
      %parallel_loop3A_1899 = vector.broadcast %parallel_loop3A_1898 : i32 to vector<16xi32>
      %parallel_loop3A_1900 = arith.cmpi eq, %parallel_loop3A_1774, %parallel_loop3A_1899 : vector<16xi32>
      %parallel_loop3A_1901 = arith.select %parallel_loop3A_1900, %parallel_loop3A_1869, %parallel_loop3A_1725 : vector<16xi1>, vector<16xf32>
      %parallel_loop3A_1902 = arith.maximumf %parallel_loop3A_1873, %parallel_loop3A_1877 : vector<16xf32>
      %parallel_loop3A_1903 = arith.maximumf %parallel_loop3A_1881, %parallel_loop3A_1885 : vector<16xf32>
      %parallel_loop3A_1904 = arith.maximumf %parallel_loop3A_1889, %parallel_loop3A_1893 : vector<16xf32>
      %parallel_loop3A_1905 = arith.maximumf %parallel_loop3A_1897, %parallel_loop3A_1901 : vector<16xf32>
      %parallel_loop3A_1906 = arith.maximumf %parallel_loop3A_1902, %parallel_loop3A_1903 : vector<16xf32>
      %parallel_loop3A_1907 = arith.maximumf %parallel_loop3A_1904, %parallel_loop3A_1905 : vector<16xf32>
      %parallel_loop3A_1908 = arith.maximumf %parallel_loop3A_1906, %parallel_loop3A_1907 : vector<16xf32>
      %parallel_loop3A_1909 = arith.cmpf oeq, %parallel_loop3A_1873, %parallel_loop3A_1908 : vector<16xf32>
      %parallel_loop3A_1910 = arith.constant 0 : i32
      %parallel_loop3A_1911 = vector.broadcast %parallel_loop3A_1910 : i32 to vector<16xi32>
      %parallel_loop3A_1912 = arith.select %parallel_loop3A_1909, %parallel_loop3A_1911, %parallel_loop3A_669 : vector<16xi1>, vector<16xi32>
      %parallel_loop3A_1913 = arith.cmpf oeq, %parallel_loop3A_1877, %parallel_loop3A_1908 : vector<16xf32>
      %parallel_loop3A_1914 = arith.constant 1 : i32
      %parallel_loop3A_1915 = vector.broadcast %parallel_loop3A_1914 : i32 to vector<16xi32>
      %parallel_loop3A_1916 = arith.select %parallel_loop3A_1913, %parallel_loop3A_1915, %parallel_loop3A_669 : vector<16xi1>, vector<16xi32>
      %parallel_loop3A_1917 = arith.cmpf oeq, %parallel_loop3A_1881, %parallel_loop3A_1908 : vector<16xf32>
      %parallel_loop3A_1918 = arith.constant 2 : i32
      %parallel_loop3A_1919 = vector.broadcast %parallel_loop3A_1918 : i32 to vector<16xi32>
      %parallel_loop3A_1920 = arith.select %parallel_loop3A_1917, %parallel_loop3A_1919, %parallel_loop3A_669 : vector<16xi1>, vector<16xi32>
      %parallel_loop3A_1921 = arith.cmpf oeq, %parallel_loop3A_1885, %parallel_loop3A_1908 : vector<16xf32>
      %parallel_loop3A_1922 = arith.constant 3 : i32
      %parallel_loop3A_1923 = vector.broadcast %parallel_loop3A_1922 : i32 to vector<16xi32>
      %parallel_loop3A_1924 = arith.select %parallel_loop3A_1921, %parallel_loop3A_1923, %parallel_loop3A_669 : vector<16xi1>, vector<16xi32>
      %parallel_loop3A_1925 = arith.cmpf oeq, %parallel_loop3A_1889, %parallel_loop3A_1908 : vector<16xf32>
      %parallel_loop3A_1926 = arith.constant 4 : i32
      %parallel_loop3A_1927 = vector.broadcast %parallel_loop3A_1926 : i32 to vector<16xi32>
      %parallel_loop3A_1928 = arith.select %parallel_loop3A_1925, %parallel_loop3A_1927, %parallel_loop3A_669 : vector<16xi1>, vector<16xi32>
      %parallel_loop3A_1929 = arith.cmpf oeq, %parallel_loop3A_1893, %parallel_loop3A_1908 : vector<16xf32>
      %parallel_loop3A_1930 = arith.constant 5 : i32
      %parallel_loop3A_1931 = vector.broadcast %parallel_loop3A_1930 : i32 to vector<16xi32>
      %parallel_loop3A_1932 = arith.select %parallel_loop3A_1929, %parallel_loop3A_1931, %parallel_loop3A_669 : vector<16xi1>, vector<16xi32>
      %parallel_loop3A_1933 = arith.cmpf oeq, %parallel_loop3A_1897, %parallel_loop3A_1908 : vector<16xf32>
      %parallel_loop3A_1934 = arith.constant 6 : i32
      %parallel_loop3A_1935 = vector.broadcast %parallel_loop3A_1934 : i32 to vector<16xi32>
      %parallel_loop3A_1936 = arith.select %parallel_loop3A_1933, %parallel_loop3A_1935, %parallel_loop3A_669 : vector<16xi1>, vector<16xi32>
      %parallel_loop3A_1937 = arith.cmpf oeq, %parallel_loop3A_1901, %parallel_loop3A_1908 : vector<16xf32>
      %parallel_loop3A_1938 = arith.constant 7 : i32
      %parallel_loop3A_1939 = vector.broadcast %parallel_loop3A_1938 : i32 to vector<16xi32>
      %parallel_loop3A_1940 = arith.select %parallel_loop3A_1937, %parallel_loop3A_1939, %parallel_loop3A_669 : vector<16xi1>, vector<16xi32>
      %parallel_loop3A_1941 = arith.minsi %parallel_loop3A_1912, %parallel_loop3A_1916 : vector<16xi32>
      %parallel_loop3A_1942 = arith.minsi %parallel_loop3A_1920, %parallel_loop3A_1924 : vector<16xi32>
      %parallel_loop3A_1943 = arith.minsi %parallel_loop3A_1928, %parallel_loop3A_1932 : vector<16xi32>
      %parallel_loop3A_1944 = arith.minsi %parallel_loop3A_1936, %parallel_loop3A_1940 : vector<16xi32>
      %parallel_loop3A_1945 = arith.minsi %parallel_loop3A_1941, %parallel_loop3A_1942 : vector<16xi32>
      %parallel_loop3A_1946 = arith.minsi %parallel_loop3A_1943, %parallel_loop3A_1944 : vector<16xi32>
      %parallel_loop3A_1947 = arith.minsi %parallel_loop3A_1945, %parallel_loop3A_1946 : vector<16xi32>
      %parallel_loop3A_1948 = arith.constant 7 : i32
      %parallel_loop3A_1949 = vector.broadcast %parallel_loop3A_1948 : i32 to vector<16xi32>
      %parallel_loop3A_1950 = arith.minsi %parallel_loop3A_1947, %parallel_loop3A_1949 : vector<16xi32>
      %parallel_loop3A_1951 = arith.constant 8 : i32
      %parallel_loop3A_1952 = vector.broadcast %parallel_loop3A_1951 : i32 to vector<16xi32>
      %parallel_loop3A_1953 = arith.muli %parallel_loop3A_1950, %parallel_loop3A_1952 : vector<16xi32>
      %parallel_loop3A_1954 = arith.constant 0 : i32
      %parallel_loop3A_1955 = vector.broadcast %parallel_loop3A_1954 : i32 to vector<16xi32>
      %parallel_loop3A_1956 = arith.addi %parallel_loop3A_1953, %parallel_loop3A_1955 : vector<16xi32>
      %parallel_loop3A_1957 = arith.constant 1 : i32
      %parallel_loop3A_1958 = vector.broadcast %parallel_loop3A_1957 : i32 to vector<16xi32>
      %parallel_loop3A_1959 = arith.addi %parallel_loop3A_1953, %parallel_loop3A_1958 : vector<16xi32>
      %parallel_loop3A_1960 = arith.constant 2 : i32
      %parallel_loop3A_1961 = vector.broadcast %parallel_loop3A_1960 : i32 to vector<16xi32>
      %parallel_loop3A_1962 = arith.addi %parallel_loop3A_1953, %parallel_loop3A_1961 : vector<16xi32>
      %parallel_loop3A_1963 = arith.constant 3 : i32
      %parallel_loop3A_1964 = vector.broadcast %parallel_loop3A_1963 : i32 to vector<16xi32>
      %parallel_loop3A_1965 = arith.addi %parallel_loop3A_1953, %parallel_loop3A_1964 : vector<16xi32>
      %parallel_loop3A_1966 = arith.constant 4 : i32
      %parallel_loop3A_1967 = vector.broadcast %parallel_loop3A_1966 : i32 to vector<16xi32>
      %parallel_loop3A_1968 = arith.addi %parallel_loop3A_1953, %parallel_loop3A_1967 : vector<16xi32>
      %parallel_loop3A_1969 = arith.constant 5 : i32
      %parallel_loop3A_1970 = vector.broadcast %parallel_loop3A_1969 : i32 to vector<16xi32>
      %parallel_loop3A_1971 = arith.addi %parallel_loop3A_1953, %parallel_loop3A_1970 : vector<16xi32>
      %parallel_loop3A_1972 = arith.constant 6 : i32
      %parallel_loop3A_1973 = vector.broadcast %parallel_loop3A_1972 : i32 to vector<16xi32>
      %parallel_loop3A_1974 = arith.addi %parallel_loop3A_1953, %parallel_loop3A_1973 : vector<16xi32>
      %parallel_loop3A_1975 = arith.constant 7 : i32
      %parallel_loop3A_1976 = vector.broadcast %parallel_loop3A_1975 : i32 to vector<16xi32>
      %parallel_loop3A_1977 = arith.addi %parallel_loop3A_1953, %parallel_loop3A_1976 : vector<16xi32>
      %parallel_loop3A_1978 = arith.addi %parallel_loop3A_19, %parallel_loop3A_1956 : vector<16xi32>
      %parallel_loop3A_1979 = tpu.vector_load_idx %arg6[%parallel_loop3A_1978] : memref<65536xf32, #tpu.memory_space<vmem>>[vector<16xi32>], vector<16xf32>,
      %parallel_loop3A_1980 = arith.addi %parallel_loop3A_19, %parallel_loop3A_1959 : vector<16xi32>
      %parallel_loop3A_1981 = tpu.vector_load_idx %arg6[%parallel_loop3A_1980] : memref<65536xf32, #tpu.memory_space<vmem>>[vector<16xi32>], vector<16xf32>,
      %parallel_loop3A_1982 = arith.addi %parallel_loop3A_19, %parallel_loop3A_1962 : vector<16xi32>
      %parallel_loop3A_1983 = tpu.vector_load_idx %arg6[%parallel_loop3A_1982] : memref<65536xf32, #tpu.memory_space<vmem>>[vector<16xi32>], vector<16xf32>,
      %parallel_loop3A_1984 = arith.addi %parallel_loop3A_19, %parallel_loop3A_1965 : vector<16xi32>
      %parallel_loop3A_1985 = tpu.vector_load_idx %arg6[%parallel_loop3A_1984] : memref<65536xf32, #tpu.memory_space<vmem>>[vector<16xi32>], vector<16xf32>,
      %parallel_loop3A_1986 = arith.addi %parallel_loop3A_19, %parallel_loop3A_1968 : vector<16xi32>
      %parallel_loop3A_1987 = tpu.vector_load_idx %arg6[%parallel_loop3A_1986] : memref<65536xf32, #tpu.memory_space<vmem>>[vector<16xi32>], vector<16xf32>,
      %parallel_loop3A_1988 = arith.addi %parallel_loop3A_19, %parallel_loop3A_1971 : vector<16xi32>
      %parallel_loop3A_1989 = tpu.vector_load_idx %arg6[%parallel_loop3A_1988] : memref<65536xf32, #tpu.memory_space<vmem>>[vector<16xi32>], vector<16xf32>,
      %parallel_loop3A_1990 = arith.addi %parallel_loop3A_19, %parallel_loop3A_1974 : vector<16xi32>
      %parallel_loop3A_1991 = tpu.vector_load_idx %arg6[%parallel_loop3A_1990] : memref<65536xf32, #tpu.memory_space<vmem>>[vector<16xi32>], vector<16xf32>,
      %parallel_loop3A_1992 = arith.addi %parallel_loop3A_19, %parallel_loop3A_1977 : vector<16xi32>
      %parallel_loop3A_1993 = tpu.vector_load_idx %arg6[%parallel_loop3A_1992] : memref<65536xf32, #tpu.memory_space<vmem>>[vector<16xi32>], vector<16xf32>,
      %parallel_loop3A_1994 = arith.cmpf oeq, %parallel_loop3A_1979, %parallel_loop3A_1908 : vector<16xf32>
      %parallel_loop3A_1995 = arith.select %parallel_loop3A_1994, %parallel_loop3A_1956, %parallel_loop3A_669 : vector<16xi1>, vector<16xi32>
      %parallel_loop3A_1996 = arith.cmpf oeq, %parallel_loop3A_1981, %parallel_loop3A_1908 : vector<16xf32>
      %parallel_loop3A_1997 = arith.select %parallel_loop3A_1996, %parallel_loop3A_1959, %parallel_loop3A_669 : vector<16xi1>, vector<16xi32>
      %parallel_loop3A_1998 = arith.cmpf oeq, %parallel_loop3A_1983, %parallel_loop3A_1908 : vector<16xf32>
      %parallel_loop3A_1999 = arith.select %parallel_loop3A_1998, %parallel_loop3A_1962, %parallel_loop3A_669 : vector<16xi1>, vector<16xi32>
      %parallel_loop3A_2000 = arith.cmpf oeq, %parallel_loop3A_1985, %parallel_loop3A_1908 : vector<16xf32>
      %parallel_loop3A_2001 = arith.select %parallel_loop3A_2000, %parallel_loop3A_1965, %parallel_loop3A_669 : vector<16xi1>, vector<16xi32>
      %parallel_loop3A_2002 = arith.cmpf oeq, %parallel_loop3A_1987, %parallel_loop3A_1908 : vector<16xf32>
      %parallel_loop3A_2003 = arith.select %parallel_loop3A_2002, %parallel_loop3A_1968, %parallel_loop3A_669 : vector<16xi1>, vector<16xi32>
      %parallel_loop3A_2004 = arith.cmpf oeq, %parallel_loop3A_1989, %parallel_loop3A_1908 : vector<16xf32>
      %parallel_loop3A_2005 = arith.select %parallel_loop3A_2004, %parallel_loop3A_1971, %parallel_loop3A_669 : vector<16xi1>, vector<16xi32>
      %parallel_loop3A_2006 = arith.cmpf oeq, %parallel_loop3A_1991, %parallel_loop3A_1908 : vector<16xf32>
      %parallel_loop3A_2007 = arith.select %parallel_loop3A_2006, %parallel_loop3A_1974, %parallel_loop3A_669 : vector<16xi1>, vector<16xi32>
      %parallel_loop3A_2008 = arith.cmpf oeq, %parallel_loop3A_1993, %parallel_loop3A_1908 : vector<16xf32>
      %parallel_loop3A_2009 = arith.select %parallel_loop3A_2008, %parallel_loop3A_1977, %parallel_loop3A_669 : vector<16xi1>, vector<16xi32>
      %parallel_loop3A_2010 = arith.minsi %parallel_loop3A_1995, %parallel_loop3A_1997 : vector<16xi32>
      %parallel_loop3A_2011 = arith.minsi %parallel_loop3A_1999, %parallel_loop3A_2001 : vector<16xi32>
      %parallel_loop3A_2012 = arith.minsi %parallel_loop3A_2003, %parallel_loop3A_2005 : vector<16xi32>
      %parallel_loop3A_2013 = arith.minsi %parallel_loop3A_2007, %parallel_loop3A_2009 : vector<16xi32>
      %parallel_loop3A_2014 = arith.minsi %parallel_loop3A_2010, %parallel_loop3A_2011 : vector<16xi32>
      %parallel_loop3A_2015 = arith.minsi %parallel_loop3A_2012, %parallel_loop3A_2013 : vector<16xi32>
      %parallel_loop3A_2016 = arith.minsi %parallel_loop3A_2014, %parallel_loop3A_2015 : vector<16xi32>
      %parallel_loop3A_2017 = arith.constant 63 : i32
      %parallel_loop3A_2018 = vector.broadcast %parallel_loop3A_2017 : i32 to vector<16xi32>
      %parallel_loop3A_2019 = arith.minsi %parallel_loop3A_2016, %parallel_loop3A_2018 : vector<16xi32>
      %parallel_loop3A_2020 = tpu.vector_load_idx %arg7[%parallel_loop3A_2019] : memref<64xf32, #tpu.memory_space<vmem>>[vector<16xi32>], vector<16xf32>,
      %parallel_loop3A_2021 = arith.subf %parallel_loop3A_1908, %parallel_loop3A_2020 : vector<16xf32>
      %parallel_loop3A_2022 = arith.addi %parallel_loop3A_19, %parallel_loop3A_2019 : vector<16xi32>
      tpu.vector_store_idx %arg6[%parallel_loop3A_2022], %broadcast_in_dim3A_5 : memref<65536xf32, #tpu.memory_space<vmem>>[vector<16xi32>], vector<16xf32>,
      %parallel_loop3A_2023 = arith.cmpi eq, %parallel_loop3A_1956, %parallel_loop3A_2019 : vector<16xi32>
      %parallel_loop3A_2024 = arith.select %parallel_loop3A_2023, %broadcast_in_dim3A_5, %parallel_loop3A_1979 : vector<16xi1>, vector<16xf32>
      %parallel_loop3A_2025 = arith.cmpi eq, %parallel_loop3A_1959, %parallel_loop3A_2019 : vector<16xi32>
      %parallel_loop3A_2026 = arith.select %parallel_loop3A_2025, %broadcast_in_dim3A_5, %parallel_loop3A_1981 : vector<16xi1>, vector<16xf32>
      %parallel_loop3A_2027 = arith.cmpi eq, %parallel_loop3A_1962, %parallel_loop3A_2019 : vector<16xi32>
      %parallel_loop3A_2028 = arith.select %parallel_loop3A_2027, %broadcast_in_dim3A_5, %parallel_loop3A_1983 : vector<16xi1>, vector<16xf32>
      %parallel_loop3A_2029 = arith.cmpi eq, %parallel_loop3A_1965, %parallel_loop3A_2019 : vector<16xi32>
      %parallel_loop3A_2030 = arith.select %parallel_loop3A_2029, %broadcast_in_dim3A_5, %parallel_loop3A_1985 : vector<16xi1>, vector<16xf32>
      %parallel_loop3A_2031 = arith.cmpi eq, %parallel_loop3A_1968, %parallel_loop3A_2019 : vector<16xi32>
      %parallel_loop3A_2032 = arith.select %parallel_loop3A_2031, %broadcast_in_dim3A_5, %parallel_loop3A_1987 : vector<16xi1>, vector<16xf32>
      %parallel_loop3A_2033 = arith.cmpi eq, %parallel_loop3A_1971, %parallel_loop3A_2019 : vector<16xi32>
      %parallel_loop3A_2034 = arith.select %parallel_loop3A_2033, %broadcast_in_dim3A_5, %parallel_loop3A_1989 : vector<16xi1>, vector<16xf32>
      %parallel_loop3A_2035 = arith.cmpi eq, %parallel_loop3A_1974, %parallel_loop3A_2019 : vector<16xi32>
      %parallel_loop3A_2036 = arith.select %parallel_loop3A_2035, %broadcast_in_dim3A_5, %parallel_loop3A_1991 : vector<16xi1>, vector<16xf32>
      %parallel_loop3A_2037 = arith.cmpi eq, %parallel_loop3A_1977, %parallel_loop3A_2019 : vector<16xi32>
      %parallel_loop3A_2038 = arith.select %parallel_loop3A_2037, %broadcast_in_dim3A_5, %parallel_loop3A_1993 : vector<16xi1>, vector<16xf32>
      %parallel_loop3A_2039 = arith.maximumf %parallel_loop3A_2024, %parallel_loop3A_2026 : vector<16xf32>
      %parallel_loop3A_2040 = arith.maximumf %parallel_loop3A_2028, %parallel_loop3A_2030 : vector<16xf32>
      %parallel_loop3A_2041 = arith.maximumf %parallel_loop3A_2032, %parallel_loop3A_2034 : vector<16xf32>
      %parallel_loop3A_2042 = arith.maximumf %parallel_loop3A_2036, %parallel_loop3A_2038 : vector<16xf32>
      %parallel_loop3A_2043 = arith.maximumf %parallel_loop3A_2039, %parallel_loop3A_2040 : vector<16xf32>
      %parallel_loop3A_2044 = arith.maximumf %parallel_loop3A_2041, %parallel_loop3A_2042 : vector<16xf32>
      %parallel_loop3A_2045 = arith.maximumf %parallel_loop3A_2043, %parallel_loop3A_2044 : vector<16xf32>
      %parallel_loop3A_2046 = arith.constant 0 : i32
      %parallel_loop3A_2047 = vector.broadcast %parallel_loop3A_2046 : i32 to vector<16xi32>
      %parallel_loop3A_2048 = arith.cmpi eq, %parallel_loop3A_1950, %parallel_loop3A_2047 : vector<16xi32>
      %parallel_loop3A_2049 = arith.select %parallel_loop3A_2048, %parallel_loop3A_2045, %parallel_loop3A_1873 : vector<16xi1>, vector<16xf32>
      %parallel_loop3A_2050 = arith.constant 1 : i32
      %parallel_loop3A_2051 = vector.broadcast %parallel_loop3A_2050 : i32 to vector<16xi32>
      %parallel_loop3A_2052 = arith.cmpi eq, %parallel_loop3A_1950, %parallel_loop3A_2051 : vector<16xi32>
      %parallel_loop3A_2053 = arith.select %parallel_loop3A_2052, %parallel_loop3A_2045, %parallel_loop3A_1877 : vector<16xi1>, vector<16xf32>
      %parallel_loop3A_2054 = arith.constant 2 : i32
      %parallel_loop3A_2055 = vector.broadcast %parallel_loop3A_2054 : i32 to vector<16xi32>
      %parallel_loop3A_2056 = arith.cmpi eq, %parallel_loop3A_1950, %parallel_loop3A_2055 : vector<16xi32>
      %parallel_loop3A_2057 = arith.select %parallel_loop3A_2056, %parallel_loop3A_2045, %parallel_loop3A_1881 : vector<16xi1>, vector<16xf32>
      %parallel_loop3A_2058 = arith.constant 3 : i32
      %parallel_loop3A_2059 = vector.broadcast %parallel_loop3A_2058 : i32 to vector<16xi32>
      %parallel_loop3A_2060 = arith.cmpi eq, %parallel_loop3A_1950, %parallel_loop3A_2059 : vector<16xi32>
      %parallel_loop3A_2061 = arith.select %parallel_loop3A_2060, %parallel_loop3A_2045, %parallel_loop3A_1885 : vector<16xi1>, vector<16xf32>
      %parallel_loop3A_2062 = arith.constant 4 : i32
      %parallel_loop3A_2063 = vector.broadcast %parallel_loop3A_2062 : i32 to vector<16xi32>
      %parallel_loop3A_2064 = arith.cmpi eq, %parallel_loop3A_1950, %parallel_loop3A_2063 : vector<16xi32>
      %parallel_loop3A_2065 = arith.select %parallel_loop3A_2064, %parallel_loop3A_2045, %parallel_loop3A_1889 : vector<16xi1>, vector<16xf32>
      %parallel_loop3A_2066 = arith.constant 5 : i32
      %parallel_loop3A_2067 = vector.broadcast %parallel_loop3A_2066 : i32 to vector<16xi32>
      %parallel_loop3A_2068 = arith.cmpi eq, %parallel_loop3A_1950, %parallel_loop3A_2067 : vector<16xi32>
      %parallel_loop3A_2069 = arith.select %parallel_loop3A_2068, %parallel_loop3A_2045, %parallel_loop3A_1893 : vector<16xi1>, vector<16xf32>
      %parallel_loop3A_2070 = arith.constant 6 : i32
      %parallel_loop3A_2071 = vector.broadcast %parallel_loop3A_2070 : i32 to vector<16xi32>
      %parallel_loop3A_2072 = arith.cmpi eq, %parallel_loop3A_1950, %parallel_loop3A_2071 : vector<16xi32>
      %parallel_loop3A_2073 = arith.select %parallel_loop3A_2072, %parallel_loop3A_2045, %parallel_loop3A_1897 : vector<16xi1>, vector<16xf32>
      %parallel_loop3A_2074 = arith.constant 7 : i32
      %parallel_loop3A_2075 = vector.broadcast %parallel_loop3A_2074 : i32 to vector<16xi32>
      %parallel_loop3A_2076 = arith.cmpi eq, %parallel_loop3A_1950, %parallel_loop3A_2075 : vector<16xi32>
      %parallel_loop3A_2077 = arith.select %parallel_loop3A_2076, %parallel_loop3A_2045, %parallel_loop3A_1901 : vector<16xi1>, vector<16xf32>
      %parallel_loop3A_2078 = arith.addf %parallel_loop3A_789, %parallel_loop3A_965 : vector<16xf32>
      %parallel_loop3A_2079 = arith.addf %parallel_loop3A_2078, %parallel_loop3A_1141 : vector<16xf32>
      %parallel_loop3A_2080 = arith.addf %parallel_loop3A_2079, %parallel_loop3A_1317 : vector<16xf32>
      %parallel_loop3A_2081 = arith.addf %parallel_loop3A_2080, %parallel_loop3A_1493 : vector<16xf32>
      %parallel_loop3A_2082 = arith.addf %parallel_loop3A_2081, %parallel_loop3A_1669 : vector<16xf32>
      %parallel_loop3A_2083 = arith.addf %parallel_loop3A_2082, %parallel_loop3A_1845 : vector<16xf32>
      %parallel_loop3A_2084 = arith.addf %parallel_loop3A_2083, %parallel_loop3A_2021 : vector<16xf32>
      %parallel_loop3A_2085 = arith.constant 9.99999968E-21 : f32
      %parallel_loop3A_2086 = vector.broadcast %parallel_loop3A_2085 : f32 to vector<16xf32>
      %parallel_loop3A_2087 = arith.addf %parallel_loop3A_2084, %parallel_loop3A_2086 : vector<16xf32>
      %parallel_loop3A_2088 = arith.constant 2.500000e+00 : f32
      %parallel_loop3A_2089 = vector.broadcast %parallel_loop3A_2088 : f32 to vector<16xf32>
      %parallel_loop3A_2090 = arith.divf %parallel_loop3A_2089, %parallel_loop3A_2087 : vector<16xf32>
      %parallel_loop3A_2091 = arith.constant 8 : i32
      %parallel_loop3A_2092 = vector.broadcast %parallel_loop3A_2091 : i32 to vector<16xi32>
      %parallel_loop3A_2093 = arith.muli %parallel_loop3A_16, %parallel_loop3A_2092 : vector<16xi32>
      %parallel_loop3A_2094 = arith.constant 0 : i32
      %parallel_loop3A_2095 = vector.broadcast %parallel_loop3A_2094 : i32 to vector<16xi32>
      %parallel_loop3A_2096 = arith.addi %parallel_loop3A_2093, %parallel_loop3A_2095 : vector<16xi32>
      tpu.vector_store_idx %arg8[%parallel_loop3A_2096], %parallel_loop3A_787 : memref<8192xi32, #tpu.memory_space<vmem>>[vector<16xi32>], vector<16xi32>,
      %parallel_loop3A_2097 = arith.constant 0 : i32
      %parallel_loop3A_2098 = vector.broadcast %parallel_loop3A_2097 : i32 to vector<16xi32>
      %parallel_loop3A_2099 = arith.addi %parallel_loop3A_2093, %parallel_loop3A_2098 : vector<16xi32>
      %parallel_loop3A_2100 = arith.mulf %parallel_loop3A_789, %parallel_loop3A_2090 : vector<16xf32>
      tpu.vector_store_idx %arg9[%parallel_loop3A_2099], %parallel_loop3A_2100 : memref<8192xf32, #tpu.memory_space<vmem>>[vector<16xi32>], vector<16xf32>,
      %parallel_loop3A_2101 = arith.constant 1 : i32
      %parallel_loop3A_2102 = vector.broadcast %parallel_loop3A_2101 : i32 to vector<16xi32>
      %parallel_loop3A_2103 = arith.addi %parallel_loop3A_2093, %parallel_loop3A_2102 : vector<16xi32>
      tpu.vector_store_idx %arg8[%parallel_loop3A_2103], %parallel_loop3A_963 : memref<8192xi32, #tpu.memory_space<vmem>>[vector<16xi32>], vector<16xi32>,
      %parallel_loop3A_2104 = arith.constant 1 : i32
      %parallel_loop3A_2105 = vector.broadcast %parallel_loop3A_2104 : i32 to vector<16xi32>
      %parallel_loop3A_2106 = arith.addi %parallel_loop3A_2093, %parallel_loop3A_2105 : vector<16xi32>
      %parallel_loop3A_2107 = arith.mulf %parallel_loop3A_965, %parallel_loop3A_2090 : vector<16xf32>
      tpu.vector_store_idx %arg9[%parallel_loop3A_2106], %parallel_loop3A_2107 : memref<8192xf32, #tpu.memory_space<vmem>>[vector<16xi32>], vector<16xf32>,
      %parallel_loop3A_2108 = arith.constant 2 : i32
      %parallel_loop3A_2109 = vector.broadcast %parallel_loop3A_2108 : i32 to vector<16xi32>
      %parallel_loop3A_2110 = arith.addi %parallel_loop3A_2093, %parallel_loop3A_2109 : vector<16xi32>
      tpu.vector_store_idx %arg8[%parallel_loop3A_2110], %parallel_loop3A_1139 : memref<8192xi32, #tpu.memory_space<vmem>>[vector<16xi32>], vector<16xi32>,
      %parallel_loop3A_2111 = arith.constant 2 : i32
      %parallel_loop3A_2112 = vector.broadcast %parallel_loop3A_2111 : i32 to vector<16xi32>
      %parallel_loop3A_2113 = arith.addi %parallel_loop3A_2093, %parallel_loop3A_2112 : vector<16xi32>
      %parallel_loop3A_2114 = arith.mulf %parallel_loop3A_1141, %parallel_loop3A_2090 : vector<16xf32>
      tpu.vector_store_idx %arg9[%parallel_loop3A_2113], %parallel_loop3A_2114 : memref<8192xf32, #tpu.memory_space<vmem>>[vector<16xi32>], vector<16xf32>,
      %parallel_loop3A_2115 = arith.constant 3 : i32
      %parallel_loop3A_2116 = vector.broadcast %parallel_loop3A_2115 : i32 to vector<16xi32>
      %parallel_loop3A_2117 = arith.addi %parallel_loop3A_2093, %parallel_loop3A_2116 : vector<16xi32>
      tpu.vector_store_idx %arg8[%parallel_loop3A_2117], %parallel_loop3A_1315 : memref<8192xi32, #tpu.memory_space<vmem>>[vector<16xi32>], vector<16xi32>,
      %parallel_loop3A_2118 = arith.constant 3 : i32
      %parallel_loop3A_2119 = vector.broadcast %parallel_loop3A_2118 : i32 to vector<16xi32>
      %parallel_loop3A_2120 = arith.addi %parallel_loop3A_2093, %parallel_loop3A_2119 : vector<16xi32>
      %parallel_loop3A_2121 = arith.mulf %parallel_loop3A_1317, %parallel_loop3A_2090 : vector<16xf32>
      tpu.vector_store_idx %arg9[%parallel_loop3A_2120], %parallel_loop3A_2121 : memref<8192xf32, #tpu.memory_space<vmem>>[vector<16xi32>], vector<16xf32>,
      %parallel_loop3A_2122 = arith.constant 4 : i32
      %parallel_loop3A_2123 = vector.broadcast %parallel_loop3A_2122 : i32 to vector<16xi32>
      %parallel_loop3A_2124 = arith.addi %parallel_loop3A_2093, %parallel_loop3A_2123 : vector<16xi32>
      tpu.vector_store_idx %arg8[%parallel_loop3A_2124], %parallel_loop3A_1491 : memref<8192xi32, #tpu.memory_space<vmem>>[vector<16xi32>], vector<16xi32>,
      %parallel_loop3A_2125 = arith.constant 4 : i32
      %parallel_loop3A_2126 = vector.broadcast %parallel_loop3A_2125 : i32 to vector<16xi32>
      %parallel_loop3A_2127 = arith.addi %parallel_loop3A_2093, %parallel_loop3A_2126 : vector<16xi32>
      %parallel_loop3A_2128 = arith.mulf %parallel_loop3A_1493, %parallel_loop3A_2090 : vector<16xf32>
      tpu.vector_store_idx %arg9[%parallel_loop3A_2127], %parallel_loop3A_2128 : memref<8192xf32, #tpu.memory_space<vmem>>[vector<16xi32>], vector<16xf32>,
      %parallel_loop3A_2129 = arith.constant 5 : i32
      %parallel_loop3A_2130 = vector.broadcast %parallel_loop3A_2129 : i32 to vector<16xi32>
      %parallel_loop3A_2131 = arith.addi %parallel_loop3A_2093, %parallel_loop3A_2130 : vector<16xi32>
      tpu.vector_store_idx %arg8[%parallel_loop3A_2131], %parallel_loop3A_1667 : memref<8192xi32, #tpu.memory_space<vmem>>[vector<16xi32>], vector<16xi32>,
      %parallel_loop3A_2132 = arith.constant 5 : i32
      %parallel_loop3A_2133 = vector.broadcast %parallel_loop3A_2132 : i32 to vector<16xi32>
      %parallel_loop3A_2134 = arith.addi %parallel_loop3A_2093, %parallel_loop3A_2133 : vector<16xi32>
      %parallel_loop3A_2135 = arith.mulf %parallel_loop3A_1669, %parallel_loop3A_2090 : vector<16xf32>
      tpu.vector_store_idx %arg9[%parallel_loop3A_2134], %parallel_loop3A_2135 : memref<8192xf32, #tpu.memory_space<vmem>>[vector<16xi32>], vector<16xf32>,
      %parallel_loop3A_2136 = arith.constant 6 : i32
      %parallel_loop3A_2137 = vector.broadcast %parallel_loop3A_2136 : i32 to vector<16xi32>
      %parallel_loop3A_2138 = arith.addi %parallel_loop3A_2093, %parallel_loop3A_2137 : vector<16xi32>
      tpu.vector_store_idx %arg8[%parallel_loop3A_2138], %parallel_loop3A_1843 : memref<8192xi32, #tpu.memory_space<vmem>>[vector<16xi32>], vector<16xi32>,
      %parallel_loop3A_2139 = arith.constant 6 : i32
      %parallel_loop3A_2140 = vector.broadcast %parallel_loop3A_2139 : i32 to vector<16xi32>
      %parallel_loop3A_2141 = arith.addi %parallel_loop3A_2093, %parallel_loop3A_2140 : vector<16xi32>
      %parallel_loop3A_2142 = arith.mulf %parallel_loop3A_1845, %parallel_loop3A_2090 : vector<16xf32>
      tpu.vector_store_idx %arg9[%parallel_loop3A_2141], %parallel_loop3A_2142 : memref<8192xf32, #tpu.memory_space<vmem>>[vector<16xi32>], vector<16xf32>,
      %parallel_loop3A_2143 = arith.constant 7 : i32
      %parallel_loop3A_2144 = vector.broadcast %parallel_loop3A_2143 : i32 to vector<16xi32>
      %parallel_loop3A_2145 = arith.addi %parallel_loop3A_2093, %parallel_loop3A_2144 : vector<16xi32>
      tpu.vector_store_idx %arg8[%parallel_loop3A_2145], %parallel_loop3A_2019 : memref<8192xi32, #tpu.memory_space<vmem>>[vector<16xi32>], vector<16xi32>,
      %parallel_loop3A_2146 = arith.constant 7 : i32
      %parallel_loop3A_2147 = vector.broadcast %parallel_loop3A_2146 : i32 to vector<16xi32>
      %parallel_loop3A_2148 = arith.addi %parallel_loop3A_2093, %parallel_loop3A_2147 : vector<16xi32>
      %parallel_loop3A_2149 = arith.mulf %parallel_loop3A_2021, %parallel_loop3A_2090 : vector<16xf32>
      tpu.vector_store_idx %arg9[%parallel_loop3A_2148], %parallel_loop3A_2149 : memref<8192xf32, #tpu.memory_space<vmem>>[vector<16xi32>], vector<16xf32>,
    } {sc.loop_unroll_factor = 4 : i64, sc.parallel_access}
    %mul3A_8 = arith.constant 8 : i32
    %mul3A_9 = arith.muli %mul3A_2, %mul3A_8 : i32
    "tpu.region"() ({
      %run_scoped3A = tpu.sem_alloc : memref<!tpu.dma_semaphore, #tpu.memory_space<semaphore_mem>>
      %dma_start3A = tpu.memref_slice %arg4[%mul3A_9] : memref<262144xi32, #tpu.memory_space<hbm>> -> memref<8192xi32, #tpu.memory_space<hbm>>
      %dma_start3A_12 = tpu.memref_slice %arg4[%mul3A_9] : memref<262144xi32, #tpu.memory_space<hbm>> -> memref<8192xi32, #tpu.memory_space<hbm>>
      tpu.enqueue_dma source(%arg8 : memref<8192xi32, #tpu.memory_space<vmem>>) target(%dma_start3A_12 : memref<8192xi32, #tpu.memory_space<hbm>>) target_semaphore(%run_scoped3A : memref<!tpu.dma_semaphore, #tpu.memory_space<semaphore_mem>>)
      %dma_wait3A = tpu.memref_slice %arg4[%mul3A_9] : memref<262144xi32, #tpu.memory_space<hbm>> -> memref<8192xi32, #tpu.memory_space<hbm>>
      %dma_wait3A_13 = tpu.memref_slice %arg4[%mul3A_9] : memref<262144xi32, #tpu.memory_space<hbm>> -> memref<8192xi32, #tpu.memory_space<hbm>>
      tpu.wait_dma2 semaphore(%run_scoped3A : memref<!tpu.dma_semaphore, #tpu.memory_space<semaphore_mem>>) src(%arg8 : memref<8192xi32, #tpu.memory_space<vmem>>) dst(%dma_wait3A_13 : memref<8192xi32, #tpu.memory_space<hbm>>)
      tpu.yield
    }) : () -> ()
    %mul3A_10 = arith.constant 8 : i32
    %mul3A_11 = arith.muli %mul3A_2, %mul3A_10 : i32
    "tpu.region"() ({
      %run_scoped3A = tpu.sem_alloc : memref<!tpu.dma_semaphore, #tpu.memory_space<semaphore_mem>>
      %dma_start3A = tpu.memref_slice %arg5[%mul3A_11] : memref<262144xf32, #tpu.memory_space<hbm>> -> memref<8192xf32, #tpu.memory_space<hbm>>
      %dma_start3A_12 = tpu.memref_slice %arg5[%mul3A_11] : memref<262144xf32, #tpu.memory_space<hbm>> -> memref<8192xf32, #tpu.memory_space<hbm>>
      tpu.enqueue_dma source(%arg9 : memref<8192xf32, #tpu.memory_space<vmem>>) target(%dma_start3A_12 : memref<8192xf32, #tpu.memory_space<hbm>>) target_semaphore(%run_scoped3A : memref<!tpu.dma_semaphore, #tpu.memory_space<semaphore_mem>>)
      %dma_wait3A = tpu.memref_slice %arg5[%mul3A_11] : memref<262144xf32, #tpu.memory_space<hbm>> -> memref<8192xf32, #tpu.memory_space<hbm>>
      %dma_wait3A_13 = tpu.memref_slice %arg5[%mul3A_11] : memref<262144xf32, #tpu.memory_space<hbm>> -> memref<8192xf32, #tpu.memory_space<hbm>>
      tpu.wait_dma2 semaphore(%run_scoped3A : memref<!tpu.dma_semaphore, #tpu.memory_space<semaphore_mem>>) src(%arg9 : memref<8192xf32, #tpu.memory_space<vmem>>) dst(%dma_wait3A_13 : memref<8192xf32, #tpu.memory_space<hbm>>)
      tpu.yield
    }) : () -> ()
    return
  }
}

module attributes {stable_mosaic.version = 14 : i64} {
  func.func @_gate_body(%arg0: i32, %arg1: memref<1024x768xf32, #tpu.memory_space<vmem>>, %arg2: memref<768x64xf32, #tpu.memory_space<vmem>>, %arg3: memref<1x64xf32, #tpu.memory_space<vmem>>, %arg4: memref<1024x64xf32, #tpu.memory_space<vmem>>, %arg5: memref<1024x64xf32, #tpu.memory_space<vmem>>) attributes {dimension_semantics = [#tpu.dimension_semantics<arbitrary>], iteration_bounds = array<i64: 32>, scalar_prefetch = 0 : i64, scratch_operands = 0 : i64, tpu.core_type = #tpu.core_type<tc>, window_params = [{transform_indices = @transform_0, window_bounds = array<i64: 1024, 768>}, {pipeline_mode = #tpu.pipeline_mode<synchronous>, transform_indices = @transform_1, window_bounds = array<i64: 768, 64>}, {pipeline_mode = #tpu.pipeline_mode<synchronous>, transform_indices = @transform_2, window_bounds = array<i64: 1, 64>}, {transform_indices = @transform_3, window_bounds = array<i64: 1024, 64>}, {transform_indices = @transform_4, window_bounds = array<i64: 1024, 64>}]} {
    %get3A = arith.constant 0 : index
    %get3A_0 = arith.constant 0 : index
    %get3A_1 = vector.load %arg1[%get3A, %get3A_0] : memref<1024x768xf32, #tpu.memory_space<vmem>>, vector<1024x768xf32>
    %convert_element_type3A = arith.truncf %get3A_1 : vector<1024x768xf32> to vector<1024x768xbf16>
    %get3A_2 = arith.constant 0 : index
    %get3A_3 = arith.constant 0 : index
    %get3A_4 = vector.load %arg2[%get3A_2, %get3A_3] : memref<768x64xf32, #tpu.memory_space<vmem>>, vector<768x64xf32>
    %convert_element_type3A_5 = arith.truncf %get3A_4 : vector<768x64xf32> to vector<768x64xbf16>
    %dot_general3A = arith.constant dense<0.000000e+00> : vector<1024x64xf32>
    %dot_general3A_6 = tpu.matmul %convert_element_type3A, %convert_element_type3A_5, %dot_general3A {dimension_numbers = #tpu.dot_dimension_numbers<[1], [0], [0], [1], [0, 0, 1, 1], [], []>, transpose_lhs_hint = false} : vector<1024x768xbf16>, vector<768x64xbf16>, vector<1024x64xf32> -> vector<1024x64xf32>
    %logistic3A = arith.negf %dot_general3A_6 : vector<1024x64xf32>
    %logistic3A_7 = math.exp %logistic3A : vector<1024x64xf32>
    %logistic3A_8 = arith.constant 1.000000e+00 : f32
    %logistic3A_9 = vector.broadcast %logistic3A_8 : f32 to vector<1024x64xf32>
    %logistic3A_10 = arith.addf %logistic3A_9, %logistic3A_7 : vector<1024x64xf32>
    %logistic3A_11 = arith.divf %logistic3A_9, %logistic3A_10 : vector<1024x64xf32>
    %swap3A = arith.constant 0 : index
    %swap3A_12 = arith.constant 0 : index
    %swap3A_13 = vector.load %arg4[%swap3A, %swap3A_12] : memref<1024x64xf32, #tpu.memory_space<vmem>>, vector<1024x64xf32>
    tpu.vector_store %arg4[%swap3A, %swap3A_12], %logistic3A_11 {strides = array<i32>} : memref<1024x64xf32, #tpu.memory_space<vmem>>, vector<1024x64xf32>,
    %get3A_14 = arith.constant 0 : index
    %get3A_15 = arith.constant 0 : index
    %get3A_16 = vector.load %arg3[%get3A_14, %get3A_15] : memref<1x64xf32, #tpu.memory_space<vmem>>, vector<1x64xf32>
    %add3A = vector.broadcast %get3A_16 : vector<1x64xf32> to vector<1024x64xf32>
    %add3A_17 = arith.addf %logistic3A_11, %add3A : vector<1024x64xf32>
    %swap3A_18 = arith.constant 0 : index
    %swap3A_19 = arith.constant 0 : index
    %swap3A_20 = vector.load %arg5[%swap3A_18, %swap3A_19] : memref<1024x64xf32, #tpu.memory_space<vmem>>, vector<1024x64xf32>
    tpu.vector_store %arg5[%swap3A_18, %swap3A_19], %add3A_17 {strides = array<i32>} : memref<1024x64xf32, #tpu.memory_space<vmem>>, vector<1024x64xf32>,
    return
  }
  func.func @transform_0(%arg0: i32) -> (i32, i32) {
    %c0_i32 = arith.constant 0 : i32
    %c0_i32_0 = arith.constant 0 : i32
    return %arg0, %c0_i32 : i32, i32
  }
  func.func @transform_1(%arg0: i32) -> (i32, i32) {
    %c0_i32 = arith.constant 0 : i32
    %c0_i32_0 = arith.constant 0 : i32
    %c0_i32_1 = arith.constant 0 : i32
    return %c0_i32, %c0_i32_0 : i32, i32
  }
  func.func @transform_2(%arg0: i32) -> (i32, i32) {
    %c0_i32 = arith.constant 0 : i32
    %c0_i32_0 = arith.constant 0 : i32
    %c0_i32_1 = arith.constant 0 : i32
    return %c0_i32, %c0_i32_0 : i32, i32
  }
  func.func @transform_3(%arg0: i32) -> (i32, i32) {
    %c0_i32 = arith.constant 0 : i32
    %c0_i32_0 = arith.constant 0 : i32
    return %arg0, %c0_i32 : i32, i32
  }
  func.func @transform_4(%arg0: i32) -> (i32, i32) {
    %c0_i32 = arith.constant 0 : i32
    %c0_i32_0 = arith.constant 0 : i32
    return %arg0, %c0_i32 : i32, i32
  }
}

</mosaic_0001>

<sc_bundles>
// kernel: kernel.4.cloned.1.call-start
scs
__scs_entry_jumppad:
0x0: {  	(pc) =	sbr.rel $0x88, $3  }
0x1: {  	(tag) =	ssettag $0x0;
	lr =	simm.s32 $0x1  }
0x2: {  	[smem:$0x3F9E] =	sst lr;
	_ =	strace $0xD0000000  }
0x3: {  	_ = 	snop  }
0x4: {  	_ = 	snop  }
0x5: {  	_ = 	snop  }
0x6: {  	_ = 	snop  }
0x7: {  	_ = 	snop  }
__scs_overlays_trampoline_lowered:
0x8: {  	[smem:$0x3FAD] =	sst s0  }
0x9: {  	[smem:$0x3FAE] =	sst s1  }
0xa: {  	[smem:$0x3FAF] =	sst s2  }
0xb: {  	[smem:$0x3FB0] =	sst s3  }
0xc: {  	[smem:$0x3FB1] =	sst s4  }
0xd: {  	[smem:$0x3FB2] =	sst s5  }
0xe: {  	[smem:$0x3FB3] =	sst s6  }
0xf: {  	[smem:$0x3FB4] =	sst s7  }
0x10: {  	[smem:$0x3FB5] =	sst s8  }
0x11: {  	[smem:$0x3FB6] =	sst s9;
	s0 =	simm.s32 @!p0 $0x0  }
0x12: {  	s1 =	sld [smem:$0x3F9C];
	s0 =	simm.s32 @p0 $0x1  }
0x13: {  	[smem:$0x3FB7] =	sst s0;
	s0 =	simm.s32 @!p1 $0x0  }
0x14: {  	s2 =	sld [smem:$0x3F9B];
	s0 =	simm.s32 @p1 $0x1  }
0x15: {  	[smem:$0x3FB8] =	sst s0;
	s0 =	simm.s32 @!p2 $0x0  }
0x16: {  	s3 =	sld [smem:$0x3FDB];
	s0 =	simm.s32 @p2 $0x1  }
0x17: {  	s4 =	simm.s32 $0x1BF5;
	[smem:$0x3FBA] =	sst s0  }
0x18: {  	s0 =	sld [smem:$0x3F9D];
	_ =	swait.ge [sflag:s4], $0x0  }
0x19: {  	s7 =	sld [smem:$0x3F9E]  }
0x1a: {  	s8 =	sadd.s32 $0xFFFFE003, lr  }
0x1b: {  	s9 =	sadd.s32 $0xFFFFFEF7, lr;
	s5 =	simm.s32 $0xFFFFFFFF;
	p2 =	slt.u32 s8, $0xFFFFF086  }
0x1c: {  	p1 =	slt.u32 s9, $0xF7A;
	s5 =	simm.s32 @!p2 $0x0  }
0x1d: {  	s5 =	simm.s32 @p1 $0x1;
	p0 =	seq.s32 s7, s2  }
0x1e: {  	s7 =	smul.u32 @!p0 $0xF7A, s2;
	p2 =	seq.s32 @!p0 s5, $0x0  }
0x1f: {  	s9 =	smul.u32 $0xF7A, s1;
	s8 =	simm.s32 @!p0 $0x1BF5;
	p2 =	por !p2, p0  }
0x20: {  	[sflag:s8] =	ssyncset.s32 @!p0 $0xFFFFF086;
	s6 =	sadd.s32 @!p0 s3, s7;
	s7 =	simm.s32 @!p0 $0x108  }
0x21: {  	s3 =	sadd.s32 s3, s9;
	s6 =	sadd.s32 @!p0 $0x88, s6;
	s7 =	simm.s32 @p2 $0x1082  }
0x22: {  	[simem:s7], [sflag:s8] =	dma.local @!p0 [hbm:s6], $0xF7A  }
0x23: {  	s9 =	sor.u32 $0xD0000000, s2;
	s6 =	simm.s32 $0x108;
	_ =	swait.ge @!p0 [sflag:s8], $0x0  }
0x24: {  	s3 =	sadd.s32 $0x88, s3;
	s6 =	simm.s32 @!p1 $0x1082;
	[sflag:s4] =	ssyncset.s32 $0xFFFFF086  }
0x25: {  	[simem:s6], [sflag:s4] =	dma.local [hbm:s3], $0xF7A  }
0x26: {  	[smem:$0x3F9E] =	sst s1;
	(tag) =	ssettag s2;
	_ =	strace s9  }
0x27: {  	s1 =	sld [smem:$0x3FAE]  }
0x28: {  	s2 =	sld [smem:$0x3FAF]  }
0x29: {  	s4 =	sld [smem:$0x3FB1]  }
0x2a: {  	p0 =	seq.s32 s5, $0x0;
	s5 =	sld [smem:$0x3FB2]  }
0x2b: {  	s6 =	sld [smem:$0x3FB3]  }
0x2c: {  	s7 =	sld [smem:$0x3FB4]  }
0x2d: {  	s3 =	simm.s32 $0x108;
	s8 =	sld [smem:$0x3FB5]  }
0x2e: {  	s3 =	simm.s32 @!p0 $0x1082;
	s9 =	sld [smem:$0x3FB6]  }
0x2f: {  	lr =	sadd.s32 s0, s3;
	s0 =	sld [smem:$0x3FAD]  }
0x30: {  	s3 =	sld [smem:$0x3FB0]  }
0x31: {  	[smem:$0x3FB9] =	sst s10  }
0x32: {  	s10 =	sld [smem:$0x3FB7];
	_ =	sdelay $0x3  }
0x33: {  	p0 =	seq.s32 s10, $0x1;
	s10 =	sld [smem:$0x3FB9];
	_ =	sdelay $0x3  }
0x34: {  	[smem:$0x3FB9] =	sst s10  }
0x35: {  	s10 =	sld [smem:$0x3FB8];
	_ =	sdelay $0x3  }
0x36: {  	p1 =	seq.s32 s10, $0x1;
	s10 =	sld [smem:$0x3FB9];
	_ =	sdelay $0x3  }
0x37: {  	[smem:$0x3FB9] =	sst s10  }
0x38: {  	s10 =	sld [smem:$0x3FBA]  }
0x39: {  	_ = 	snop;
	(pc) =	sbr.ind lr, $3  }
0x3a: {  	_ = 	snop  }
0x3b: {  	_ = 	snop  }
0x3c: {  	p2 =	seq.s32 s10, $0x1;
	s10 =	sld [smem:$0x3FB9]  }
0x3d: {  	_ =	shalt  }
0x3e: {  	_ =	shalt  }
0x3f: {  	_ =	shalt  }
0x40: {  	_ =	shalt  }
0x41: {  	_ =	shalt  }
0x42: {  	_ =	shalt  }
0x43: {  	_ =	shalt  }
0x44: {  	_ =	shalt  }
0x45: {  	_ =	shalt  }
0x46: {  	_ =	shalt  }
0x47: {  	_ =	shalt  }
0x48: {  	_ =	shalt  }
0x49: {  	_ =	shalt  }
0x4a: {  	_ =	shalt  }
0x4b: {  	_ =	shalt  }
0x4c: {  	_ =	shalt  }
0x4d: {  	_ =	shalt  }
0x4e: {  	_ =	shalt  }
0x4f: {  	_ =	shalt  }
0x50: {  	_ =	shalt  }
0x51: {  	_ =	shalt  }
0x52: {  	_ =	shalt  }
0x53: {  	_ =	shalt  }
0x54: {  	_ =	shalt  }
0x55: {  	_ =	shalt  }
0x56: {  	_ =	shalt  }
0x57: {  	_ =	shalt  }
0x58: {  	_ =	shalt  }
0x59: {  	_ =	shalt  }
0x5a: {  	_ =	shalt  }
0x5b: {  	_ =	shalt  }
0x5c: {  	_ =	shalt  }
0x5d: {  	_ =	shalt  }
0x5e: {  	_ =	shalt  }
0x5f: {  	_ =	shalt  }
0x60: {  	_ =	shalt  }
0x61: {  	_ =	shalt  }
0x62: {  	_ =	shalt  }
0x63: {  	_ =	shalt  }
0x64: {  	_ =	shalt  }
0x65: {  	_ =	shalt  }
0x66: {  	_ =	shalt  }
0x67: {  	_ =	shalt  }
0x68: {  	_ =	shalt  }
0x69: {  	_ =	shalt  }
0x6a: {  	_ =	shalt  }
0x6b: {  	_ =	shalt  }
0x6c: {  	_ =	shalt  }
0x6d: {  	_ =	shalt  }
0x6e: {  	_ =	shalt  }
0x6f: {  	_ =	shalt  }
0x70: {  	_ =	shalt  }
0x71: {  	_ =	shalt  }
0x72: {  	_ =	shalt  }
0x73: {  	_ =	shalt  }
0x74: {  	_ =	shalt  }
0x75: {  	_ =	shalt  }
0x76: {  	_ =	shalt  }
0x77: {  	_ =	shalt  }
0x78: {  	_ =	shalt  }
0x79: {  	_ =	shalt  }
0x7a: {  	_ =	shalt  }
0x7b: {  	_ =	shalt  }
0x7c: {  	_ =	shalt  }
0x7d: {  	_ =	shalt  }
0x7e: {  	_ =	shalt  }
0x7f: {  	_ =	shalt  }
0x80: {  	_ =	shalt  }
0x81: {  	_ =	shalt  }
0x82: {  	_ =	shalt  }
0x83: {  	_ =	shalt  }
0x84: {  	_ =	shalt  }
0x85: {  	_ =	shalt  }
0x86: {  	_ =	shalt  }
0x87: {  	_ =	shalt  }
.Lfunc_end0:
.L_simem_size_0:
called_computation_lowered:
.L_overlay_start_0:
0x88: {  	s2 =	sld [smem:$0x3FD9]  }
0x89: {  	s3 =	sld [smem:$0x3FFE];
	_ =	sdelay $0x1  }
0x8a: {  	s1 =	srdreg.scid  }
0x8b: {  	s0 =	sand.u32 $0x1, s1  }
0x8c: {  	s14 =	sshll.u32 s0, $0xA;
	s2 =	sadd.s32 s3, s2  }
0x8d: {  	s2 =	sadd.s32 s2, s14  }
0x8e: {  	[smem:$0x3FC5] =	sst s2  }
0x8f: {  	_ = 	snop  }
0x90: {  	s2 =	sld [smem:$0x3FD0];
	_ =	sdelay $0x2  }
0x91: {  	s4 =	simm.s32 $0xA;
	s5 =	simm.s32 $0x10;
	s15 =	sld [smem:$0x3FC7]  }
0x92: {  	[smem:s5], [sflag:s4] =	dma.local [hbm:s2], $0x1  }
0x93: {  	_ =	swait.eq [sflag:s4], $0x1  }
0x94: {  	[sflag:s4] =	ssyncset.done $0x0  }
0x95: {  	[sflag:s4] =	ssyncadd.s32 $0xFFFFFFFF  }
0x96: {  	s16 =	sld [smem:$0x11];
	(tm) =	ssettm $0x1  }
0x97: {  	s17 =	sld [smem:$0x3FFB];
	_ =	sdelay $0x3  }
0x98: {  	_ =	strace s17  }
0x99: {  	s4 =	sld [smem:$0x3FFC];
	_ =	sdelay $0x3  }
0x9a: {  	_ =	strace s4  }
0x9b: {  	s4 =	sld [smem:$0x3FFD];
	_ =	sdelay $0x3  }
0x9c: {  	_ =	strace s4  }
0x9d: {  	_ =	strace $0x8FFFFFFF  }
0x9e: {  	s18 =	sld [smem:$0x3FDB];
	_ =	sdelay $0x1  }
0x9f: {  	s19 =	simm.s32 $_scs_section_size  }
0xa0: {  	s6 =	simm.s32 $_size__tile_overlayer_lowered;
	s7 =	simm.s32 $_tile_overlayer_lowered  }
0xa1: {  	s22 =	simm.s32 $0x1BFF;
	s21 =	sshll.u32 s7, $0x1;
	s4 =	sadd.s32 s19, s18  }
0xa2: {  	s8 =	simm.s32 $0x0;
	s20 =	sshll.u32 s6, $0x1;
	s6 =	sadd.s32 s21, s4  }
0xa3: {  	[timem:s8], [sflag:s22] =	dma.local [hbm:s6], s20  }
0xa4: {  	_ =	swait.ge [sflag:s22], s20  }
0xa5: {  	s5 =	ssub.s32 $0x0, s20;
	[sflag:s22] =	ssyncset.done $0x0  }
0xa6: {  	[sflag:s22] =	ssyncadd.s32 s5;
	_ =	sdelay $0x1  }
0xa7: {  	s23 =	simm.s32 $0x1B8B  }
0xa8: {  	_ =	swait.ge [sflag:s23], $0x1  }
0xa9: {  	[sflag:s23] =	ssyncset.done $0x0  }
0xaa: {  	s25 =	simm.s32 $0x1B8E;
	s24 =	sld [smem:$0x3FFE];
	[sflag:s23] =	ssyncadd.s32 $0xFFFFFFFF  }
0xab: {  	s26 =	simm.s32 $execute0_lowered;
	[smem:$0x3FD2] =	sst s25  }
0xac: {  	s6 =	sshll.u32 s26, $0x1;
	_ =	strace $0x80000046;
	[dreg:$0x1] =	wrdreg $0xFFFFFFFF  }
0xad: {  	s28 =	simm.s32 $_size_execute0_lowered;
	s4 =	sadd.s32 s4, s6;
	[dreg:$0x0] =	wrdreg $0x0  }
0xae: {  	s6 =	sshll.u32 s28, $0x1;
	[dreg:$0x2] =	wrdreg s4  }
0xaf: {  	[dreg:$0x3] =	wrdreg s6  }
0xb0: {  	[dreg:$0x4] =	wrdreg $0xC0  }
0xb1: {  	_ =	task [dreg:s8], $0x5FFFF  }
0xb2: {  	[dreg:$0x1] =	wrdreg $0xFFFFFFFF  }
0xb3: {  	[dreg:$0x0] =	wrdreg $0x60  }
0xb4: {  	[dreg:$0x2] =	wrdreg s24  }
0xb5: {  	[dreg:$0x3] =	wrdreg s15  }
0xb6: {  	[dreg:$0x4] =	wrdreg s16  }
0xb7: {  	[dreg:$0x5] =	wrdreg $0x9  }
0xb8: {  	_ =	task.clear_ibuf [dreg:s8], $0x6FFFF;
	_ =	strace $0x90000046  }
0xb9: {  	s29 =	simm.s32 $0x9;
	_ =	strace $0x80000048  }
0xba: {  	_ =	swait.ge [sflag:s29], $0x1  }
0xbb: {  	[sflag:s29] =	ssyncadd.s32 $0xFFFFFFFF  }
0xbc: {  	_ =	strace $0x90000048  }
0xbd: {  	_ =	sfence  }
0xbe: {  	s30 =	sld [smem:$0x0];
	_ =	sdelay $0x2  }
0xbf: {  	s31 =	sshll.u32 s1, $0xD;
	s1 =	sshrl.u32 s1, $0x2  }
0xc0: {  	s3 =	sand.u32 $0x4000, s31;
	s1 =	sadd.s32 s1, s30  }
0xc1: {  	s0 =	sor.u32 s3, s0;
	s1 =	sshll.u32 s1, $0x11  }
0xc2: {  	s0 =	sor.u32 s1, s0  }
0xc3: {  	s0 =	sadd.s32 $0x8F2B, s0  }
0xc4: {  	[sflag:s0] =	ssyncadd.remote.s32 $0x1  }
0xc5: {  	_ =	sfence.sel $0xFFFF  }
0xc6: {  	[dreg:$0x0] =	wrdreg $0xFFFFFFFF;
	(pc) =	sbr.abs _section_cstart, $3  }
0xc7: {  	[dreg:$0x1] =	wrdreg $0xFFFFFFFF  }
0xc8: {  	_ =	task.clear_ibuf [dreg:s8], $0x2FFFF;
	_ =	strace $0x9FFFFFFF  }
0xc9: {  	(tm) =	ssettm $0x7FFFFFFF  }
tec
execute0_lowered:
.L_overlay_start_1:
0x0: {  	(tag) =	ssettag $0x1  }
0x1: {  	s4 =	rddreg [dreg:$0x0]  }
0x2: {  	s1 =	rddreg [dreg:$0x1]  }
0x3: {  	s5 =	rddreg [dreg:$0x2]  }
0x4: {  	s0 =	rddreg [dreg:$0x3]  }
0x5: {  	s3 =	simm.s32 $0x0;
	s6 =	srdreg.scid;
	s2 =	stileid.u32  }
0x6: {  	s11 =	simm.s32 $0x12080;
	s6 =	sand.u32 $0x1, s6;
	s7 =	sshll.u32 s2, $0x1  }
0x7: {  	s12 =	simm.s32 $0x0;
	[smem:$0x7FF] =	sst s3;
	s7 =	sor.u32 s6, s7  }
0x8: {  	_ =	strace $0x80000047;
	s6 =	ssub.s32 $0x2, s6;
	s8 =	sshll.u32 s7, $0xD  }
0x9: {  	s7 =	sshll.u32 s7, $0xA;
	s9 =	sshrl.u32 s6, $0x1;
	s8 =	sadd.s32 s8, s4  }
0xa: {  	s10 =	sadd.s32 s7, s4;
	s9 =	ssub.s32 s6, s9;
	s5 =	sadd.s32 s5, s7  }
0xb: {  	v0 =	vlaneseq.u32;
	v3 =	vimm.s32 $0x7;
	s4 =	sadd.s32 $0x80E00, s8;
	s6 =	sadd.s32 $0xE00, s10;
	s7 =	smax.u32 s9, $0x1  }
0xc: {  	v52 =	vimm.s32 $0x38;
	v31 =	vimm.s32 $0x0;
	v37 =	vimm.f32 $-Inf;
	s8 =	simm.s32 $0x1;
	s9 =	simm.s32 $0x10000;
	s10 =	simm.s32 $0x10080  }
.LBB2_1:
0xd: {  	[tilespmem:s3], [sflag:$0x1] =	stream.linear.gather [hbm4b:s4+s3], $0x10000, $0x38;
	[tilespmem:$0x14080] =	vst v63  }
0xe: {  	_ =	swait.ge [sflag:s8], $0x10000  }
0xf: {  	[sflag:s8] =	ssyncset.done $0x0  }
0x10: {  	[sflag:s8] =	ssyncadd.s32 $0xFFFF0000  }
0x11: {  	[tilespmem:s9], [sflag:$0x1] =	stream.linear.gather [hbm4b:s1+s3], $0x80, $0x38;
	[tilespmem:$0x14080] =	vst v63  }
0x12: {  	_ =	swait.ge [sflag:s8], $0x80  }
0x13: {  	[sflag:s8] =	ssyncset.done $0x0  }
0x14: {  	s13 =	simm.s32 $0xFFFFFFFC;
	s14 =	simm.s32 $0x30;
	[sflag:s8] =	ssyncadd.s32 $0xFFFFFF80  }
.LBB2_2:
0x15: {  	s15 =	sadd.s32 $0xFFFFFFD0, s14  }
0x16: {  	v12 =	vor.u32 s15, v0  }
0x17: {  	v13 =	vshll.u32 v12, $0x6  }
0x18: {  	v0 =	vor.u32 $0x1, v13  }
0x19: {  	v1 =	vor.u32 $0x2, v13  }
0x1a: {  	v2 =	vor.u32 $0x3, v13  }
0x1b: {  	v5 =	vor.u32 $0x4, v13  }
0x1c: {  	v6 =	vor.u32 $0x5, v13;
	v8 =	vor.u32 $0x7, v13;
	v4 =	vld.idx.msk [tilespmem:v13+s3+$0x0], $0xffff  }
0x1d: {  	v7 =	vor.u32 $0x6, v13;
	v9 =	vor.u32 $0x8, v13;
	v10 =	vor.u32 $0x9, v13;
	v0 =	vld.idx.msk [tilespmem:v0+s3+$0x0], $0xffff  }
0x1e: {  	v62 =	vor.u32 $0xA, v13;
	v63 =	vor.u32 $0xB, v13;
	v19 =	vor.u32 $0xC, v13;
	v1 =	vld.idx.msk [tilespmem:v1+s3+$0x0], $0xffff  }
0x1f: {  	v21 =	vor.u32 $0xD, v13;
	v15 =	vor.u32 $0xE, v13;
	v23 =	vor.u32 $0xF, v13;
	v2 =	vld.idx.msk [tilespmem:v2+s3+$0x0], $0xffff  }
0x20: {  	v16 =	vor.u32 $0x11, v13;
	v27 =	vor.u32 $0x13, v13;
	v36 =	vor.u32 $0x15, v13;
	v5 =	vld.idx.msk [tilespmem:v5+s3+$0x0], $0xffff  }
0x21: {  	v42 =	vor.u32 $0x16, v13;
	v44 =	vor.u32 $0x17, v13;
	v46 =	vor.u32 $0x18, v13;
	v8 =	vld.idx.msk [tilespmem:v8+s3+$0x0], $0xffff  }
0x22: {  	v49 =	vor.u32 $0x19, v13;
	v11 =	vmin.f32 v4, v0;
	v0 =	vmax.f32 v4, v0;
	v4 =	vld.idx.msk [tilespmem:v6+s3+$0x0], $0xffff  }
0x23: {  	v51 =	vor.u32 $0x1A, v13;
	v55 =	vor.u32 $0x1C, v13;
	v58 =	vor.u32 $0x1D, v13;
	v6 =	vld.idx.msk [tilespmem:v62+s3+$0x0], $0xffff  }
0x24: {  	v60 =	vor.u32 $0x1E, v13;
	v14 =	vmin.f32 v0, v1;
	v0 =	vmax.f32 v0, v1;
	v1 =	vld.idx.msk [tilespmem:v7+s3+$0x0], $0xffff  }
0x25: {  	v28 =	vor.u32 $0x3B, v13;
	v29 =	vor.u32 $0x3E, v13;
	v7 =	vld.idx.msk [tilespmem:v23+s3+$0x0], $0xffff;
	v23 =	vor.u32 $0x29, v13  }
0x26: {  	v11 =	vmax.f32 v11, v14;
	v18 =	vmin.f32 v0, v2;
	v0 =	vmax.f32 v0, v2;
	v2 =	vld.idx.msk [tilespmem:v9+s3+$0x0], $0xffff  }
0x27: {  	v11 =	vmax.f32 v11, v18;
	v20 =	vmin.f32 v0, v5;
	v0 =	vmax.f32 v0, v5;
	v5 =	vld.idx.msk [tilespmem:v10+s3+$0x0], $0xffff  }
0x28: {  	v10 =	vld.idx.msk [tilespmem:v21+s3+$0x0], $0xffff;
	v18 =	vor.u32 $0x12, v13;
	v21 =	vor.u32 $0x20, v13;
	v11 =	vmax.f32 v11, v20  }
0x29: {  	v26 =	vld.idx.msk [tilespmem:v15+s3+$0x0], $0xffff;
	v20 =	vor.u32 $0x1B, v13;
	v22 =	vmin.f32 v0, v4;
	v0 =	vmax.f32 v0, v4  }
0x2a: {  	v4 =	vld.idx.msk [tilespmem:v63+s3+$0x0], $0xffff;
	v63 =	vor.u32 $0x1F, v13;
	v11 =	vmax.f32 v11, v22;
	v24 =	vmin.f32 v0, v1  }
0x2b: {  	v9 =	vld.idx.msk [tilespmem:v19+s3+$0x0], $0xffff;
	v0 =	vmax.f32 v0, v1;
	v1 =	vor.u32 $0x10, v13;
	v11 =	vmax.f32 v11, v24  }
0x2c: {  	v35 =	vld.idx.msk [tilespmem:v16+s3+$0x0], $0xffff;
	v25 =	vmin.f32 v0, v8;
	v17 =	vmin.f32 v2, v5;
	v2 =	vmax.f32 v2, v5  }
0x2d: {  	v57 =	vld.idx.msk [tilespmem:v49+s3+$0x0], $0xffff;
	v0 =	vmax.f32 v0, v8;
	v5 =	vmax.f32 v11, v25;
	v19 =	vmin.f32 v2, v6  }
0x2e: {  	v2 =	vmax.f32 v2, v6;
	v6 =	vld.idx.msk [tilespmem:v44+s3+$0x0], $0xffff;
	v44 =	vor.u32 $0x25, v13;
	v32 =	vmax.f32 v17, v19  }
0x2f: {  	v40 =	vld.idx.msk [tilespmem:v18+s3+$0x0], $0xffff;
	v33 =	vmin.f32 v2, v4;
	v2 =	vmax.f32 v2, v4;
	v4 =	vor.u32 $0x14, v13  }
0x30: {  	v11 =	vmax.f32 v32, v33;
	v1 =	vld.idx.msk [tilespmem:v1+s3+$0x0], $0xffff;
	v34 =	vmin.f32 v2, v9;
	v2 =	vmax.f32 v2, v9  }
0x31: {  	v17 =	vld.idx.msk [tilespmem:v46+s3+$0x0], $0xffff;
	v46 =	vor.u32 $0x26, v13;
	v38 =	vmax.f32 v11, v34;
	v39 =	vmin.f32 v2, v10  }
0x32: {  	v41 =	vld.idx.msk [tilespmem:v27+s3+$0x0], $0xffff;
	v32 =	vor.u32 $0x22, v13;
	v2 =	vmax.f32 v2, v10;
	v8 =	vmax.f32 v38, v39  }
0x33: {  	v48 =	vld.idx.msk [tilespmem:v36+s3+$0x0], $0xffff;
	v43 =	vmin.f32 v2, v26;
	v2 =	vmax.f32 v2, v26;
	v26 =	vor.u32 $0x21, v13  }
0x34: {  	v38 =	vld.idx.msk [tilespmem:v63+s3+$0x0], $0xffff;
	v39 =	vor.u32 $0x23, v13;
	v63 =	vor.u32 $0x2D, v13;
	v8 =	vmax.f32 v8, v43  }
0x35: {  	v45 =	vmin.f32 v2, v7;
	v4 =	vld.idx.msk [tilespmem:v4+s3+$0x0], $0xffff;
	v47 =	vmin.f32 v1, v35;
	v1 =	vmax.f32 v1, v35  }
0x36: {  	v11 =	vld.idx.msk [tilespmem:v42+s3+$0x0], $0xffff;
	v8 =	vmax.f32 v8, v45;
	v15 =	vmin.f32 v17, v57;
	v50 =	vmin.f32 v1, v40  }
0x37: {  	v16 =	vld.idx.msk [tilespmem:v32+s3+$0x0], $0xffff;
	v32 =	vor.u32 $0x2E, v13;
	v1 =	vmax.f32 v1, v40;
	v18 =	vmax.f32 v47, v50  }
0x38: {  	v53 =	vmin.f32 v1, v41;
	v1 =	vmax.f32 v1, v41;
	v41 =	vor.u32 $0x24, v13  }
0x39: {  	v43 =	vld.idx.msk [tilespmem:v26+s3+$0x0], $0xffff;
	v47 =	vor.u32 $0x27, v13;
	v50 =	vor.u32 $0x28, v13;
	v26 =	vor.u32 $0x35, v13  }
0x3a: {  	v40 =	vld.idx.msk [tilespmem:v21+s3+$0x0], $0xffff;
	v54 =	vmax.f32 v18, v53;
	v10 =	vmin.f32 v1, v4;
	v1 =	vmax.f32 v1, v4  }
0x3b: {  	v4 =	vmax.f32 v54, v10;
	v56 =	vmin.f32 v1, v48;
	v1 =	vmax.f32 v1, v48  }
0x3c: {  	v59 =	vld.idx.msk [tilespmem:v51+s3+$0x0], $0xffff;
	v4 =	vmax.f32 v4, v56;
	v61 =	vmin.f32 v1, v11;
	v1 =	vmax.f32 v1, v11  }
0x3d: {  	v62 =	vld.idx.msk [tilespmem:v20+s3+$0x0], $0xffff;
	v54 =	vor.u32 $0x2A, v13;
	v10 =	vmax.f32 v4, v61;
	v24 =	vmin.f32 v1, v6  }
0x3e: {  	v4 =	vmax.f32 v2, v7;
	v2 =	vmax.f32 v1, v6;
	v1 =	vmax.f32 v17, v57  }
0x3f: {  	v25 =	vld.idx.msk [tilespmem:v55+s3+$0x0], $0xffff;
	v53 =	vmax.f32 v40, v43;
	v7 =	vmin.f32 v40, v43;
	v57 =	vor.u32 $0x2B, v13  }
0x40: {  	v27 =	vld.idx.msk [tilespmem:v58+s3+$0x0], $0xffff;
	v40 =	vor.u32 $0x33, v13;
	v43 =	vor.u32 $0x34, v13;
	v10 =	vmax.f32 v10, v24  }
0x41: {  	v34 =	vld.idx.msk [tilespmem:v60+s3+$0x0], $0xffff;
	v33 =	vmin.f32 v1, v59;
	v1 =	vmax.f32 v1, v59;
	v55 =	vmin.f32 v53, v16  }
0x42: {  	v58 =	vld.idx.msk [tilespmem:v50+s3+$0x0], $0xffff;
	v59 =	vor.u32 $0x2C, v13;
	v35 =	vmax.f32 v15, v33;
	v36 =	vmin.f32 v1, v62  }
0x43: {  	v61 =	vld.idx.msk [tilespmem:v23+s3+$0x0], $0xffff;
	v1 =	vmax.f32 v1, v62;
	v7 =	vmax.f32 v7, v55;
	v33 =	vor.u32 $0x30, v13  }
0x44: {  	v14 =	vmax.f32 v35, v36;
	v42 =	vmin.f32 v1, v25;
	v1 =	vmax.f32 v1, v25  }
0x45: {  	v49 =	vld.idx.msk [tilespmem:v39+s3+$0x0], $0xffff;
	v35 =	vor.u32 $0x31, v13;
	v25 =	vor.u32 $0x2F, v13;
	v14 =	vmax.f32 v14, v42  }
0x46: {  	v18 =	vld.idx.msk [tilespmem:v44+s3+$0x0], $0xffff;
	v45 =	vmin.f32 v1, v27;
	v1 =	vmax.f32 v1, v27;
	v27 =	vor.u32 $0x38, v13  }
0x47: {  	v20 =	vld.idx.msk [tilespmem:v54+s3+$0x0], $0xffff;
	v14 =	vmax.f32 v14, v45;
	v48 =	vmin.f32 v1, v34;
	v1 =	vmax.f32 v1, v34  }
0x48: {  	v22 =	vld.idx.msk [tilespmem:v41+s3+$0x0], $0xffff;
	v36 =	vmax.f32 v58, v61;
	v45 =	vor.u32 $0x36, v13;
	v14 =	vmax.f32 v14, v48  }
0x49: {  	v56 =	vld.idx.msk [tilespmem:v46+s3+$0x0], $0xffff;
	v51 =	vmin.f32 v1, v38;
	v1 =	vmax.f32 v1, v38;
	v38 =	vor.u32 $0x32, v13  }
0x4a: {  	v6 =	vld.idx.msk [tilespmem:v47+s3+$0x0], $0xffff;
	v48 =	vor.u32 $0x37, v13;
	v11 =	vmax.f32 v14, v51;
	v14 =	vmax.f32 v53, v16  }
0x4b: {  	v19 =	vld.idx.msk [tilespmem:v59+s3+$0x0], $0xffff;
	v59 =	vor.u32 $0x3C, v13;
	v53 =	vor.u32 $0x39, v13;
	v16 =	vmin.f32 v14, v49  }
0x4c: {  	v15 =	vld.idx.msk [tilespmem:v57+s3+$0x0], $0xffff;
	v9 =	vmax.f32 v14, v49;
	v14 =	vmin.f32 v58, v61;
	v39 =	vmin.f32 v36, v20  }
0x4d: {  	v42 =	vld.idx.msk [tilespmem:v33+s3+$0x0], $0xffff;
	v7 =	vmax.f32 v7, v16;
	v60 =	vmin.f32 v9, v22;
	v9 =	vmax.f32 v9, v22  }
0x4e: {  	v23 =	vld.idx.msk [tilespmem:v35+s3+$0x0], $0xffff;
	v35 =	vor.u32 $0x3F, v13;
	v7 =	vmax.f32 v7, v60;
	v62 =	vmin.f32 v9, v18  }
0x4f: {  	v22 =	vld.idx.msk [tilespmem:v63+s3+$0x0], $0xffff;
	v14 =	vmax.f32 v14, v39;
	v9 =	vmax.f32 v9, v18;
	v7 =	vmax.f32 v7, v62  }
0x50: {  	v16 =	vld.idx.msk [tilespmem:v32+s3+$0x0], $0xffff;
	v18 =	vmin.f32 v9, v56;
	v9 =	vmax.f32 v9, v56;
	v56 =	vor.u32 $0x3A, v13  }
0x51: {  	v61 =	vld.idx.msk [tilespmem:v27+s3+$0x0], $0xffff;
	v62 =	vor.u32 $0x3D, v13;
	v7 =	vmax.f32 v7, v18;
	v34 =	vmin.f32 v9, v6  }
0x52: {  	v18 =	vld.idx.msk [tilespmem:v38+s3+$0x0], $0xffff;
	v6 =	vmax.f32 v9, v6;
	v24 =	vmax.f32 v7, v34;
	v7 =	vmax.f32 v36, v20  }
0x53: {  	v17 =	vld.idx.msk [tilespmem:v53+s3+$0x0], $0xffff;
	v54 =	vmax.f32 v42, v23;
	v41 =	vmin.f32 v7, v15;
	v7 =	vmax.f32 v7, v15  }
0x54: {  	v20 =	vld.idx.msk [tilespmem:v40+s3+$0x0], $0xffff;
	v14 =	vmax.f32 v14, v41;
	v44 =	vmin.f32 v7, v19;
	v7 =	vmax.f32 v7, v19  }
0x55: {  	v47 =	vld.idx.msk [tilespmem:v25+s3+$0x0], $0xffff;
	v14 =	vmax.f32 v14, v44;
	v46 =	vmin.f32 v7, v22;
	v7 =	vmax.f32 v7, v22  }
0x56: {  	v51 =	vld.idx.msk [tilespmem:v43+s3+$0x0], $0xffff;
	v15 =	vmin.f32 v42, v23;
	v14 =	vmax.f32 v14, v46;
	v49 =	vmin.f32 v7, v16  }
0x57: {  	v55 =	vld.idx.msk [tilespmem:v26+s3+$0x0], $0xffff;
	v7 =	vmax.f32 v7, v16;
	v57 =	vmin.f32 v54, v18;
	v16 =	vmax.f32 v54, v18  }
0x58: {  	v19 =	vld.idx.msk [tilespmem:v45+s3+$0x0], $0xffff;
	v44 =	vmax.f32 v61, v17;
	v17 =	vmin.f32 v61, v17;
	v18 =	vadd.f32 v5, v0  }
0x59: {  	v32 =	vld.idx.msk [tilespmem:v56+s3+$0x0], $0xffff;
	v50 =	vmax.f32 v14, v49;
	v15 =	vmax.f32 v15, v57;
	v60 =	vmin.f32 v16, v20  }
0x5a: {  	v58 =	vld.idx.msk [tilespmem:v48+s3+$0x0], $0xffff;
	v16 =	vmax.f32 v16, v20;
	v30 =	vmin.f32 v7, v47;
	v7 =	vmax.f32 v7, v47  }
0x5b: {  	v34 =	vld.idx.msk [tilespmem:v28+s3+$0x0], $0xffff;
	v15 =	vmax.f32 v15, v60;
	v63 =	vmin.f32 v16, v51;
	v14 =	vmax.f32 v16, v51  }
0x5c: {  	v38 =	vld.idx.msk [tilespmem:v59+s3+$0x0], $0xffff;
	v15 =	vmax.f32 v15, v63;
	v33 =	vmin.f32 v14, v55;
	v14 =	vmax.f32 v14, v55  }
0x5d: {  	v39 =	vmax.f32 v50, v30;
	v15 =	vmax.f32 v15, v33;
	v36 =	vmin.f32 v14, v19  }
0x5e: {  	v42 =	vld.idx.msk [tilespmem:v62+s3+$0x0], $0xffff;
	v14 =	vmax.f32 v14, v19;
	v46 =	vmin.f32 v44, v32;
	v9 =	vmax.f32 v44, v32  }
0x5f: {  	v40 =	vmax.f32 v15, v36;
	v41 =	vmin.f32 v14, v58;
	v47 =	vmax.f32 v17, v46  }
0x60: {  	v45 =	vld.idx.msk [tilespmem:v29+s3+$0x0], $0xffff;
	v48 =	vmin.f32 v9, v34;
	v9 =	vmax.f32 v9, v34;
	v17 =	vadd.f32 v10, v2  }
0x61: {  	v15 =	vadd.f32 v24, v6;
	v16 =	vmax.f32 v47, v48;
	v50 =	vmin.f32 v9, v38  }
0x62: {  	v49 =	vld.idx.msk [tilespmem:v35+s3+$0x0], $0xffff;
	v43 =	vmax.f32 v40, v41;
	v9 =	vmax.f32 v9, v38;
	v16 =	vmax.f32 v16, v50  }
0x63: {  	v51 =	vmin.f32 v9, v42;
	v19 =	vmax.f32 v9, v42;
	v9 =	vmax.f32 v14, v58  }
0x64: {  	vm1 =	vgt.f32 v17, v18;
	vm9 =	vgt.f32 v15, v18;
	v53 =	vmax.f32 v16, v51  }
0x65: {  	v54 =	vmin.f32 v19, v45;
	v55 =	vmax.f32 v19, v45;
	v19 =	vadd.f32 v8, v4  }
0x66: {  	v16 =	vadd.f32 v11, v1;
	v10 =	vadd.f32 v43, v9;
	v56 =	vsel vm1, $0x1, v31  }
0x67: {  	v58 =	vsel vm9, $0x1, v31;
	v14 =	vmax.f32 v53, v54;
	v5 =	vmin.f32 v55, v49  }
0x68: {  	v8 =	vmax.f32 v55, v49;
	v5 =	vmax.f32 v14, v5;
	v14 =	vadd.f32 v39, v7  }
0x69: {  	vm0 =	vgt.f32 v19, v18;
	vm8 =	vgt.f32 v16, v18;
	vm11 =	vgt.f32 v10, v18  }
0x6a: {  	vm13 =	vge.f32 v18, v19;
	vm14 =	vgt.f32 v17, v19;
	vm15 =	vgt.f32 v16, v19  }
0x6b: {  	vm4 =	vgt.f32 v15, v19;
	vm6 =	vgt.f32 v10, v19;
	vm2 =	vge.f32 v19, v17  }
0x6c: {  	vm3 =	vge.f32 v19, v10;
	v11 =	vadd.f32 v5, v8;
	v5 =	vsel vm0, $0x1, v31  }
0x6d: {  	v57 =	vsel vm8, $0x1, v31;
	v60 =	vsel vm11, $0x1, v31;
	v62 =	vsel vm13, $0x1, v31  }
0x6e: {  	v63 =	vsel vm14, $0x1, v31;
	v24 =	vsel vm15, $0x1, v31;
	v25 =	vsel vm4, $0x1, v31  }
0x6f: {  	v27 =	vsel vm6, $0x1, v31;
	v33 =	vsel vm2, $0x1, v31;
	vm11 =	vgt.f32 v16, v17  }
0x70: {  	vm14 =	vgt.f32 v10, v17;
	vm4 =	vge.f32 v18, v16;
	vm6 =	vge.f32 v17, v16  }
0x71: {  	v5 =	vadd.s32 v5, v56;
	vm10 =	vgt.f32 v14, v18;
	v20 =	vadd.s32 v62, v63  }
0x72: {  	vm5 =	vgt.f32 v14, v19;
	v34 =	vsel vm11, $0x1, v31;
	vm13 =	vgt.f32 v14, v17  }
0x73: {  	v38 =	vsel vm14, $0x1, v31;
	v40 =	vsel vm4, $0x1, v31;
	v42 =	vsel vm6, $0x1, v31  }
0x74: {  	vm14 =	vge.f32 v17, v15;
	vm4 =	vgt.f32 v14, v15;
	v62 =	vsel vm3, $0x1, v31  }
0x75: {  	v5 =	vadd.s32 v57, v5;
	v59 =	vsel vm10, $0x1, v31;
	vm12 =	vgt.f32 v11, v18  }
0x76: {  	v20 =	vadd.s32 v24, v20;
	v26 =	vsel vm5, $0x1, v31;
	vm7 =	vgt.f32 v11, v19  }
0x77: {  	vm10 =	vge.f32 v18, v17;
	v36 =	vsel vm13, $0x1, v31;
	vm15 =	vgt.f32 v11, v17  }
0x78: {  	vm5 =	vge.f32 v19, v16;
	vm11 =	vgt.f32 v11, v16;
	vm13 =	vge.f32 v19, v15  }
0x79: {  	v49 =	vsel vm14, $0x1, v31;
	v51 =	vsel vm4, $0x1, v31;
	vm4 =	vge.f32 v15, v11  }
0x7a: {  	v5 =	vadd.s32 v58, v5;
	v61 =	vsel vm12, $0x1, v31;
	v20 =	vadd.s32 v25, v20  }
0x7b: {  	v32 =	vsel vm7, $0x1, v31;
	vm12 =	vgt.f32 v15, v17;
	v39 =	vsel vm15, $0x1, v31  }
0x7c: {  	v41 =	vsel vm5, $0x1, v31;
	vm7 =	vgt.f32 v15, v16;
	v46 =	vsel vm11, $0x1, v31  }
0x7d: {  	v48 =	vsel vm13, $0x1, v31;
	vm15 =	vge.f32 v16, v15;
	vm5 =	vgt.f32 v10, v15  }
0x7e: {  	vm11 =	vge.f32 v16, v14;
	vm13 =	vgt.f32 v10, v14;
	v5 =	vadd.s32 v59, v5  }
0x7f: {  	v20 =	vadd.s32 v26, v20;
	v35 =	vsel vm12, $0x1, v31;
	v43 =	vsel vm7, $0x1, v31  }
0x80: {  	vm12 =	vge.f32 v18, v15;
	v50 =	vsel vm15, $0x1, v31;
	v54 =	vsel vm5, $0x1, v31  }
0x81: {  	vm7 =	vgt.f32 v11, v15;
	v59 =	vsel vm11, $0x1, v31;
	vm15 =	vgt.f32 v11, v14  }
0x82: {  	vm11 =	vgt.f32 v11, v10;
	vm5 =	vge.f32 v14, v11;
	v5 =	vadd.s32 v60, v5  }
0x83: {  	v20 =	vadd.s32 v27, v20;
	v47 =	vsel vm12, $0x1, v31;
	v55 =	vsel vm7, $0x1, v31  }
0x84: {  	vm12 =	vge.f32 v15, v14;
	vm7 =	vge.f32 v17, v10;
	v26 =	vsel vm15, $0x1, v31  }
0x85: {  	vm15 =	vge.f32 v16, v11;
	v5 =	vadd.s32 v61, v5;
	v21 =	vadd.s32 v48, v47  }
0x86: {  	v60 =	vsel vm12, $0x1, v31;
	v61 =	vsel vm13, $0x1, v31;
	v63 =	vsel vm7, $0x1, v31  }
0x87: {  	vm12 =	vge.f32 v18, v11;
	vm13 =	vge.f32 v19, v11;
	vm8 =	vlt.u32 v5, $0x4  }
0x88: {  	v21 =	vadd.s32 v49, v21;
	v5 =	vnsel vm8, $0xFF800000, v0;
	v0 =	vadd.s32 v32, v20  }
0x89: {  	v20 =	vadd.s32 v41, v40;
	vm8 =	vgt.f32 v14, v16;
	v21 =	vadd.s32 v50, v21  }
0x8a: {  	v40 =	vsel vm5, $0x1, v31;
	v41 =	vsel vm11, $0x1, v31;
	vm9 =	vlt.u32 v0, $0x4  }
0x8b: {  	v0 =	vsel vm10, $0x1, v31;
	v20 =	vadd.s32 v42, v20;
	v44 =	vsel vm8, $0x1, v31  }
0x8c: {  	v53 =	vadd.s32 v51, v21;
	vm8 =	vge.f32 v18, v14;
	v0 =	vadd.s32 v33, v0  }
0x8d: {  	v4 =	vnsel vm9, $0xFF800000, v4;
	v20 =	vadd.s32 v43, v20;
	vm9 =	vgt.f32 v10, v16  }
0x8e: {  	v56 =	vsel vm8, $0x1, v31;
	vm8 =	vge.f32 v16, v10;
	v0 =	vadd.s32 v34, v0  }
0x8f: {  	v45 =	vsel vm9, $0x1, v31;
	vm9 =	vge.f32 v19, v14;
	v0 =	vadd.s32 v35, v0  }
0x90: {  	v24 =	vsel vm8, $0x1, v31;
	v19 =	vsel vm13, $0x1, v31;
	v0 =	vadd.s32 v36, v0  }
0x91: {  	v57 =	vsel vm9, $0x1, v31;
	vm9 =	vge.f32 v15, v10;
	v0 =	vadd.s32 v38, v0  }
0x92: {  	v35 =	vsel vm15, $0x1, v31;
	v21 =	vadd.s32 v57, v56;
	v0 =	vadd.s32 v39, v0  }
0x93: {  	v25 =	vsel vm9, $0x1, v31;
	vm10 =	vlt.u32 v0, $0x4;
	v0 =	vadd.s32 v44, v20  }
0x94: {  	v2 =	vnsel vm10, $0xFF800000, v2;
	v0 =	vadd.s32 v45, v0;
	vm10 =	vge.f32 v17, v14  }
0x95: {  	v38 =	vsel vm4, $0x1, v31;
	v0 =	vadd.s32 v46, v0;
	v58 =	vsel vm10, $0x1, v31  }
0x96: {  	vm10 =	vge.f32 v14, v10;
	vm6 =	vlt.u32 v0, $0x4;
	v21 =	vadd.s32 v58, v21  }
0x97: {  	v0 =	vadd.s32 v54, v53;
	v27 =	vsel vm10, $0x1, v31;
	v21 =	vadd.s32 v59, v21  }
0x98: {  	v0 =	vadd.s32 v55, v0;
	v20 =	vnsel vm6, $0xFF800000, v1;
	vm6 =	vge.f32 v18, v10  }
0x99: {  	v18 =	vsel vm12, $0x1, v31;
	v21 =	vadd.s32 v60, v21;
	vm14 =	vlt.u32 v0, $0x4  }
0x9a: {  	v1 =	vsel vm6, $0x1, v31;
	v6 =	vnsel vm14, $0xFF800000, v6;
	vm14 =	vge.f32 v17, v11  }
0x9b: {  	v32 =	vadd.s32 v19, v18;
	v1 =	vadd.s32 v62, v1;
	v33 =	vsel vm14, $0x1, v31  }
0x9c: {  	vm6 =	vge.f32 v10, v11;
	v1 =	vadd.s32 v63, v1;
	v34 =	vadd.s32 v33, v32  }
0x9d: {  	v0 =	vadd.s32 v61, v21;
	v1 =	vadd.s32 v24, v1;
	v36 =	vadd.s32 v35, v34  }
0x9e: {  	v43 =	vsel vm6, $0x1, v31;
	v1 =	vadd.s32 v25, v1;
	v39 =	vadd.s32 v38, v36  }
0x9f: {  	v0 =	vadd.s32 v26, v0;
	v1 =	vadd.s32 v27, v1;
	v42 =	vadd.s32 v40, v39  }
0xa0: {  	vm7 =	vlt.u32 v0, $0x4;
	v0 =	vadd.s32 v41, v1;
	v1 =	vadd.s32 v43, v42  }
0xa1: {  	v7 =	vnsel vm7, $0xFF800000, v7;
	vm8 =	vlt.u32 v0, $0x4;
	vm9 =	vlt.u32 v1, $0x4  }
0xa2: {  	v44 =	vmax.f32 v6, v7;
	v9 =	vnsel vm8, $0xFF800000, v9;
	v8 =	vnsel vm9, $0xFF800000, v8  }
0xa3: {  	v0 =	vmax.f32 v5, v4;
	v1 =	vmax.f32 v2, v20;
	v45 =	vmax.f32 v9, v8  }
0xa4: {  	v0 =	vmax.f32 v0, v1;
	v1 =	vmax.f32 v44, v45  }
0xa5: {  	v0 =	vmax.f32 v0, v1  }
0xa6: {  	vm0 =	veq.f32 v9, v0  }
0xa7: {  	vm10 =	veq.f32 v7, v0;
	v1 =	vsel vm0, $0x6, v3  }
0xa8: {  	vm11 =	veq.f32 v6, v0;
	v1 =	vsel vm10, $0x5, v1  }
0xa9: {  	vm12 =	veq.f32 v20, v0;
	v1 =	vsel vm11, $0x4, v1  }
0xaa: {  	vm13 =	veq.f32 v2, v0;
	v1 =	vsel vm12, $0x3, v1  }
0xab: {  	vm0 =	veq.f32 v4, v0;
	v1 =	vsel vm13, $0x2, v1  }
0xac: {  	vm1 =	vne.f32 v5, v0;
	v1 =	vsel vm0, $0x1, v1  }
0xad: {  	v46 =	vnsel vm1, $0x0, v1  }
0xae: {  	v47 =	vshll.u32 v46, $0x3  }
0xaf: {  	v48 =	vor.u32 $0x1, v47;
	v1 =	vadd.s32 v13, v47  }
0xb0: {  	v49 =	vor.u32 $0x2, v47;
	v50 =	vadd.s32 v13, v48  }
0xb1: {  	v51 =	vor.u32 $0x3, v47;
	v53 =	vadd.s32 v13, v49  }
0xb2: {  	v54 =	vor.u32 $0x4, v47;
	v55 =	vadd.s32 v13, v51  }
0xb3: {  	v58 =	vor.u32 $0x6, v47;
	v57 =	vadd.s32 v13, v54  }
0xb4: {  	v60 =	vor.u32 $0x7, v47;
	v61 =	vadd.s32 v13, v58;
	v59 =	vld.idx.msk [tilespmem:v1+s3+$0x0], $0xffff  }
0xb5: {  	v28 =	vadd.s32 v13, v60;
	v16 =	vld.idx.msk [tilespmem:v50+s3+$0x0], $0xffff  }
0xb6: {  	v56 =	vor.u32 $0x5, v47;
	v18 =	vld.idx.msk [tilespmem:v53+s3+$0x0], $0xffff  }
0xb7: {  	v1 =	vadd.s32 v13, v56;
	v21 =	vld.idx.msk [tilespmem:v55+s3+$0x0], $0xffff  }
0xb8: {  	v23 =	vld.idx.msk [tilespmem:v57+s3+$0x0], $0xffff  }
0xb9: {  	v27 =	vld.idx.msk [tilespmem:v61+s3+$0x0], $0xffff  }
0xba: {  	v28 =	vld.idx.msk [tilespmem:v28+s3+$0x0], $0xffff;
	_ =	sdelay $0x1  }
0xbb: {  	v29 =	vld.idx.msk [tilespmem:v1+s3+$0x0], $0xffff  }
0xbc: {  	vm14 =	veq.f32 v59, v0;
	vm15 =	veq.f32 v16, v0  }
0xbd: {  	v1 =	vnsel vm14, $0x4000, v47;
	vm5 =	veq.f32 v18, v0;
	vm6 =	veq.f32 v21, v0  }
0xbe: {  	vm7 =	veq.f32 v23, v0;
	vm9 =	veq.f32 v27, v0;
	vm10 =	veq.f32 v28, v0  }
0xbf: {  	v30 =	vnsel vm15, $0x4000, v48;
	v31 =	vnsel vm5, $0x4000, v49;
	v32 =	vnsel vm6, $0x4000, v51  }
0xc0: {  	v33 =	vnsel vm7, $0x4000, v54;
	v35 =	vnsel vm9, $0x4000, v58;
	vm8 =	veq.f32 v29, v0  }
0xc1: {  	v36 =	vnsel vm10, $0x4000, v60;
	v1 =	vmin.u32 v1, v30;
	v34 =	vnsel vm8, $0x4000, v56  }
0xc2: {  	v30 =	vmin.u32 v31, v32;
	v62 =	vmin.u32 v35, v36;
	v31 =	vmin.u32 v33, v34  }
0xc3: {  	v1 =	vmin.u32 v1, v30;
	v30 =	vmin.u32 v31, v62  }
0xc4: {  	vm0 =	vmand vm1, vm0;
	v1 =	vmin.u32 v1, v30  }
0xc5: {  	vm7 =	veq.s32 v46, $0x4;
	vm9 =	veq.s32 v46, $0x6;
	v1 =	vmin.u32 v1, $0x3F  }
0xc6: {  	vm10 =	veq.s32 v46, $0x7;
	vm11 =	veq.s32 v47, v1;
	vm12 =	veq.s32 v48, v1  }
0xc7: {  	vm13 =	veq.s32 v49, v1;
	vm4 =	veq.s32 v51, v1;
	vm14 =	veq.s32 v54, v1  }
0xc8: {  	vm5 =	veq.s32 v56, v1;
	vm15 =	veq.s32 v60, v1;
	vm6 =	veq.s32 v58, v1  }
0xc9: {  	v63 =	vsel vm12, $0xFF800000, v16;
	v21 =	vsel vm4, $0xFF800000, v21;
	v32 =	vsel vm5, $0xFF800000, v29  }
0xca: {  	v33 =	vsel vm15, $0xFF800000, v28;
	v16 =	vmax.f32 v59, v63;
	v34 =	vmax.f32 v18, v21  }
0xcb: {  	v35 =	vmax.f32 v23, v32;
	v36 =	vmax.f32 v27, v33;
	v11 =	vsel vm11, v63, v16  }
0xcc: {  	v14 =	vsel vm13, v21, v34;
	v15 =	vsel vm14, v32, v35;
	v38 =	vsel vm6, v33, v36  }
0xcd: {  	vm8 =	veq.s32 v46, $0x5;
	v11 =	vmax.f32 v11, v14;
	v39 =	vmax.f32 v15, v38  }
0xce: {  	vm5 =	veq.s32 v46, $0x2;
	vm6 =	veq.s32 v46, $0x3;
	v11 =	vmax.f32 v11, v39  }
0xcf: {  	v5 =	vsel vm1, v5, v11;
	v4 =	vsel vm0, v11, v4;
	v14 =	vsel vm5, v11, v2  }
0xd0: {  	v15 =	vsel vm6, v11, v20;
	v6 =	vsel vm7, v11, v6;
	v7 =	vsel vm8, v11, v7  }
0xd1: {  	v9 =	vsel vm9, v11, v9;
	v8 =	vsel vm10, v11, v8;
	v2 =	vmax.f32 v5, v4  }
0xd2: {  	v40 =	vmax.f32 v14, v15;
	v41 =	vmax.f32 v6, v7;
	v42 =	vmax.f32 v9, v8  }
0xd3: {  	v2 =	vmax.f32 v2, v40;
	v43 =	vmax.f32 v41, v42  }
0xd4: {  	v2 =	vmax.f32 v2, v43  }
0xd5: {  	vm0 =	veq.f32 v9, v2  }
0xd6: {  	vm11 =	veq.f32 v7, v2;
	v44 =	vsel vm0, $0x6, v3  }
0xd7: {  	vm12 =	veq.f32 v6, v2;
	v10 =	vsel vm11, $0x5, v44  }
0xd8: {  	vm13 =	veq.f32 v15, v2;
	v10 =	vsel vm12, $0x4, v10  }
0xd9: {  	vm14 =	veq.f32 v14, v2;
	v10 =	vsel vm13, $0x3, v10  }
0xda: {  	vm0 =	veq.f32 v4, v2;
	v10 =	vsel vm14, $0x2, v10  }
0xdb: {  	vm1 =	vne.f32 v5, v2;
	v10 =	vsel vm0, $0x1, v10  }
0xdc: {  	v16 =	vnsel vm1, $0x0, v10  }
0xdd: {  	v45 =	vor.u32 v13, v1;
	v17 =	vshll.u32 v16, $0x3  }
0xde: {  	v18 =	vor.u32 $0x1, v17;
	v46 =	vadd.s32 v13, v17  }
0xdf: {  	v47 =	vor.u32 $0x2, v17;
	v48 =	vadd.s32 v13, v18  }
0xe0: {  	v49 =	vor.u32 $0x3, v17;
	v50 =	vadd.s32 v13, v47  }
0xe1: {  	v51 =	vor.u32 $0x4, v17;
	v53 =	vadd.s32 v13, v49  }
0xe2: {  	v11 =	vld.idx.msk [tilespmem:v1+s9+$0x0], $0xffff;
	[tilespmem:v45+s3+$0x0] =	vst.idx.msk $0xffff, v37;
	v54 =	vor.u32 $0x5, v17;
	v55 =	vadd.s32 v13, v51  }
0xe3: {  	v56 =	vor.u32 $0x6, v17;
	v28 =	vadd.s32 v13, v54;
	v19 =	vld.idx.msk [tilespmem:v46+s3+$0x0], $0xffff  }
0xe4: {  	v29 =	vor.u32 $0x7, v17;
	v30 =	vadd.s32 v13, v56;
	v21 =	vld.idx.msk [tilespmem:v48+s3+$0x0], $0xffff  }
0xe5: {  	v31 =	vadd.s32 v13, v29;
	v23 =	vld.idx.msk [tilespmem:v50+s3+$0x0], $0xffff  }
0xe6: {  	v25 =	vld.idx.msk [tilespmem:v53+s3+$0x0], $0xffff  }
0xe7: {  	v57 =	vld.idx.msk [tilespmem:v55+s3+$0x0], $0xffff  }
0xe8: {  	v28 =	vld.idx.msk [tilespmem:v28+s3+$0x0], $0xffff  }
0xe9: {  	v30 =	vld.idx.msk [tilespmem:v30+s3+$0x0], $0xffff  }
0xea: {  	v31 =	vld.idx.msk [tilespmem:v31+s3+$0x0], $0xffff;
	_ =	sdelay $0x1  }
0xeb: {  	vm15 =	veq.f32 v19, v2;
	vm6 =	veq.f32 v21, v2  }
0xec: {  	v58 =	vnsel vm15, $0x4000, v17;
	vm7 =	veq.f32 v23, v2;
	vm8 =	veq.f32 v25, v2  }
0xed: {  	vm9 =	veq.f32 v57, v2;
	vm10 =	veq.f32 v28, v2;
	vm11 =	veq.f32 v30, v2  }
0xee: {  	vm12 =	veq.f32 v31, v2;
	v59 =	vnsel vm6, $0x4000, v18;
	v60 =	vnsel vm7, $0x4000, v47  }
0xef: {  	v61 =	vnsel vm8, $0x4000, v49;
	v62 =	vnsel vm9, $0x4000, v51;
	v63 =	vnsel vm10, $0x4000, v54  }
0xf0: {  	v38 =	vnsel vm11, $0x4000, v56;
	v39 =	vnsel vm12, $0x4000, v29;
	v10 =	vmin.u32 v58, v59  }
0xf1: {  	v42 =	vmin.u32 v60, v61;
	v43 =	vmin.u32 v62, v63;
	v44 =	vmin.u32 v38, v39  }
0xf2: {  	v10 =	vmin.u32 v10, v42;
	v45 =	vmin.u32 v43, v44  }
0xf3: {  	vm0 =	vmand vm1, vm0;
	v10 =	vmin.u32 v10, v45  }
0xf4: {  	vm4 =	veq.s32 v16, $0x5;
	vm5 =	veq.s32 v16, $0x6;
	v10 =	vmin.u32 v10, $0x3F  }
0xf5: {  	vm6 =	veq.s32 v16, $0x7;
	vm13 =	veq.s32 v17, v10;
	vm14 =	veq.s32 v18, v10  }
0xf6: {  	vm15 =	veq.s32 v47, v10;
	vm8 =	veq.s32 v49, v10;
	vm9 =	veq.s32 v51, v10  }
0xf7: {  	vm10 =	veq.s32 v54, v10;
	vm11 =	veq.s32 v29, v10;
	vm12 =	veq.s32 v56, v10  }
0xf8: {  	v46 =	vsel vm14, $0xFF800000, v21;
	v47 =	vsel vm8, $0xFF800000, v25;
	v48 =	vsel vm10, $0xFF800000, v28  }
0xf9: {  	v49 =	vsel vm11, $0xFF800000, v31;
	v19 =	vmax.f32 v19, v46;
	v50 =	vmax.f32 v23, v47  }
0xfa: {  	v51 =	vmax.f32 v57, v48;
	v53 =	vmax.f32 v30, v49;
	v17 =	vsel vm13, v46, v19  }
0xfb: {  	v18 =	vsel vm15, v47, v50;
	v54 =	vsel vm9, v48, v51;
	v55 =	vsel vm12, v49, v53  }
0xfc: {  	vm14 =	veq.s32 v16, $0x3;
	v17 =	vmax.f32 v17, v18;
	v56 =	vmax.f32 v54, v55  }
0xfd: {  	vm13 =	veq.s32 v16, $0x2;
	vm15 =	veq.s32 v16, $0x4;
	v17 =	vmax.f32 v17, v56  }
0xfe: {  	v5 =	vsel vm1, v5, v17;
	v4 =	vsel vm0, v17, v4;
	v18 =	vsel vm13, v17, v14  }
0xff: {  	v19 =	vsel vm14, v17, v15;
	v6 =	vsel vm15, v17, v6;
	v7 =	vsel vm4, v17, v7  }
0x100: {  	v9 =	vsel vm5, v17, v9;
	v8 =	vsel vm6, v17, v8;
	v57 =	vmax.f32 v5, v4  }
0x101: {  	v15 =	vmax.f32 v18, v19;
	v58 =	vmax.f32 v6, v7;
	v17 =	vmax.f32 v9, v8  }
0x102: {  	v14 =	vmax.f32 v57, v15;
	v59 =	vmax.f32 v58, v17  }
0x103: {  	v14 =	vmax.f32 v14, v59  }
0x104: {  	vm0 =	veq.f32 v9, v14  }
0x105: {  	vm7 =	veq.f32 v7, v14;
	v60 =	vsel vm0, $0x6, v3  }
0x106: {  	vm8 =	veq.f32 v6, v14;
	v15 =	vsel vm7, $0x5, v60  }
0x107: {  	vm9 =	veq.f32 v19, v14;
	v15 =	vsel vm8, $0x4, v15  }
0x108: {  	vm10 =	veq.f32 v18, v14;
	v15 =	vsel vm9, $0x3, v15  }
0x109: {  	vm0 =	veq.f32 v4, v14;
	v15 =	vsel vm10, $0x2, v15  }
0x10a: {  	vm1 =	vne.f32 v5, v14;
	v15 =	vsel vm0, $0x1, v15  }
0x10b: {  	v16 =	vnsel vm1, $0x0, v15  }
0x10c: {  	v61 =	vor.u32 v13, v10;
	v20 =	vshll.u32 v16, $0x3  }
0x10d: {  	v21 =	vor.u32 $0x1, v20;
	v62 =	vadd.s32 v13, v20  }
0x10e: {  	v63 =	vor.u32 $0x2, v20;
	v44 =	vadd.s32 v13, v21  }
0x10f: {  	v45 =	vor.u32 $0x3, v20;
	v46 =	vadd.s32 v13, v63  }
0x110: {  	v29 =	vimm.f32 $-Inf;
	v47 =	vor.u32 $0x4, v20;
	v28 =	vadd.s32 v13, v45  }
0x111: {  	v15 =	vld.idx.msk [tilespmem:v10+s9+$0x0], $0xffff;
	[tilespmem:v61+s3+$0x0] =	vst.idx.msk $0xffff, v29;
	v48 =	vor.u32 $0x5, v20;
	v29 =	vadd.s32 v13, v47  }
0x112: {  	v30 =	vor.u32 $0x6, v20;
	v31 =	vadd.s32 v13, v48;
	v22 =	vld.idx.msk [tilespmem:v62+s3+$0x0], $0xffff  }
0x113: {  	v49 =	vor.u32 $0x7, v20;
	v50 =	vadd.s32 v13, v30;
	v24 =	vld.idx.msk [tilespmem:v44+s3+$0x0], $0xffff  }
0x114: {  	v51 =	vadd.s32 v13, v49;
	v26 =	vld.idx.msk [tilespmem:v46+s3+$0x0], $0xffff  }
0x115: {  	v28 =	vld.idx.msk [tilespmem:v28+s3+$0x0], $0xffff  }
0x116: {  	v29 =	vld.idx.msk [tilespmem:v29+s3+$0x0], $0xffff  }
0x117: {  	v31 =	vld.idx.msk [tilespmem:v31+s3+$0x0], $0xffff  }
0x118: {  	v33 =	vld.idx.msk [tilespmem:v50+s3+$0x0], $0xffff  }
0x119: {  	v34 =	vld.idx.msk [tilespmem:v51+s3+$0x0], $0xffff;
	_ =	sdelay $0x1  }
0x11a: {  	vm11 =	veq.f32 v22, v14;
	vm12 =	veq.f32 v24, v14  }
0x11b: {  	v53 =	vnsel vm11, $0x4000, v20;
	vm13 =	veq.f32 v26, v14;
	vm14 =	veq.f32 v28, v14  }
0x11c: {  	vm15 =	veq.f32 v29, v14;
	vm6 =	veq.f32 v31, v14;
	vm7 =	veq.f32 v33, v14  }
0x11d: {  	vm8 =	veq.f32 v34, v14;
	v54 =	vnsel vm12, $0x4000, v21;
	v55 =	vnsel vm13, $0x4000, v63  }
0x11e: {  	v56 =	vnsel vm14, $0x4000, v45;
	v57 =	vnsel vm15, $0x4000, v47;
	v40 =	vnsel vm6, $0x4000, v48  }
0x11f: {  	v41 =	vnsel vm7, $0x4000, v30;
	v42 =	vnsel vm8, $0x4000, v49;
	v35 =	vmin.u32 v53, v54  }
0x120: {  	v58 =	vmin.u32 v55, v56;
	v59 =	vmin.u32 v57, v40;
	v60 =	vmin.u32 v41, v42  }
0x121: {  	v35 =	vmin.u32 v35, v58;
	v61 =	vmin.u32 v59, v60  }
0x122: {  	vm0 =	vmand vm1, vm0;
	v35 =	vmin.u32 v35, v61  }
0x123: {  	vm5 =	veq.s32 v16, $0x2;
	vm6 =	veq.s32 v16, $0x3;
	v35 =	vmin.u32 v35, $0x3F  }
0x124: {  	vm7 =	veq.s32 v16, $0x4;
	vm2 =	veq.s32 v20, v35;
	vm9 =	veq.s32 v21, v35  }
0x125: {  	vm10 =	veq.s32 v63, v35;
	vm11 =	veq.s32 v45, v35;
	vm12 =	veq.s32 v47, v35  }
0x126: {  	vm13 =	veq.s32 v48, v35;
	vm14 =	veq.s32 v49, v35;
	vm15 =	veq.s32 v30, v35  }
0x127: {  	v62 =	vsel vm9, $0xFF800000, v24;
	v63 =	vsel vm11, $0xFF800000, v28;
	v17 =	vsel vm13, $0xFF800000, v31  }
0x128: {  	v32 =	vsel vm14, $0xFF800000, v34;
	v22 =	vmax.f32 v22, v62;
	v34 =	vmax.f32 v26, v63  }
0x129: {  	v36 =	vmax.f32 v29, v17;
	v37 =	vmax.f32 v33, v32;
	v20 =	vsel vm2, v62, v22  }
0x12a: {  	v21 =	vsel vm10, v63, v34;
	v17 =	vsel vm12, v17, v36;
	v38 =	vsel vm15, v32, v37  }
0x12b: {  	vm8 =	veq.s32 v16, $0x5;
	v20 =	vmax.f32 v20, v21;
	v17 =	vmax.f32 v17, v38  }
0x12c: {  	vm9 =	veq.s32 v16, $0x6;
	vm10 =	veq.s32 v16, $0x7;
	v17 =	vmax.f32 v20, v17  }
0x12d: {  	v5 =	vsel vm1, v5, v17;
	v4 =	vsel vm0, v17, v4;
	v18 =	vsel vm5, v17, v18  }
0x12e: {  	v19 =	vsel vm6, v17, v19;
	v6 =	vsel vm7, v17, v6;
	v7 =	vsel vm8, v17, v7  }
0x12f: {  	v9 =	vsel vm9, v17, v9;
	v8 =	vsel vm10, v17, v8;
	v39 =	vmax.f32 v5, v4  }
0x130: {  	v40 =	vmax.f32 v18, v19;
	v41 =	vmax.f32 v6, v7;
	v42 =	vmax.f32 v9, v8  }
0x131: {  	v16 =	vmax.f32 v39, v40;
	v43 =	vmax.f32 v41, v42  }
0x132: {  	v16 =	vmax.f32 v16, v43  }
0x133: {  	vm0 =	veq.f32 v9, v16  }
0x134: {  	vm11 =	veq.f32 v7, v16;
	v44 =	vsel vm0, $0x6, v3  }
0x135: {  	vm12 =	veq.f32 v6, v16;
	v17 =	vsel vm11, $0x5, v44  }
0x136: {  	vm13 =	veq.f32 v19, v16;
	v17 =	vsel vm12, $0x4, v17  }
0x137: {  	vm14 =	veq.f32 v18, v16;
	v17 =	vsel vm13, $0x3, v17  }
0x138: {  	vm0 =	veq.f32 v4, v16;
	v17 =	vsel vm14, $0x2, v17  }
0x139: {  	vm1 =	vne.f32 v5, v16;
	v17 =	vsel vm0, $0x1, v17  }
0x13a: {  	v20 =	vnsel vm1, $0x0, v17  }
0x13b: {  	v45 =	vor.u32 v13, v35;
	v22 =	vshll.u32 v20, $0x3  }
0x13c: {  	v23 =	vor.u32 $0x1, v22;
	v46 =	vadd.s32 v13, v22  }
0x13d: {  	v25 =	vor.u32 $0x2, v22;
	v47 =	vadd.s32 v13, v23  }
0x13e: {  	v27 =	vor.u32 $0x3, v22;
	v28 =	vadd.s32 v13, v25  }
0x13f: {  	v31 =	vimm.f32 $-Inf;
	v29 =	vor.u32 $0x4, v22;
	v30 =	vadd.s32 v13, v27  }
0x140: {  	v17 =	vld.idx.msk [tilespmem:v35+s9+$0x0], $0xffff;
	[tilespmem:v45+s3+$0x0] =	vst.idx.msk $0xffff, v31;
	v21 =	vor.u32 $0x5, v22;
	v31 =	vadd.s32 v13, v29  }
0x141: {  	v48 =	vor.u32 $0x6, v22;
	v49 =	vadd.s32 v13, v21;
	v24 =	vld.idx.msk [tilespmem:v46+s3+$0x0], $0xffff  }
0x142: {  	v50 =	vor.u32 $0x7, v22;
	v51 =	vadd.s32 v13, v48;
	v26 =	vld.idx.msk [tilespmem:v47+s3+$0x0], $0xffff  }
0x143: {  	v53 =	vadd.s32 v13, v50;
	v28 =	vld.idx.msk [tilespmem:v28+s3+$0x0], $0xffff  }
0x144: {  	v30 =	vld.idx.msk [tilespmem:v30+s3+$0x0], $0xffff  }
0x145: {  	v31 =	vld.idx.msk [tilespmem:v31+s3+$0x0], $0xffff  }
0x146: {  	v33 =	vld.idx.msk [tilespmem:v49+s3+$0x0], $0xffff  }
0x147: {  	[tilespmem:$0x1FD30] =	vst v35;
	v35 =	vld.idx.msk [tilespmem:v51+s3+$0x0], $0xffff  }
0x148: {  	v36 =	vld.idx.msk [tilespmem:v53+s3+$0x0], $0xffff;
	_ =	sdelay $0x1  }
0x149: {  	vm15 =	veq.f32 v24, v16;
	vm6 =	veq.f32 v26, v16  }
0x14a: {  	v54 =	vnsel vm15, $0x4000, v22;
	vm7 =	veq.f32 v28, v16;
	vm8 =	veq.f32 v30, v16  }
0x14b: {  	vm9 =	veq.f32 v31, v16;
	vm10 =	veq.f32 v33, v16;
	vm11 =	veq.f32 v35, v16  }
0x14c: {  	vm12 =	veq.f32 v36, v16;
	v55 =	vnsel vm6, $0x4000, v23;
	v56 =	vnsel vm7, $0x4000, v25  }
0x14d: {  	v57 =	vnsel vm8, $0x4000, v27;
	v58 =	vnsel vm9, $0x4000, v29;
	v59 =	vnsel vm10, $0x4000, v21  }
0x14e: {  	v43 =	vnsel vm11, $0x4000, v48;
	v44 =	vnsel vm12, $0x4000, v50;
	v37 =	vmin.u32 v54, v55  }
0x14f: {  	v60 =	vmin.u32 v56, v57;
	v61 =	vmin.u32 v58, v59;
	v62 =	vmin.u32 v43, v44  }
0x150: {  	v37 =	vmin.u32 v37, v60;
	v63 =	vmin.u32 v61, v62  }
0x151: {  	vm0 =	vmand vm1, vm0;
	v37 =	vmin.u32 v37, v63  }
0x152: {  	vm4 =	veq.s32 v20, $0x5;
	vm5 =	veq.s32 v20, $0x6;
	v37 =	vmin.u32 v37, $0x3F  }
0x153: {  	vm6 =	veq.s32 v20, $0x7;
	vm13 =	veq.s32 v22, v37;
	vm14 =	veq.s32 v23, v37  }
0x154: {  	vm15 =	veq.s32 v25, v37;
	vm8 =	veq.s32 v27, v37;
	vm9 =	veq.s32 v29, v37  }
0x155: {  	vm10 =	veq.s32 v21, v37;
	vm11 =	veq.s32 v50, v37;
	vm12 =	veq.s32 v48, v37  }
0x156: {  	v40 =	vsel vm14, $0xFF800000, v26;
	v41 =	vsel vm8, $0xFF800000, v30;
	v21 =	vsel vm10, $0xFF800000, v33  }
0x157: {  	v42 =	vsel vm11, $0xFF800000, v36;
	v24 =	vmax.f32 v24, v40;
	v43 =	vmax.f32 v28, v41  }
0x158: {  	v44 =	vmax.f32 v31, v21;
	v45 =	vmax.f32 v35, v42;
	v22 =	vsel vm13, v40, v24  }
0x159: {  	v23 =	vsel vm15, v41, v43;
	v21 =	vsel vm9, v21, v44;
	v46 =	vsel vm12, v42, v45  }
0x15a: {  	vm14 =	veq.s32 v20, $0x3;
	v22 =	vmax.f32 v22, v23;
	v21 =	vmax.f32 v21, v46  }
0x15b: {  	vm13 =	veq.s32 v20, $0x2;
	vm15 =	veq.s32 v20, $0x4;
	v21 =	vmax.f32 v22, v21  }
0x15c: {  	v5 =	vsel vm1, v5, v21;
	v4 =	vsel vm0, v21, v4;
	v22 =	vsel vm13, v21, v18  }
0x15d: {  	v23 =	vsel vm14, v21, v19;
	v6 =	vsel vm15, v21, v6;
	v7 =	vsel vm4, v21, v7  }
0x15e: {  	v9 =	vsel vm5, v21, v9;
	v8 =	vsel vm6, v21, v8;
	v47 =	vmax.f32 v5, v4  }
0x15f: {  	v19 =	vmax.f32 v22, v23;
	v48 =	vmax.f32 v6, v7;
	v21 =	vmax.f32 v9, v8  }
0x160: {  	v18 =	vmax.f32 v47, v19;
	v49 =	vmax.f32 v48, v21  }
0x161: {  	v18 =	vmax.f32 v18, v49  }
0x162: {  	vm0 =	veq.f32 v9, v18  }
0x163: {  	vm7 =	veq.f32 v7, v18;
	v50 =	vsel vm0, $0x6, v3  }
0x164: {  	vm8 =	veq.f32 v6, v18;
	v19 =	vsel vm7, $0x5, v50  }
0x165: {  	vm9 =	veq.f32 v23, v18;
	v19 =	vsel vm8, $0x4, v19  }
0x166: {  	vm10 =	veq.f32 v22, v18;
	v19 =	vsel vm9, $0x3, v19  }
0x167: {  	vm0 =	veq.f32 v4, v18;
	v19 =	vsel vm10, $0x2, v19  }
0x168: {  	vm1 =	vne.f32 v5, v18;
	v19 =	vsel vm0, $0x1, v19  }
0x169: {  	v20 =	vnsel vm1, $0x0, v19  }
0x16a: {  	v51 =	vor.u32 v13, v37;
	v24 =	vshll.u32 v20, $0x3  }
0x16b: {  	v25 =	vor.u32 $0x1, v24;
	v53 =	vadd.s32 v13, v24  }
0x16c: {  	v27 =	vor.u32 $0x2, v24;
	v28 =	vadd.s32 v13, v25  }
0x16d: {  	v29 =	vor.u32 $0x3, v24;
	v30 =	vadd.s32 v13, v27  }
0x16e: {  	v55 =	vimm.f32 $-Inf;
	v31 =	vor.u32 $0x4, v24;
	v54 =	vadd.s32 v13, v29  }
0x16f: {  	v19 =	vld.idx.msk [tilespmem:v37+s9+$0x0], $0xffff;
	[tilespmem:v51+s3+$0x0] =	vst.idx.msk $0xffff, v55;
	v21 =	vor.u32 $0x5, v24;
	v56 =	vadd.s32 v13, v31  }
0x170: {  	v34 =	vor.u32 $0x6, v24;
	v57 =	vadd.s32 v13, v21;
	v26 =	vld.idx.msk [tilespmem:v53+s3+$0x0], $0xffff  }
0x171: {  	v58 =	vor.u32 $0x7, v24;
	v59 =	vadd.s32 v13, v34;
	v28 =	vld.idx.msk [tilespmem:v28+s3+$0x0], $0xffff  }
0x172: {  	v60 =	vadd.s32 v13, v58;
	v30 =	vld.idx.msk [tilespmem:v30+s3+$0x0], $0xffff  }
0x173: {  	v32 =	vld.idx.msk [tilespmem:v54+s3+$0x0], $0xffff  }
0x174: {  	v33 =	vld.idx.msk [tilespmem:v56+s3+$0x0], $0xffff  }
0x175: {  	v35 =	vld.idx.msk [tilespmem:v57+s3+$0x0], $0xffff  }
0x176: {  	[tilespmem:$0x1FD50] =	vst v37;
	v37 =	vld.idx.msk [tilespmem:v59+s3+$0x0], $0xffff  }
0x177: {  	v38 =	vld.idx.msk [tilespmem:v60+s3+$0x0], $0xffff;
	_ =	sdelay $0x1  }
0x178: {  	vm11 =	veq.f32 v26, v18;
	vm12 =	veq.f32 v28, v18  }
0x179: {  	v61 =	vnsel vm11, $0x4000, v24;
	vm13 =	veq.f32 v30, v18;
	vm14 =	veq.f32 v32, v18  }
0x17a: {  	vm15 =	veq.f32 v33, v18;
	vm6 =	veq.f32 v35, v18;
	vm7 =	veq.f32 v37, v18  }
0x17b: {  	vm8 =	veq.f32 v38, v18;
	v62 =	vnsel vm12, $0x4000, v25;
	v63 =	vnsel vm13, $0x4000, v27  }
0x17c: {  	v48 =	vnsel vm14, $0x4000, v29;
	v49 =	vnsel vm15, $0x4000, v31;
	v50 =	vnsel vm6, $0x4000, v21  }
0x17d: {  	v45 =	vnsel vm7, $0x4000, v34;
	v46 =	vnsel vm8, $0x4000, v58;
	v39 =	vmin.u32 v61, v62  }
0x17e: {  	v51 =	vmin.u32 v63, v48;
	v53 =	vmin.u32 v49, v50;
	v54 =	vmin.u32 v45, v46  }
0x17f: {  	v39 =	vmin.u32 v39, v51;
	v55 =	vmin.u32 v53, v54  }
0x180: {  	vm0 =	vmand vm1, vm0;
	v39 =	vmin.u32 v39, v55  }
0x181: {  	vm5 =	veq.s32 v20, $0x2;
	vm6 =	veq.s32 v20, $0x3;
	v39 =	vmin.u32 v39, $0x3F  }
0x182: {  	vm7 =	veq.s32 v20, $0x4;
	vm2 =	veq.s32 v24, v39;
	vm9 =	veq.s32 v25, v39  }
0x183: {  	vm10 =	veq.s32 v27, v39;
	vm11 =	veq.s32 v29, v39;
	vm12 =	veq.s32 v31, v39  }
0x184: {  	vm13 =	veq.s32 v21, v39;
	vm14 =	veq.s32 v58, v39;
	vm15 =	veq.s32 v34, v39  }
0x185: {  	v56 =	vsel vm9, $0xFF800000, v28;
	v57 =	vsel vm11, $0xFF800000, v32;
	v21 =	vsel vm13, $0xFF800000, v35  }
0x186: {  	v58 =	vsel vm14, $0xFF800000, v38;
	v26 =	vmax.f32 v26, v56;
	v59 =	vmax.f32 v30, v57  }
0x187: {  	v28 =	vmax.f32 v33, v21;
	v29 =	vmax.f32 v37, v58;
	v24 =	vsel vm2, v56, v26  }
0x188: {  	v25 =	vsel vm10, v57, v59;
	v21 =	vsel vm12, v21, v28;
	v60 =	vsel vm15, v58, v29  }
0x189: {  	vm8 =	veq.s32 v20, $0x5;
	v24 =	vmax.f32 v24, v25;
	v21 =	vmax.f32 v21, v60  }
0x18a: {  	vm9 =	veq.s32 v20, $0x6;
	vm10 =	veq.s32 v20, $0x7;
	v21 =	vmax.f32 v24, v21  }
0x18b: {  	v24 =	vsel vm1, v5, v21;
	v25 =	vsel vm0, v21, v4;
	v22 =	vsel vm5, v21, v22  }
0x18c: {  	v23 =	vsel vm6, v21, v23;
	v6 =	vsel vm7, v21, v6;
	v7 =	vsel vm8, v21, v7  }
0x18d: {  	v9 =	vsel vm9, v21, v9;
	v8 =	vsel vm10, v21, v8;
	v4 =	vmax.f32 v24, v25  }
0x18e: {  	v5 =	vmax.f32 v22, v23;
	v61 =	vmax.f32 v6, v7;
	v21 =	vmax.f32 v9, v8  }
0x18f: {  	v4 =	vmax.f32 v4, v5;
	v5 =	vmax.f32 v61, v21  }
0x190: {  	v4 =	vmax.f32 v4, v5  }
0x191: {  	vm0 =	veq.f32 v9, v4  }
0x192: {  	vm11 =	veq.f32 v7, v4;
	v5 =	vsel vm0, $0x6, v3  }
0x193: {  	vm12 =	veq.f32 v6, v4;
	v5 =	vsel vm11, $0x5, v5  }
0x194: {  	vm13 =	veq.f32 v23, v4;
	v5 =	vsel vm12, $0x4, v5  }
0x195: {  	vm14 =	veq.f32 v22, v4;
	v5 =	vsel vm13, $0x3, v5  }
0x196: {  	vm0 =	veq.f32 v25, v4;
	v5 =	vsel vm14, $0x2, v5  }
0x197: {  	vm1 =	vne.f32 v24, v4;
	v5 =	vsel vm0, $0x1, v5  }
0x198: {  	v20 =	vnsel vm1, $0x0, v5  }
0x199: {  	v62 =	vor.u32 v13, v39;
	v26 =	vshll.u32 v20, $0x3  }
0x19a: {  	v63 =	vor.u32 $0x1, v26;
	v28 =	vadd.s32 v13, v26  }
0x19b: {  	v29 =	vor.u32 $0x2, v26;
	v30 =	vadd.s32 v13, v63  }
0x19c: {  	v31 =	vor.u32 $0x3, v26;
	v45 =	vadd.s32 v13, v29  }
0x19d: {  	v47 =	vimm.f32 $-Inf;
	v33 =	vor.u32 $0x4, v26;
	v46 =	vadd.s32 v13, v31  }
0x19e: {  	v5 =	vld.idx.msk [tilespmem:v39+s9+$0x0], $0xffff;
	[tilespmem:v62+s3+$0x0] =	vst.idx.msk $0xffff, v47;
	v21 =	vor.u32 $0x5, v26;
	v48 =	vadd.s32 v13, v33  }
0x19f: {  	v36 =	vor.u32 $0x6, v26;
	v49 =	vadd.s32 v13, v21;
	v28 =	vld.idx.msk [tilespmem:v28+s3+$0x0], $0xffff  }
0x1a0: {  	v38 =	vor.u32 $0x7, v26;
	v50 =	vadd.s32 v13, v36;
	v30 =	vld.idx.msk [tilespmem:v30+s3+$0x0], $0xffff  }
0x1a1: {  	v51 =	vadd.s32 v13, v38;
	v32 =	vld.idx.msk [tilespmem:v45+s3+$0x0], $0xffff  }
0x1a2: {  	v34 =	vld.idx.msk [tilespmem:v46+s3+$0x0], $0xffff  }
0x1a3: {  	v35 =	vld.idx.msk [tilespmem:v48+s3+$0x0], $0xffff  }
0x1a4: {  	v37 =	vld.idx.msk [tilespmem:v49+s3+$0x0], $0xffff  }
0x1a5: {  	[tilespmem:$0x1FD80] =	vst v39;
	v39 =	vld.idx.msk [tilespmem:v50+s3+$0x0], $0xffff  }
0x1a6: {  	v40 =	vld.idx.msk [tilespmem:v51+s3+$0x0], $0xffff;
	_ =	sdelay $0x1  }
0x1a7: {  	vm15 =	veq.f32 v28, v4;
	vm6 =	veq.f32 v30, v4  }
0x1a8: {  	v53 =	vnsel vm15, $0x4000, v26;
	vm7 =	veq.f32 v32, v4;
	vm8 =	veq.f32 v34, v4  }
0x1a9: {  	vm9 =	veq.f32 v35, v4;
	vm10 =	veq.f32 v37, v4;
	vm11 =	veq.f32 v39, v4  }
0x1aa: {  	vm12 =	veq.f32 v40, v4;
	v54 =	vnsel vm6, $0x4000, v63;
	v55 =	vnsel vm7, $0x4000, v29  }
0x1ab: {  	v56 =	vnsel vm8, $0x4000, v31;
	v57 =	vnsel vm9, $0x4000, v33;
	v58 =	vnsel vm10, $0x4000, v21  }
0x1ac: {  	v47 =	vnsel vm11, $0x4000, v36;
	v48 =	vnsel vm12, $0x4000, v38;
	v41 =	vmin.u32 v53, v54  }
0x1ad: {  	v59 =	vmin.u32 v55, v56;
	v60 =	vmin.u32 v57, v58;
	v61 =	vmin.u32 v47, v48  }
0x1ae: {  	v41 =	vmin.u32 v41, v59;
	v62 =	vmin.u32 v60, v61  }
0x1af: {  	vm0 =	vmand vm1, vm0;
	v41 =	vmin.u32 v41, v62  }
0x1b0: {  	vm4 =	veq.s32 v20, $0x5;
	vm5 =	veq.s32 v20, $0x6;
	v41 =	vmin.u32 v41, $0x3F  }
0x1b1: {  	vm6 =	veq.s32 v20, $0x7;
	vm13 =	veq.s32 v26, v41;
	vm14 =	veq.s32 v63, v41  }
0x1b2: {  	vm15 =	veq.s32 v29, v41;
	vm8 =	veq.s32 v31, v41;
	vm9 =	veq.s32 v33, v41  }
0x1b3: {  	vm10 =	veq.s32 v21, v41;
	vm11 =	veq.s32 v38, v41;
	vm12 =	veq.s32 v36, v41  }
0x1b4: {  	v63 =	vsel vm14, $0xFF800000, v30;
	v34 =	vsel vm8, $0xFF800000, v34;
	v21 =	vsel vm10, $0xFF800000, v37  }
0x1b5: {  	v29 =	vsel vm11, $0xFF800000, v40;
	v28 =	vmax.f32 v28, v63;
	v30 =	vmax.f32 v35, v21  }
0x1b6: {  	v31 =	vmax.f32 v39, v29;
	v26 =	vsel vm13, v63, v28;
	v28 =	vmax.f32 v32, v34  }
0x1b7: {  	v21 =	vsel vm9, v21, v30;
	v27 =	vsel vm15, v34, v28;
	v28 =	vsel vm12, v29, v31  }
0x1b8: {  	vm14 =	veq.s32 v20, $0x3;
	v26 =	vmax.f32 v26, v27;
	v21 =	vmax.f32 v21, v28  }
0x1b9: {  	vm13 =	veq.s32 v20, $0x2;
	vm15 =	veq.s32 v20, $0x4;
	v21 =	vmax.f32 v26, v21  }
0x1ba: {  	v24 =	vsel vm1, v24, v21;
	v25 =	vsel vm0, v21, v25;
	v22 =	vsel vm13, v21, v22  }
0x1bb: {  	v23 =	vsel vm14, v21, v23;
	v26 =	vsel vm15, v21, v6;
	v27 =	vsel vm4, v21, v7  }
0x1bc: {  	v9 =	vsel vm5, v21, v9;
	v8 =	vsel vm6, v21, v8;
	v39 =	vmax.f32 v24, v25  }
0x1bd: {  	v40 =	vmax.f32 v22, v23;
	v42 =	vmax.f32 v26, v27;
	v21 =	vmax.f32 v9, v8  }
0x1be: {  	v6 =	vmax.f32 v39, v40;
	v43 =	vmax.f32 v42, v21  }
0x1bf: {  	v6 =	vmax.f32 v6, v43  }
0x1c0: {  	vm0 =	veq.f32 v9, v6  }
0x1c1: {  	vm7 =	veq.f32 v27, v6;
	v44 =	vsel vm0, $0x6, v3  }
0x1c2: {  	vm8 =	veq.f32 v26, v6;
	v7 =	vsel vm7, $0x5, v44  }
0x1c3: {  	vm9 =	veq.f32 v23, v6;
	v7 =	vsel vm8, $0x4, v7  }
0x1c4: {  	vm10 =	veq.f32 v22, v6;
	v7 =	vsel vm9, $0x3, v7  }
0x1c5: {  	vm0 =	veq.f32 v25, v6;
	v7 =	vsel vm10, $0x2, v7  }
0x1c6: {  	vm1 =	vne.f32 v24, v6;
	v7 =	vsel vm0, $0x1, v7  }
0x1c7: {  	v20 =	vnsel vm1, $0x0, v7  }
0x1c8: {  	v45 =	vor.u32 v13, v41;
	v28 =	vshll.u32 v20, $0x3  }
0x1c9: {  	v29 =	vor.u32 $0x1, v28;
	v30 =	vadd.s32 v13, v28  }
0x1ca: {  	v31 =	vor.u32 $0x2, v28;
	v46 =	vadd.s32 v13, v29  }
0x1cb: {  	v33 =	vor.u32 $0x3, v28;
	v47 =	vadd.s32 v13, v31  }
0x1cc: {  	v3 =	vimm.f32 $-Inf;
	v35 =	vor.u32 $0x4, v28;
	v48 =	vadd.s32 v13, v33  }
0x1cd: {  	v7 =	vld.idx.msk [tilespmem:v41+s9+$0x0], $0xffff;
	[tilespmem:v45+s3+$0x0] =	vst.idx.msk $0xffff, v3;
	v21 =	vor.u32 $0x5, v28;
	v49 =	vadd.s32 v13, v35  }
0x1ce: {  	v38 =	vor.u32 $0x6, v28;
	v50 =	vadd.s32 v13, v21;
	v30 =	vld.idx.msk [tilespmem:v30+s3+$0x0], $0xffff  }
0x1cf: {  	v40 =	vor.u32 $0x7, v28;
	v51 =	vadd.s32 v13, v38;
	v32 =	vld.idx.msk [tilespmem:v46+s3+$0x0], $0xffff  }
0x1d0: {  	v53 =	vadd.s32 v13, v40;
	v34 =	vld.idx.msk [tilespmem:v47+s3+$0x0], $0xffff  }
0x1d1: {  	v36 =	vld.idx.msk [tilespmem:v48+s3+$0x0], $0xffff  }
0x1d2: {  	v37 =	vld.idx.msk [tilespmem:v49+s3+$0x0], $0xffff  }
0x1d3: {  	v39 =	vld.idx.msk [tilespmem:v50+s3+$0x0], $0xffff  }
0x1d4: {  	[tilespmem:$0x1FDA0] =	vst v41;
	v41 =	vld.idx.msk [tilespmem:v51+s3+$0x0], $0xffff  }
0x1d5: {  	v42 =	vld.idx.msk [tilespmem:v53+s3+$0x0], $0xffff;
	_ =	sdelay $0x1  }
0x1d6: {  	vm11 =	veq.f32 v30, v6;
	vm12 =	veq.f32 v32, v6  }
0x1d7: {  	v54 =	vnsel vm11, $0x4000, v28;
	vm13 =	veq.f32 v34, v6;
	vm14 =	veq.f32 v36, v6  }
0x1d8: {  	vm15 =	veq.f32 v37, v6;
	vm6 =	veq.f32 v39, v6;
	vm7 =	veq.f32 v41, v6  }
0x1d9: {  	vm8 =	veq.f32 v42, v6;
	v55 =	vnsel vm12, $0x4000, v29;
	v56 =	vnsel vm13, $0x4000, v31  }
0x1da: {  	v57 =	vnsel vm14, $0x4000, v33;
	v58 =	vnsel vm15, $0x4000, v35;
	v59 =	vnsel vm6, $0x4000, v21  }
0x1db: {  	v49 =	vnsel vm7, $0x4000, v38;
	v50 =	vnsel vm8, $0x4000, v40;
	v43 =	vmin.u32 v54, v55  }
0x1dc: {  	v60 =	vmin.u32 v56, v57;
	v61 =	vmin.u32 v58, v59;
	v62 =	vmin.u32 v49, v50  }
0x1dd: {  	v43 =	vmin.u32 v43, v60;
	v63 =	vmin.u32 v61, v62  }
0x1de: {  	vm0 =	vmand vm1, vm0;
	v43 =	vmin.u32 v43, v63  }
0x1df: {  	vm7 =	veq.s32 v20, $0x2;
	vm8 =	veq.s32 v20, $0x3;
	v3 =	vmin.u32 v43, $0x3F  }
0x1e0: {  	vm2 =	veq.s32 v28, v3;
	vm9 =	veq.s32 v29, v3;
	vm10 =	veq.s32 v31, v3  }
0x1e1: {  	vm11 =	veq.s32 v33, v3;
	vm12 =	veq.s32 v35, v3;
	vm13 =	veq.s32 v21, v3  }
0x1e2: {  	vm14 =	veq.s32 v40, v3;
	vm15 =	veq.s32 v38, v3;
	v28 =	vsel vm9, $0xFF800000, v32  }
0x1e3: {  	v29 =	vsel vm11, $0xFF800000, v36;
	v21 =	vsel vm13, $0xFF800000, v39;
	v31 =	vsel vm14, $0xFF800000, v42  }
0x1e4: {  	vm9 =	veq.s32 v20, $0x4;
	v30 =	vmax.f32 v30, v28;
	v46 =	vmax.f32 v37, v21  }
0x1e5: {  	v47 =	vmax.f32 v41, v31;
	v28 =	vsel vm2, v28, v30;
	v30 =	vmax.f32 v34, v29  }
0x1e6: {  	v21 =	vsel vm12, v21, v46;
	v29 =	vsel vm10, v29, v30;
	v30 =	vsel vm15, v31, v47  }
0x1e7: {  	vm11 =	veq.s32 v20, $0x6;
	v28 =	vmax.f32 v28, v29;
	v21 =	vmax.f32 v21, v30  }
0x1e8: {  	vm12 =	veq.s32 v20, $0x7;
	vm10 =	veq.s32 v20, $0x5;
	v21 =	vmax.f32 v28, v21  }
0x1e9: {  	v24 =	vsel vm1, v24, v21;
	v25 =	vsel vm0, v21, v25;
	v22 =	vsel vm7, v21, v22  }
0x1ea: {  	v23 =	vsel vm8, v21, v23;
	v26 =	vsel vm9, v21, v26;
	v27 =	vsel vm10, v21, v27  }
0x1eb: {  	v9 =	vsel vm11, v21, v9;
	v8 =	vsel vm12, v21, v8;
	v48 =	vmax.f32 v24, v25  }
0x1ec: {  	v49 =	vmax.f32 v22, v23;
	v28 =	vmax.f32 v26, v27;
	v8 =	vmax.f32 v9, v8  }
0x1ed: {  	v20 =	vmax.f32 v48, v49;
	v8 =	vmax.f32 v28, v8  }
0x1ee: {  	v8 =	vmax.f32 v20, v8  }
0x1ef: {  	vm0 =	veq.f32 v9, v8  }
0x1f0: {  	vm13 =	veq.f32 v27, v8;
	v9 =	vsel vm0, $0x30, v52  }
0x1f1: {  	vm14 =	veq.f32 v26, v8;
	v9 =	vsel vm13, $0x28, v9  }
0x1f2: {  	vm15 =	veq.f32 v23, v8;
	v9 =	vsel vm14, $0x20, v9  }
0x1f3: {  	vm4 =	veq.f32 v22, v8;
	v9 =	vsel vm15, $0x18, v9  }
0x1f4: {  	vm5 =	veq.f32 v25, v8;
	v9 =	vsel vm4, $0x10, v9  }
0x1f5: {  	vm6 =	veq.f32 v24, v8;
	v9 =	vsel vm5, $0x8, v9  }
0x1f6: {  	v50 =	vor.u32 v13, v3;
	v9 =	vsel vm6, $0x0, v9  }
0x1f7: {  	v51 =	vadd.s32 $0x1, v9;
	v52 =	vadd.s32 v13, v9  }
0x1f8: {  	v53 =	vadd.s32 $0x2, v9;
	v54 =	vadd.s32 v13, v51  }
0x1f9: {  	v55 =	vadd.s32 $0x3, v9;
	v56 =	vadd.s32 v13, v53  }
0x1fa: {  	[tilespmem:$0x1FDB0] =	vst v3;
	v57 =	vld.idx.msk [tilespmem:v3+s9+$0x0], $0xffff;
	v3 =	vimm.f32 $-Inf;
	v28 =	vadd.s32 $0x4, v9;
	v29 =	vadd.s32 v13, v55  }
0x1fb: {  	[tilespmem:v50+s3+$0x0] =	vst.idx.msk $0xffff, v3;
	v58 =	vadd.s32 $0x5, v9;
	v30 =	vadd.s32 v13, v28  }
0x1fc: {  	v31 =	vadd.s32 $0x6, v9;
	v59 =	vadd.s32 v13, v58;
	v22 =	vld.idx.msk [tilespmem:v52+s3+$0x0], $0xffff  }
0x1fd: {  	v60 =	vadd.s32 $0x7, v9;
	v61 =	vadd.s32 v13, v31;
	v24 =	vld.idx.msk [tilespmem:v54+s3+$0x0], $0xffff  }
0x1fe: {  	v62 =	vadd.s32 v13, v60;
	v26 =	vld.idx.msk [tilespmem:v56+s3+$0x0], $0xffff  }
0x1ff: {  	v29 =	vld.idx.msk [tilespmem:v29+s3+$0x0], $0xffff  }
0x200: {  	v30 =	vld.idx.msk [tilespmem:v30+s3+$0x0], $0xffff  }
0x201: {  	v32 =	vld.idx.msk [tilespmem:v59+s3+$0x0], $0xffff  }
0x202: {  	v34 =	vld.idx.msk [tilespmem:v61+s3+$0x0], $0xffff  }
0x203: {  	v35 =	vld.idx.msk [tilespmem:v62+s3+$0x0], $0xffff;
	_ =	sdelay $0x1  }
0x204: {  	v0 =	vsub.f32 v0, v11;
	vm7 =	veq.f32 v22, v8;
	vm8 =	veq.f32 v26, v8  }
0x205: {  	v9 =	vnsel vm7, $0x4000, v9;
	vm9 =	veq.f32 v24, v8;
	vm10 =	veq.f32 v29, v8  }
0x206: {  	vm11 =	veq.f32 v30, v8;
	vm12 =	veq.f32 v32, v8;
	vm13 =	veq.f32 v34, v8  }
0x207: {  	vm14 =	veq.f32 v35, v8;
	v63 =	vnsel vm8, $0x4000, v53;
	v36 =	vnsel vm10, $0x4000, v55  }
0x208: {  	v37 =	vnsel vm11, $0x4000, v28;
	v20 =	vnsel vm12, $0x4000, v58;
	v21 =	vmin.u32 v9, v51  }
0x209: {  	v38 =	vnsel vm13, $0x4000, v31;
	v39 =	vnsel vm14, $0x4000, v60;
	v9 =	vsel vm9, v21, v9  }
0x20a: {  	v11 =	vmin.u32 v63, v36;
	v20 =	vmin.u32 v37, v20;
	v40 =	vmin.u32 v38, v39  }
0x20b: {  	v15 =	vsub.f32 v2, v15;
	v2 =	vmin.u32 v9, v11;
	v41 =	vmin.u32 v20, v40  }
0x20c: {  	v2 =	vmin.u32 v2, v41  }
0x20d: {  	v42 =	vsub.f32 v14, v17;
	v3 =	vmin.u32 v2, $0x3F;
	v2 =	vadd.f32 v15, v0;
	_ =	sdelay $0x1  }
0x20e: {  	v43 =	vsub.f32 v16, v19;
	v2 =	vadd.f32 v42, v2;
	_ =	sdelay $0x1  }
0x20f: {  	v44 =	vsub.f32 v18, v5;
	v2 =	vadd.f32 v43, v2  }
0x210: {  	v5 =	vld.idx.msk [tilespmem:v3+s9+$0x0], $0xffff  }
0x211: {  	v4 =	vsub.f32 v4, v7;
	v2 =	vadd.f32 v44, v2;
	_ =	sdelay $0x1  }
0x212: {  	v6 =	vsub.f32 v6, v57;
	v2 =	vadd.f32 v4, v2;
	_ =	sdelay $0x1  }
0x213: {  	[tilespmem:$0x1FD70] =	vst v4;
	v4 =	vsub.f32 v8, v5;
	v2 =	vadd.f32 v6, v2;
	_ =	sdelay $0x1  }
0x214: {  	v2 =	vadd.f32 v4, v2;
	_ =	sdelay $0x1  }
0x215: {  	v2 =	vadd.f32 $9.999999680e-21, v2;
	_ =	sdelay $0x1  }
0x216: {  	(erf) = vrcp.f32 v2;
	_ =	sdelay $0x2  }
0x217: {  	s30 =	sadd.s32 $0xFFFFFFE0, s14;
	[tilespmem:$0x1FDD0] =	vst v3;
	v2 =	vor.u32 v13, v3;
	v3 =	vlaneseq.u32  }
0x218: {  	v3 =	vor.u32 s30, v3  }
0x219: {  	v14 =	vshll.u32 v3, $0x6  }
0x21a: {  	v48 =	vor.u32 $0x7, v14  }
0x21b: {  	v5 =	vshll.u32 v12, $0x3;
	v52 =	vor.u32 $0xA, v14  }
0x21c: {  	[tilespmem:$0x1FDC0] =	vst v4;
	v56 =	vor.u32 $0xC, v14  }
0x21d: {  	[tilespmem:$0x1FDE0] =	vst v3;
	v3 =	vimm.f32 $-Inf;
	v61 =	vor.u32 $0xF, v14;
	v4 =	vpop (erf)  }
0x21e: {  	[tilespmem:v2+s3+$0x0] =	vst.idx.msk $0xffff, v3;
	v2 =	vor.u32 $0x1, v14;
	v45 =	vmul.f32 $2.500000000e+00, v4  }
0x21f: {  	[tilespmem:$0x1FD90] =	vst v6;
	v8 =	vld.idx.msk [tilespmem:v48+s3+$0x0], $0xffff;
	v4 =	vor.u32 $0x1, v5  }
0x220: {  	[tilespmem:v5+s10+$0x0] =	vst.idx.msk $0xffff, v1;
	v1 =	vor.u32 $0x2, v14;
	v6 =	vld.idx.msk [tilespmem:v52+s3+$0x0], $0xffff;
	v0 =	vmul.f32 v45, v0  }
0x221: {  	[tilespmem:$0x1FCE0] =	vst v5;
	v9 =	vld.idx.msk [tilespmem:v56+s3+$0x0], $0xffff;
	v56 =	vor.u32 $0x1D, v14  }
0x222: {  	v7 =	vld.idx.msk [tilespmem:v61+s3+$0x0], $0xffff;
	[tilespmem:v5+s11+$0x0] =	vst.idx.msk $0xffff, v0;
	v0 =	vor.u32 $0x3, v14  }
0x223: {  	v2 =	vld.idx.msk [tilespmem:v2+s3+$0x0], $0xffff;
	[tilespmem:$0x1FD10] =	vst v4;
	v5 =	vor.u32 $0x4, v14  }
0x224: {  	v46 =	vor.u32 $0x5, v14;
	v47 =	vor.u32 $0x6, v14;
	[tilespmem:v4+s10+$0x0] =	vst.idx.msk $0xffff, v10;
	v4 =	vld.idx.msk [tilespmem:v14+s3+$0x0], $0xffff  }
0x225: {  	v49 =	vor.u32 $0x8, v14;
	v50 =	vor.u32 $0x9, v14;
	v54 =	vor.u32 $0xB, v14;
	v1 =	vld.idx.msk [tilespmem:v1+s3+$0x0], $0xffff  }
0x226: {  	[tilespmem:$0x1FD00] =	vst v15;
	v58 =	vor.u32 $0xD, v14;
	v60 =	vor.u32 $0xE, v14;
	v21 =	vor.u32 $0x11, v14;
	v15 =	vld.idx.msk [tilespmem:v56+s3+$0x0], $0xffff  }
0x227: {  	[tilespmem:$0x1FD60] =	vst v44;
	v23 =	vor.u32 $0x12, v14;
	v26 =	vor.u32 $0x13, v14;
	v35 =	vor.u32 $0x15, v14;
	v0 =	vld.idx.msk [tilespmem:v0+s3+$0x0], $0xffff  }
0x228: {  	[tilespmem:$0x1FD20] =	vst v42;
	v40 =	vor.u32 $0x16, v14;
	v42 =	vor.u32 $0x17, v14;
	v44 =	vor.u32 $0x18, v14;
	v5 =	vld.idx.msk [tilespmem:v5+s3+$0x0], $0xffff  }
0x229: {  	v28 =	vor.u32 $0x3E, v14;
	v51 =	vmin.f32 v4, v2;
	v2 =	vmax.f32 v4, v2;
	v4 =	vld.idx.msk [tilespmem:v46+s3+$0x0], $0xffff  }
0x22a: {  	v53 =	vmin.f32 v2, v1;
	v1 =	vmax.f32 v2, v1;
	v2 =	vld.idx.msk [tilespmem:v47+s3+$0x0], $0xffff;
	v47 =	vor.u32 $0x19, v14  }
0x22b: {  	v3 =	vimm.s32 $0x0;
	v61 =	vor.u32 $0x1F, v14;
	v56 =	vor.u32 $0x2C, v14;
	v10 =	vld.idx.msk [tilespmem:v58+s3+$0x0], $0xffff  }
0x22c: {  	v58 =	vor.u32 $0x1E, v14;
	v55 =	vmin.f32 v1, v0;
	v0 =	vmax.f32 v1, v0;
	v1 =	vld.idx.msk [tilespmem:v49+s3+$0x0], $0xffff  }
0x22d: {  	v11 =	vmax.f32 v51, v53;
	v57 =	vmin.f32 v0, v5;
	v0 =	vmax.f32 v0, v5;
	v5 =	vld.idx.msk [tilespmem:v50+s3+$0x0], $0xffff  }
0x22e: {  	v16 =	vld.idx.msk [tilespmem:v44+s3+$0x0], $0xffff;
	v51 =	vor.u32 $0x1B, v14;
	v53 =	vor.u32 $0x1C, v14;
	v11 =	vmax.f32 v11, v55  }
0x22f: {  	v11 =	vmax.f32 v11, v57;
	v59 =	vmin.f32 v0, v4;
	v0 =	vmax.f32 v0, v4;
	v55 =	vld.idx.msk [tilespmem:v47+s3+$0x0], $0xffff  }
0x230: {  	v49 =	vor.u32 $0x1A, v14;
	v11 =	vmax.f32 v11, v59;
	v62 =	vmin.f32 v0, v2  }
0x231: {  	v4 =	vld.idx.msk [tilespmem:v54+s3+$0x0], $0xffff;
	v0 =	vmax.f32 v0, v2;
	v2 =	vor.u32 $0x10, v14;
	v11 =	vmax.f32 v11, v62  }
0x232: {  	v25 =	vld.idx.msk [tilespmem:v60+s3+$0x0], $0xffff;
	v63 =	vmin.f32 v0, v8;
	v0 =	vmax.f32 v0, v8;
	v22 =	vmin.f32 v1, v5  }
0x233: {  	v34 =	vld.idx.msk [tilespmem:v21+s3+$0x0], $0xffff;
	v1 =	vmax.f32 v1, v5;
	v5 =	vmax.f32 v11, v63;
	v63 =	vor.u32 $0x20, v14  }
0x234: {  	v38 =	vld.idx.msk [tilespmem:v23+s3+$0x0], $0xffff;
	v24 =	vmin.f32 v1, v6;
	v1 =	vmax.f32 v1, v6;
	v23 =	vmax.f32 v16, v55  }
0x235: {  	v6 =	vld.idx.msk [tilespmem:v42+s3+$0x0], $0xffff;
	v13 =	vmin.f32 v16, v55;
	v42 =	vor.u32 $0x27, v14;
	v27 =	vmax.f32 v22, v24  }
0x236: {  	v57 =	vld.idx.msk [tilespmem:v49+s3+$0x0], $0xffff;
	v32 =	vmin.f32 v1, v4;
	v1 =	vmax.f32 v1, v4;
	v4 =	vor.u32 $0x14, v14  }
0x237: {  	v39 =	vld.idx.msk [tilespmem:v26+s3+$0x0], $0xffff;
	v22 =	vor.u32 $0x21, v14;
	v11 =	vmax.f32 v27, v32;
	v33 =	vmin.f32 v1, v9  }
0x238: {  	v2 =	vld.idx.msk [tilespmem:v2+s3+$0x0], $0xffff;
	v24 =	vor.u32 $0x22, v14;
	v1 =	vmax.f32 v1, v9;
	v36 =	vmax.f32 v11, v33  }
0x239: {  	v37 =	vmin.f32 v1, v10;
	v1 =	vmax.f32 v1, v10;
	v33 =	vld.idx.msk [tilespmem:v61+s3+$0x0], $0xffff;
	v61 =	vor.u32 $0x2E, v14  }
0x23a: {  	v46 =	vld.idx.msk [tilespmem:v35+s3+$0x0], $0xffff;
	v8 =	vmax.f32 v36, v37;
	v41 =	vmin.f32 v1, v25;
	v1 =	vmax.f32 v1, v25  }
0x23b: {  	v25 =	vmin.f32 v23, v57;
	v35 =	vld.idx.msk [tilespmem:v63+s3+$0x0], $0xffff;
	v36 =	vor.u32 $0x24, v14;
	v63 =	vor.u32 $0x30, v14  }
0x23c: {  	[tilespmem:$0x1FD40] =	vst v43;
	v8 =	vmax.f32 v8, v41;
	v43 =	vmin.f32 v1, v7;
	v27 =	vmax.f32 v13, v25  }
0x23d: {  	[tilespmem:$0x1FCF0] =	vst v45;
	v41 =	vor.u32 $0x26, v14;
	v4 =	vld.idx.msk [tilespmem:v4+s3+$0x0], $0xffff;
	v45 =	vmin.f32 v2, v34;
	v2 =	vmax.f32 v2, v34  }
0x23e: {  	v34 =	vor.u32 $0x23, v14;
	v48 =	vmin.f32 v2, v38;
	v2 =	vmax.f32 v2, v38  }
0x23f: {  	v8 =	vmax.f32 v8, v43;
	v38 =	vld.idx.msk [tilespmem:v22+s3+$0x0], $0xffff;
	v17 =	vmax.f32 v45, v48;
	v50 =	vmin.f32 v2, v39  }
0x240: {  	v11 =	vld.idx.msk [tilespmem:v40+s3+$0x0], $0xffff;
	v2 =	vmax.f32 v2, v39;
	v39 =	vor.u32 $0x25, v14;
	v45 =	vor.u32 $0x28, v14  }
0x241: {  	v60 =	vld.idx.msk [tilespmem:v51+s3+$0x0], $0xffff;
	v48 =	vor.u32 $0x29, v14;
	v52 =	vmax.f32 v17, v50;
	v50 =	vor.u32 $0x2A, v14  }
0x242: {  	v47 =	vld.idx.msk [tilespmem:v36+s3+$0x0], $0xffff;
	v36 =	vor.u32 $0x2F, v14;
	v10 =	vmin.f32 v2, v4;
	v2 =	vmax.f32 v2, v4  }
0x243: {  	v44 =	vld.idx.msk [tilespmem:v34+s3+$0x0], $0xffff;
	v34 =	vor.u32 $0x32, v14;
	v4 =	vmax.f32 v52, v10;
	v54 =	vmin.f32 v2, v46  }
0x244: {  	v17 =	vld.idx.msk [tilespmem:v24+s3+$0x0], $0xffff;
	v2 =	vmax.f32 v2, v46;
	v49 =	vmax.f32 v35, v38;
	v4 =	vmax.f32 v4, v54  }
0x245: {  	v59 =	vmin.f32 v2, v11;
	v2 =	vmax.f32 v2, v11;
	v54 =	vor.u32 $0x2B, v14;
	v55 =	vld.idx.msk [tilespmem:v45+s3+$0x0], $0xffff  }
0x246: {  	v45 =	vor.u32 $0x37, v14;
	v10 =	vmax.f32 v4, v59;
	v4 =	vmax.f32 v1, v7;
	v1 =	vld.idx.msk [tilespmem:v53+s3+$0x0], $0xffff  }
0x247: {  	v26 =	vld.idx.msk [tilespmem:v58+s3+$0x0], $0xffff;
	v62 =	vmin.f32 v2, v6;
	v2 =	vmax.f32 v2, v6;
	v6 =	vmax.f32 v23, v57  }
0x248: {  	v53 =	vld.idx.msk [tilespmem:v42+s3+$0x0], $0xffff;
	v32 =	vmin.f32 v6, v60;
	v6 =	vmax.f32 v6, v60;
	v60 =	vor.u32 $0x2D, v14  }
0x249: {  	v51 =	vmin.f32 v49, v17;
	v19 =	vld.idx.msk [tilespmem:v50+s3+$0x0], $0xffff;
	v42 =	vor.u32 $0x35, v14;
	v50 =	vor.u32 $0x39, v14  }
0x24a: {  	v10 =	vmax.f32 v10, v62;
	v12 =	vmax.f32 v27, v32;
	v32 =	vor.u32 $0x31, v14  }
0x24b: {  	v58 =	vld.idx.msk [tilespmem:v48+s3+$0x0], $0xffff;
	v37 =	vmin.f32 v6, v1;
	v1 =	vmax.f32 v6, v1;
	v6 =	vmin.f32 v35, v38  }
0x24c: {  	v12 =	vmax.f32 v12, v37;
	v40 =	vmin.f32 v1, v15;
	v1 =	vmax.f32 v1, v15  }
0x24d: {  	v6 =	vmax.f32 v6, v51;
	v21 =	vld.idx.msk [tilespmem:v60+s3+$0x0], $0xffff;
	v37 =	vor.u32 $0x33, v14;
	v60 =	vor.u32 $0x3D, v14  }
0x24e: {  	v12 =	vmax.f32 v12, v40;
	v43 =	vmin.f32 v1, v26;
	v1 =	vmax.f32 v1, v26  }
0x24f: {  	v52 =	vld.idx.msk [tilespmem:v41+s3+$0x0], $0xffff;
	v40 =	vor.u32 $0x34, v14;
	v12 =	vmax.f32 v12, v43;
	v46 =	vmin.f32 v1, v33  }
0x250: {  	v7 =	vld.idx.msk [tilespmem:v39+s3+$0x0], $0xffff;
	v1 =	vmax.f32 v1, v33;
	v33 =	vmax.f32 v55, v58;
	v43 =	vor.u32 $0x36, v14  }
0x251: {  	v39 =	vld.idx.msk [tilespmem:v63+s3+$0x0], $0xffff;
	v11 =	vmax.f32 v12, v46;
	v12 =	vmax.f32 v49, v17;
	v35 =	vmin.f32 v33, v19  }
0x252: {  	v22 =	vld.idx.msk [tilespmem:v32+s3+$0x0], $0xffff;
	v17 =	vmin.f32 v12, v44;
	v9 =	vmax.f32 v12, v44;
	v12 =	vmin.f32 v55, v58  }
0x253: {  	v55 =	vor.u32 $0x3B, v14;
	v6 =	vmax.f32 v6, v17;
	v57 =	vmin.f32 v9, v47  }
0x254: {  	v15 =	vld.idx.msk [tilespmem:v54+s3+$0x0], $0xffff;
	v9 =	vmax.f32 v9, v47;
	v12 =	vmax.f32 v12, v35;
	v47 =	vor.u32 $0x38, v14  }
0x255: {  	v18 =	vld.idx.msk [tilespmem:v56+s3+$0x0], $0xffff;
	v6 =	vmax.f32 v6, v57;
	v59 =	vmin.f32 v9, v7;
	v7 =	vmax.f32 v9, v7  }
0x256: {  	v17 =	vld.idx.msk [tilespmem:v34+s3+$0x0], $0xffff;
	v6 =	vmax.f32 v6, v59;
	v62 =	vmin.f32 v7, v52;
	v7 =	vmax.f32 v7, v52  }
0x257: {  	v51 =	vmax.f32 v39, v22;
	v6 =	vmax.f32 v6, v62;
	v27 =	vmin.f32 v7, v53  }
0x258: {  	v24 =	vld.idx.msk [tilespmem:v36+s3+$0x0], $0xffff;
	v57 =	vor.u32 $0x3C, v14;
	v23 =	vmax.f32 v6, v27;
	v6 =	vmax.f32 v33, v19  }
0x259: {  	v9 =	vld.idx.msk [tilespmem:v61+s3+$0x0], $0xffff;
	v33 =	vor.u32 $0x3F, v14;
	v38 =	vmin.f32 v6, v15;
	v6 =	vmax.f32 v6, v15  }
0x25a: {  	v19 =	vld.idx.msk [tilespmem:v37+s3+$0x0], $0xffff;
	v15 =	vmin.f32 v39, v22;
	v41 =	vmin.f32 v6, v18;
	v6 =	vmax.f32 v6, v18  }
0x25b: {  	v56 =	vld.idx.msk [tilespmem:v45+s3+$0x0], $0xffff;
	v54 =	vmin.f32 v51, v17;
	v12 =	vmax.f32 v12, v38;
	v44 =	vmin.f32 v6, v21  }
0x25c: {  	v49 =	vld.idx.msk [tilespmem:v40+s3+$0x0], $0xffff;
	v21 =	vmax.f32 v6, v21;
	v6 =	vmax.f32 v7, v53;
	v53 =	vor.u32 $0x3A, v14  }
0x25d: {  	v52 =	vld.idx.msk [tilespmem:v42+s3+$0x0], $0xffff;
	v16 =	vmax.f32 v51, v17;
	v17 =	vadd.f32 v8, v4;
	v12 =	vmax.f32 v12, v41  }
0x25e: {  	v18 =	vld.idx.msk [tilespmem:v43+s3+$0x0], $0xffff;
	v15 =	vmax.f32 v15, v54;
	v12 =	vmax.f32 v12, v44;
	v46 =	vmin.f32 v21, v9  }
0x25f: {  	v13 =	vld.idx.msk [tilespmem:v50+s3+$0x0], $0xffff;
	v9 =	vmax.f32 v21, v9;
	v48 =	vmax.f32 v12, v46;
	v58 =	vmin.f32 v16, v19  }
0x260: {  	v59 =	vld.idx.msk [tilespmem:v47+s3+$0x0], $0xffff;
	v16 =	vmax.f32 v16, v19;
	v29 =	vmin.f32 v9, v24;
	v7 =	vmax.f32 v9, v24  }
0x261: {  	v15 =	vmax.f32 v15, v58;
	v61 =	vmin.f32 v16, v49;
	v12 =	vmax.f32 v16, v49;
	v62 =	vld.idx.msk [tilespmem:v53+s3+$0x0], $0xffff  }
0x262: {  	v32 =	vld.idx.msk [tilespmem:v55+s3+$0x0], $0xffff;
	v15 =	vmax.f32 v15, v61;
	v63 =	vmin.f32 v12, v52;
	v12 =	vmax.f32 v12, v52  }
0x263: {  	v35 =	vld.idx.msk [tilespmem:v57+s3+$0x0], $0xffff;
	v15 =	vmax.f32 v15, v63;
	v34 =	vmin.f32 v12, v18;
	v12 =	vmax.f32 v12, v18  }
0x264: {  	v36 =	vmax.f32 v48, v29;
	v15 =	vmax.f32 v15, v34;
	v37 =	vmin.f32 v12, v56  }
0x265: {  	v38 =	vld.idx.msk [tilespmem:v60+s3+$0x0], $0xffff;
	v39 =	vmax.f32 v59, v13;
	v13 =	vmin.f32 v59, v13;
	v21 =	vmax.f32 v15, v37  }
0x266: {  	v40 =	vld.idx.msk [tilespmem:v28+s3+$0x0], $0xffff;
	v15 =	vadd.f32 v10, v2;
	v41 =	vmin.f32 v39, v62;
	v9 =	vmax.f32 v39, v62  }
0x267: {  	v13 =	vmax.f32 v13, v41;
	v16 =	vmin.f32 v9, v32;
	v9 =	vmax.f32 v9, v32  }
0x268: {  	vm11 =	vgt.f32 v15, v17;
	v13 =	vmax.f32 v13, v16;
	v43 =	vmin.f32 v9, v35  }
0x269: {  	v42 =	vld.idx.msk [tilespmem:v33+s3+$0x0], $0xffff;
	v9 =	vmax.f32 v9, v35;
	v16 =	vadd.f32 v5, v0;
	v13 =	vmax.f32 v13, v43  }
0x26a: {  	v44 =	vmin.f32 v9, v38;
	v18 =	vmax.f32 v9, v38;
	v9 =	vmax.f32 v12, v56  }
0x26b: {  	v45 =	vmax.f32 v13, v44;
	v46 =	vmin.f32 v18, v40;
	v13 =	vadd.f32 v11, v1  }
0x26c: {  	v18 =	vmax.f32 v18, v40;
	v11 =	vadd.f32 v36, v7;
	v8 =	vadd.f32 v21, v9  }
0x26d: {  	vm15 =	vgt.f32 v17, v16;
	vm4 =	vgt.f32 v15, v16;
	vm10 =	vge.f32 v16, v17  }
0x26e: {  	v12 =	vmax.f32 v45, v46;
	v5 =	vmin.f32 v18, v42;
	v48 =	vsel vm15, $0x1, v3  }
0x26f: {  	v3 =	vimm.s32 $0x0;
	v47 =	vmax.f32 v12, v5;
	v12 =	vadd.f32 v23, v6  }
0x270: {  	v5 =	vmax.f32 v18, v42;
	v49 =	vsel vm4, $0x1, v3;
	vm5 =	vgt.f32 v13, v16  }
0x271: {  	v3 =	vimm.s32 $0x0;
	vm7 =	vgt.f32 v11, v16;
	vm8 =	vgt.f32 v8, v16  }
0x272: {  	vm12 =	vgt.f32 v13, v17;
	vm14 =	vgt.f32 v11, v17;
	vm15 =	vgt.f32 v8, v17  }
0x273: {  	v10 =	vadd.f32 v47, v5;
	v18 =	vadd.s32 v48, v49;
	v50 =	vsel vm5, $0x1, v3  }
0x274: {  	v3 =	vimm.s32 $0x0;
	vm6 =	vgt.f32 v12, v16;
	v18 =	vadd.s32 v50, v18  }
0x275: {  	vm13 =	vgt.f32 v12, v17;
	v51 =	vsel vm6, $0x1, v3;
	v3 =	vimm.s32 $0x0  }
0x276: {  	vm9 =	vgt.f32 v10, v16;
	vm4 =	vgt.f32 v10, v17;
	v18 =	vadd.s32 v51, v18  }
0x277: {  	v52 =	vsel vm7, $0x1, v3;
	v3 =	vimm.s32 $0x0;
	vm7 =	vge.f32 v16, v15  }
0x278: {  	v18 =	vadd.s32 v52, v18;
	v53 =	vsel vm8, $0x1, v3;
	v3 =	vimm.s32 $0x0  }
0x279: {  	vm8 =	vge.f32 v17, v15;
	v18 =	vadd.s32 v53, v18;
	v54 =	vsel vm9, $0x1, v3  }
0x27a: {  	v3 =	vimm.s32 $0x0;
	vm9 =	vgt.f32 v13, v15;
	v18 =	vadd.s32 v54, v18  }
0x27b: {  	v55 =	vsel vm10, $0x1, v3;
	v3 =	vimm.s32 $0x0;
	vm10 =	vgt.f32 v12, v15  }
0x27c: {  	v56 =	vsel vm11, $0x1, v3;
	v3 =	vimm.s32 $0x0;
	vm5 =	vlt.u32 v18, $0x4  }
0x27d: {  	vm11 =	vgt.f32 v11, v15;
	v19 =	vadd.s32 v55, v56;
	v57 =	vsel vm12, $0x1, v3  }
0x27e: {  	v3 =	vimm.s32 $0x0;
	v0 =	vnsel vm5, $0xFF800000, v0;
	vm12 =	vgt.f32 v8, v15  }
0x27f: {  	vm5 =	vgt.f32 v12, v13;
	v19 =	vadd.s32 v57, v19;
	v58 =	vsel vm13, $0x1, v3  }
0x280: {  	v3 =	vimm.s32 $0x0;
	vm13 =	vgt.f32 v10, v15;
	v19 =	vadd.s32 v58, v19  }
0x281: {  	v59 =	vsel vm14, $0x1, v3;
	v3 =	vimm.s32 $0x0;
	vm14 =	vge.f32 v16, v13  }
0x282: {  	v19 =	vadd.s32 v59, v19;
	v60 =	vsel vm15, $0x1, v3;
	v3 =	vimm.s32 $0x0  }
0x283: {  	vm15 =	vge.f32 v17, v13;
	v61 =	vadd.s32 v60, v19;
	v62 =	vsel vm4, $0x1, v3  }
0x284: {  	v3 =	vimm.s32 $0x0;
	vm4 =	vge.f32 v15, v13;
	v18 =	vadd.s32 v62, v61  }
0x285: {  	v63 =	vsel vm7, $0x1, v3;
	v3 =	vimm.s32 $0x0;
	vm7 =	vgt.f32 v8, v13  }
0x286: {  	vm6 =	vlt.u32 v18, $0x4;
	v21 =	vsel vm8, $0x1, v3;
	v3 =	vimm.s32 $0x0  }
0x287: {  	v18 =	vadd.s32 v21, v63;
	v22 =	vsel vm9, $0x1, v3;
	v3 =	vimm.s32 $0x0  }
0x288: {  	v4 =	vnsel vm6, $0xFF800000, v4;
	vm6 =	vgt.f32 v11, v13;
	vm9 =	vgt.f32 v10, v13  }
0x289: {  	v18 =	vadd.s32 v22, v18;
	v23 =	vsel vm10, $0x1, v3;
	v3 =	vimm.s32 $0x0  }
0x28a: {  	vm10 =	vge.f32 v16, v12;
	v18 =	vadd.s32 v23, v18;
	v24 =	vsel vm11, $0x1, v3  }
0x28b: {  	v3 =	vimm.s32 $0x0;
	vm11 =	vge.f32 v17, v12;
	v18 =	vadd.s32 v24, v18  }
0x28c: {  	v25 =	vsel vm12, $0x1, v3;
	v3 =	vimm.s32 $0x0;
	vm12 =	vge.f32 v15, v12  }
0x28d: {  	v18 =	vadd.s32 v25, v18;
	v26 =	vsel vm13, $0x1, v3;
	v3 =	vimm.s32 $0x0  }
0x28e: {  	vm13 =	vge.f32 v13, v12;
	v27 =	vsel vm14, $0x1, v3;
	v3 =	vimm.s32 $0x0  }
0x28f: {  	v18 =	vadd.s32 v26, v18;
	vm14 =	vgt.f32 v11, v12;
	v32 =	vsel vm15, $0x1, v3  }
0x290: {  	v3 =	vimm.s32 $0x0;
	vm8 =	vlt.u32 v18, $0x4;
	vm15 =	vgt.f32 v8, v12  }
0x291: {  	v19 =	vadd.s32 v32, v27;
	v33 =	vsel vm4, $0x1, v3;
	v3 =	vimm.s32 $0x0  }
0x292: {  	v2 =	vnsel vm8, $0xFF800000, v2;
	vm8 =	vge.f32 v15, v11;
	v19 =	vadd.s32 v33, v19  }
0x293: {  	v34 =	vsel vm5, $0x1, v3;
	v3 =	vimm.s32 $0x0;
	vm5 =	vgt.f32 v10, v12  }
0x294: {  	v19 =	vadd.s32 v34, v19;
	v35 =	vsel vm6, $0x1, v3;
	v3 =	vimm.s32 $0x0  }
0x295: {  	vm6 =	vge.f32 v16, v11;
	v34 =	vmax.f32 v0, v4;
	v36 =	vadd.s32 v35, v19  }
0x296: {  	v37 =	vsel vm7, $0x1, v3;
	v3 =	vimm.s32 $0x0;
	vm7 =	vge.f32 v17, v11  }
0x297: {  	v18 =	vadd.s32 v37, v36;
	v38 =	vsel vm9, $0x1, v3;
	v3 =	vimm.s32 $0x0  }
0x298: {  	vm9 =	vge.f32 v13, v11;
	v39 =	vsel vm10, $0x1, v3;
	v3 =	vimm.s32 $0x0  }
0x299: {  	v18 =	vadd.s32 v38, v18;
	vm10 =	vge.f32 v12, v11;
	v40 =	vsel vm11, $0x1, v3  }
0x29a: {  	v3 =	vimm.s32 $0x0;
	vm4 =	vlt.u32 v18, $0x4;
	vm11 =	vgt.f32 v8, v11  }
0x29b: {  	v20 =	vadd.s32 v40, v39;
	v41 =	vsel vm12, $0x1, v3;
	v3 =	vimm.s32 $0x0  }
0x29c: {  	v1 =	vnsel vm4, $0xFF800000, v1;
	vm4 =	vge.f32 v15, v8;
	v20 =	vadd.s32 v41, v20  }
0x29d: {  	v42 =	vsel vm13, $0x1, v3;
	v3 =	vimm.s32 $0x0;
	vm13 =	vgt.f32 v10, v11  }
0x29e: {  	v20 =	vadd.s32 v42, v20;
	v43 =	vsel vm14, $0x1, v3;
	v3 =	vimm.s32 $0x0  }
0x29f: {  	vm14 =	vge.f32 v16, v8;
	v44 =	vadd.s32 v43, v20;
	v45 =	vsel vm15, $0x1, v3  }
0x2a0: {  	v3 =	vimm.s32 $0x0;
	vm15 =	vge.f32 v17, v8;
	v46 =	vadd.s32 v45, v44  }
0x2a1: {  	v47 =	vsel vm5, $0x1, v3;
	v3 =	vimm.s32 $0x0;
	vm5 =	vge.f32 v13, v8  }
0x2a2: {  	v48 =	vsel vm6, $0x1, v3;
	v3 =	vimm.s32 $0x0;
	v18 =	vadd.s32 v47, v46  }
0x2a3: {  	vm6 =	vge.f32 v12, v8;
	v49 =	vsel vm7, $0x1, v3;
	v3 =	vimm.s32 $0x0  }
0x2a4: {  	vm12 =	vlt.u32 v18, $0x4;
	vm7 =	vge.f32 v11, v8;
	v20 =	vadd.s32 v49, v48  }
0x2a5: {  	v50 =	vsel vm8, $0x1, v3;
	v3 =	vimm.s32 $0x0;
	v6 =	vnsel vm12, $0xFF800000, v6  }
0x2a6: {  	vm8 =	vgt.f32 v10, v8;
	vm12 =	vge.f32 v13, v10;
	v20 =	vadd.s32 v50, v20  }
0x2a7: {  	v51 =	vsel vm9, $0x1, v3;
	v3 =	vimm.s32 $0x0;
	vm9 =	vge.f32 v16, v10  }
0x2a8: {  	v20 =	vadd.s32 v51, v20;
	v52 =	vsel vm10, $0x1, v3;
	v3 =	vimm.s32 $0x0  }
0x2a9: {  	vm10 =	vge.f32 v17, v10;
	v54 =	vsel vm11, $0x1, v3;
	v3 =	vimm.s32 $0x0  }
0x2aa: {  	v53 =	vadd.s32 v52, v20;
	v56 =	vsel vm14, $0x1, v3;
	v3 =	vimm.s32 $0x0  }
0x2ab: {  	vm11 =	vge.f32 v15, v10;
	v57 =	vsel vm15, $0x1, v3;
	v3 =	vimm.s32 $0x0  }
0x2ac: {  	v55 =	vadd.s32 v54, v53;
	v58 =	vsel vm4, $0x1, v3;
	v3 =	vimm.s32 $0x0  }
0x2ad: {  	vm14 =	vge.f32 v11, v10;
	v59 =	vsel vm5, $0x1, v3;
	v3 =	vimm.s32 $0x0  }
0x2ae: {  	vm15 =	vge.f32 v8, v10;
	v60 =	vsel vm6, $0x1, v3;
	v3 =	vimm.s32 $0x0  }
0x2af: {  	v19 =	vadd.s32 v57, v56;
	v61 =	vsel vm13, $0x1, v3;
	v3 =	vimm.s32 $0x0  }
0x2b0: {  	v19 =	vadd.s32 v58, v19;
	v62 =	vsel vm7, $0x1, v3;
	v3 =	vimm.s32 $0x0  }
0x2b1: {  	v19 =	vadd.s32 v59, v19;
	v16 =	vsel vm9, $0x1, v3;
	v3 =	vimm.s32 $0x0  }
0x2b2: {  	v19 =	vadd.s32 v60, v19;
	v17 =	vsel vm10, $0x1, v3;
	v3 =	vimm.s32 $0x0  }
0x2b3: {  	vm13 =	vge.f32 v12, v10;
	v20 =	vsel vm11, $0x1, v3;
	v3 =	vimm.s32 $0x0  }
0x2b4: {  	v63 =	vadd.s32 v17, v16;
	v22 =	vsel vm12, $0x1, v3;
	v3 =	vimm.s32 $0x0  }
0x2b5: {  	v21 =	vadd.s32 v20, v63;
	v24 =	vsel vm13, $0x1, v3;
	v3 =	vimm.s32 $0x0  }
0x2b6: {  	v23 =	vadd.s32 v22, v21;
	v26 =	vsel vm14, $0x1, v3;
	v3 =	vimm.s32 $0x0  }
0x2b7: {  	v25 =	vadd.s32 v24, v23;
	v27 =	vsel vm8, $0x1, v3;
	v3 =	vimm.s32 $0x0  }
0x2b8: {  	v19 =	vadd.s32 v62, v19;
	v32 =	vadd.s32 v26, v25;
	v33 =	vsel vm15, $0x1, v3  }
0x2b9: {  	v18 =	vadd.s32 v61, v55;
	v8 =	vadd.s32 v27, v19;
	v10 =	vadd.s32 v33, v32  }
0x2ba: {  	vm4 =	vlt.u32 v18, $0x4;
	vm5 =	vlt.u32 v8, $0x4;
	vm6 =	vlt.u32 v10, $0x4  }
0x2bb: {  	v7 =	vnsel vm4, $0xFF800000, v7;
	v8 =	vnsel vm5, $0xFF800000, v9;
	v5 =	vnsel vm6, $0xFF800000, v5  }
0x2bc: {  	v35 =	vmax.f32 v2, v1;
	v36 =	vmax.f32 v6, v7;
	v37 =	vmax.f32 v8, v5  }
0x2bd: {  	v9 =	vmax.f32 v34, v35;
	v38 =	vmax.f32 v36, v37  }
0x2be: {  	v10 =	vmax.f32 v9, v38  }
0x2bf: {  	v3 =	vimm.s32 $0x7;
	vm0 =	veq.f32 v8, v10  }
0x2c0: {  	vm7 =	veq.f32 v7, v10;
	v39 =	vsel vm0, $0x6, v3  }
0x2c1: {  	vm8 =	veq.f32 v6, v10;
	v9 =	vsel vm7, $0x5, v39  }
0x2c2: {  	vm9 =	veq.f32 v1, v10;
	v9 =	vsel vm8, $0x4, v9  }
0x2c3: {  	vm10 =	veq.f32 v2, v10;
	v9 =	vsel vm9, $0x3, v9  }
0x2c4: {  	vm0 =	veq.f32 v4, v10;
	v9 =	vsel vm10, $0x2, v9  }
0x2c5: {  	vm1 =	vne.f32 v0, v10;
	v9 =	vsel vm0, $0x1, v9  }
0x2c6: {  	v9 =	vnsel vm1, $0x0, v9  }
0x2c7: {  	v40 =	vshll.u32 v9, $0x3  }
0x2c8: {  	v41 =	vor.u32 $0x1, v40;
	v42 =	vadd.s32 v14, v40  }
0x2c9: {  	v43 =	vor.u32 $0x2, v40;
	v44 =	vadd.s32 v14, v41  }
0x2ca: {  	v45 =	vor.u32 $0x3, v40;
	v46 =	vadd.s32 v14, v43  }
0x2cb: {  	v47 =	vor.u32 $0x4, v40;
	v48 =	vadd.s32 v14, v45  }
0x2cc: {  	v49 =	vor.u32 $0x5, v40;
	v50 =	vadd.s32 v14, v47  }
0x2cd: {  	v51 =	vor.u32 $0x6, v40;
	v52 =	vadd.s32 v14, v49;
	v12 =	vld.idx.msk [tilespmem:v42+s3+$0x0], $0xffff  }
0x2ce: {  	v53 =	vor.u32 $0x7, v40;
	v54 =	vadd.s32 v14, v51;
	v15 =	vld.idx.msk [tilespmem:v44+s3+$0x0], $0xffff  }
0x2cf: {  	v55 =	vadd.s32 v14, v53;
	v17 =	vld.idx.msk [tilespmem:v46+s3+$0x0], $0xffff  }
0x2d0: {  	v19 =	vld.idx.msk [tilespmem:v48+s3+$0x0], $0xffff  }
0x2d1: {  	v21 =	vld.idx.msk [tilespmem:v50+s3+$0x0], $0xffff  }
0x2d2: {  	v23 =	vld.idx.msk [tilespmem:v52+s3+$0x0], $0xffff  }
0x2d3: {  	v25 =	vld.idx.msk [tilespmem:v54+s3+$0x0], $0xffff  }
0x2d4: {  	v26 =	vld.idx.msk [tilespmem:v55+s3+$0x0], $0xffff  }
0x2d5: {  	v3 =	vmov v10  }
0x2d6: {  	vm11 =	veq.f32 v12, v3;
	vm12 =	veq.f32 v15, v3  }
0x2d7: {  	v56 =	vnsel vm11, $0x4000, v40;
	vm13 =	veq.f32 v17, v3;
	vm14 =	veq.f32 v19, v3  }
0x2d8: {  	vm15 =	veq.f32 v21, v3;
	vm6 =	veq.f32 v23, v3;
	vm7 =	veq.f32 v25, v3  }
0x2d9: {  	vm8 =	veq.f32 v26, v3;
	v28 =	vnsel vm12, $0x4000, v41;
	v29 =	vnsel vm13, $0x4000, v43  }
0x2da: {  	v30 =	vnsel vm14, $0x4000, v45;
	v31 =	vnsel vm15, $0x4000, v47;
	v57 =	vnsel vm6, $0x4000, v49  }
0x2db: {  	v58 =	vnsel vm7, $0x4000, v51;
	v59 =	vnsel vm8, $0x4000, v53;
	v27 =	vmin.u32 v56, v28  }
0x2dc: {  	v28 =	vmin.u32 v29, v30;
	v29 =	vmin.u32 v31, v57;
	v30 =	vmin.u32 v58, v59  }
0x2dd: {  	v27 =	vmin.u32 v27, v28;
	v28 =	vmin.u32 v29, v30  }
0x2de: {  	vm0 =	vmand vm1, vm0;
	v27 =	vmin.u32 v27, v28  }
0x2df: {  	[tilespmem:$0x1F9B0] =	vst v3;
	vm5 =	veq.s32 v9, $0x2;
	vm6 =	veq.s32 v9, $0x3;
	v3 =	vmin.u32 v27, $0x3F  }
0x2e0: {  	vm7 =	veq.s32 v9, $0x4;
	vm2 =	veq.s32 v40, v3;
	vm9 =	veq.s32 v41, v3  }
0x2e1: {  	vm10 =	veq.s32 v43, v3;
	vm11 =	veq.s32 v45, v3;
	vm12 =	veq.s32 v47, v3  }
0x2e2: {  	vm13 =	veq.s32 v49, v3;
	vm14 =	veq.s32 v53, v3;
	vm15 =	veq.s32 v51, v3  }
0x2e3: {  	v60 =	vsel vm9, $0xFF800000, v15;
	v61 =	vsel vm11, $0xFF800000, v19;
	v62 =	vsel vm13, $0xFF800000, v23  }
0x2e4: {  	v22 =	vsel vm14, $0xFF800000, v26;
	v12 =	vmax.f32 v12, v60;
	v23 =	vmax.f32 v17, v61  }
0x2e5: {  	v24 =	vmax.f32 v21, v62;
	v25 =	vmax.f32 v25, v22;
	v10 =	vsel vm2, v60, v12  }
0x2e6: {  	v11 =	vsel vm10, v61, v23;
	v26 =	vsel vm12, v62, v24;
	v27 =	vsel vm15, v22, v25  }
0x2e7: {  	vm8 =	veq.s32 v9, $0x5;
	v10 =	vmax.f32 v10, v11;
	v32 =	vmax.f32 v26, v27  }
0x2e8: {  	vm9 =	veq.s32 v9, $0x6;
	vm10 =	veq.s32 v9, $0x7;
	v10 =	vmax.f32 v10, v32  }
0x2e9: {  	v0 =	vsel vm1, v0, v10;
	v4 =	vsel vm0, v10, v4;
	v2 =	vsel vm5, v10, v2  }
0x2ea: {  	v1 =	vsel vm6, v10, v1;
	v6 =	vsel vm7, v10, v6;
	v7 =	vsel vm8, v10, v7  }
0x2eb: {  	v8 =	vsel vm9, v10, v8;
	v5 =	vsel vm10, v10, v5;
	v33 =	vmax.f32 v0, v4  }
0x2ec: {  	v34 =	vmax.f32 v2, v1;
	v35 =	vmax.f32 v6, v7;
	v36 =	vmax.f32 v8, v5  }
0x2ed: {  	v9 =	vmax.f32 v33, v34;
	v37 =	vmax.f32 v35, v36  }
0x2ee: {  	v63 =	vmov v3;
	v3 =	vimm.s32 $0x7;
	v38 =	vmax.f32 v9, v37  }
0x2ef: {  	vm0 =	veq.f32 v8, v38  }
0x2f0: {  	vm11 =	veq.f32 v7, v38;
	v39 =	vsel vm0, $0x6, v3  }
0x2f1: {  	vm12 =	veq.f32 v6, v38;
	v3 =	vmov v63;
	v9 =	vsel vm11, $0x5, v39  }
0x2f2: {  	vm13 =	veq.f32 v1, v38;
	v9 =	vsel vm12, $0x4, v9  }
0x2f3: {  	vm14 =	veq.f32 v2, v38;
	v9 =	vsel vm13, $0x3, v9  }
0x2f4: {  	vm0 =	veq.f32 v4, v38;
	v9 =	vsel vm14, $0x2, v9  }
0x2f5: {  	vm1 =	vne.f32 v0, v38;
	v9 =	vsel vm0, $0x1, v9  }
0x2f6: {  	v3 =	vld.idx.msk [tilespmem:v3+s9+$0x0], $0xffff;
	v9 =	vnsel vm1, $0x0, v9  }
0x2f7: {  	v40 =	vor.u32 v14, v63;
	v41 =	vshll.u32 v9, $0x3  }
0x2f8: {  	v42 =	vor.u32 $0x1, v41;
	v43 =	vadd.s32 v14, v41  }
0x2f9: {  	v44 =	vor.u32 $0x2, v41;
	v45 =	vadd.s32 v14, v42  }
0x2fa: {  	v46 =	vor.u32 $0x3, v41;
	v47 =	vadd.s32 v14, v44  }
0x2fb: {  	v48 =	vor.u32 $0x4, v41;
	v49 =	vadd.s32 v14, v46;
	[tilespmem:$0x1F9C0] =	vst v3;
	v3 =	vimm.f32 $-Inf  }
0x2fc: {  	v50 =	vor.u32 $0x5, v41;
	v51 =	vadd.s32 v14, v48;
	[tilespmem:v40+s3+$0x0] =	vst.idx.msk $0xffff, v3  }
0x2fd: {  	v52 =	vor.u32 $0x6, v41;
	v53 =	vadd.s32 v14, v50;
	v13 =	vld.idx.msk [tilespmem:v43+s3+$0x0], $0xffff  }
0x2fe: {  	v54 =	vor.u32 $0x7, v41;
	v55 =	vadd.s32 v14, v52;
	v16 =	vld.idx.msk [tilespmem:v45+s3+$0x0], $0xffff  }
0x2ff: {  	v56 =	vadd.s32 v14, v54;
	v18 =	vld.idx.msk [tilespmem:v47+s3+$0x0], $0xffff  }
0x300: {  	v20 =	vld.idx.msk [tilespmem:v49+s3+$0x0], $0xffff  }
0x301: {  	v21 =	vld.idx.msk [tilespmem:v51+s3+$0x0], $0xffff  }
0x302: {  	v23 =	vld.idx.msk [tilespmem:v53+s3+$0x0], $0xffff  }
0x303: {  	v25 =	vld.idx.msk [tilespmem:v55+s3+$0x0], $0xffff  }
0x304: {  	v26 =	vld.idx.msk [tilespmem:v56+s3+$0x0], $0xffff;
	_ =	sdelay $0x1  }
0x305: {  	v3 =	vmov v38;
	vm15 =	veq.f32 v13, v38;
	vm6 =	veq.f32 v16, v38  }
0x306: {  	v57 =	vnsel vm15, $0x4000, v41;
	vm7 =	veq.f32 v18, v3;
	vm8 =	veq.f32 v20, v3  }
0x307: {  	vm9 =	veq.f32 v21, v3;
	vm10 =	veq.f32 v23, v3;
	vm11 =	veq.f32 v25, v3  }
0x308: {  	vm12 =	veq.f32 v26, v3;
	v28 =	vnsel vm6, $0x4000, v42;
	v29 =	vnsel vm7, $0x4000, v44  }
0x309: {  	v30 =	vnsel vm8, $0x4000, v46;
	v58 =	vnsel vm9, $0x4000, v48;
	v59 =	vnsel vm10, $0x4000, v50  }
0x30a: {  	v60 =	vnsel vm11, $0x4000, v52;
	v61 =	vnsel vm12, $0x4000, v54;
	v27 =	vmin.u32 v57, v28  }
0x30b: {  	v28 =	vmin.u32 v29, v30;
	v29 =	vmin.u32 v58, v59;
	v30 =	vmin.u32 v60, v61  }
0x30c: {  	v27 =	vmin.u32 v27, v28;
	v28 =	vmin.u32 v29, v30  }
0x30d: {  	vm0 =	vmand vm1, vm0;
	v27 =	vmin.u32 v27, v28  }
0x30e: {  	vm4 =	veq.s32 v9, $0x5;
	vm5 =	veq.s32 v9, $0x6;
	v3 =	vmin.u32 v27, $0x3F  }
0x30f: {  	vm6 =	veq.s32 v9, $0x7;
	vm13 =	veq.s32 v41, v3;
	vm14 =	veq.s32 v42, v3  }
0x310: {  	vm15 =	veq.s32 v44, v3;
	vm8 =	veq.s32 v46, v3;
	vm9 =	veq.s32 v48, v3  }
0x311: {  	vm10 =	veq.s32 v50, v3;
	vm11 =	veq.s32 v54, v3;
	vm12 =	veq.s32 v52, v3  }
0x312: {  	[tilespmem:$0x1FE30] =	vst v63;
	v62 =	vsel vm14, $0xFF800000, v16;
	v63 =	vsel vm8, $0xFF800000, v20;
	v10 =	vsel vm10, $0xFF800000, v23  }
0x313: {  	v27 =	vsel vm11, $0xFF800000, v26;
	v13 =	vmax.f32 v13, v62;
	v32 =	vmax.f32 v18, v63  }
0x314: {  	v33 =	vmax.f32 v21, v10;
	v34 =	vmax.f32 v25, v27;
	v11 =	vsel vm13, v62, v13  }
0x315: {  	v12 =	vsel vm15, v63, v32;
	v10 =	vsel vm9, v10, v33;
	v35 =	vsel vm12, v27, v34  }
0x316: {  	vm14 =	veq.s32 v9, $0x3;
	v11 =	vmax.f32 v11, v12;
	v10 =	vmax.f32 v10, v35  }
0x317: {  	vm13 =	veq.s32 v9, $0x2;
	vm15 =	veq.s32 v9, $0x4;
	v10 =	vmax.f32 v11, v10  }
0x318: {  	v0 =	vsel vm1, v0, v10;
	v4 =	vsel vm0, v10, v4;
	v2 =	vsel vm13, v10, v2  }
0x319: {  	v1 =	vsel vm14, v10, v1;
	v6 =	vsel vm15, v10, v6;
	v7 =	vsel vm4, v10, v7  }
0x31a: {  	v8 =	vsel vm5, v10, v8;
	v5 =	vsel vm6, v10, v5;
	v36 =	vmax.f32 v0, v4  }
0x31b: {  	[tilespmem:$0x1FAA0] =	vst v38;
	v37 =	vmax.f32 v2, v1;
	v38 =	vmax.f32 v6, v7;
	v39 =	vmax.f32 v8, v5  }
0x31c: {  	v9 =	vmax.f32 v36, v37;
	v40 =	vmax.f32 v38, v39  }
0x31d: {  	v41 =	vmax.f32 v9, v40  }
0x31e: {  	v23 =	vmov v3;
	v3 =	vimm.s32 $0x7;
	vm0 =	veq.f32 v8, v41  }
0x31f: {  	vm7 =	veq.f32 v7, v41;
	v42 =	vsel vm0, $0x6, v3  }
0x320: {  	vm8 =	veq.f32 v6, v41;
	v9 =	vsel vm7, $0x5, v42  }
0x321: {  	vm9 =	veq.f32 v1, v41;
	v9 =	vsel vm8, $0x4, v9  }
0x322: {  	vm10 =	veq.f32 v2, v41;
	v9 =	vsel vm9, $0x3, v9  }
0x323: {  	vm0 =	veq.f32 v4, v41;
	v9 =	vsel vm10, $0x2, v9  }
0x324: {  	vm1 =	vne.f32 v0, v41;
	v9 =	vsel vm0, $0x1, v9  }
0x325: {  	v3 =	vld.idx.msk [tilespmem:v23+s9+$0x0], $0xffff;
	v9 =	vnsel vm1, $0x0, v9  }
0x326: {  	v43 =	vor.u32 v14, v23;
	v44 =	vshll.u32 v9, $0x3  }
0x327: {  	v45 =	vor.u32 $0x1, v44;
	v46 =	vadd.s32 v14, v44  }
0x328: {  	v47 =	vor.u32 $0x2, v44;
	v48 =	vadd.s32 v14, v45  }
0x329: {  	v49 =	vor.u32 $0x3, v44;
	v50 =	vadd.s32 v14, v47  }
0x32a: {  	[tilespmem:$0x1FAB0] =	vst v3;
	v3 =	vimm.f32 $-Inf;
	v51 =	vor.u32 $0x4, v44;
	v52 =	vadd.s32 v14, v49  }
0x32b: {  	[tilespmem:v43+s3+$0x0] =	vst.idx.msk $0xffff, v3;
	v53 =	vor.u32 $0x5, v44;
	v54 =	vadd.s32 v14, v51  }
0x32c: {  	v55 =	vor.u32 $0x6, v44;
	v56 =	vadd.s32 v14, v53;
	v13 =	vld.idx.msk [tilespmem:v46+s3+$0x0], $0xffff  }
0x32d: {  	v57 =	vor.u32 $0x7, v44;
	v58 =	vadd.s32 v14, v55;
	v16 =	vld.idx.msk [tilespmem:v48+s3+$0x0], $0xffff  }
0x32e: {  	v59 =	vadd.s32 v14, v57;
	v18 =	vld.idx.msk [tilespmem:v50+s3+$0x0], $0xffff  }
0x32f: {  	v20 =	vld.idx.msk [tilespmem:v52+s3+$0x0], $0xffff  }
0x330: {  	v21 =	vld.idx.msk [tilespmem:v54+s3+$0x0], $0xffff  }
0x331: {  	[tilespmem:$0x1FE50] =	vst v23;
	v23 =	vld.idx.msk [tilespmem:v56+s3+$0x0], $0xffff  }
0x332: {  	v25 =	vld.idx.msk [tilespmem:v58+s3+$0x0], $0xffff  }
0x333: {  	v26 =	vld.idx.msk [tilespmem:v59+s3+$0x0], $0xffff;
	_ =	sdelay $0x1  }
0x334: {  	v3 =	vmov v41;
	vm11 =	veq.f32 v13, v41;
	vm12 =	veq.f32 v16, v41  }
0x335: {  	v60 =	vnsel vm11, $0x4000, v44;
	vm13 =	veq.f32 v18, v3;
	vm14 =	veq.f32 v20, v3  }
0x336: {  	vm15 =	veq.f32 v21, v3;
	vm6 =	veq.f32 v23, v3;
	vm7 =	veq.f32 v25, v3  }
0x337: {  	vm8 =	veq.f32 v26, v3;
	v28 =	vnsel vm12, $0x4000, v45;
	v29 =	vnsel vm13, $0x4000, v47  }
0x338: {  	v30 =	vnsel vm14, $0x4000, v49;
	v61 =	vnsel vm15, $0x4000, v51;
	v62 =	vnsel vm6, $0x4000, v53  }
0x339: {  	v63 =	vnsel vm7, $0x4000, v55;
	v33 =	vnsel vm8, $0x4000, v57;
	v27 =	vmin.u32 v60, v28  }
0x33a: {  	v28 =	vmin.u32 v29, v30;
	v29 =	vmin.u32 v61, v62;
	v30 =	vmin.u32 v63, v33  }
0x33b: {  	v27 =	vmin.u32 v27, v28;
	v28 =	vmin.u32 v29, v30  }
0x33c: {  	vm0 =	vmand vm1, vm0;
	v27 =	vmin.u32 v27, v28  }
0x33d: {  	vm5 =	veq.s32 v9, $0x2;
	vm6 =	veq.s32 v9, $0x3;
	v3 =	vmin.u32 v27, $0x3F  }
0x33e: {  	vm7 =	veq.s32 v9, $0x4;
	vm2 =	veq.s32 v44, v3;
	vm9 =	veq.s32 v45, v3  }
0x33f: {  	vm10 =	veq.s32 v47, v3;
	vm11 =	veq.s32 v49, v3;
	vm12 =	veq.s32 v51, v3  }
0x340: {  	vm13 =	veq.s32 v53, v3;
	vm14 =	veq.s32 v57, v3;
	vm15 =	veq.s32 v55, v3  }
0x341: {  	v36 =	vsel vm9, $0xFF800000, v16;
	v37 =	vsel vm11, $0xFF800000, v20;
	v10 =	vsel vm13, $0xFF800000, v23  }
0x342: {  	v39 =	vsel vm14, $0xFF800000, v26;
	v13 =	vmax.f32 v13, v36;
	v40 =	vmax.f32 v18, v37  }
0x343: {  	[tilespmem:$0x1FAC0] =	vst v41;
	v41 =	vmax.f32 v21, v10;
	v42 =	vmax.f32 v25, v39;
	v11 =	vsel vm2, v36, v13  }
0x344: {  	v12 =	vsel vm10, v37, v40;
	v10 =	vsel vm12, v10, v41;
	v43 =	vsel vm15, v39, v42  }
0x345: {  	vm8 =	veq.s32 v9, $0x5;
	v11 =	vmax.f32 v11, v12;
	v10 =	vmax.f32 v10, v43  }
0x346: {  	vm9 =	veq.s32 v9, $0x6;
	vm10 =	veq.s32 v9, $0x7;
	v10 =	vmax.f32 v11, v10  }
0x347: {  	v0 =	vsel vm1, v0, v10;
	v4 =	vsel vm0, v10, v4;
	v2 =	vsel vm5, v10, v2  }
0x348: {  	v1 =	vsel vm6, v10, v1;
	v6 =	vsel vm7, v10, v6;
	v7 =	vsel vm8, v10, v7  }
0x349: {  	v8 =	vsel vm9, v10, v8;
	v5 =	vsel vm10, v10, v5;
	v44 =	vmax.f32 v0, v4  }
0x34a: {  	v45 =	vmax.f32 v2, v1;
	v46 =	vmax.f32 v6, v7;
	v47 =	vmax.f32 v8, v5  }
0x34b: {  	v9 =	vmax.f32 v44, v45;
	v48 =	vmax.f32 v46, v47  }
0x34c: {  	v49 =	vmax.f32 v9, v48  }
0x34d: {  	v38 =	vmov v3;
	v3 =	vimm.s32 $0x7;
	vm0 =	veq.f32 v8, v49  }
0x34e: {  	vm11 =	veq.f32 v7, v49;
	v50 =	vsel vm0, $0x6, v3  }
0x34f: {  	vm12 =	veq.f32 v6, v49;
	v9 =	vsel vm11, $0x5, v50  }
0x350: {  	vm13 =	veq.f32 v1, v49;
	v9 =	vsel vm12, $0x4, v9  }
0x351: {  	vm14 =	veq.f32 v2, v49;
	v9 =	vsel vm13, $0x3, v9  }
0x352: {  	vm0 =	veq.f32 v4, v49;
	v9 =	vsel vm14, $0x2, v9  }
0x353: {  	vm1 =	vne.f32 v0, v49;
	v9 =	vsel vm0, $0x1, v9  }
0x354: {  	v3 =	vld.idx.msk [tilespmem:v38+s9+$0x0], $0xffff;
	v9 =	vnsel vm1, $0x0, v9  }
0x355: {  	v51 =	vor.u32 v14, v38;
	v52 =	vshll.u32 v9, $0x3  }
0x356: {  	v53 =	vor.u32 $0x1, v52;
	v54 =	vadd.s32 v14, v52  }
0x357: {  	v55 =	vor.u32 $0x2, v52;
	v56 =	vadd.s32 v14, v53  }
0x358: {  	v57 =	vor.u32 $0x3, v52;
	v58 =	vadd.s32 v14, v55  }
0x359: {  	[tilespmem:$0x1FAD0] =	vst v3;
	v3 =	vimm.f32 $-Inf;
	v59 =	vor.u32 $0x4, v52;
	v60 =	vadd.s32 v14, v57  }
0x35a: {  	[tilespmem:v51+s3+$0x0] =	vst.idx.msk $0xffff, v3;
	v61 =	vor.u32 $0x5, v52;
	v62 =	vadd.s32 v14, v59  }
0x35b: {  	v63 =	vor.u32 $0x6, v52;
	v39 =	vadd.s32 v14, v61;
	v13 =	vld.idx.msk [tilespmem:v54+s3+$0x0], $0xffff  }
0x35c: {  	v40 =	vor.u32 $0x7, v52;
	v41 =	vadd.s32 v14, v63;
	v16 =	vld.idx.msk [tilespmem:v56+s3+$0x0], $0xffff  }
0x35d: {  	v42 =	vadd.s32 v14, v40;
	v18 =	vld.idx.msk [tilespmem:v58+s3+$0x0], $0xffff  }
0x35e: {  	v20 =	vld.idx.msk [tilespmem:v60+s3+$0x0], $0xffff  }
0x35f: {  	v21 =	vld.idx.msk [tilespmem:v62+s3+$0x0], $0xffff  }
0x360: {  	v23 =	vld.idx.msk [tilespmem:v39+s3+$0x0], $0xffff  }
0x361: {  	v25 =	vld.idx.msk [tilespmem:v41+s3+$0x0], $0xffff  }
0x362: {  	v26 =	vld.idx.msk [tilespmem:v42+s3+$0x0], $0xffff;
	_ =	sdelay $0x1  }
0x363: {  	v3 =	vmov v49;
	vm15 =	veq.f32 v13, v49;
	vm6 =	veq.f32 v16, v49  }
0x364: {  	v43 =	vnsel vm15, $0x4000, v52;
	vm7 =	veq.f32 v18, v3;
	vm8 =	veq.f32 v20, v3  }
0x365: {  	vm9 =	veq.f32 v21, v3;
	vm10 =	veq.f32 v23, v3;
	vm11 =	veq.f32 v25, v3  }
0x366: {  	vm12 =	veq.f32 v26, v3;
	v28 =	vnsel vm6, $0x4000, v53;
	v29 =	vnsel vm7, $0x4000, v55  }
0x367: {  	v30 =	vnsel vm8, $0x4000, v57;
	v44 =	vnsel vm9, $0x4000, v59;
	v45 =	vnsel vm10, $0x4000, v61  }
0x368: {  	v46 =	vnsel vm11, $0x4000, v63;
	v47 =	vnsel vm12, $0x4000, v40;
	v27 =	vmin.u32 v43, v28  }
0x369: {  	v28 =	vmin.u32 v29, v30;
	v29 =	vmin.u32 v44, v45;
	v30 =	vmin.u32 v46, v47  }
0x36a: {  	v27 =	vmin.u32 v27, v28;
	v28 =	vmin.u32 v29, v30  }
0x36b: {  	vm0 =	vmand vm1, vm0;
	v27 =	vmin.u32 v27, v28  }
0x36c: {  	vm4 =	veq.s32 v9, $0x5;
	vm5 =	veq.s32 v9, $0x6;
	v3 =	vmin.u32 v27, $0x3F  }
0x36d: {  	vm6 =	veq.s32 v9, $0x7;
	vm13 =	veq.s32 v52, v3;
	vm14 =	veq.s32 v53, v3  }
0x36e: {  	vm15 =	veq.s32 v55, v3;
	vm8 =	veq.s32 v57, v3;
	vm9 =	veq.s32 v59, v3  }
0x36f: {  	vm10 =	veq.s32 v61, v3;
	vm11 =	veq.s32 v40, v3;
	vm12 =	veq.s32 v63, v3  }
0x370: {  	[tilespmem:$0x1FAE0] =	vst v49;
	v48 =	vsel vm14, $0xFF800000, v16;
	v49 =	vsel vm8, $0xFF800000, v20;
	v10 =	vsel vm10, $0xFF800000, v23  }
0x371: {  	v50 =	vsel vm11, $0xFF800000, v26;
	v13 =	vmax.f32 v13, v48;
	v51 =	vmax.f32 v18, v49  }
0x372: {  	v52 =	vmax.f32 v21, v10;
	v53 =	vmax.f32 v25, v50;
	v11 =	vsel vm13, v48, v13  }
0x373: {  	v12 =	vsel vm15, v49, v51;
	v10 =	vsel vm9, v10, v52;
	v54 =	vsel vm12, v50, v53  }
0x374: {  	vm14 =	veq.s32 v9, $0x3;
	v11 =	vmax.f32 v11, v12;
	v10 =	vmax.f32 v10, v54  }
0x375: {  	vm13 =	veq.s32 v9, $0x2;
	vm15 =	veq.s32 v9, $0x4;
	v10 =	vmax.f32 v11, v10  }
0x376: {  	v11 =	vsel vm1, v0, v10;
	v12 =	vsel vm0, v10, v4;
	v16 =	vsel vm13, v10, v2  }
0x377: {  	v17 =	vsel vm14, v10, v1;
	v18 =	vsel vm15, v10, v6;
	v2 =	vsel vm4, v10, v7  }
0x378: {  	v0 =	vsel vm5, v10, v8;
	v48 =	vsel vm6, v10, v5;
	v4 =	vmax.f32 v11, v12  }
0x379: {  	v5 =	vmax.f32 v16, v17;
	v6 =	vmax.f32 v18, v2;
	v55 =	vmax.f32 v0, v48  }
0x37a: {  	v4 =	vmax.f32 v4, v5;
	v5 =	vmax.f32 v6, v55  }
0x37b: {  	v56 =	vmax.f32 v4, v5  }
0x37c: {  	v1 =	vimm.s32 $0x7;
	vm0 =	veq.f32 v0, v56  }
0x37d: {  	vm7 =	veq.f32 v2, v56;
	v4 =	vsel vm0, $0x6, v1  }
0x37e: {  	vm8 =	veq.f32 v18, v56;
	v4 =	vsel vm7, $0x5, v4  }
0x37f: {  	vm9 =	veq.f32 v17, v56;
	v4 =	vsel vm8, $0x4, v4  }
0x380: {  	vm10 =	veq.f32 v16, v56;
	v4 =	vsel vm9, $0x3, v4  }
0x381: {  	vm0 =	veq.f32 v12, v56;
	v4 =	vsel vm10, $0x2, v4  }
0x382: {  	vm1 =	vne.f32 v11, v56;
	v4 =	vsel vm0, $0x1, v4  }
0x383: {  	v1 =	vld.idx.msk [tilespmem:v3+s9+$0x0], $0xffff;
	v10 =	vnsel vm1, $0x0, v4  }
0x384: {  	v4 =	vor.u32 v14, v3;
	v5 =	vshll.u32 v10, $0x3  }
0x385: {  	v57 =	vor.u32 $0x1, v5;
	v58 =	vadd.s32 v14, v5  }
0x386: {  	v59 =	vor.u32 $0x2, v5;
	v60 =	vadd.s32 v14, v57  }
0x387: {  	v61 =	vor.u32 $0x3, v5;
	v62 =	vadd.s32 v14, v59  }
0x388: {  	[tilespmem:$0x1FAF0] =	vst v1;
	v1 =	vimm.f32 $-Inf;
	v63 =	vor.u32 $0x4, v5;
	v39 =	vadd.s32 v14, v61  }
0x389: {  	v41 =	vor.u32 $0x6, v5;
	v40 =	vadd.s32 v14, v63;
	[tilespmem:v4+s3+$0x0] =	vst.idx.msk $0xffff, v1  }
0x38a: {  	v43 =	vor.u32 $0x7, v5;
	v44 =	vadd.s32 v14, v41;
	v7 =	vld.idx.msk [tilespmem:v58+s3+$0x0], $0xffff  }
0x38b: {  	v45 =	vadd.s32 v14, v43;
	v9 =	vld.idx.msk [tilespmem:v60+s3+$0x0], $0xffff  }
0x38c: {  	v4 =	vor.u32 $0x5, v5;
	v15 =	vld.idx.msk [tilespmem:v62+s3+$0x0], $0xffff  }
0x38d: {  	v42 =	vadd.s32 v14, v4;
	v20 =	vld.idx.msk [tilespmem:v39+s3+$0x0], $0xffff  }
0x38e: {  	v21 =	vld.idx.msk [tilespmem:v40+s3+$0x0], $0xffff  }
0x38f: {  	v25 =	vld.idx.msk [tilespmem:v44+s3+$0x0], $0xffff  }
0x390: {  	v26 =	vld.idx.msk [tilespmem:v45+s3+$0x0], $0xffff;
	_ =	sdelay $0x1  }
0x391: {  	v23 =	vld.idx.msk [tilespmem:v42+s3+$0x0], $0xffff;
	vm11 =	veq.f32 v7, v56  }
0x392: {  	vm0 =	vmand vm1, vm0;
	v1 =	vmovc v56;
	vm12 =	veq.f32 v9, v56;
	v46 =	vnsel vm11, $0x4000, v5  }
0x393: {  	vm13 =	veq.f32 v15, v1;
	vm14 =	veq.f32 v20, v1;
	vm15 =	veq.f32 v21, v1  }
0x394: {  	vm7 =	veq.f32 v25, v1;
	vm8 =	veq.f32 v26, v1;
	v28 =	vnsel vm12, $0x4000, v57  }
0x395: {  	v29 =	vnsel vm13, $0x4000, v59;
	v30 =	vnsel vm14, $0x4000, v61;
	v47 =	vnsel vm15, $0x4000, v63  }
0x396: {  	v50 =	vnsel vm7, $0x4000, v41;
	v51 =	vnsel vm8, $0x4000, v43;
	vm6 =	veq.f32 v23, v1  }
0x397: {  	vm7 =	veq.s32 v10, $0x2;
	v27 =	vmin.u32 v46, v28;
	v49 =	vnsel vm6, $0x4000, v4  }
0x398: {  	v28 =	vmin.u32 v29, v30;
	v30 =	vmin.u32 v50, v51;
	v29 =	vmin.u32 v47, v49  }
0x399: {  	s31 =	sadd.s32 $0xFFFFFFF0, s14;
	v27 =	vmin.u32 v27, v28;
	v1 =	vlaneseq.u32;
	v28 =	vmin.u32 v29, v30  }
0x39a: {  	[tilespmem:$0x1FE90] =	vst v3;
	vm8 =	veq.s32 v10, $0x3;
	v1 =	vor.u32 s31, v1;
	v27 =	vmin.u32 v27, v28  }
0x39b: {  	[tilespmem:$0x1FF40] =	vst v1;
	v28 =	vshll.u32 v1, $0x6;
	v1 =	vimm.s32 $0x0;
	v3 =	vmin.u32 v27, $0x3F  }
0x39c: {  	[tilespmem:$0x1FB00] =	vst v56;
	v52 =	vor.u32 $0x2, v28;
	v56 =	vor.u32 $0x4, v28;
	v58 =	vor.u32 $0x5, v28  }
0x39d: {  	v60 =	vor.u32 $0x6, v28;
	v62 =	vor.u32 $0x7, v28;
	v32 =	vor.u32 $0x8, v28  }
0x39e: {  	[tilespmem:$0x1FE70] =	vst v38;
	v34 =	vor.u32 $0x9, v28;
	v36 =	vor.u32 $0xA, v28;
	v38 =	vor.u32 $0xB, v28  }
0x39f: {  	v44 =	vor.u32 $0xD, v28;
	v50 =	vor.u32 $0xE, v28;
	v51 =	vor.u32 $0xF, v28  }
0x3a0: {  	v30 =	vor.u32 $0x22, v28;
	vm2 =	veq.s32 v5, v3;
	v5 =	vor.u32 $0x1, v28  }
0x3a1: {  	vm9 =	veq.s32 v57, v3;
	vm10 =	veq.s32 v59, v3;
	vm11 =	veq.s32 v61, v3  }
0x3a2: {  	vm12 =	veq.s32 v4, v3;
	v4 =	vor.u32 $0x3, v28;
	vm13 =	veq.s32 v63, v3  }
0x3a3: {  	vm14 =	veq.s32 v41, v3;
	vm15 =	veq.s32 v43, v3;
	v41 =	vor.u32 $0xC, v28  }
0x3a4: {  	v6 =	vsel vm9, $0xFF800000, v9;
	v53 =	vsel vm11, $0xFF800000, v20;
	v54 =	vsel vm12, $0xFF800000, v23;
	v55 =	vld.idx.msk [tilespmem:v28+s3+$0x0], $0xffff  }
0x3a5: {  	v57 =	vsel vm15, $0xFF800000, v26;
	vm9 =	veq.s32 v10, $0x4;
	v7 =	vmax.f32 v7, v6;
	v5 =	vld.idx.msk [tilespmem:v5+s3+$0x0], $0xffff  }
0x3a6: {  	v59 =	vmax.f32 v15, v53;
	v61 =	vmax.f32 v21, v54;
	v63 =	vmax.f32 v25, v57;
	v8 =	vld.idx.msk [tilespmem:v52+s3+$0x0], $0xffff  }
0x3a7: {  	v6 =	vsel vm2, v6, v7;
	v7 =	vsel vm10, v53, v59;
	v9 =	vsel vm13, v54, v61;
	v33 =	vld.idx.msk [tilespmem:v56+s3+$0x0], $0xffff  }
0x3a8: {  	v13 =	vsel vm14, v57, v63;
	v57 =	vor.u32 $0x12, v28;
	v59 =	vor.u32 $0x13, v28;
	v4 =	vld.idx.msk [tilespmem:v4+s3+$0x0], $0xffff  }
0x3a9: {  	v6 =	vmax.f32 v6, v7;
	v9 =	vmax.f32 v9, v13;
	v43 =	vld.idx.msk [tilespmem:v34+s3+$0x0], $0xffff;
	v52 =	vor.u32 $0x10, v28  }
0x3aa: {  	v47 =	vld.idx.msk [tilespmem:v36+s3+$0x0], $0xffff;
	v34 =	vor.u32 $0x15, v28;
	v35 =	vmin.f32 v55, v5;
	v5 =	vmax.f32 v55, v5  }
0x3ab: {  	v61 =	vld.idx.msk [tilespmem:v51+s3+$0x0], $0xffff;
	v36 =	vor.u32 $0x16, v28;
	v51 =	vor.u32 $0x1C, v28;
	v19 =	vmin.f32 v5, v8  }
0x3ac: {  	v23 =	vld.idx.msk [tilespmem:v58+s3+$0x0], $0xffff;
	v55 =	vor.u32 $0x11, v28;
	v5 =	vmax.f32 v5, v8;
	v39 =	vmax.f32 v35, v19  }
0x3ad: {  	v40 =	vmin.f32 v5, v4;
	v4 =	vmax.f32 v5, v4;
	v5 =	vld.idx.msk [tilespmem:v32+s3+$0x0], $0xffff;
	v19 =	vmax.f32 v6, v9  }
0x3ae: {  	v32 =	vor.u32 $0x14, v28;
	v35 =	vld.idx.msk [tilespmem:v57+s3+$0x0], $0xffff;
	v57 =	vor.u32 $0x21, v28;
	v13 =	vmax.f32 v39, v40  }
0x3af: {  	v37 =	vld.idx.msk [tilespmem:v60+s3+$0x0], $0xffff;
	v42 =	vmin.f32 v4, v33;
	v4 =	vmax.f32 v4, v33;
	v39 =	vor.u32 $0x17, v28  }
0x3b0: {  	v40 =	vor.u32 $0x18, v28;
	v31 =	vsel vm1, v11, v19;
	v12 =	vsel vm0, v19, v12  }
0x3b1: {  	v21 =	vld.idx.msk [tilespmem:v62+s3+$0x0], $0xffff;
	v16 =	vsel vm7, v19, v16;
	v17 =	vsel vm8, v19, v17;
	v18 =	vsel vm9, v19, v18  }
0x3b2: {  	v49 =	vld.idx.msk [tilespmem:v38+s3+$0x0], $0xffff;
	vm0 =	veq.s32 v10, $0x5;
	v45 =	vmax.f32 v13, v42;
	v46 =	vmin.f32 v4, v23  }
0x3b3: {  	v4 =	vmax.f32 v4, v23;
	v42 =	vor.u32 $0x19, v28;
	v13 =	vld.idx.msk [tilespmem:v36+s3+$0x0], $0xffff;
	v36 =	vor.u32 $0x24, v28  }
0x3b4: {  	v22 =	vld.idx.msk [tilespmem:v41+s3+$0x0], $0xffff;
	v2 =	vsel vm0, v19, v2;
	v6 =	vmax.f32 v45, v46;
	v23 =	vmin.f32 v4, v37  }
0x3b5: {  	v63 =	vld.idx.msk [tilespmem:v52+s3+$0x0], $0xffff;
	v4 =	vmax.f32 v4, v37;
	v45 =	vor.u32 $0x1A, v28;
	v46 =	vor.u32 $0x1B, v28  }
0x3b6: {  	v20 =	vld.idx.msk [tilespmem:v55+s3+$0x0], $0xffff;
	v55 =	vor.u32 $0x20, v28;
	v6 =	vmax.f32 v6, v23;
	v8 =	vmin.f32 v4, v21  }
0x3b7: {  	v54 =	vld.idx.msk [tilespmem:v44+s3+$0x0], $0xffff;
	v4 =	vmax.f32 v4, v21;
	v53 =	vmin.f32 v5, v43;
	v5 =	vmax.f32 v5, v43  }
0x3b8: {  	v15 =	vld.idx.msk [tilespmem:v50+s3+$0x0], $0xffff;
	v8 =	vmax.f32 v6, v8;
	v56 =	vmin.f32 v5, v47;
	v5 =	vmax.f32 v5, v47  }
0x3b9: {  	v38 =	vld.idx.msk [tilespmem:v59+s3+$0x0], $0xffff;
	v25 =	vmax.f32 v53, v56;
	v58 =	vmin.f32 v5, v49;
	v5 =	vmax.f32 v5, v49  }
0x3ba: {  	v52 =	vld.idx.msk [tilespmem:v42+s3+$0x0], $0xffff;
	v53 =	vor.u32 $0x1D, v28;
	v42 =	vor.u32 $0x26, v28;
	v60 =	vmax.f32 v25, v58  }
0x3bb: {  	v62 =	vmin.f32 v5, v22;
	v5 =	vmax.f32 v5, v22;
	v43 =	vmin.f32 v63, v20  }
0x3bc: {  	v20 =	vmax.f32 v63, v20;
	v25 =	vld.idx.msk [tilespmem:v45+s3+$0x0], $0xffff;
	v45 =	vor.u32 $0x28, v28;
	v6 =	vmax.f32 v60, v62  }
0x3bd: {  	v41 =	vld.idx.msk [tilespmem:v32+s3+$0x0], $0xffff;
	v33 =	vmin.f32 v5, v54;
	v5 =	vmax.f32 v5, v54;
	v29 =	vmin.f32 v20, v35  }
0x3be: {  	v7 =	vmax.f32 v20, v35;
	v6 =	vmax.f32 v6, v33;
	v37 =	vmin.f32 v5, v15  }
0x3bf: {  	v50 =	vld.idx.msk [tilespmem:v40+s3+$0x0], $0xffff;
	v5 =	vmax.f32 v5, v15;
	v47 =	vmax.f32 v43, v29;
	v49 =	vmin.f32 v7, v38  }
0x3c0: {  	v7 =	vmax.f32 v7, v38;
	v29 =	vor.u32 $0x1E, v28;
	v38 =	vld.idx.msk [tilespmem:v30+s3+$0x0], $0xffff;
	v30 =	vor.u32 $0x25, v28  }
0x3c1: {  	v44 =	vld.idx.msk [tilespmem:v34+s3+$0x0], $0xffff;
	v43 =	vor.u32 $0x27, v28;
	v6 =	vmax.f32 v6, v37;
	v15 =	vmin.f32 v5, v61  }
0x3c2: {  	v5 =	vmax.f32 v5, v61;
	v9 =	vmax.f32 v47, v49;
	v26 =	vmin.f32 v7, v41  }
0x3c3: {  	v20 =	vld.idx.msk [tilespmem:v46+s3+$0x0], $0xffff;
	v61 =	vor.u32 $0x1F, v28;
	v47 =	vor.u32 $0x29, v28;
	v49 =	vor.u32 $0x2A, v28  }
0x3c4: {  	v24 =	vld.idx.msk [tilespmem:v51+s3+$0x0], $0xffff;
	v15 =	vmax.f32 v6, v15;
	v6 =	vmax.f32 v7, v41;
	v9 =	vmax.f32 v9, v26  }
0x3c5: {  	v27 =	vld.idx.msk [tilespmem:v39+s3+$0x0], $0xffff;
	v59 =	vmin.f32 v50, v52;
	v7 =	vmax.f32 v50, v52;
	v52 =	vor.u32 $0x2B, v28  }
0x3c6: {  	v22 =	vld.idx.msk [tilespmem:v55+s3+$0x0], $0xffff;
	v54 =	vmin.f32 v6, v44;
	v6 =	vmax.f32 v6, v44;
	v62 =	vmin.f32 v7, v25  }
0x3c7: {  	v60 =	vld.idx.msk [tilespmem:v53+s3+$0x0], $0xffff;
	v7 =	vmax.f32 v7, v25;
	v9 =	vmax.f32 v9, v54;
	v56 =	vmin.f32 v6, v13  }
0x3c8: {  	v6 =	vmax.f32 v6, v13;
	v33 =	vmax.f32 v59, v62;
	v35 =	vmin.f32 v7, v20;
	v13 =	vld.idx.msk [tilespmem:v57+s3+$0x0], $0xffff  }
0x3c9: {  	v7 =	vmax.f32 v7, v20;
	v57 =	vor.u32 $0x2C, v28;
	v63 =	vld.idx.msk [tilespmem:v29+s3+$0x0], $0xffff;
	v29 =	vor.u32 $0x23, v28  }
0x3ca: {  	v59 =	vor.u32 $0x2D, v28;
	v9 =	vmax.f32 v9, v56;
	v58 =	vmin.f32 v6, v27  }
0x3cb: {  	v32 =	vld.idx.msk [tilespmem:v42+s3+$0x0], $0xffff;
	v37 =	vmin.f32 v7, v24;
	v21 =	vmax.f32 v9, v58;
	v9 =	vmax.f32 v33, v35  }
0x3cc: {  	v62 =	vor.u32 $0x2F, v28;
	v7 =	vmax.f32 v7, v24;
	v40 =	vld.idx.msk [tilespmem:v61+s3+$0x0], $0xffff;
	v9 =	vmax.f32 v9, v37  }
0x3cd: {  	v20 =	vld.idx.msk [tilespmem:v36+s3+$0x0], $0xffff;
	v39 =	vmin.f32 v7, v60;
	v7 =	vmax.f32 v7, v60;
	v60 =	vor.u32 $0x2E, v28  }
0x3ce: {  	v6 =	vmax.f32 v6, v27;
	v9 =	vmax.f32 v9, v39;
	v44 =	vmax.f32 v22, v13;
	v29 =	vld.idx.msk [tilespmem:v29+s3+$0x0], $0xffff  }
0x3cf: {  	v30 =	vld.idx.msk [tilespmem:v30+s3+$0x0], $0xffff;
	v13 =	vmin.f32 v22, v13;
	v41 =	vmin.f32 v7, v63;
	v7 =	vmax.f32 v7, v63  }
0x3d0: {  	v56 =	vld.idx.msk [tilespmem:v45+s3+$0x0], $0xffff;
	v46 =	vmin.f32 v44, v38;
	v24 =	vmax.f32 v44, v38;
	v63 =	vor.u32 $0x30, v28  }
0x3d1: {  	v25 =	vld.idx.msk [tilespmem:v49+s3+$0x0], $0xffff;
	v9 =	vmax.f32 v9, v41;
	v13 =	vmax.f32 v13, v46;
	v50 =	vmin.f32 v7, v40  }
0x3d2: {  	v7 =	vmax.f32 v7, v40;
	v46 =	vor.u32 $0x31, v28;
	v22 =	vmax.f32 v9, v50;
	v50 =	vld.idx.msk [tilespmem:v60+s3+$0x0], $0xffff  }
0x3d3: {  	v60 =	vor.u32 $0x39, v28;
	v51 =	vmin.f32 v24, v29;
	v54 =	vmax.f32 v24, v29;
	v24 =	vld.idx.msk [tilespmem:v43+s3+$0x0], $0xffff  }
0x3d4: {  	v29 =	vld.idx.msk [tilespmem:v47+s3+$0x0], $0xffff;
	v47 =	vor.u32 $0x32, v28;
	v53 =	vmax.f32 v13, v51;
	v55 =	vmin.f32 v54, v20  }
0x3d5: {  	v13 =	vmax.f32 v54, v20;
	v51 =	vor.u32 $0x33, v28;
	v54 =	vld.idx.msk [tilespmem:v63+s3+$0x0], $0xffff;
	v63 =	vor.u32 $0x36, v28  }
0x3d6: {  	v61 =	vld.idx.msk [tilespmem:v52+s3+$0x0], $0xffff;
	v9 =	vmax.f32 v53, v55;
	v58 =	vmin.f32 v13, v30;
	v13 =	vmax.f32 v13, v30  }
0x3d7: {  	v45 =	vld.idx.msk [tilespmem:v57+s3+$0x0], $0xffff;
	v53 =	vor.u32 $0x34, v28;
	v55 =	vor.u32 $0x35, v28;
	v9 =	vmax.f32 v9, v58  }
0x3d8: {  	v35 =	vld.idx.msk [tilespmem:v62+s3+$0x0], $0xffff;
	v30 =	vmin.f32 v13, v32;
	v13 =	vmax.f32 v13, v32;
	v58 =	vor.u32 $0x38, v28  }
0x3d9: {  	v57 =	vld.idx.msk [tilespmem:v46+s3+$0x0], $0xffff;
	v9 =	vmax.f32 v9, v30;
	v30 =	vmin.f32 v13, v24;
	v20 =	vmax.f32 v56, v29  }
0x3da: {  	v13 =	vmax.f32 v13, v24;
	v23 =	vmax.f32 v9, v30;
	v30 =	vmin.f32 v56, v29;
	v29 =	vld.idx.msk [tilespmem:v59+s3+$0x0], $0xffff  }
0x3db: {  	v49 =	vmin.f32 v20, v25;
	v20 =	vmax.f32 v20, v25;
	v26 =	vld.idx.msk [tilespmem:v51+s3+$0x0], $0xffff;
	v51 =	vor.u32 $0x37, v28  }
0x3dc: {  	v30 =	vmax.f32 v30, v49;
	v52 =	vmin.f32 v20, v61;
	v20 =	vmax.f32 v20, v61;
	v62 =	vld.idx.msk [tilespmem:v53+s3+$0x0], $0xffff  }
0x3dd: {  	v36 =	vld.idx.msk [tilespmem:v55+s3+$0x0], $0xffff;
	v49 =	vor.u32 $0x3B, v28;
	v53 =	vor.u32 $0x3C, v28;
	v55 =	vor.u32 $0x3D, v28  }
0x3de: {  	v34 =	vld.idx.msk [tilespmem:v47+s3+$0x0], $0xffff;
	v30 =	vmax.f32 v30, v52;
	v56 =	vmin.f32 v20, v45;
	v9 =	vmax.f32 v20, v45  }
0x3df: {  	v20 =	vmax.f32 v54, v57;
	v30 =	vmax.f32 v30, v56;
	v59 =	vmin.f32 v9, v29  }
0x3e0: {  	v9 =	vmax.f32 v9, v29;
	v29 =	vor.u32 $0x3A, v28;
	v27 =	vld.idx.msk [tilespmem:v51+s3+$0x0], $0xffff;
	v51 =	vor.u32 $0x3F, v28  }
0x3e1: {  	v52 =	vld.idx.msk [tilespmem:v60+s3+$0x0], $0xffff;
	v30 =	vmax.f32 v30, v59;
	v61 =	vmin.f32 v9, v50;
	v9 =	vmax.f32 v9, v50  }
0x3e2: {  	v50 =	vld.idx.msk [tilespmem:v58+s3+$0x0], $0xffff;
	v30 =	vmax.f32 v30, v61;
	v38 =	vmin.f32 v9, v35;
	v9 =	vmax.f32 v9, v35  }
0x3e3: {  	v41 =	vmax.f32 v30, v38;
	v30 =	vmin.f32 v54, v57;
	v54 =	vmin.f32 v20, v34;
	v57 =	vld.idx.msk [tilespmem:v63+s3+$0x0], $0xffff  }
0x3e4: {  	v20 =	vmax.f32 v20, v34;
	v63 =	vor.u32 $0x3E, v28;
	v30 =	vmax.f32 v30, v54  }
0x3e5: {  	v56 =	vmin.f32 v20, v26;
	v20 =	vmax.f32 v20, v26;
	v26 =	vadd.f32 v21, v6  }
0x3e6: {  	v29 =	vld.idx.msk [tilespmem:v29+s3+$0x0], $0xffff;
	v30 =	vmax.f32 v30, v56;
	v58 =	vmin.f32 v20, v62;
	v20 =	vmax.f32 v20, v62  }
0x3e7: {  	v59 =	vld.idx.msk [tilespmem:v49+s3+$0x0], $0xffff;
	v30 =	vmax.f32 v30, v58;
	v60 =	vmin.f32 v20, v36;
	v20 =	vmax.f32 v20, v36  }
0x3e8: {  	v62 =	vmax.f32 v50, v52;
	v30 =	vmax.f32 v30, v60;
	v36 =	vmin.f32 v20, v57  }
0x3e9: {  	v61 =	vld.idx.msk [tilespmem:v53+s3+$0x0], $0xffff;
	v24 =	vmin.f32 v50, v52;
	v20 =	vmax.f32 v20, v57;
	v30 =	vmax.f32 v30, v36  }
0x3ea: {  	v54 =	vmin.f32 v20, v27;
	v20 =	vmax.f32 v20, v27;
	v27 =	vadd.f32 v8, v4  }
0x3eb: {  	v49 =	vld.idx.msk [tilespmem:v55+s3+$0x0], $0xffff;
	v50 =	vmin.f32 v62, v29;
	v29 =	vmax.f32 v62, v29;
	v34 =	vmax.f32 v30, v54  }
0x3ec: {  	v30 =	vadd.f32 v15, v5;
	v24 =	vmax.f32 v24, v50;
	v52 =	vmin.f32 v29, v59  }
0x3ed: {  	v25 =	vmax.f32 v29, v59;
	v29 =	vld.idx.msk [tilespmem:v63+s3+$0x0], $0xffff;
	v21 =	vadd.f32 v34, v20;
	vm11 =	vgt.f32 v26, v27  }
0x3ee: {  	v24 =	vmax.f32 v24, v52;
	v53 =	vmin.f32 v25, v61;
	v25 =	vmax.f32 v25, v61  }
0x3ef: {  	v56 =	vld.idx.msk [tilespmem:v51+s3+$0x0], $0xffff;
	vm10 =	vgt.f32 v30, v27;
	vm5 =	vge.f32 v27, v30;
	vm6 =	vgt.f32 v26, v30  }
0x3f0: {  	v24 =	vmax.f32 v24, v53;
	v55 =	vmin.f32 v25, v49;
	v25 =	vmax.f32 v25, v49  }
0x3f1: {  	v59 =	vsel vm10, $0x1, v1;
	v1 =	vimm.s32 $0x0;
	vm15 =	vgt.f32 v21, v27  }
0x3f2: {  	vm10 =	vgt.f32 v21, v30;
	v24 =	vmax.f32 v24, v55;
	v57 =	vmin.f32 v25, v29  }
0x3f3: {  	v29 =	vmax.f32 v25, v29;
	v25 =	vadd.f32 v22, v7;
	v24 =	vmax.f32 v24, v57  }
0x3f4: {  	v58 =	vmin.f32 v29, v56;
	v15 =	vmax.f32 v29, v56;
	v29 =	vsel vm11, $0x1, v1  }
0x3f5: {  	v1 =	vimm.s32 $0x0;
	v8 =	vmax.f32 v24, v58;
	v24 =	vadd.f32 v23, v13  }
0x3f6: {  	v23 =	vadd.f32 v41, v9;
	vm12 =	vgt.f32 v25, v27;
	vm7 =	vgt.f32 v25, v30  }
0x3f7: {  	v22 =	vadd.f32 v8, v15;
	v8 =	vadd.s32 v59, v29;
	v29 =	vsel vm12, $0x1, v1  }
0x3f8: {  	v1 =	vimm.s32 $0x0;
	vm13 =	vgt.f32 v24, v27;
	v8 =	vadd.s32 v29, v8  }
0x3f9: {  	vm14 =	vgt.f32 v23, v27;
	vm8 =	vgt.f32 v24, v30;
	vm9 =	vgt.f32 v23, v30  }
0x3fa: {  	v29 =	vsel vm13, $0x1, v1;
	v1 =	vimm.s32 $0x0;
	vm4 =	vgt.f32 v22, v27  }
0x3fb: {  	vm11 =	vgt.f32 v22, v30;
	v8 =	vadd.s32 v29, v8;
	v29 =	vsel vm14, $0x1, v1  }
0x3fc: {  	v1 =	vimm.s32 $0x0;
	vm14 =	vge.f32 v27, v26;
	v8 =	vadd.s32 v29, v8  }
0x3fd: {  	v29 =	vsel vm15, $0x1, v1;
	v1 =	vimm.s32 $0x0;
	vm15 =	vge.f32 v30, v26  }
0x3fe: {  	v8 =	vadd.s32 v29, v8;
	v29 =	vsel vm4, $0x1, v1;
	v1 =	vimm.s32 $0x0  }
0x3ff: {  	v8 =	vadd.s32 v29, v8;
	v29 =	vsel vm5, $0x1, v1;
	v1 =	vimm.s32 $0x0  }
0x400: {  	vm5 =	vgt.f32 v25, v26;
	v60 =	vsel vm6, $0x1, v1;
	v1 =	vimm.s32 $0x0  }
0x401: {  	vm12 =	vlt.u32 v8, $0x4;
	vm6 =	vgt.f32 v24, v26;
	v29 =	vadd.s32 v29, v60  }
0x402: {  	v61 =	vsel vm7, $0x1, v1;
	v1 =	vimm.s32 $0x0;
	v4 =	vnsel vm12, $0xFF800000, v4  }
0x403: {  	vm7 =	vgt.f32 v23, v26;
	vm12 =	vge.f32 v26, v25;
	v29 =	vadd.s32 v61, v29  }
0x404: {  	v62 =	vsel vm8, $0x1, v1;
	v1 =	vimm.s32 $0x0;
	vm8 =	vgt.f32 v21, v26  }
0x405: {  	v29 =	vadd.s32 v62, v29;
	v63 =	vsel vm9, $0x1, v1;
	v1 =	vimm.s32 $0x0  }
0x406: {  	vm9 =	vgt.f32 v22, v26;
	v29 =	vadd.s32 v63, v29;
	v11 =	vsel vm10, $0x1, v1  }
0x407: {  	v1 =	vimm.s32 $0x0;
	vm10 =	vge.f32 v27, v25;
	v36 =	vadd.s32 v11, v29  }
0x408: {  	v29 =	vsel vm11, $0x1, v1;
	v1 =	vimm.s32 $0x0;
	vm11 =	vge.f32 v30, v25  }
0x409: {  	v8 =	vadd.s32 v29, v36;
	v37 =	vsel vm14, $0x1, v1;
	v1 =	vimm.s32 $0x0  }
0x40a: {  	vm14 =	vgt.f32 v23, v25;
	vm13 =	vlt.u32 v8, $0x4;
	v29 =	vsel vm15, $0x1, v1  }
0x40b: {  	v1 =	vimm.s32 $0x0;
	vm15 =	vgt.f32 v21, v25;
	v8 =	vadd.s32 v29, v37  }
0x40c: {  	v29 =	vsel vm5, $0x1, v1;
	v1 =	vimm.s32 $0x0;
	v5 =	vnsel vm13, $0xFF800000, v5  }
0x40d: {  	vm13 =	vgt.f32 v24, v25;
	vm5 =	vgt.f32 v22, v25;
	v8 =	vadd.s32 v29, v8  }
0x40e: {  	v29 =	vsel vm6, $0x1, v1;
	v1 =	vimm.s32 $0x0;
	vm6 =	vge.f32 v27, v24  }
0x40f: {  	v8 =	vadd.s32 v29, v8;
	v29 =	vsel vm7, $0x1, v1;
	v1 =	vimm.s32 $0x0  }
0x410: {  	vm7 =	vge.f32 v30, v24;
	v8 =	vadd.s32 v29, v8;
	v29 =	vsel vm8, $0x1, v1  }
0x411: {  	v1 =	vimm.s32 $0x0;
	vm8 =	vge.f32 v26, v24;
	v8 =	vadd.s32 v29, v8  }
0x412: {  	v29 =	vsel vm9, $0x1, v1;
	v1 =	vimm.s32 $0x0;
	vm9 =	vge.f32 v25, v24  }
0x413: {  	v8 =	vadd.s32 v29, v8;
	v29 =	vsel vm10, $0x1, v1;
	v1 =	vimm.s32 $0x0  }
0x414: {  	vm10 =	vgt.f32 v23, v24;
	v38 =	vsel vm11, $0x1, v1;
	v1 =	vimm.s32 $0x0  }
0x415: {  	vm4 =	vlt.u32 v8, $0x4;
	vm11 =	vgt.f32 v21, v24;
	v29 =	vadd.s32 v38, v29  }
0x416: {  	v39 =	vsel vm12, $0x1, v1;
	v1 =	vimm.s32 $0x0;
	v6 =	vnsel vm4, $0xFF800000, v6  }
0x417: {  	v29 =	vadd.s32 v39, v29;
	v40 =	vsel vm13, $0x1, v1;
	v1 =	vimm.s32 $0x0  }
0x418: {  	vm13 =	vgt.f32 v22, v24;
	v29 =	vadd.s32 v40, v29;
	v41 =	vsel vm14, $0x1, v1  }
0x419: {  	v1 =	vimm.s32 $0x0;
	vm14 =	vge.f32 v27, v23;
	v42 =	vadd.s32 v41, v29  }
0x41a: {  	v29 =	vsel vm15, $0x1, v1;
	v1 =	vimm.s32 $0x0;
	vm15 =	vge.f32 v30, v23  }
0x41b: {  	v8 =	vadd.s32 v29, v42;
	v29 =	vsel vm5, $0x1, v1;
	v1 =	vimm.s32 $0x0  }
0x41c: {  	vm5 =	vge.f32 v26, v23;
	v43 =	vsel vm6, $0x1, v1;
	v1 =	vimm.s32 $0x0  }
0x41d: {  	v8 =	vadd.s32 v29, v8;
	vm6 =	vge.f32 v25, v23;
	v44 =	vsel vm7, $0x1, v1  }
0x41e: {  	v1 =	vimm.s32 $0x0;
	vm12 =	vlt.u32 v8, $0x4;
	vm7 =	vge.f32 v24, v23  }
0x41f: {  	v32 =	vadd.s32 v44, v43;
	v45 =	vsel vm8, $0x1, v1;
	v1 =	vimm.s32 $0x0  }
0x420: {  	vm8 =	vgt.f32 v21, v23;
	v7 =	vnsel vm12, $0xFF800000, v7;
	vm12 =	vge.f32 v30, v21  }
0x421: {  	v32 =	vadd.s32 v45, v32;
	v46 =	vsel vm9, $0x1, v1;
	v1 =	vimm.s32 $0x0  }
0x422: {  	v44 =	vmax.f32 v4, v5;
	v32 =	vadd.s32 v46, v32;
	v47 =	vsel vm10, $0x1, v1  }
0x423: {  	v1 =	vimm.s32 $0x0;
	vm10 =	vgt.f32 v22, v23;
	v29 =	vadd.s32 v47, v32  }
0x424: {  	v49 =	vsel vm11, $0x1, v1;
	v1 =	vimm.s32 $0x0;
	vm11 =	vge.f32 v27, v21  }
0x425: {  	v50 =	vadd.s32 v49, v29;
	v29 =	vsel vm13, $0x1, v1;
	v1 =	vimm.s32 $0x0  }
0x426: {  	vm13 =	vge.f32 v26, v21;
	v51 =	vsel vm14, $0x1, v1;
	v1 =	vimm.s32 $0x0  }
0x427: {  	v8 =	vadd.s32 v29, v50;
	vm14 =	vge.f32 v25, v21;
	v52 =	vsel vm15, $0x1, v1  }
0x428: {  	v1 =	vimm.s32 $0x0;
	vm9 =	vlt.u32 v8, $0x4;
	vm15 =	vge.f32 v24, v21  }
0x429: {  	v32 =	vadd.s32 v52, v51;
	v53 =	vsel vm5, $0x1, v1;
	v1 =	vimm.s32 $0x0  }
0x42a: {  	v32 =	vadd.s32 v53, v32;
	v54 =	vsel vm6, $0x1, v1;
	v1 =	vimm.s32 $0x0  }
0x42b: {  	vm6 =	vge.f32 v23, v21;
	v32 =	vadd.s32 v54, v32;
	v55 =	vsel vm7, $0x1, v1  }
0x42c: {  	v1 =	vimm.s32 $0x0;
	vm7 =	vgt.f32 v22, v21;
	v29 =	vadd.s32 v55, v32  }
0x42d: {  	v56 =	vsel vm8, $0x1, v1;
	v1 =	vimm.s32 $0x0;
	vm8 =	vge.f32 v27, v22  }
0x42e: {  	v29 =	vadd.s32 v56, v29;
	v57 =	vsel vm11, $0x1, v1;
	v1 =	vimm.s32 $0x0  }
0x42f: {  	vm11 =	vge.f32 v25, v22;
	v58 =	vsel vm12, $0x1, v1;
	v1 =	vimm.s32 $0x0  }
0x430: {  	vm12 =	vge.f32 v24, v22;
	v8 =	vadd.s32 v58, v57;
	v59 =	vsel vm13, $0x1, v1  }
0x431: {  	v1 =	vimm.s32 $0x0;
	vm13 =	vge.f32 v23, v22;
	v8 =	vadd.s32 v59, v8  }
0x432: {  	v60 =	vsel vm14, $0x1, v1;
	v1 =	vimm.s32 $0x0;
	vm14 =	vge.f32 v21, v22  }
0x433: {  	v8 =	vadd.s32 v60, v8;
	v61 =	vsel vm15, $0x1, v1;
	v1 =	vimm.s32 $0x0  }
0x434: {  	v62 =	vsel vm10, $0x1, v1;
	v32 =	vadd.s32 v61, v8;
	v1 =	vimm.s32 $0x0  }
0x435: {  	v8 =	vnsel vm9, $0xFF800000, v13;
	v63 =	vsel vm6, $0x1, v1;
	v1 =	vimm.s32 $0x0  }
0x436: {  	vm9 =	vge.f32 v30, v22;
	v27 =	vsel vm8, $0x1, v1;
	v1 =	vimm.s32 $0x0  }
0x437: {  	vm10 =	vge.f32 v26, v22;
	v30 =	vsel vm9, $0x1, v1;
	v1 =	vimm.s32 $0x0  }
0x438: {  	v11 =	vadd.s32 v62, v29;
	v34 =	vsel vm10, $0x1, v1;
	v1 =	vimm.s32 $0x0  }
0x439: {  	v33 =	vadd.s32 v30, v27;
	v36 =	vsel vm11, $0x1, v1;
	v1 =	vimm.s32 $0x0  }
0x43a: {  	v35 =	vadd.s32 v34, v33;
	v38 =	vsel vm12, $0x1, v1;
	v1 =	vimm.s32 $0x0  }
0x43b: {  	v37 =	vadd.s32 v36, v35;
	v40 =	vsel vm13, $0x1, v1;
	v1 =	vimm.s32 $0x0  }
0x43c: {  	v39 =	vadd.s32 v38, v37;
	v41 =	vsel vm7, $0x1, v1;
	v1 =	vimm.s32 $0x0  }
0x43d: {  	v29 =	vadd.s32 v63, v32;
	v42 =	vadd.s32 v40, v39;
	v43 =	vsel vm14, $0x1, v1  }
0x43e: {  	v45 =	vmax.f32 v6, v7;
	v21 =	vadd.s32 v41, v29;
	v22 =	vadd.s32 v43, v42  }
0x43f: {  	vm15 =	vlt.u32 v11, $0x4;
	vm4 =	vlt.u32 v21, $0x4;
	vm5 =	vlt.u32 v22, $0x4  }
0x440: {  	v13 =	vnsel vm15, $0xFF800000, v9;
	v24 =	vnsel vm4, $0xFF800000, v20;
	v25 =	vnsel vm5, $0xFF800000, v15  }
0x441: {  	v50 =	vmax.f32 v31, v12;
	v46 =	vmax.f32 v8, v13;
	v47 =	vmax.f32 v24, v25  }
0x442: {  	v52 =	vmax.f32 v16, v17;
	v9 =	vmax.f32 v44, v45;
	v49 =	vmax.f32 v46, v47  }
0x443: {  	v53 =	vmax.f32 v18, v2;
	vm6 =	veq.s32 v10, $0x6;
	v33 =	vmax.f32 v9, v49  }
0x444: {  	v1 =	vsel vm6, v19, v0;
	v0 =	vimm.s32 $0x7;
	vm8 =	veq.f32 v24, v33  }
0x445: {  	vm7 =	veq.s32 v10, $0x7;
	vm9 =	veq.f32 v13, v33;
	v51 =	vsel vm8, $0x6, v0  }
0x446: {  	v11 =	vsel vm7, v19, v48;
	vm10 =	veq.f32 v8, v33;
	v10 =	vsel vm9, $0x5, v51  }
0x447: {  	v54 =	vmax.f32 v1, v11;
	vm11 =	veq.f32 v7, v33;
	v10 =	vsel vm10, $0x4, v10  }
0x448: {  	v55 =	vmax.f32 v53, v54;
	vm12 =	veq.f32 v6, v33;
	v10 =	vsel vm11, $0x3, v10  }
0x449: {  	v9 =	vmax.f32 v50, v52;
	vm2 =	veq.f32 v5, v33;
	v10 =	vsel vm12, $0x2, v10  }
0x44a: {  	vm3 =	vne.f32 v4, v33;
	v35 =	vmax.f32 v9, v55;
	v10 =	vsel vm2, $0x1, v10  }
0x44b: {  	vm13 =	veq.f32 v16, v35;
	v10 =	vnsel vm3, $0x0, v10  }
0x44c: {  	vm14 =	veq.f32 v17, v35;
	vm15 =	veq.f32 v18, v35;
	v15 =	vshll.u32 v10, $0x3  }
0x44d: {  	v0 =	vimm.s32 $0x7;
	v19 =	vor.u32 $0x1, v15;
	v56 =	vadd.s32 v28, v15  }
0x44e: {  	vm9 =	veq.f32 v2, v35;
	v20 =	vor.u32 $0x2, v15;
	v57 =	vadd.s32 v28, v19  }
0x44f: {  	vm10 =	veq.f32 v1, v35;
	v22 =	vor.u32 $0x3, v15;
	v58 =	vadd.s32 v28, v20  }
0x450: {  	v59 =	vsel vm10, $0x6, v0;
	v29 =	vor.u32 $0x4, v15;
	v60 =	vadd.s32 v28, v22  }
0x451: {  	v0 =	vld.idx.msk [tilespmem:v3+s9+$0x0], $0xffff;
	v26 =	vsel vm9, $0x5, v59;
	v30 =	vor.u32 $0x5, v15;
	v61 =	vadd.s32 v28, v29  }
0x452: {  	v26 =	vsel vm15, $0x4, v26;
	v41 =	vor.u32 $0x6, v15;
	v62 =	vadd.s32 v28, v30;
	v36 =	vld.idx.msk [tilespmem:v56+s3+$0x0], $0xffff  }
0x453: {  	v63 =	vsel vm14, $0x3, v26;
	v43 =	vor.u32 $0x7, v15;
	v37 =	vadd.s32 v28, v41;
	v21 =	vld.idx.msk [tilespmem:v57+s3+$0x0], $0xffff  }
0x454: {  	vm0 =	veq.f32 v12, v35;
	v9 =	vsel vm13, $0x2, v63;
	v38 =	vadd.s32 v28, v43;
	v23 =	vld.idx.msk [tilespmem:v58+s3+$0x0], $0xffff  }
0x455: {  	vm1 =	vne.f32 v31, v35;
	v9 =	vsel vm0, $0x1, v9;
	v46 =	vld.idx.msk [tilespmem:v60+s3+$0x0], $0xffff  }
0x456: {  	v9 =	vnsel vm1, $0x0, v9;
	v32 =	vld.idx.msk [tilespmem:v61+s3+$0x0], $0xffff  }
0x457: {  	v39 =	vor.u32 v14, v3;
	v48 =	vshll.u32 v9, $0x3;
	v47 =	vld.idx.msk [tilespmem:v62+s3+$0x0], $0xffff  }
0x458: {  	v40 =	vadd.s32 v14, v48;
	v51 =	vor.u32 $0x2, v48;
	v49 =	vld.idx.msk [tilespmem:v37+s3+$0x0], $0xffff  }
0x459: {  	vm2 =	vmand vm3, vm2;
	vm5 =	veq.s32 v10, $0x3;
	v54 =	vadd.s32 v14, v51;
	v45 =	vld.idx.msk [tilespmem:v38+s3+$0x0], $0xffff  }
0x45a: {  	[tilespmem:$0x1FB10] =	vst v0;
	v0 =	vimm.f32 $-Inf;
	vm0 =	vmand vm1, vm0;
	v52 =	vor.u32 $0x3, v48  }
0x45b: {  	v50 =	vor.u32 $0x1, v48;
	v56 =	vadd.s32 v14, v52;
	vm11 =	veq.f32 v36, v33  }
0x45c: {  	[tilespmem:v39+s3+$0x0] =	vst.idx.msk $0xffff, v0;
	v42 =	vadd.s32 v14, v50;
	vm12 =	veq.f32 v21, v33;
	v57 =	vnsel vm11, $0x4000, v15  }
0x45d: {  	v27 =	vld.idx.msk [tilespmem:v40+s3+$0x0], $0xffff;
	vm13 =	veq.f32 v23, v33;
	vm14 =	veq.f32 v46, v33;
	vm15 =	veq.f32 v32, v33  }
0x45e: {  	v26 =	vld.idx.msk [tilespmem:v54+s3+$0x0], $0xffff;
	vm7 =	veq.f32 v47, v33;
	vm8 =	veq.f32 v49, v33;
	vm9 =	veq.f32 v45, v33  }
0x45f: {  	[tilespmem:$0x1FC30] =	vst v33;
	v58 =	vnsel vm12, $0x4000, v19;
	v44 =	vnsel vm13, $0x4000, v20;
	v33 =	vnsel vm14, $0x4000, v22  }
0x460: {  	v56 =	vld.idx.msk [tilespmem:v56+s3+$0x0], $0xffff;
	v59 =	vnsel vm15, $0x4000, v29;
	v60 =	vnsel vm7, $0x4000, v30;
	v61 =	vnsel vm8, $0x4000, v41  }
0x461: {  	v62 =	vnsel vm9, $0x4000, v43;
	v57 =	vmin.u32 v57, v58;
	v34 =	vmin.u32 v44, v33  }
0x462: {  	v37 =	vmin.u32 v59, v60;
	v38 =	vmin.u32 v61, v62;
	vm11 =	veq.f32 v27, v35  }
0x463: {  	v34 =	vmin.u32 v57, v34;
	v54 =	vmin.u32 v37, v38;
	vm13 =	veq.f32 v26, v35  }
0x464: {  	v58 =	vld.idx.msk [tilespmem:v42+s3+$0x0], $0xffff;
	v57 =	vor.u32 $0x5, v48;
	v42 =	vnsel vm11, $0x4000, v48;
	v34 =	vmin.u32 v34, v54  }
0x465: {  	v54 =	vor.u32 $0x4, v48;
	vm14 =	veq.f32 v56, v35;
	v40 =	vadd.s32 v14, v57  }
0x466: {  	[tilespmem:$0x1FEB0] =	vst v3;
	v63 =	vnsel vm13, $0x4000, v51;
	v3 =	vmin.u32 v34, $0x3F;
	v0 =	vnsel vm14, $0x4000, v52  }
0x467: {  	v39 =	vadd.s32 v14, v54;
	v0 =	vmin.u32 v63, v0;
	vm4 =	veq.s32 v15, v3  }
0x468: {  	vm15 =	veq.s32 v19, v3;
	vm6 =	veq.s32 v20, v3;
	vm13 =	veq.s32 v29, v3  }
0x469: {  	vm14 =	veq.s32 v30, v3;
	vm10 =	veq.s32 v43, v3;
	v43 =	vor.u32 $0x7, v48  }
0x46a: {  	vm12 =	veq.f32 v58, v35;
	v53 =	vsel vm15, $0xFF800000, v21;
	vm15 =	veq.s32 v41, v3  }
0x46b: {  	v60 =	vsel vm14, $0xFF800000, v47;
	v38 =	vadd.s32 v14, v43;
	vm14 =	veq.s32 v10, $0x6  }
0x46c: {  	v44 =	vnsel vm12, $0x4000, v50;
	vm12 =	veq.s32 v22, v3;
	v55 =	vmax.f32 v36, v53  }
0x46d: {  	v36 =	vor.u32 $0x6, v48;
	v37 =	vmax.f32 v32, v60;
	v61 =	vmin.u32 v42, v44  }
0x46e: {  	v15 =	vsel vm4, v53, v55;
	v59 =	vsel vm12, $0xFF800000, v46;
	v62 =	vadd.s32 v14, v36  }
0x46f: {  	v30 =	vld.idx.msk [tilespmem:v40+s3+$0x0], $0xffff;
	v20 =	vsel vm13, v60, v37;
	v44 =	vsel vm10, $0xFF800000, v45;
	vm4 =	veq.s32 v10, $0x2  }
0x470: {  	vm12 =	veq.s32 v10, $0x4;
	v63 =	vmax.f32 v23, v59;
	v45 =	vmax.f32 v49, v44  }
0x471: {  	vm13 =	veq.s32 v10, $0x5;
	v19 =	vsel vm6, v59, v63;
	v22 =	vsel vm15, v44, v45  }
0x472: {  	v29 =	vld.idx.msk [tilespmem:v39+s3+$0x0], $0xffff;
	v0 =	vmin.u32 v61, v0;
	v15 =	vmax.f32 v15, v19;
	v49 =	vmax.f32 v20, v22  }
0x473: {  	vm15 =	veq.s32 v10, $0x7;
	vm6 =	veq.s32 v9, $0x4;
	v55 =	vld.idx.msk [tilespmem:v38+s3+$0x0], $0xffff;
	v53 =	vmax.f32 v15, v49  }
0x474: {  	vm11 =	veq.f32 v30, v35;
	v45 =	vld.idx.msk [tilespmem:v62+s3+$0x0], $0xffff;
	v20 =	vsel vm3, v4, v53;
	v22 =	vsel vm2, v53, v5  }
0x475: {  	v10 =	vsel vm4, v53, v6;
	v21 =	vsel vm5, v53, v7;
	v23 =	vsel vm12, v53, v8  }
0x476: {  	v15 =	vsel vm13, v53, v13;
	v19 =	vsel vm14, v53, v24;
	v13 =	vsel vm15, v53, v25  }
0x477: {  	vm10 =	veq.f32 v29, v35;
	v47 =	vnsel vm11, $0x4000, v57;
	v59 =	vmax.f32 v20, v22  }
0x478: {  	v7 =	vmax.f32 v10, v21;
	v8 =	vmax.f32 v23, v15;
	v24 =	vmax.f32 v19, v13  }
0x479: {  	v46 =	vnsel vm10, $0x4000, v54;
	vm9 =	veq.f32 v55, v35;
	vm8 =	veq.f32 v45, v35  }
0x47a: {  	v60 =	vmax.f32 v8, v24;
	v5 =	vnsel vm9, $0x4000, v43;
	v4 =	vnsel vm8, $0x4000, v36  }
0x47b: {  	v41 =	vmin.u32 v46, v47;
	v4 =	vmin.u32 v4, v5;
	v5 =	vmax.f32 v59, v7  }
0x47c: {  	vm5 =	veq.s32 v9, $0x3;
	v4 =	vmin.u32 v41, v4;
	v32 =	vmax.f32 v5, v60  }
0x47d: {  	vm9 =	veq.s32 v9, $0x7;
	v0 =	vmin.u32 v0, v4;
	vm10 =	veq.f32 v19, v32  }
0x47e: {  	[tilespmem:$0x1FB20] =	vst v35;
	vm11 =	veq.f32 v15, v32;
	v35 =	vmin.u32 v0, $0x3F;
	v0 =	vimm.s32 $0x7  }
0x47f: {  	vm12 =	veq.f32 v23, v32;
	vm13 =	veq.f32 v21, v32;
	v0 =	vsel vm10, $0x6, v0  }
0x480: {  	vm14 =	veq.f32 v10, v32;
	vm3 =	veq.f32 v22, v32;
	v0 =	vsel vm11, $0x5, v0  }
0x481: {  	vm2 =	vne.f32 v20, v32;
	vm7 =	veq.s32 v48, v35;
	v0 =	vsel vm12, $0x4, v0  }
0x482: {  	vm8 =	veq.s32 v50, v35;
	vm4 =	veq.s32 v51, v35;
	v0 =	vsel vm13, $0x3, v0  }
0x483: {  	vm15 =	veq.s32 v52, v35;
	vm11 =	veq.s32 v43, v35;
	v0 =	vsel vm14, $0x2, v0  }
0x484: {  	v4 =	vsel vm8, $0xFF800000, v58;
	v33 =	vsel vm15, $0xFF800000, v56;
	v0 =	vsel vm3, $0x1, v0  }
0x485: {  	[tilespmem:$0x1FF60] =	vst v3;
	vm8 =	veq.s32 v9, $0x6;
	v24 =	vnsel vm2, $0x0, v0;
	v0 =	vor.u32 v28, v3;
	v3 =	vld.idx.msk [tilespmem:v3+s9+$0x0], $0xffff  }
0x486: {  	vm12 =	veq.s32 v54, v35;
	v61 =	vmax.f32 v27, v4;
	v25 =	vshll.u32 v24, $0x3  }
0x487: {  	v47 =	vsel vm11, $0xFF800000, v55;
	v43 =	vor.u32 $0x1, v25;
	v5 =	vadd.s32 v28, v25  }
0x488: {  	v26 =	vmax.f32 v26, v33;
	v27 =	vor.u32 $0x2, v25;
	v62 =	vadd.s32 v28, v43  }
0x489: {  	vm13 =	veq.s32 v57, v35;
	v46 =	vor.u32 $0x3, v25;
	v63 =	vadd.s32 v28, v27  }
0x48a: {  	v48 =	vor.u32 $0x4, v25;
	v34 =	vadd.s32 v28, v46;
	[tilespmem:$0x1FC40] =	vst v3;
	v3 =	vimm.f32 $-Inf  }
0x48b: {  	v4 =	vsel vm7, v4, v61;
	v54 =	vor.u32 $0x7, v25;
	v40 =	vadd.s32 v28, v48;
	[tilespmem:v0+s3+$0x0] =	vst.idx.msk $0xffff, v3  }
0x48c: {  	v45 =	vmax.f32 v45, v47;
	v51 =	vor.u32 $0x6, v25;
	v42 =	vadd.s32 v28, v54;
	v50 =	vld.idx.msk [tilespmem:v5+s3+$0x0], $0xffff  }
0x48d: {  	v8 =	vsel vm4, v33, v26;
	v41 =	vadd.s32 v28, v51;
	v0 =	vsel vm13, $0xFF800000, v30;
	v52 =	vld.idx.msk [tilespmem:v62+s3+$0x0], $0xffff  }
0x48e: {  	vm14 =	veq.s32 v36, v35;
	v30 =	vor.u32 $0x5, v25;
	v29 =	vmax.f32 v29, v0;
	v56 =	vld.idx.msk [tilespmem:v63+s3+$0x0], $0xffff  }
0x48f: {  	v47 =	vsel vm14, v47, v45;
	v5 =	vadd.s32 v28, v30;
	v0 =	vsel vm12, v0, v29;
	v29 =	vld.idx.msk [tilespmem:v34+s3+$0x0], $0xffff  }
0x490: {  	vm4 =	veq.s32 v9, $0x2;
	v4 =	vmax.f32 v4, v8;
	v53 =	vld.idx.msk [tilespmem:v40+s3+$0x0], $0xffff;
	v0 =	vmax.f32 v0, v47  }
0x491: {  	vm7 =	veq.s32 v9, $0x5;
	vm3 =	vmand vm2, vm3;
	v62 =	vld.idx.msk [tilespmem:v42+s3+$0x0], $0xffff;
	v55 =	vmax.f32 v4, v0  }
0x492: {  	v61 =	vld.idx.msk [tilespmem:v41+s3+$0x0], $0xffff;
	v8 =	vsel vm0, v55, v12;
	v6 =	vsel vm4, v55, v16;
	v7 =	vsel vm5, v55, v17  }
0x493: {  	vm4 =	veq.s32 v24, $0x2;
	vm5 =	veq.s32 v24, $0x3;
	vm10 =	veq.f32 v50, v32  }
0x494: {  	v60 =	vld.idx.msk [tilespmem:v5+s3+$0x0], $0xffff;
	v16 =	vmax.f32 v6, v7;
	vm11 =	veq.f32 v52, v32;
	vm12 =	veq.f32 v56, v32  }
0x495: {  	vm13 =	veq.f32 v29, v32;
	v0 =	vnsel vm10, $0x4000, v25;
	vm10 =	veq.f32 v53, v32  }
0x496: {  	v4 =	vnsel vm11, $0x4000, v43;
	v5 =	vnsel vm13, $0x4000, v46;
	vm13 =	veq.f32 v62, v32  }
0x497: {  	v0 =	vmin.u32 v0, v4;
	v4 =	vnsel vm12, $0x4000, v27;
	vm12 =	veq.f32 v61, v32  }
0x498: {  	v33 =	vnsel vm13, $0x4000, v54;
	v4 =	vmin.u32 v4, v5;
	v5 =	vnsel vm10, $0x4000, v48  }
0x499: {  	[tilespmem:$0x1FC50] =	vst v32;
	vm11 =	veq.f32 v60, v32;
	v32 =	vnsel vm12, $0x4000, v51;
	v37 =	vmin.u32 v0, v4  }
0x49a: {  	v4 =	vsel vm6, v55, v18;
	v0 =	vimm.s32 $0x7;
	v63 =	vnsel vm11, $0x4000, v30  }
0x49b: {  	v34 =	vmin.u32 v32, v33;
	v32 =	vsel vm7, v55, v2;
	v5 =	vmin.u32 v5, v63  }
0x49c: {  	v33 =	vsel vm8, v55, v1;
	v40 =	vmax.f32 v4, v32;
	v38 =	vmin.u32 v5, v34  }
0x49d: {  	v5 =	vsel vm1, v31, v55;
	v34 =	vsel vm9, v55, v11;
	v55 =	vor.u32 v14, v35  }
0x49e: {  	v39 =	vmin.u32 v37, v38;
	v12 =	vmax.f32 v5, v8;
	v41 =	vmax.f32 v33, v34  }
0x49f: {  	v12 =	vmax.f32 v12, v16;
	v42 =	vmax.f32 v40, v41;
	v1 =	vmin.u32 v39, $0x3F  }
0x4a0: {  	v2 =	vmax.f32 v12, v42;
	vm0 =	veq.s32 v25, v1;
	vm15 =	veq.s32 v43, v1  }
0x4a1: {  	vm9 =	veq.s32 v27, v1;
	vm10 =	veq.s32 v46, v1;
	vm11 =	veq.s32 v48, v1  }
0x4a2: {  	vm12 =	veq.s32 v30, v1;
	vm13 =	veq.s32 v51, v1;
	vm14 =	veq.s32 v54, v1  }
0x4a3: {  	v43 =	vsel vm15, $0xFF800000, v52;
	v44 =	vsel vm10, $0xFF800000, v29;
	vm15 =	veq.f32 v33, v2  }
0x4a4: {  	v49 =	vsel vm12, $0xFF800000, v60;
	vm8 =	veq.f32 v32, v2;
	vm10 =	veq.f32 v7, v2  }
0x4a5: {  	v9 =	vsel vm14, $0xFF800000, v62;
	vm1 =	vne.f32 v5, v2;
	vm12 =	veq.s32 v24, $0x4  }
0x4a6: {  	vm14 =	veq.s32 v24, $0x6;
	v46 =	vmax.f32 v50, v43;
	v48 =	vmax.f32 v56, v44  }
0x4a7: {  	v50 =	vmax.f32 v53, v49;
	v51 =	vsel vm15, $0x6, v0;
	v53 =	vmax.f32 v61, v9  }
0x4a8: {  	v12 =	vsel vm9, v44, v48;
	vm9 =	veq.f32 v4, v2;
	v52 =	vsel vm8, $0x5, v51  }
0x4a9: {  	vm15 =	veq.s32 v24, $0x7;
	v11 =	vsel vm0, v43, v46;
	v17 =	vsel vm9, $0x4, v52  }
0x4aa: {  	v16 =	vsel vm11, v49, v50;
	vm11 =	veq.f32 v6, v2;
	v17 =	vsel vm10, $0x3, v17  }
0x4ab: {  	v9 =	vsel vm13, v9, v53;
	vm0 =	veq.f32 v8, v2;
	v17 =	vsel vm11, $0x2, v17  }
0x4ac: {  	v12 =	vmax.f32 v11, v12;
	v9 =	vmax.f32 v16, v9;
	v54 =	vsel vm0, $0x1, v17  }
0x4ad: {  	v0 =	vld.idx.msk [tilespmem:v35+s9+$0x0], $0xffff;
	vm13 =	veq.s32 v24, $0x5;
	v9 =	vmax.f32 v12, v9;
	v11 =	vnsel vm1, $0x0, v54  }
0x4ae: {  	v12 =	vsel vm2, v20, v9;
	v20 =	vsel vm3, v9, v22;
	v17 =	vshll.u32 v11, $0x3  }
0x4af: {  	v22 =	vsel vm4, v9, v10;
	v25 =	vor.u32 $0x1, v17;
	v56 =	vadd.s32 v14, v17  }
0x4b0: {  	v27 =	vsel vm5, v9, v21;
	v24 =	vor.u32 $0x2, v17;
	v57 =	vadd.s32 v14, v25  }
0x4b1: {  	v18 =	vsel vm13, v9, v15;
	v16 =	vor.u32 $0x3, v17;
	v29 =	vadd.s32 v14, v24  }
0x4b2: {  	[tilespmem:$0x1FB30] =	vst v0;
	v0 =	vimm.f32 $-Inf;
	v15 =	vor.u32 $0x4, v17;
	v30 =	vadd.s32 v14, v16  }
0x4b3: {  	v10 =	vsel vm12, v9, v23;
	[tilespmem:v55+s3+$0x0] =	vst.idx.msk $0xffff, v0;
	v47 =	vor.u32 $0x6, v17;
	v58 =	vadd.s32 v14, v15  }
0x4b4: {  	[tilespmem:$0x1FEF0] =	vst v35;
	v19 =	vsel vm14, v9, v19;
	v48 =	vor.u32 $0x7, v17;
	v63 =	vadd.s32 v14, v47;
	v31 =	vld.idx.msk [tilespmem:v56+s3+$0x0], $0xffff  }
0x4b5: {  	v9 =	vsel vm15, v9, v13;
	v59 =	vmax.f32 v12, v20;
	v35 =	vadd.s32 v14, v48;
	v21 =	vld.idx.msk [tilespmem:v57+s3+$0x0], $0xffff  }
0x4b6: {  	v60 =	vmax.f32 v22, v27;
	v61 =	vmax.f32 v10, v18;
	v62 =	vmax.f32 v19, v9;
	v26 =	vld.idx.msk [tilespmem:v29+s3+$0x0], $0xffff  }
0x4b7: {  	v3 =	vimm.f32 $-Inf;
	v43 =	vmax.f32 v59, v60;
	v45 =	vmax.f32 v61, v62;
	v30 =	vld.idx.msk [tilespmem:v30+s3+$0x0], $0xffff  }
0x4b8: {  	v37 =	vor.u32 v28, v1;
	vm0 =	vmand vm1, vm0;
	v36 =	vmax.f32 v43, v45;
	v52 =	vld.idx.msk [tilespmem:v58+s3+$0x0], $0xffff  }
0x4b9: {  	v0 =	vimm.s32 $0x7;
	v23 =	vor.u32 $0x5, v17;
	vm12 =	veq.f32 v19, v36;
	v45 =	vld.idx.msk [tilespmem:v63+s3+$0x0], $0xffff  }
0x4ba: {  	vm11 =	veq.f32 v18, v36;
	v60 =	vsel vm12, $0x6, v0;
	v29 =	vadd.s32 v14, v23;
	v56 =	vld.idx.msk [tilespmem:v35+s3+$0x0], $0xffff  }
0x4bb: {  	vm13 =	veq.f32 v10, v36;
	vm15 =	veq.f32 v27, v36;
	v61 =	vsel vm11, $0x5, v60  }
0x4bc: {  	vm2 =	vne.f32 v12, v36;
	vm3 =	veq.f32 v20, v36;
	v62 =	vsel vm13, $0x4, v61  }
0x4bd: {  	v13 =	vsel vm15, $0x3, v62;
	vm7 =	veq.f32 v31, v2;
	vm8 =	veq.f32 v21, v2  }
0x4be: {  	v46 =	vnsel vm7, $0x4000, v17;
	vm9 =	veq.f32 v26, v2;
	vm10 =	veq.f32 v30, v2  }
0x4bf: {  	v29 =	vld.idx.msk [tilespmem:v29+s3+$0x0], $0xffff;
	vm14 =	veq.f32 v52, v2;
	vm11 =	veq.f32 v45, v2;
	vm12 =	veq.f32 v56, v2  }
0x4c0: {  	v49 =	vnsel vm8, $0x4000, v25;
	v50 =	vnsel vm9, $0x4000, v24;
	v53 =	vnsel vm10, $0x4000, v16  }
0x4c1: {  	vm10 =	veq.f32 v22, v36;
	v63 =	vnsel vm14, $0x4000, v15;
	v38 =	vnsel vm11, $0x4000, v47  }
0x4c2: {  	v44 =	vnsel vm12, $0x4000, v48;
	vm8 =	veq.s32 v11, $0x2;
	v13 =	vsel vm10, $0x2, v13  }
0x4c3: {  	v54 =	vmin.u32 v46, v49;
	v43 =	vmin.u32 v50, v53;
	v13 =	vsel vm3, $0x1, v13  }
0x4c4: {  	[tilespmem:$0x1FC10] =	vst v2;
	v59 =	vmin.u32 v38, v44;
	v13 =	vnsel vm2, $0x0, v13;
	vm9 =	veq.f32 v29, v2;
	v2 =	vmovc v1  }
0x4c5: {  	v43 =	vmin.u32 v54, v43;
	vm3 =	vmand vm2, vm3;
	v58 =	vshll.u32 v13, $0x3  }
0x4c6: {  	v35 =	vnsel vm9, $0x4000, v23;
	v60 =	vor.u32 $0x1, v58;
	v39 =	vadd.s32 v28, v58  }
0x4c7: {  	v62 =	vor.u32 $0x3, v58;
	v54 =	vor.u32 $0x4, v58;
	v57 =	vor.u32 $0x5, v58  }
0x4c8: {  	v61 =	vor.u32 $0x6, v58;
	v51 =	vmin.u32 v63, v35;
	v0 =	vadd.s32 v28, v60  }
0x4c9: {  	v55 =	vor.u32 $0x7, v58;
	v46 =	vadd.s32 v28, v54;
	v51 =	vmin.u32 v51, v59;
	v2 =	vld.idx.msk [tilespmem:v2+s9+$0x0], $0xffff  }
0x4ca: {  	[tilespmem:$0x1FF70] =	vst v1;
	v63 =	vor.u32 $0x2, v58;
	v53 =	vadd.s32 v28, v61;
	v43 =	vmin.u32 v43, v51  }
0x4cb: {  	v50 =	vadd.s32 v28, v55;
	v1 =	vadd.s32 v28, v63;
	[tilespmem:v37+s3+$0x0] =	vst.idx.msk $0xffff, v3;
	v49 =	vmin.u32 v43, $0x3F  }
0x4cc: {  	v3 =	vadd.s32 v28, v57;
	v51 =	vld.idx.msk [tilespmem:v39+s3+$0x0], $0xffff;
	vm4 =	veq.s32 v17, v49;
	vm5 =	veq.s32 v25, v49  }
0x4cd: {  	vm6 =	veq.s32 v24, v49;
	vm7 =	veq.s32 v16, v49;
	vm13 =	veq.s32 v15, v49;
	v0 =	vld.idx.msk [tilespmem:v0+s3+$0x0], $0xffff  }
0x4ce: {  	vm9 =	veq.s32 v11, $0x3;
	vm14 =	veq.s32 v23, v49;
	v15 =	vld.idx.msk [tilespmem:v46+s3+$0x0], $0xffff;
	[tilespmem:$0x1FC60] =	vst v2;
	v2 =	vadd.s32 v28, v62  }
0x4cf: {  	vm15 =	veq.s32 v47, v49;
	vm12 =	veq.s32 v48, v49;
	v23 =	vsel vm14, $0xFF800000, v29;
	v29 =	vld.idx.msk [tilespmem:v53+s3+$0x0], $0xffff  }
0x4d0: {  	v59 =	vsel vm5, $0xFF800000, v21;
	v35 =	vsel vm7, $0xFF800000, v30;
	v17 =	vld.idx.msk [tilespmem:v50+s3+$0x0], $0xffff;
	v40 =	vsel vm12, $0xFF800000, v56  }
0x4d1: {  	vm7 =	veq.s32 v11, $0x7;
	v1 =	vld.idx.msk [tilespmem:v1+s3+$0x0], $0xffff;
	v37 =	vmax.f32 v31, v59;
	v38 =	vmax.f32 v26, v35  }
0x4d2: {  	v39 =	vmax.f32 v52, v23;
	v41 =	vmax.f32 v45, v40;
	v16 =	vsel vm4, v59, v37;
	v3 =	vld.idx.msk [tilespmem:v3+s3+$0x0], $0xffff  }
0x4d3: {  	v21 =	vsel vm6, v35, v38;
	v23 =	vsel vm13, v23, v39;
	v24 =	vsel vm15, v40, v41;
	v2 =	vld.idx.msk [tilespmem:v2+s3+$0x0], $0xffff  }
0x4d4: {  	v16 =	vmax.f32 v16, v21;
	vm13 =	veq.f32 v51, v36;
	vm14 =	veq.f32 v0, v36  }
0x4d5: {  	v42 =	vnsel vm13, $0x4000, v58;
	vm15 =	veq.f32 v15, v36;
	vm13 =	veq.f32 v29, v36  }
0x4d6: {  	v30 =	vnsel vm14, $0x4000, v60;
	vm4 =	veq.f32 v1, v36;
	vm14 =	veq.f32 v17, v36  }
0x4d7: {  	v50 =	vnsel vm13, $0x4000, v61;
	v43 =	vmin.u32 v42, v30;
	v48 =	vnsel vm4, $0x4000, v63  }
0x4d8: {  	v30 =	vnsel vm15, $0x4000, v54;
	vm12 =	veq.f32 v3, v36;
	vm5 =	veq.f32 v2, v36  }
0x4d9: {  	[tilespmem:$0x1FF10] =	vst v49;
	v52 =	vnsel vm14, $0x4000, v55;
	v31 =	vnsel vm12, $0x4000, v57;
	v49 =	vnsel vm5, $0x4000, v62  }
0x4da: {  	v53 =	vmin.u32 v30, v31;
	v30 =	vmin.u32 v50, v52;
	v25 =	vmin.u32 v48, v49  }
0x4db: {  	v23 =	vmax.f32 v23, v24;
	v56 =	vmin.u32 v53, v30;
	v21 =	vmin.u32 v43, v25  }
0x4dc: {  	vm6 =	veq.s32 v11, $0x5;
	v59 =	vmax.f32 v16, v23;
	v35 =	vmin.u32 v21, v56  }
0x4dd: {  	vm4 =	veq.s32 v11, $0x6;
	vm5 =	veq.s32 v11, $0x4;
	v21 =	vmin.u32 v35, $0x3F  }
0x4de: {  	vm10 =	veq.s32 v58, v21;
	vm11 =	veq.s32 v60, v21;
	vm12 =	veq.s32 v63, v21  }
0x4df: {  	vm13 =	veq.s32 v62, v21;
	vm14 =	veq.s32 v57, v21;
	vm15 =	veq.s32 v61, v21  }
0x4e0: {  	v61 =	vsel vm0, v59, v8;
	v0 =	vsel vm11, $0xFF800000, v0;
	vm11 =	veq.s32 v54, v21  }
0x4e1: {  	v2 =	vsel vm13, $0xFF800000, v2;
	v3 =	vsel vm14, $0xFF800000, v3;
	vm13 =	veq.s32 v13, $0x7  }
0x4e2: {  	[tilespmem:$0x1FC70] =	vst v36;
	v36 =	vmax.f32 v51, v0;
	v1 =	vmax.f32 v1, v2;
	v15 =	vmax.f32 v15, v3  }
0x4e3: {  	v0 =	vsel vm10, v0, v36;
	vm10 =	veq.s32 v55, v21;
	v1 =	vsel vm12, v2, v1  }
0x4e4: {  	v37 =	vsel vm10, $0xFF800000, v17;
	v1 =	vmax.f32 v0, v1;
	v0 =	vsel vm1, v5, v59  }
0x4e5: {  	v2 =	vsel vm11, v3, v15;
	v38 =	vmax.f32 v29, v37;
	[tilespmem:$0x1F8E0] =	vst v0;
	v0 =	vlaneseq.u32  }
0x4e6: {  	vm11 =	veq.s32 v13, $0x5;
	v3 =	vsel vm15, v37, v38;
	v0 =	vor.u32 s14, v0  }
0x4e7: {  	vm12 =	veq.s32 v13, $0x6;
	v2 =	vmax.f32 v2, v3;
	v47 =	vshll.u32 v0, $0x6  }
0x4e8: {  	vm10 =	veq.s32 v13, $0x4;
	v1 =	vmax.f32 v1, v2;
	v2 =	vor.u32 $0x2, v47  }
0x4e9: {  	[tilespmem:$0x1FFC0] =	vst v0;
	v3 =	vsel vm8, v59, v6;
	v0 =	vsel vm5, v59, v4;
	v4 =	vor.u32 $0x3, v47  }
0x4ea: {  	vm15 =	veq.s32 v13, $0x2;
	[tilespmem:$0x1FA70] =	vst v3;
	v3 =	vsel vm9, v59, v7;
	v5 =	vor.u32 $0x4, v47  }
0x4eb: {  	[tilespmem:$0x1FA90] =	vst v0;
	v0 =	vsel vm6, v59, v32;
	vm9 =	veq.s32 v13, $0x3;
	v41 =	vor.u32 $0x5, v47  }
0x4ec: {  	v44 =	vor.u32 $0x6, v47;
	v45 =	vor.u32 $0x7, v47;
	v49 =	vor.u32 $0x8, v47;
	v40 =	vld.idx.msk [tilespmem:v47+s3+$0x0], $0xffff  }
0x4ed: {  	v51 =	vor.u32 $0x9, v47;
	v53 =	vor.u32 $0xA, v47;
	v55 =	vor.u32 $0xB, v47;
	v2 =	vld.idx.msk [tilespmem:v2+s3+$0x0], $0xffff  }
0x4ee: {  	v57 =	vor.u32 $0xC, v47;
	v32 =	vor.u32 $0xD, v47;
	v37 =	vor.u32 $0x10, v47;
	[tilespmem:$0x1FA80] =	vst v3;
	v4 =	vld.idx.msk [tilespmem:v4+s3+$0x0], $0xffff  }
0x4ef: {  	v29 =	vor.u32 $0x1B, v47;
	[tilespmem:$0x1F910] =	vst v0;
	v0 =	vsel vm4, v59, v33;
	v24 =	vsel vm2, v12, v1;
	v5 =	vld.idx.msk [tilespmem:v5+s3+$0x0], $0xffff  }
0x4f0: {  	v23 =	vsel vm15, v1, v22;
	v39 =	vsel vm9, v1, v27;
	v15 =	vsel vm10, v1, v10;
	v7 =	vld.idx.msk [tilespmem:v41+s3+$0x0], $0xffff  }
0x4f1: {  	v3 =	vor.u32 $0x1, v47;
	v16 =	vsel vm11, v1, v18;
	v17 =	vsel vm12, v1, v19;
	[tilespmem:$0x1F8F0] =	vst v0;
	v54 =	vld.idx.msk [tilespmem:v44+s3+$0x0], $0xffff  }
0x4f2: {  	v0 =	vsel vm7, v59, v34;
	v43 =	vmax.f32 v23, v39;
	[tilespmem:$0x1FA20] =	vst v39;
	v34 =	vor.u32 $0xE, v47;
	v59 =	vld.idx.msk [tilespmem:v51+s3+$0x0], $0xffff  }
0x4f3: {  	v31 =	vor.u32 $0x23, v47;
	v11 =	vmovc v39;
	v39 =	vor.u32 $0x11, v47;
	[tilespmem:$0x1F900] =	vst v0;
	v0 =	vsel vm3, v1, v20;
	v33 =	vld.idx.msk [tilespmem:v53+s3+$0x0], $0xffff  }
0x4f4: {  	v42 =	vmax.f32 v24, v0;
	v19 =	vmov v0;
	[tilespmem:$0x1FA00] =	vst v0;
	v0 =	vsel vm13, v1, v9;
	v36 =	vld.idx.msk [tilespmem:v55+s3+$0x0], $0xffff  }
0x4f5: {  	v46 =	vmax.f32 v15, v16;
	v1 =	vmax.f32 v42, v43;
	v48 =	vmax.f32 v17, v0;
	v8 =	vld.idx.msk [tilespmem:v57+s3+$0x0], $0xffff  }
0x4f6: {  	v41 =	vor.u32 $0xF, v47;
	v44 =	vor.u32 $0x13, v47;
	v51 =	vor.u32 $0x15, v47;
	v3 =	vld.idx.msk [tilespmem:v3+s3+$0x0], $0xffff  }
0x4f7: {  	v53 =	vor.u32 $0x16, v47;
	v55 =	vor.u32 $0x18, v47;
	v9 =	vmax.f32 v46, v48;
	v43 =	vld.idx.msk [tilespmem:v34+s3+$0x0], $0xffff  }
0x4f8: {  	[tilespmem:$0x1FA60] =	vst v0;
	v57 =	vor.u32 $0x1A, v47;
	v0 =	vimm.s32 $0x7;
	v63 =	vmax.f32 v1, v9;
	v48 =	vld.idx.msk [tilespmem:v39+s3+$0x0], $0xffff  }
0x4f9: {  	v1 =	vor.u32 $0x12, v47;
	v34 =	vor.u32 $0x1C, v47;
	v39 =	vld.idx.msk [tilespmem:v29+s3+$0x0], $0xffff;
	v29 =	vor.u32 $0x1E, v47  }
0x4fa: {  	v46 =	vld.idx.msk [tilespmem:v37+s3+$0x0], $0xffff;
	vm14 =	veq.f32 v17, v63;
	vm15 =	veq.f32 v16, v63;
	vm4 =	veq.f32 v11, v63  }
0x4fb: {  	vm5 =	veq.f32 v15, v63;
	vm6 =	veq.f32 v23, v63;
	vm7 =	veq.f32 v19, v63  }
0x4fc: {  	vm8 =	vne.f32 v24, v63;
	v50 =	vmax.f32 v40, v3;
	v3 =	vmin.f32 v40, v3  }
0x4fd: {  	v52 =	vmin.f32 v50, v2;
	v2 =	vmax.f32 v50, v2;
	v50 =	vor.u32 $0x14, v47  }
0x4fe: {  	v1 =	vld.idx.msk [tilespmem:v1+s3+$0x0], $0xffff;
	v3 =	vmax.f32 v3, v52;
	v56 =	vmin.f32 v2, v4;
	v2 =	vmax.f32 v2, v4  }
0x4ff: {  	v6 =	vmin.f32 v46, v48;
	v4 =	vld.idx.msk [tilespmem:v45+s3+$0x0], $0xffff;
	v3 =	vmax.f32 v3, v56;
	v58 =	vmin.f32 v2, v5  }
0x500: {  	v2 =	vmax.f32 v2, v5;
	v5 =	vld.idx.msk [tilespmem:v49+s3+$0x0], $0xffff;
	v56 =	vmax.f32 v46, v48;
	v46 =	vor.u32 $0x21, v47  }
0x501: {  	v3 =	vmax.f32 v3, v58;
	v27 =	vmin.f32 v2, v7;
	v2 =	vmax.f32 v2, v7  }
0x502: {  	v18 =	vld.idx.msk [tilespmem:v44+s3+$0x0], $0xffff;
	v48 =	vor.u32 $0x22, v47;
	v3 =	vmax.f32 v3, v27;
	v35 =	vmin.f32 v2, v54  }
0x503: {  	v2 =	vmax.f32 v2, v54;
	v3 =	vmax.f32 v3, v35;
	v58 =	vmin.f32 v56, v1  }
0x504: {  	v1 =	vmax.f32 v56, v1;
	v56 =	vor.u32 $0x28, v47;
	v38 =	vmin.f32 v2, v4  }
0x505: {  	v40 =	vld.idx.msk [tilespmem:v32+s3+$0x0], $0xffff;
	v12 =	vmax.f32 v3, v38;
	v3 =	vmin.f32 v5, v59;
	v5 =	vmax.f32 v5, v59  }
0x506: {  	v25 =	vmax.f32 v2, v4;
	v59 =	vor.u32 $0x17, v47;
	v42 =	vmin.f32 v5, v33  }
0x507: {  	v5 =	vmax.f32 v5, v33;
	v33 =	vmin.f32 v1, v18;
	v1 =	vmax.f32 v1, v18  }
0x508: {  	v13 =	vld.idx.msk [tilespmem:v41+s3+$0x0], $0xffff;
	v3 =	vmax.f32 v3, v42;
	v45 =	vmin.f32 v5, v36;
	v5 =	vmax.f32 v5, v36  }
0x509: {  	v60 =	vld.idx.msk [tilespmem:v53+s3+$0x0], $0xffff;
	v3 =	vmax.f32 v3, v45;
	v49 =	vmin.f32 v5, v8;
	v5 =	vmax.f32 v5, v8  }
0x50a: {  	v32 =	vld.idx.msk [tilespmem:v55+s3+$0x0], $0xffff;
	v36 =	vor.u32 $0x1D, v47;
	v3 =	vmax.f32 v3, v49;
	v52 =	vmin.f32 v5, v40  }
0x50b: {  	v8 =	vld.idx.msk [tilespmem:v51+s3+$0x0], $0xffff;
	v51 =	vor.u32 $0x24, v47;
	v5 =	vmax.f32 v5, v40;
	v3 =	vmax.f32 v3, v52  }
0x50c: {  	v54 =	vmin.f32 v5, v43;
	v4 =	vmax.f32 v5, v43;
	v5 =	vld.idx.msk [tilespmem:v50+s3+$0x0], $0xffff;
	v43 =	vor.u32 $0x20, v47  }
0x50d: {  	v38 =	vld.idx.msk [tilespmem:v59+s3+$0x0], $0xffff;
	v59 =	vor.u32 $0x2A, v47;
	v2 =	vmax.f32 v3, v54;
	v3 =	vor.u32 $0x19, v47  }
0x50e: {  	v52 =	vld.idx.msk [tilespmem:v46+s3+$0x0], $0xffff;
	v46 =	vor.u32 $0x33, v47;
	v62 =	vmin.f32 v4, v13;
	v22 =	vmax.f32 v4, v13  }
0x50f: {  	v41 =	vld.idx.msk [tilespmem:v34+s3+$0x0], $0xffff;
	v10 =	vmax.f32 v2, v62;
	v2 =	vmax.f32 v6, v58;
	v62 =	vor.u32 $0x2C, v47  }
0x510: {  	v4 =	vor.u32 $0x1F, v47;
	v54 =	vld.idx.msk [tilespmem:v31+s3+$0x0], $0xffff;
	v31 =	vor.u32 $0x27, v47;
	v2 =	vmax.f32 v2, v33  }
0x511: {  	v33 =	vor.u32 $0x39, v47;
	v35 =	vmin.f32 v1, v5;
	v1 =	vmax.f32 v1, v5;
	v50 =	vld.idx.msk [tilespmem:v43+s3+$0x0], $0xffff  }
0x512: {  	v3 =	vld.idx.msk [tilespmem:v3+s3+$0x0], $0xffff;
	v2 =	vmax.f32 v2, v35;
	v37 =	vmin.f32 v1, v8;
	v1 =	vmax.f32 v1, v8  }
0x513: {  	v10 =	vadd.f32 v10, v22;
	v5 =	vld.idx.msk [tilespmem:v57+s3+$0x0], $0xffff;
	v2 =	vmax.f32 v2, v37;
	v40 =	vmin.f32 v1, v60  }
0x514: {  	v1 =	vmax.f32 v1, v60;
	v43 =	vld.idx.msk [tilespmem:v62+s3+$0x0], $0xffff;
	v62 =	vor.u32 $0x38, v47;
	v2 =	vmax.f32 v2, v40  }
0x515: {  	v49 =	vld.idx.msk [tilespmem:v29+s3+$0x0], $0xffff;
	v29 =	vmin.f32 v1, v38;
	v27 =	vmax.f32 v1, v38;
	v38 =	vor.u32 $0x2E, v47  }
0x516: {  	v1 =	vld.idx.msk [tilespmem:v51+s3+$0x0], $0xffff;
	v40 =	vor.u32 $0x30, v47;
	v51 =	vor.u32 $0x2F, v47;
	v9 =	vmax.f32 v2, v29  }
0x517: {  	v44 =	vld.idx.msk [tilespmem:v36+s3+$0x0], $0xffff;
	v29 =	vor.u32 $0x25, v47;
	v57 =	vmin.f32 v50, v52;
	v42 =	vmax.f32 v32, v3  }
0x518: {  	v3 =	vmin.f32 v32, v3;
	v45 =	vmin.f32 v42, v5;
	v5 =	vmax.f32 v42, v5  }
0x519: {  	v4 =	vld.idx.msk [tilespmem:v4+s3+$0x0], $0xffff;
	v7 =	vmax.f32 v50, v52;
	v3 =	vmax.f32 v3, v45;
	v30 =	vmin.f32 v5, v39  }
0x51a: {  	v13 =	vld.idx.msk [tilespmem:v48+s3+$0x0], $0xffff;
	v19 =	vadd.f32 v9, v27;
	v5 =	vmax.f32 v5, v39;
	v3 =	vmax.f32 v3, v30  }
0x51b: {  	v20 =	vmin.f32 v5, v41;
	v5 =	vmax.f32 v5, v41;
	v30 =	vor.u32 $0x26, v47  }
0x51c: {  	v3 =	vmax.f32 v3, v20;
	v53 =	vmin.f32 v5, v44;
	v5 =	vmax.f32 v5, v44  }
0x51d: {  	v50 =	vld.idx.msk [tilespmem:v40+s3+$0x0], $0xffff;
	v3 =	vmax.f32 v3, v53;
	v6 =	vmin.f32 v5, v49;
	v5 =	vmax.f32 v5, v49  }
0x51e: {  	v40 =	vor.u32 $0x3B, v47;
	v58 =	vld.idx.msk [tilespmem:v29+s3+$0x0], $0xffff;
	v3 =	vmax.f32 v3, v6;
	v55 =	vmin.f32 v5, v4  }
0x51f: {  	v29 =	vmin.f32 v7, v13;
	v6 =	vmax.f32 v3, v55;
	v3 =	vor.u32 $0x29, v47  }
0x520: {  	v7 =	vmax.f32 v7, v13;
	v8 =	vmax.f32 v57, v29;
	v60 =	vld.idx.msk [tilespmem:v30+s3+$0x0], $0xffff;
	v30 =	vor.u32 $0x2B, v47  }
0x521: {  	v29 =	vld.idx.msk [tilespmem:v31+s3+$0x0], $0xffff;
	v31 =	vmin.f32 v7, v54;
	v7 =	vmax.f32 v7, v54;
	v44 =	vor.u32 $0x32, v47  }
0x522: {  	v36 =	vld.idx.msk [tilespmem:v56+s3+$0x0], $0xffff;
	v8 =	vmax.f32 v8, v31;
	v37 =	vmin.f32 v7, v1;
	v1 =	vmax.f32 v7, v1  }
0x523: {  	v20 =	vld.idx.msk [tilespmem:v59+s3+$0x0], $0xffff;
	v31 =	vor.u32 $0x2D, v47;
	v8 =	vmax.f32 v8, v37;
	v39 =	vmin.f32 v1, v58  }
0x524: {  	v35 =	vmax.f32 v5, v4;
	v5 =	vor.u32 $0x34, v47;
	v8 =	vmax.f32 v8, v39;
	v3 =	vld.idx.msk [tilespmem:v3+s3+$0x0], $0xffff  }
0x525: {  	v39 =	vsel vm14, $0x6, v0;
	v0 =	vimm.s32 $0x0;
	v41 =	vld.idx.msk [tilespmem:v30+s3+$0x0], $0xffff;
	v30 =	vor.u32 $0x31, v47  }
0x526: {  	v1 =	vmax.f32 v1, v58;
	v6 =	vadd.f32 v6, v35;
	v0 =	vsel vm7, $0xFFFFFFFF, v0  }
0x527: {  	v55 =	vld.idx.msk [tilespmem:v44+s3+$0x0], $0xffff;
	v44 =	vor.u32 $0x3E, v47;
	[tilespmem:$0x1F9F0] =	vst v0;
	v0 =	vimm.s32 $0x0;
	v42 =	vmin.f32 v1, v60  }
0x528: {  	v31 =	vld.idx.msk [tilespmem:v31+s3+$0x0], $0xffff;
	v0 =	vsel vm8, $0xFFFFFFFF, v0;
	v1 =	vmax.f32 v1, v60;
	v8 =	vmax.f32 v8, v42  }
0x529: {  	v4 =	vld.idx.msk [tilespmem:v38+s3+$0x0], $0xffff;
	v45 =	vmin.f32 v1, v29;
	v49 =	vmin.f32 v36, v3;
	v3 =	vmax.f32 v36, v3  }
0x52a: {  	v52 =	vmin.f32 v3, v20;
	v3 =	vmax.f32 v3, v20;
	v53 =	vld.idx.msk [tilespmem:v30+s3+$0x0], $0xffff;
	v30 =	vor.u32 $0x35, v47  }
0x52b: {  	v7 =	vmax.f32 v49, v52;
	v54 =	vmin.f32 v3, v41;
	v3 =	vmax.f32 v3, v41  }
0x52c: {  	v26 =	vld.idx.msk [tilespmem:v51+s3+$0x0], $0xffff;
	v7 =	vmax.f32 v7, v54;
	v56 =	vmin.f32 v3, v43;
	v3 =	vmax.f32 v3, v43  }
0x52d: {  	v57 =	vld.idx.msk [tilespmem:v46+s3+$0x0], $0xffff;
	v7 =	vmax.f32 v7, v56;
	v58 =	vmin.f32 v3, v31;
	v3 =	vmax.f32 v3, v31  }
0x52e: {  	v5 =	vld.idx.msk [tilespmem:v5+s3+$0x0], $0xffff;
	v36 =	vmax.f32 v1, v29;
	v7 =	vmax.f32 v7, v58;
	v29 =	vmin.f32 v3, v4  }
0x52f: {  	v32 =	vmax.f32 v8, v45;
	v3 =	vmax.f32 v3, v4;
	v7 =	vmax.f32 v7, v29;
	v4 =	vld.idx.msk [tilespmem:v30+s3+$0x0], $0xffff  }
0x530: {  	v29 =	vmax.f32 v50, v53;
	v8 =	vmin.f32 v50, v53;
	v30 =	vor.u32 $0x3A, v47  }
0x531: {  	v38 =	vld.idx.msk [tilespmem:v62+s3+$0x0], $0xffff;
	v34 =	vmin.f32 v3, v26;
	v59 =	vmin.f32 v29, v55;
	v18 =	vmax.f32 v29, v55  }
0x532: {  	[tilespmem:$0x1F9D0] =	vst v0;
	v8 =	vmax.f32 v8, v59;
	v60 =	vmin.f32 v18, v57;
	v13 =	vmax.f32 v18, v57  }
0x533: {  	v0 =	vld.idx.msk [tilespmem:v21+s9+$0x0], $0xffff;
	v8 =	vmax.f32 v8, v60;
	v18 =	vmin.f32 v13, v5;
	v5 =	vmax.f32 v13, v5  }
0x534: {  	v37 =	vmax.f32 v3, v26;
	v8 =	vmax.f32 v8, v18;
	v18 =	vld.idx.msk [tilespmem:v33+s3+$0x0], $0xffff;
	v29 =	vmin.f32 v5, v4  }
0x535: {  	v4 =	vmax.f32 v5, v4;
	v5 =	vor.u32 $0x36, v47;
	v41 =	vld.idx.msk [tilespmem:v30+s3+$0x0], $0xffff;
	v30 =	vor.u32 $0x3C, v47  }
0x536: {  	v3 =	vmax.f32 v8, v29;
	v8 =	vsel vm15, $0x5, v39;
	v29 =	vor.u32 v28, v21  }
0x537: {  	v42 =	vor.u32 $0x37, v47;
	v20 =	vld.idx.msk [tilespmem:v40+s3+$0x0], $0xffff;
	v43 =	vor.u32 $0x3D, v47;
	v8 =	vsel vm5, $0x4, v8  }
0x538: {  	[tilespmem:$0x1FC80] =	vst v0;
	v0 =	vimm.f32 $-Inf;
	v31 =	vmax.f32 v7, v34;
	v8 =	vsel vm4, $0x3, v8  }
0x539: {  	v8 =	vsel vm6, $0x2, v8;
	v45 =	vmin.f32 v38, v18;
	v18 =	vmax.f32 v38, v18  }
0x53a: {  	v5 =	vld.idx.msk [tilespmem:v5+s3+$0x0], $0xffff;
	v8 =	vsel vm7, $0x1, v8;
	v46 =	vmin.f32 v18, v41;
	v18 =	vmax.f32 v18, v41  }
0x53b: {  	v48 =	vnsel vm8, $0x0, v8;
	[tilespmem:v29+s3+$0x0] =	vst.idx.msk $0xffff, v0;
	v29 =	vld.idx.msk [tilespmem:v30+s3+$0x0], $0xffff;
	v30 =	vor.u32 $0x3F, v47;
	v49 =	vmax.f32 v45, v46  }
0x53c: {  	v60 =	vld.idx.msk [tilespmem:v43+s3+$0x0], $0xffff;
	v0 =	vmin.f32 v18, v20;
	v18 =	vmax.f32 v18, v20;
	v7 =	vshll.u32 v48, $0x3  }
0x53d: {  	v33 =	vld.idx.msk [tilespmem:v42+s3+$0x0], $0xffff;
	v0 =	vmax.f32 v49, v0;
	v57 =	vor.u32 $0x1, v7;
	v54 =	vor.u32 $0x2, v7  }
0x53e: {  	[tilespmem:$0x1FA40] =	vst v16;
	v53 =	vld.idx.msk [tilespmem:v44+s3+$0x0], $0xffff;
	v50 =	vadd.s32 v28, v7;
	v59 =	vor.u32 $0x3, v7;
	v1 =	vadd.s32 v28, v54  }
0x53f: {  	[tilespmem:$0x1FA30] =	vst v15;
	v62 =	vadd.s32 v28, v57;
	v2 =	vadd.s32 v28, v59;
	v15 =	vmin.f32 v4, v5  }
0x540: {  	v4 =	vmax.f32 v4, v5;
	v30 =	vld.idx.msk [tilespmem:v30+s3+$0x0], $0xffff;
	v16 =	vmin.f32 v18, v29;
	v5 =	vmax.f32 v18, v29  }
0x541: {  	v3 =	vmax.f32 v3, v15;
	v0 =	vmax.f32 v0, v16;
	v29 =	vmin.f32 v5, v60  }
0x542: {  	[tilespmem:$0x1FA50] =	vst v17;
	v26 =	vmax.f32 v5, v60;
	v5 =	vmin.f32 v4, v33;
	v60 =	vmax.f32 v4, v33  }
0x543: {  	v3 =	vmax.f32 v3, v5;
	v0 =	vmax.f32 v0, v29;
	v5 =	vld.idx.msk [tilespmem:v1+s3+$0x0], $0xffff;
	v1 =	vmin.f32 v26, v53  }
0x544: {  	v4 =	vld.idx.msk [tilespmem:v2+s3+$0x0], $0xffff;
	v2 =	vadd.f32 v12, v25;
	v0 =	vmax.f32 v0, v1;
	v1 =	vmax.f32 v26, v53  }
0x545: {  	v17 =	vld.idx.msk [tilespmem:v50+s3+$0x0], $0xffff;
	v3 =	vadd.f32 v3, v60;
	v26 =	vadd.f32 v31, v37;
	v18 =	vmin.f32 v1, v30  }
0x546: {  	v62 =	vld.idx.msk [tilespmem:v62+s3+$0x0], $0xffff;
	v58 =	vmax.f32 v1, v30;
	v1 =	vadd.f32 v32, v36;
	vm9 =	vgt.f32 v10, v2  }
0x547: {  	vm10 =	vgt.f32 v19, v2;
	vm12 =	vgt.f32 v6, v2;
	vm15 =	vgt.f32 v3, v2  }
0x548: {  	vm1 =	vge.f32 v2, v10;
	vm11 =	vge.f32 v2, v19;
	vm5 =	vge.f32 v2, v6  }
0x549: {  	v0 =	vmax.f32 v0, v18;
	vm14 =	vgt.f32 v26, v2;
	vm8 =	vge.f32 v2, v26  }
0x54a: {  	vm2 =	veq.f32 v17, v63;
	v0 =	vadd.f32 v0, v58;
	vm13 =	vgt.f32 v1, v2  }
0x54b: {  	vm6 =	vge.f32 v2, v1;
	vm3 =	veq.f32 v62, v63;
	vm4 =	veq.f32 v5, v63  }
0x54c: {  	v52 =	vnsel vm2, $0x4000, v7;
	vm0 =	vgt.f32 v0, v2;
	v51 =	vnsel vm4, $0x4000, v54  }
0x54d: {  	vm4 =	vge.f32 v2, v3;
	vm2 =	vge.f32 v2, v0;
	v2 =	vimm.s32 $0x0  }
0x54e: {  	vm7 =	veq.f32 v4, v63;
	v43 =	vsel vm9, $0x1, v2;
	v2 =	vimm.s32 $0x0  }
0x54f: {  	v50 =	vnsel vm3, $0x4000, v57;
	v42 =	vsel vm10, $0x1, v2;
	v2 =	vimm.s32 $0x0  }
0x550: {  	v49 =	vnsel vm7, $0x4000, v59;
	v44 =	vsel vm12, $0x1, v2;
	v2 =	vimm.s32 $0x0  }
0x551: {  	vm7 =	vgt.f32 v6, v10;
	v53 =	vsel vm13, $0x1, v2;
	v2 =	vimm.s32 $0x0  }
0x552: {  	vm3 =	vge.f32 v10, v0;
	v55 =	vsel vm14, $0x1, v2;
	v2 =	vimm.s32 $0x0  }
0x553: {  	vm9 =	vgt.f32 v19, v10;
	v45 =	vsel vm15, $0x1, v2;
	v2 =	vimm.s32 $0x0  }
0x554: {  	vm10 =	vge.f32 v10, v1;
	v46 =	vsel vm0, $0x1, v2;
	v2 =	vimm.s32 $0x0  }
0x555: {  	vm12 =	vgt.f32 v1, v10;
	v39 =	vsel vm1, $0x1, v2;
	v2 =	vimm.s32 $0x0  }
0x556: {  	[tilespmem:$0x1F950] =	vst v35;
	vm13 =	vgt.f32 v26, v10;
	v35 =	vsel vm9, $0x1, v2;
	v2 =	vimm.s32 $0x0  }
0x557: {  	[tilespmem:$0x1F960] =	vst v36;
	vm14 =	vgt.f32 v3, v10;
	v36 =	vsel vm7, $0x1, v2;
	v2 =	vimm.s32 $0x0  }
0x558: {  	[tilespmem:$0x1F970] =	vst v37;
	vm15 =	vgt.f32 v0, v10;
	v37 =	vsel vm12, $0x1, v2;
	v2 =	vimm.s32 $0x0  }
0x559: {  	vm0 =	vge.f32 v10, v19;
	v38 =	vsel vm13, $0x1, v2;
	v2 =	vimm.s32 $0x0  }
0x55a: {  	vm1 =	vge.f32 v10, v6;
	v40 =	vsel vm14, $0x1, v2;
	v2 =	vimm.s32 $0x0  }
0x55b: {  	vm12 =	vgt.f32 v6, v19;
	v41 =	vsel vm15, $0x1, v2;
	v2 =	vimm.s32 $0x0  }
0x55c: {  	vm13 =	vgt.f32 v1, v19;
	v33 =	vsel vm11, $0x1, v2;
	v2 =	vimm.s32 $0x0  }
0x55d: {  	vm14 =	vge.f32 v19, v6;
	v29 =	vsel vm0, $0x1, v2;
	v2 =	vimm.s32 $0x0  }
0x55e: {  	vm15 =	vge.f32 v19, v1;
	v30 =	vsel vm12, $0x1, v2;
	v2 =	vimm.s32 $0x0  }
0x55f: {  	[tilespmem:$0x1F940] =	vst v27;
	vm11 =	vgt.f32 v26, v19;
	v27 =	vsel vm13, $0x1, v2;
	v2 =	vimm.s32 $0x0  }
0x560: {  	vm0 =	vgt.f32 v3, v19;
	v31 =	vsel vm11, $0x1, v2;
	v2 =	vimm.s32 $0x0  }
0x561: {  	vm12 =	vgt.f32 v0, v19;
	v32 =	vsel vm0, $0x1, v2;
	v2 =	vimm.s32 $0x0  }
0x562: {  	vm13 =	vge.f32 v19, v3;
	v34 =	vsel vm12, $0x1, v2;
	v2 =	vimm.s32 $0x0  }
0x563: {  	[tilespmem:$0x1F930] =	vst v22;
	vm11 =	vge.f32 v19, v26;
	v22 =	vsel vm5, $0x1, v2;
	v2 =	vimm.s32 $0x0  }
0x564: {  	vm5 =	vge.f32 v19, v0;
	v19 =	vsel vm1, $0x1, v2;
	v2 =	vimm.s32 $0x0  }
0x565: {  	vm12 =	vgt.f32 v1, v6;
	v20 =	vsel vm14, $0x1, v2;
	v2 =	vimm.s32 $0x0  }
0x566: {  	[tilespmem:$0x1FA10] =	vst v23;
	vm14 =	vgt.f32 v26, v6;
	v23 =	vsel vm12, $0x1, v2;
	v2 =	vimm.s32 $0x0  }
0x567: {  	[tilespmem:$0x1FF80] =	vst v21;
	vm12 =	vgt.f32 v3, v6;
	v21 =	vsel vm14, $0x1, v2;
	v2 =	vimm.s32 $0x0  }
0x568: {  	[tilespmem:$0x1F920] =	vst v25;
	vm14 =	vgt.f32 v0, v6;
	v25 =	vsel vm12, $0x1, v2;
	v2 =	vimm.s32 $0x0  }
0x569: {  	[tilespmem:$0x1F9E0] =	vst v24;
	vm9 =	vge.f32 v10, v26;
	v24 =	vsel vm14, $0x1, v2;
	v2 =	vimm.s32 $0x0  }
0x56a: {  	vm7 =	vge.f32 v10, v3;
	v13 =	vsel vm6, $0x1, v2;
	v2 =	vimm.s32 $0x0  }
0x56b: {  	vm0 =	vge.f32 v6, v1;
	v11 =	vsel vm10, $0x1, v2;
	v2 =	vimm.s32 $0x0  }
0x56c: {  	vm12 =	vgt.f32 v3, v1;
	v12 =	vsel vm15, $0x1, v2;
	v2 =	vimm.s32 $0x0  }
0x56d: {  	vm15 =	vgt.f32 v26, v1;
	v15 =	vsel vm0, $0x1, v2;
	v2 =	vimm.s32 $0x0  }
0x56e: {  	vm0 =	vge.f32 v1, v26;
	v16 =	vsel vm15, $0x1, v2;
	v2 =	vimm.s32 $0x0  }
0x56f: {  	vm15 =	vgt.f32 v0, v1;
	v18 =	vsel vm12, $0x1, v2;
	v2 =	vimm.s32 $0x0  }
0x570: {  	[tilespmem:$0x1F980] =	vst v17;
	v17 =	vsel vm15, $0x1, v2;
	vm15 =	vge.f32 v1, v3;
	v2 =	vimm.s32 $0x0  }
0x571: {  	v9 =	vsel vm8, $0x1, v2;
	vm8 =	vge.f32 v1, v0;
	v1 =	vimm.s32 $0x0  }
0x572: {  	[tilespmem:$0x1F990] =	vst v4;
	vm1 =	vge.f32 v6, v26;
	v4 =	vsel vm9, $0x1, v1;
	v1 =	vimm.s32 $0x0  }
0x573: {  	vm14 =	vge.f32 v6, v3;
	v2 =	vsel vm11, $0x1, v1;
	v1 =	vimm.s32 $0x0  }
0x574: {  	v56 =	vld [tilespmem:$0x1F8E0];
	[tilespmem:$0x1F9A0] =	vst v5;
	vm6 =	vge.f32 v6, v0;
	v5 =	vsel vm1, $0x1, v1;
	v1 =	vimm.s32 $0x0  }
0x575: {  	v10 =	vld [tilespmem:$0x1FA70];
	vm9 =	vgt.f32 v3, v26;
	v6 =	vsel vm0, $0x1, v1;
	v1 =	vimm.s32 $0x0  }
0x576: {  	v8 =	vsel vm9, $0x1, v1;
	v1 =	vld [tilespmem:$0x1FA80];
	_ =	sdelay $0x1  }
0x577: {  	vm10 =	vge.f32 v26, v0;
	vm12 =	vgt.f32 v0, v26  }
0x578: {  	vm1 =	vge.f32 v3, v0;
	vm0 =	vgt.f32 v0, v3;
	v0 =	vadd.s32 v43, v42;
	v43 =	vld [tilespmem:$0x1F8F0]  }
0x579: {  	v42 =	vld [tilespmem:$0x1F910]  }
0x57a: {  	vm11 =	vge.f32 v26, v3;
	v26 =	vmax.f32 v56, v61;
	v3 =	vld [tilespmem:$0x1FA90];
	v1 =	vmax.f32 v10, v1  }
0x57b: {  	v29 =	vadd.s32 v29, v33;
	v26 =	vmax.f32 v26, v1;
	v1 =	vld [tilespmem:$0x1F900]  }
0x57c: {  	v29 =	vadd.s32 v30, v29  }
0x57d: {  	v27 =	vadd.s32 v27, v29;
	v29 =	vimm.s32 $0x0  }
0x57e: {  	v29 =	vsel vm4, $0x1, v29;
	v19 =	vadd.s32 v19, v22;
	v4 =	vadd.s32 v4, v9  }
0x57f: {  	v19 =	vadd.s32 v20, v19;
	v11 =	vadd.s32 v11, v13;
	v2 =	vadd.s32 v2, v4  }
0x580: {  	v4 =	vimm.s32 $0x0;
	v3 =	vmax.f32 v3, v42;
	v1 =	vmax.f32 v43, v1  }
0x581: {  	v0 =	vadd.s32 v44, v0;
	v3 =	vmax.f32 v3, v1;
	v1 =	vadd.s32 v39, v35  }
0x582: {  	v4 =	vsel vm14, $0x1, v4;
	v0 =	vadd.s32 v53, v0;
	v1 =	vadd.s32 v36, v1  }
0x583: {  	v0 =	vadd.s32 v55, v0;
	v55 =	vimm.s32 $0x0;
	v1 =	vadd.s32 v37, v1  }
0x584: {  	v0 =	vadd.s32 v45, v0;
	v20 =	vsel vm7, $0x1, v55;
	v1 =	vadd.s32 v38, v1  }
0x585: {  	v0 =	vadd.s32 v46, v0;
	v10 =	vimm.s32 $0x0;
	v1 =	vadd.s32 v40, v1  }
0x586: {  	vm4 =	vlt.u32 v0, $0x4;
	v0 =	vadd.s32 v41, v1;
	v1 =	vadd.s32 v31, v27  }
0x587: {  	v10 =	vsel vm12, $0x1, v10;
	v1 =	vadd.s32 v32, v1;
	vm7 =	vlt.u32 v0, $0x4  }
0x588: {  	v0 =	vadd.s32 v34, v1;
	v1 =	vadd.s32 v23, v19;
	v23 =	vimm.s32 $0x0  }
0x589: {  	v39 =	vimm.s32 $0x0;
	v1 =	vadd.s32 v21, v1;
	v13 =	vsel vm13, $0x1, v23  }
0x58a: {  	vm13 =	vlt.u32 v0, $0x4;
	v0 =	vadd.s32 v25, v1;
	v1 =	vadd.s32 v12, v11  }
0x58b: {  	v37 =	vimm.s32 $0x0;
	v0 =	vadd.s32 v24, v0;
	v1 =	vadd.s32 v15, v1  }
0x58c: {  	v38 =	vimm.s32 $0x0;
	v1 =	vadd.s32 v16, v1;
	vm14 =	vlt.u32 v0, $0x4  }
0x58d: {  	v0 =	vadd.s32 v18, v1;
	v1 =	vadd.s32 v5, v2;
	v2 =	vadd.s32 v20, v29  }
0x58e: {  	v5 =	vimm.s32 $0x0;
	v0 =	vadd.s32 v17, v0;
	v1 =	vadd.s32 v6, v1  }
0x58f: {  	v2 =	vadd.s32 v13, v2;
	v5 =	vsel vm15, $0x1, v5;
	v1 =	vadd.s32 v8, v1  }
0x590: {  	vm15 =	vlt.u32 v0, $0x4;
	v0 =	vadd.s32 v10, v1;
	v1 =	vadd.s32 v4, v2  }
0x591: {  	v2 =	vimm.s32 $0x0;
	v4 =	vimm.s32 $0x0;
	v1 =	vadd.s32 v5, v1  }
0x592: {  	v2 =	vsel vm2, $0x1, v2;
	v4 =	vsel vm3, $0x1, v4;
	v5 =	vimm.s32 $0x0  }
0x593: {  	v32 =	vimm.s32 $0x0;
	v2 =	vadd.s32 v4, v2;
	v5 =	vsel vm5, $0x1, v5  }
0x594: {  	v40 =	vimm.s32 $0x0;
	v10 =	vsel vm6, $0x1, v32;
	v2 =	vadd.s32 v5, v2  }
0x595: {  	v15 =	vsel vm8, $0x1, v38;
	v2 =	vadd.s32 v10, v2;
	v10 =	vsel vm11, $0x1, v37  }
0x596: {  	v1 =	vadd.s32 v10, v1;
	v2 =	vadd.s32 v15, v2;
	v10 =	vsel vm10, $0x1, v39  }
0x597: {  	v2 =	vadd.s32 v10, v2;
	v10 =	vsel vm0, $0x1, v40  }
0x598: {  	vm10 =	vlt.u32 v0, $0x4;
	v0 =	vadd.s32 v10, v1  }
0x599: {  	vm11 =	vlt.u32 v0, $0x4;
	v0 =	vld [tilespmem:$0x1F920];
	_ =	sdelay $0x4  }
0x59a: {  	v10 =	vnsel vm4, $0xFF800000, v0;
	v0 =	vld [tilespmem:$0x1F930];
	_ =	sdelay $0x2  }
0x59b: {  	v5 =	vor.u32 $0x5, v7  }
0x59c: {  	v27 =	vadd.s32 v28, v5  }
0x59d: {  	v22 =	vnsel vm7, $0xFF800000, v0;
	v0 =	vld [tilespmem:$0x1F940]  }
0x59e: {  	v11 =	vor.u32 $0x7, v7  }
0x59f: {  	v34 =	vadd.s32 v28, v11  }
0x5a0: {  	v8 =	vor.u32 $0x6, v7  }
0x5a1: {  	v33 =	vadd.s32 v28, v8;
	v9 =	vld.idx.msk [tilespmem:v27+s3+$0x0], $0xffff  }
0x5a2: {  	v41 =	vimm.s32 $0x0;
	v27 =	vnsel vm13, $0xFF800000, v0;
	v0 =	vld [tilespmem:$0x1F950]  }
0x5a3: {  	v4 =	vor.u32 $0x4, v7;
	v15 =	vsel vm1, $0x1, v41  }
0x5a4: {  	v25 =	vadd.s32 v28, v4;
	v1 =	vadd.s32 v15, v2;
	v15 =	vld.idx.msk [tilespmem:v34+s3+$0x0], $0xffff  }
0x5a5: {  	vm12 =	vlt.u32 v1, $0x4;
	v1 =	vld [tilespmem:$0x1F970]  }
0x5a6: {  	v12 =	vld.idx.msk [tilespmem:v33+s3+$0x0], $0xffff  }
0x5a7: {  	v36 =	vmin.u32 v51, v49;
	v51 =	vnsel vm14, $0xFF800000, v0;
	v0 =	vld [tilespmem:$0x1F960]  }
0x5a8: {  	v2 =	vnsel vm11, $0xFF800000, v60;
	v13 =	vnsel vm12, $0xFF800000, v58  }
0x5a9: {  	v35 =	vmin.u32 v52, v50;
	v6 =	vld.idx.msk [tilespmem:v25+s3+$0x0], $0xffff;
	v49 =	vmax.f32 v2, v13  }
0x5aa: {  	vm8 =	veq.f32 v15, v63;
	v1 =	vnsel vm10, $0xFF800000, v1;
	vm6 =	veq.f32 v9, v63  }
0x5ab: {  	v55 =	vnsel vm8, $0x4000, v11;
	v52 =	vnsel vm6, $0x4000, v5;
	vm7 =	veq.f32 v12, v63  }
0x5ac: {  	v44 =	vmax.f32 v10, v22;
	v53 =	vnsel vm7, $0x4000, v8;
	v0 =	vnsel vm15, $0xFF800000, v0  }
0x5ad: {  	v58 =	vmin.u32 v53, v55;
	v45 =	vmax.f32 v27, v51;
	v46 =	vmax.f32 v0, v1  }
0x5ae: {  	v16 =	vmax.f32 v44, v45;
	vm15 =	veq.f32 v6, v63;
	v17 =	vmax.f32 v46, v49  }
0x5af: {  	v44 =	vmin.u32 v35, v36;
	v50 =	vnsel vm15, $0x4000, v4;
	v60 =	vmax.f32 v16, v17  }
0x5b0: {  	v18 =	vmin.u32 v50, v52;
	v46 =	vimm.s32 $0x7;
	vm9 =	veq.f32 v2, v60  }
0x5b1: {  	v45 =	vmin.u32 v18, v58;
	vm10 =	veq.f32 v1, v60;
	v17 =	vsel vm9, $0x6, v46  }
0x5b2: {  	v16 =	vmin.u32 v44, v45;
	vm11 =	veq.f32 v0, v60;
	v17 =	vsel vm10, $0x5, v17  }
0x5b3: {  	vm12 =	veq.f32 v51, v60;
	v39 =	vmin.u32 v16, $0x3F;
	v49 =	vsel vm11, $0x4, v17  }
0x5b4: {  	vm13 =	veq.f32 v27, v60;
	vm1 =	veq.s32 v7, v39;
	v7 =	vsel vm12, $0x3, v49  }
0x5b5: {  	vm3 =	veq.f32 v22, v60;
	v7 =	vsel vm13, $0x2, v7  }
0x5b6: {  	vm4 =	vne.f32 v10, v60;
	v7 =	vsel vm3, $0x1, v7  }
0x5b7: {  	v29 =	vnsel vm4, $0x0, v7  }
0x5b8: {  	vm13 =	veq.s32 v11, v39;
	v11 =	vshll.u32 v29, $0x3  }
0x5b9: {  	v50 =	vld [tilespmem:$0x1F980];
	vm15 =	veq.s32 v5, v39;
	v16 =	vor.u32 $0x1, v11;
	v5 =	vadd.s32 v47, v11  }
0x5ba: {  	vm2 =	veq.s32 v54, v39;
	v54 =	vld [tilespmem:$0x1F990];
	v18 =	vor.u32 $0x2, v11;
	v52 =	vadd.s32 v47, v16  }
0x5bb: {  	v58 =	vld [tilespmem:$0x1F9A0];
	v21 =	vor.u32 $0x3, v11;
	v53 =	vadd.s32 v47, v18  }
0x5bc: {  	vm6 =	veq.s32 v57, v39;
	v55 =	vadd.s32 v47, v21  }
0x5bd: {  	vm0 =	veq.s32 v59, v39;
	vm14 =	veq.s32 v4, v39;
	v9 =	vsel vm15, $0xFF800000, v9  }
0x5be: {  	v4 =	vsel vm6, $0xFF800000, v62;
	vm12 =	veq.s32 v8, v39;
	v6 =	vmax.f32 v6, v9;
	v30 =	vld.idx.msk [tilespmem:v5+s3+$0x0], $0xffff  }
0x5bf: {  	v15 =	vsel vm13, $0xFF800000, v15;
	v7 =	vmax.f32 v50, v4;
	v17 =	vsel vm0, $0xFF800000, v54;
	v32 =	vld.idx.msk [tilespmem:v52+s3+$0x0], $0xffff  }
0x5c0: {  	v12 =	vmax.f32 v12, v15;
	v20 =	vmax.f32 v58, v17;
	v24 =	vor.u32 $0x5, v11;
	v35 =	vld.idx.msk [tilespmem:v53+s3+$0x0], $0xffff  }
0x5c1: {  	v17 =	vsel vm2, v17, v20;
	v20 =	vsel vm12, v15, v12;
	v5 =	vadd.s32 v47, v24;
	v12 =	vld.idx.msk [tilespmem:v55+s3+$0x0], $0xffff  }
0x5c2: {  	v6 =	vsel vm14, v9, v6;
	v4 =	vsel vm1, v4, v7  }
0x5c3: {  	v54 =	vmax.f32 v26, v3;
	v3 =	vmax.f32 v4, v17;
	v4 =	vmax.f32 v6, v20  }
0x5c4: {  	v3 =	vmax.f32 v3, v4  }
0x5c5: {  	vm9 =	veq.f32 v30, v60;
	vm10 =	veq.f32 v32, v60;
	vm11 =	veq.f32 v35, v60  }
0x5c6: {  	v25 =	vld.idx.msk [tilespmem:v5+s3+$0x0], $0xffff;
	vm12 =	veq.f32 v12, v60;
	v4 =	vnsel vm9, $0x4000, v11;
	v5 =	vnsel vm10, $0x4000, v16  }
0x5c7: {  	v37 =	vnsel vm12, $0x4000, v21;
	v4 =	vmin.u32 v4, v5;
	v5 =	vnsel vm11, $0x4000, v18  }
0x5c8: {  	v5 =	vmin.u32 v5, v37  }
0x5c9: {  	v46 =	vmin.u32 v4, v5;
	v4 =	vld [tilespmem:$0x1F9D0];
	_ =	sdelay $0x2  }
0x5ca: {  	v23 =	vor.u32 $0x4, v11  }
0x5cb: {  	v36 =	vld [tilespmem:$0x1F9C0];
	v57 =	vadd.s32 v47, v23  }
0x5cc: {  	v31 =	vor.u32 $0x6, v11;
	vm14 =	vnez.u8 v4;
	v4 =	vld [tilespmem:$0x1F9E0]  }
0x5cd: {  	v26 =	vld [tilespmem:$0x1F9B0];
	v62 =	vadd.s32 v47, v31  }
0x5ce: {  	v59 =	vor.u32 $0x7, v11  }
0x5cf: {  	[tilespmem:$0x1FC90] =	vst v63;
	v50 =	vld [tilespmem:$0x1FA40];
	v63 =	vadd.s32 v47, v59  }
0x5d0: {  	v15 =	vld.idx.msk [tilespmem:v57+s3+$0x0], $0xffff  }
0x5d1: {  	v9 =	vsel vm14, v4, v3;
	v4 =	vld [tilespmem:$0x1F9F0]  }
0x5d2: {  	v6 =	vsub.f32 v26, v36;
	v26 =	vld.idx.msk [tilespmem:v62+s3+$0x0], $0xffff  }
0x5d3: {  	v52 =	vld [tilespmem:$0x1FA50]  }
0x5d4: {  	v36 =	vld.idx.msk [tilespmem:v63+s3+$0x0], $0xffff  }
0x5d5: {  	vm5 =	veq.s32 v48, $0x4;
	vm8 =	veq.s32 v48, $0x7;
	vm7 =	veq.s32 v48, $0x6  }
0x5d6: {  	vm6 =	veq.s32 v48, $0x5;
	vm3 =	vmand vm4, vm3;
	vm15 =	vnez.u8 v4;
	v4 =	vld [tilespmem:$0x1FA00]  }
0x5d7: {  	vm0 =	veq.s32 v48, $0x2;
	vm1 =	veq.s32 v48, $0x3;
	vm2 =	veq.f32 v56, v54;
	v53 =	vld [tilespmem:$0x1FA60]  }
0x5d8: {  	v49 =	vld [tilespmem:$0x1FA30];
	v7 =	vsel vm6, v3, v50;
	vm9 =	veq.f32 v15, v60;
	v8 =	vsel vm7, v3, v52  }
0x5d9: {  	vm12 =	veq.f32 v36, v60;
	v38 =	vnsel vm9, $0x4000, v23;
	vm11 =	veq.f32 v26, v60  }
0x5da: {  	v44 =	vnsel vm12, $0x4000, v59;
	vm10 =	veq.f32 v25, v60;
	v5 =	vld [tilespmem:$0x1FA20];
	vm9 =	vmand vm14, vm15  }
0x5db: {  	v41 =	vnsel vm11, $0x4000, v31;
	v40 =	vnsel vm10, $0x4000, v24;
	v17 =	vsel vm9, v3, v4;
	v4 =	vld [tilespmem:$0x1FA10]  }
0x5dc: {  	[tilespmem:$0x1FE20] =	vst v6;
	v19 =	vsel vm8, v3, v53;
	v45 =	vmin.u32 v41, v44;
	v6 =	vmin.u32 v38, v40  }
0x5dd: {  	v58 =	vmax.f32 v8, v19;
	v48 =	vmin.u32 v6, v45;
	v6 =	vsel vm5, v3, v49  }
0x5de: {  	vm11 =	veq.s32 v29, $0x6;
	v41 =	vimm.f32 $-Inf;
	v57 =	vmax.f32 v6, v7  }
0x5df: {  	vm10 =	veq.s32 v29, $0x5;
	v5 =	vsel vm1, v3, v5;
	v38 =	vmax.f32 v57, v58  }
0x5e0: {  	v55 =	vmax.f32 v9, v17;
	v4 =	vsel vm0, v3, v4;
	v3 =	vmin.u32 v46, v48  }
0x5e1: {  	vm0 =	veq.f32 v61, v54;
	v56 =	vmax.f32 v4, v5;
	v34 =	vmin.u32 v3, $0x3F  }
0x5e2: {  	v46 =	vimm.s32 $0x7;
	v37 =	vmax.f32 v55, v56;
	vm1 =	veq.s32 v11, v34  }
0x5e3: {  	vm12 =	veq.s32 v16, v34;
	vm6 =	veq.s32 v18, v34;
	vm7 =	veq.s32 v21, v34  }
0x5e4: {  	vm13 =	veq.s32 v23, v34;
	vm14 =	veq.s32 v24, v34;
	vm15 =	veq.s32 v31, v34  }
0x5e5: {  	v62 =	vmax.f32 v37, v38;
	v3 =	vsel vm12, $0xFF800000, v32;
	vm12 =	veq.s32 v59, v34  }
0x5e6: {  	[tilespmem:$0x1FDF0] =	vst v60;
	v60 =	vsel vm7, $0xFF800000, v12;
	v61 =	vsel vm14, $0xFF800000, v25;
	v25 =	vimm.s32 $0x7  }
0x5e7: {  	v59 =	vmax.f32 v30, v3;
	v63 =	vsel vm12, $0xFF800000, v36;
	v21 =	vmax.f32 v35, v60  }
0x5e8: {  	v15 =	vmax.f32 v15, v61;
	vm14 =	veq.f32 v7, v62;
	vm5 =	veq.f32 v4, v62  }
0x5e9: {  	vm9 =	veq.f32 v5, v62;
	vm12 =	veq.s32 v29, $0x7;
	vm7 =	veq.f32 v17, v62  }
0x5ea: {  	vm8 =	vne.f32 v9, v62;
	v3 =	vsel vm1, v3, v59;
	v11 =	vsel vm6, v60, v21  }
0x5eb: {  	v12 =	vsel vm13, v61, v15;
	v23 =	vmax.f32 v26, v63;
	vm13 =	veq.f32 v8, v62  }
0x5ec: {  	vm1 =	veq.s32 v29, $0x2;
	vm6 =	veq.s32 v29, $0x3;
	v15 =	vsel vm15, v63, v23  }
0x5ed: {  	v52 =	vld [tilespmem:$0x1FA70];
	v3 =	vmax.f32 v3, v11;
	v24 =	vmax.f32 v12, v15;
	v12 =	vsel vm13, $0x6, v25  }
0x5ee: {  	vm15 =	veq.f32 v6, v62;
	v3 =	vmax.f32 v3, v24;
	v26 =	vsel vm14, $0x5, v12  }
0x5ef: {  	v11 =	vsel vm15, $0x4, v26;
	v10 =	vsel vm4, v10, v3;
	v12 =	vsel vm1, v3, v27  }
0x5f0: {  	v44 =	vsel vm6, v3, v51;
	v51 =	vsel vm10, v3, v1;
	v11 =	vsel vm9, $0x3, v11  }
0x5f1: {  	v59 =	vsel vm11, v3, v2;
	v50 =	vsel vm12, v3, v13;
	v11 =	vsel vm5, $0x2, v11  }
0x5f2: {  	vm1 =	veq.f32 v52, v54;
	vm9 =	veq.s32 v29, $0x4;
	v11 =	vsel vm7, $0x1, v11  }
0x5f3: {  	v33 =	vmax.f32 v12, v44;
	v40 =	vmax.f32 v59, v50;
	v15 =	vnsel vm8, $0x0, v11  }
0x5f4: {  	v48 =	vsel vm9, v3, v0;
	v0 =	vor.u32 v28, v39;
	v1 =	vshll.u32 v15, $0x3  }
0x5f5: {  	v55 =	vld [tilespmem:$0x1FA90];
	v11 =	vsel vm3, v3, v22;
	v2 =	vor.u32 $0x1, v1;
	v3 =	vadd.s32 v28, v1  }
0x5f6: {  	[tilespmem:$0x1FF90] =	vst v39;
	v37 =	vld.idx.msk [tilespmem:v39+s9+$0x0], $0xffff;
	v39 =	vmax.f32 v48, v51;
	v16 =	vor.u32 $0x2, v1;
	v35 =	vadd.s32 v28, v2  }
0x5f7: {  	v32 =	vmax.f32 v10, v11;
	v21 =	vor.u32 $0x3, v1;
	v36 =	vadd.s32 v28, v16  }
0x5f8: {  	v13 =	vmax.f32 v32, v33;
	v29 =	vor.u32 $0x7, v1;
	v38 =	vadd.s32 v28, v21  }
0x5f9: {  	v53 =	vld [tilespmem:$0x1FA80];
	v23 =	vor.u32 $0x4, v1;
	[tilespmem:v0+s3+$0x0] =	vst.idx.msk $0xffff, v41;
	v0 =	vmax.f32 v39, v40;
	v31 =	vadd.s32 v28, v29  }
0x5fa: {  	v26 =	vor.u32 $0x5, v1;
	v45 =	vadd.s32 v28, v23;
	v63 =	vmax.f32 v13, v0;
	v3 =	vld.idx.msk [tilespmem:v3+s3+$0x0], $0xffff  }
0x5fb: {  	vm4 =	veq.f32 v55, v54;
	v0 =	vadd.s32 v28, v26;
	vm10 =	veq.f32 v59, v63;
	v18 =	vld.idx.msk [tilespmem:v35+s3+$0x0], $0xffff  }
0x5fc: {  	v13 =	vor.u32 $0x6, v1;
	vm11 =	veq.f32 v51, v63;
	v49 =	vsel vm10, $0x6, v46;
	v24 =	vld.idx.msk [tilespmem:v36+s3+$0x0], $0xffff  }
0x5fd: {  	v30 =	vadd.s32 v28, v13;
	vm12 =	veq.f32 v48, v63;
	v32 =	vsel vm11, $0x5, v49;
	v25 =	vld.idx.msk [tilespmem:v38+s3+$0x0], $0xffff  }
0x5fe: {  	vm6 =	veq.f32 v43, v54;
	vm13 =	veq.f32 v44, v63;
	v32 =	vsel vm12, $0x4, v32;
	v31 =	vld.idx.msk [tilespmem:v31+s3+$0x0], $0xffff  }
0x5ff: {  	v52 =	vor.u32 v47, v34;
	vm14 =	veq.f32 v12, v63;
	v27 =	vld.idx.msk [tilespmem:v45+s3+$0x0], $0xffff;
	v32 =	vsel vm13, $0x3, v32  }
0x600: {  	vm5 =	veq.f32 v42, v54;
	vm9 =	veq.f32 v11, v63;
	v33 =	vld.idx.msk [tilespmem:v0+s3+$0x0], $0xffff;
	v0 =	vsel vm14, $0x2, v32  }
0x601: {  	vm7 =	vmand vm8, vm7;
	vm3 =	veq.f32 v53, v54;
	v0 =	vsel vm9, $0x1, v0  }
0x602: {  	v30 =	vld.idx.msk [tilespmem:v30+s3+$0x0], $0xffff;
	vm10 =	veq.f32 v3, v62;
	vm11 =	veq.f32 v18, v62;
	vm12 =	veq.f32 v24, v62  }
0x603: {  	vm13 =	veq.f32 v25, v62;
	v56 =	vnsel vm10, $0x4000, v1;
	vm14 =	veq.f32 v31, v62  }
0x604: {  	vm10 =	vne.f32 v10, v63;
	v57 =	vnsel vm11, $0x4000, v2;
	v58 =	vnsel vm12, $0x4000, v16  }
0x605: {  	v60 =	vnsel vm13, $0x4000, v21;
	vm11 =	veq.f32 v27, v62;
	vm12 =	veq.f32 v33, v62  }
0x606: {  	v46 =	vnsel vm14, $0x4000, v29;
	v0 =	vnsel vm10, $0x0, v0;
	v32 =	vmin.u32 v56, v57  }
0x607: {  	v61 =	vmin.u32 v58, v60;
	vm13 =	veq.f32 v30, v62;
	v20 =	vnsel vm11, $0x4000, v23  }
0x608: {  	v22 =	vnsel vm12, $0x4000, v26;
	v38 =	vshll.u32 v0, $0x3;
	v45 =	vnsel vm13, $0x4000, v13  }
0x609: {  	[tilespmem:$0x1FCA0] =	vst v37;
	v36 =	vmin.u32 v20, v22;
	v32 =	vmin.u32 v32, v61;
	v37 =	vor.u32 $0x1, v38  }
0x60a: {  	v53 =	vadd.s32 v47, v38;
	v41 =	vor.u32 $0x2, v38;
	v49 =	vmin.u32 v45, v46  }
0x60b: {  	v40 =	vor.u32 $0x6, v38;
	v55 =	vadd.s32 v47, v37;
	v36 =	vmin.u32 v36, v49  }
0x60c: {  	v56 =	vadd.s32 v47, v41;
	v61 =	vadd.s32 v47, v40;
	v32 =	vmin.u32 v32, v36  }
0x60d: {  	v49 =	vor.u32 $0x7, v38;
	v20 =	vmin.u32 v32, $0x3F;
	v32 =	vor.u32 $0x3, v38  }
0x60e: {  	v36 =	vadd.s32 v47, v49;
	vm11 =	veq.s32 v1, v20;
	v57 =	vadd.s32 v47, v32  }
0x60f: {  	v1 =	vld.idx.msk [tilespmem:v34+s9+$0x0], $0xffff;
	vm12 =	veq.s32 v2, v20;
	v2 =	vimm.f32 $-Inf;
	vm13 =	veq.s32 v16, v20  }
0x610: {  	vm14 =	veq.s32 v21, v20;
	vm15 =	veq.s32 v23, v20;
	[tilespmem:v52+s3+$0x0] =	vst.idx.msk $0xffff, v2;
	v2 =	vor.u32 $0x5, v38  }
0x611: {  	v18 =	vsel vm12, $0xFF800000, v18;
	vm12 =	veq.s32 v26, v20;
	v25 =	vsel vm14, $0xFF800000, v25  }
0x612: {  	vm14 =	veq.s32 v13, v20;
	v16 =	vld.idx.msk [tilespmem:v53+s3+$0x0], $0xffff;
	v60 =	vadd.s32 v47, v2;
	v26 =	vsel vm12, $0xFF800000, v33  }
0x613: {  	v42 =	vld.idx.msk [tilespmem:v55+s3+$0x0], $0xffff;
	vm12 =	veq.s32 v29, v20;
	v3 =	vmax.f32 v3, v18;
	v39 =	vmax.f32 v24, v25  }
0x614: {  	v43 =	vld.idx.msk [tilespmem:v56+s3+$0x0], $0xffff;
	v3 =	vsel vm11, v18, v3;
	v45 =	vmax.f32 v27, v26;
	v46 =	vsel vm12, $0xFF800000, v31  }
0x615: {  	v18 =	vsel vm13, v25, v39;
	v31 =	vld.idx.msk [tilespmem:v61+s3+$0x0], $0xffff;
	v52 =	vmax.f32 v30, v46;
	[tilespmem:$0x1FE00] =	vst v1;
	v1 =	vor.u32 $0x4, v38  }
0x616: {  	v24 =	vsel vm15, v26, v45;
	v13 =	vld.idx.msk [tilespmem:v57+s3+$0x0], $0xffff;
	v21 =	vsel vm14, v46, v52;
	v58 =	vadd.s32 v47, v1  }
0x617: {  	vm9 =	vmand vm10, vm9;
	v30 =	vld.idx.msk [tilespmem:v36+s3+$0x0], $0xffff;
	v3 =	vmax.f32 v3, v18;
	v56 =	vmax.f32 v24, v21  }
0x618: {  	v35 =	vld.idx.msk [tilespmem:v60+s3+$0x0], $0xffff;
	vm11 =	veq.f32 v16, v63;
	vm12 =	veq.f32 v42, v63;
	v3 =	vmax.f32 v3, v56  }
0x619: {  	v53 =	vnsel vm11, $0x4000, v38;
	v55 =	vnsel vm12, $0x4000, v37;
	vm11 =	veq.f32 v43, v63  }
0x61a: {  	vm15 =	veq.f32 v31, v63;
	v26 =	vsel vm7, v3, v17;
	v57 =	vmin.u32 v53, v55  }
0x61b: {  	v36 =	vnsel vm15, $0x4000, v40;
	vm15 =	veq.s32 v15, $0x7;
	vm12 =	veq.f32 v13, v63;
	v33 =	vld.idx.msk [tilespmem:v58+s3+$0x0], $0xffff  }
0x61c: {  	v19 =	vsel vm15, v3, v19;
	v58 =	vnsel vm11, $0x4000, v41;
	vm11 =	veq.f32 v30, v63  }
0x61d: {  	v60 =	vnsel vm12, $0x4000, v32;
	vm12 =	veq.s32 v15, $0x4;
	vm14 =	veq.f32 v35, v63  }
0x61e: {  	v29 =	vnsel vm11, $0x4000, v49;
	v23 =	vmin.u32 v58, v60;
	vm11 =	veq.s32 v15, $0x3  }
0x61f: {  	[tilespmem:$0x1FFD0] =	vst v34;
	v56 =	vsel vm12, v3, v6;
	v34 =	vnsel vm14, $0x4000, v2;
	v45 =	vmin.u32 v36, v29  }
0x620: {  	v46 =	vmin.u32 v57, v23;
	vm14 =	veq.s32 v15, $0x6;
	vm13 =	veq.f32 v33, v63  }
0x621: {  	v55 =	vsel vm11, v3, v5;
	v58 =	vsel vm14, v3, v8;
	v61 =	vnsel vm13, $0x4000, v1  }
0x622: {  	vm13 =	veq.s32 v15, $0x5;
	v39 =	vmin.u32 v61, v34;
	v61 =	vsel vm8, v9, v3  }
0x623: {  	vm8 =	veq.s32 v15, $0x2;
	v57 =	vsel vm13, v3, v7;
	v52 =	vmin.u32 v39, v45  }
0x624: {  	v60 =	vsel vm8, v3, v4;
	v4 =	vmax.f32 v61, v26;
	v53 =	vmin.u32 v46, v52  }
0x625: {  	v5 =	vmax.f32 v60, v55;
	v52 =	vmax.f32 v56, v57;
	v8 =	vmin.u32 v53, $0x3F  }
0x626: {  	v3 =	vmax.f32 v4, v5;
	v53 =	vmax.f32 v58, v19;
	vm7 =	veq.s32 v38, v8  }
0x627: {  	vm8 =	veq.s32 v37, v8;
	vm11 =	veq.s32 v41, v8;
	vm12 =	veq.s32 v32, v8  }
0x628: {  	vm13 =	veq.s32 v1, v8;
	vm14 =	veq.s32 v2, v8;
	vm15 =	veq.s32 v49, v8  }
0x629: {  	v6 =	vmax.f32 v52, v53;
	v1 =	vsel vm8, $0xFF800000, v42;
	vm8 =	veq.s32 v40, v8  }
0x62a: {  	v4 =	vsel vm14, $0xFF800000, v35;
	v5 =	vsel vm15, $0xFF800000, v30;
	v39 =	vmax.f32 v3, v6  }
0x62b: {  	vm14 =	veq.s32 v0, $0x7;
	v2 =	vmax.f32 v16, v1;
	v46 =	vmax.f32 v33, v4  }
0x62c: {  	v49 =	vmax.f32 v31, v5;
	v1 =	vsel vm7, v1, v2;
	v2 =	vsel vm12, $0xFF800000, v13  }
0x62d: {  	vm15 =	veq.f32 v58, v39;
	v4 =	vsel vm13, v4, v46;
	v45 =	vmax.f32 v43, v2  }
0x62e: {  	v5 =	vsel vm8, v5, v49;
	vm7 =	veq.s32 v0, $0x2;
	v2 =	vsel vm11, v2, v45  }
0x62f: {  	vm8 =	veq.s32 v0, $0x3;
	v1 =	vmax.f32 v1, v2;
	v2 =	vmax.f32 v4, v5  }
0x630: {  	vm12 =	veq.s32 v0, $0x5;
	vm13 =	veq.s32 v0, $0x6;
	v1 =	vmax.f32 v1, v2  }
0x631: {  	vm11 =	veq.s32 v0, $0x4;
	v0 =	vimm.s32 $0x38;
	v24 =	vsel vm10, v10, v1  }
0x632: {  	v27 =	vsel vm9, v1, v11;
	v31 =	vsel vm7, v1, v12;
	v22 =	vsel vm8, v1, v44  }
0x633: {  	v33 =	vsel vm11, v1, v48;
	v29 =	vsel vm12, v1, v51;
	v23 =	vsel vm13, v1, v59  }
0x634: {  	v48 =	vsel vm14, v1, v50;
	v1 =	vmax.f32 v24, v27;
	v2 =	vmax.f32 v31, v22  }
0x635: {  	v3 =	vmax.f32 v33, v29;
	v4 =	vmax.f32 v23, v48;
	v1 =	vmax.f32 v1, v2  }
0x636: {  	v2 =	vmax.f32 v3, v4;
	v3 =	vsel vm6, $0x30, v0;
	v0 =	vimm.s32 $0x7  }
0x637: {  	vm12 =	veq.f32 v57, v39;
	v4 =	vsel vm15, $0x6, v0  }
0x638: {  	vm13 =	veq.f32 v56, v39;
	v4 =	vsel vm12, $0x5, v4  }
0x639: {  	vm14 =	veq.f32 v55, v39;
	v4 =	vsel vm13, $0x4, v4  }
0x63a: {  	v3 =	vsel vm5, $0x28, v3;
	vm15 =	veq.f32 v60, v39;
	v4 =	vsel vm14, $0x3, v4  }
0x63b: {  	v3 =	vsel vm4, $0x20, v3;
	vm4 =	veq.f32 v26, v39;
	v4 =	vsel vm15, $0x2, v4  }
0x63c: {  	vm5 =	vne.f32 v61, v39;
	v4 =	vsel vm4, $0x1, v4  }
0x63d: {  	v18 =	vnsel vm5, $0x0, v4;
	v4 =	vld [tilespmem:$0x1FF10];
	_ =	sdelay $0x2  }
0x63e: {  	v3 =	vsel vm3, $0x18, v3  }
0x63f: {  	v3 =	vsel vm1, $0x10, v3  }
0x640: {  	[tilespmem:$0x1FB50] =	vst v56;
	v56 =	vmax.f32 v1, v2;
	v3 =	vsel vm0, $0x8, v3  }
0x641: {  	v0 =	vimm.s32 $0x7;
	vm9 =	veq.f32 v23, v56;
	v44 =	vsel vm2, $0x0, v3  }
0x642: {  	[tilespmem:$0x1FB40] =	vst v55;
	v2 =	vsel vm9, $0x6, v0;
	v0 =	vadd.s32 $0x2, v44  }
0x643: {  	[tilespmem:$0x1FB90] =	vst v0;
	v55 =	vadd.s32 v14, v0;
	v0 =	vld.idx.msk [tilespmem:v4+s9+$0x0], $0xffff  }
0x644: {  	v1 =	vor.u32 v14, v4  }
0x645: {  	v3 =	vadd.s32 v14, v44;
	_ =	sdelay $0x2  }
0x646: {  	[tilespmem:$0x1FC20] =	vst v0;
	v0 =	vimm.f32 $-Inf  }
0x647: {  	v4 =	vld [tilespmem:$0x1FAB0];
	[tilespmem:v1+s3+$0x0] =	vst.idx.msk $0xffff, v0  }
0x648: {  	[tilespmem:$0x1FB70] =	vst v58;
	v58 =	vld.idx.msk [tilespmem:v3+s3+$0x0], $0xffff  }
0x649: {  	v3 =	vld [tilespmem:$0x1FAA0]  }
0x64a: {  	v51 =	vadd.s32 $0x1, v44  }
0x64b: {  	vm10 =	veq.f32 v29, v56;
	v5 =	vadd.s32 v14, v51  }
0x64c: {  	vm8 =	veq.f32 v33, v56;
	v2 =	vsel vm10, $0x5, v2  }
0x64d: {  	vm7 =	veq.f32 v22, v56;
	v2 =	vsel vm8, $0x4, v2  }
0x64e: {  	vm11 =	veq.f32 v31, v56;
	v2 =	vsel vm7, $0x3, v2;
	v3 =	vsub.f32 v3, v4  }
0x64f: {  	vm6 =	veq.f32 v27, v56;
	v2 =	vsel vm11, $0x2, v2;
	v4 =	vld [tilespmem:$0x1FAD0]  }
0x650: {  	vm7 =	vne.f32 v24, v56;
	v2 =	vsel vm6, $0x1, v2;
	[tilespmem:$0x1FE40] =	vst v3;
	v3 =	vld.idx.msk [tilespmem:v5+s3+$0x0], $0xffff  }
0x651: {  	v5 =	vnsel vm7, $0x0, v2;
	v2 =	vld [tilespmem:$0x1FAC0];
	_ =	sdelay $0x4  }
0x652: {  	v2 =	vsub.f32 v2, v4;
	_ =	sdelay $0x1  }
0x653: {  	[tilespmem:$0x1FE60] =	vst v2;
	v2 =	vld.idx.msk [tilespmem:v20+s9+$0x0], $0xffff  }
0x654: {  	[tilespmem:$0x1FB60] =	vst v57;
	v57 =	vor.u32 v28, v20;
	_ =	sdelay $0x3  }
0x655: {  	v10 =	vshll.u32 v18, $0x3;
	v4 =	vld [tilespmem:$0x1FAF0];
	[tilespmem:$0x1FCB0] =	vst v2;
	v2 =	vimm.f32 $-Inf  }
0x656: {  	v0 =	vadd.s32 v28, v10;
	[tilespmem:v57+s3+$0x0] =	vst.idx.msk $0xffff, v2;
	v2 =	vld [tilespmem:$0x1FAE0];
	_ =	sdelay $0x1  }
0x657: {  	v59 =	vadd.s32 $0x3, v44  }
0x658: {  	v1 =	vadd.s32 v14, v59;
	_ =	sdelay $0x1  }
0x659: {  	[tilespmem:$0x1FB80] =	vst v19;
	v19 =	vor.u32 $0x1, v10;
	v36 =	vld.idx.msk [tilespmem:v0+s3+$0x0], $0xffff;
	v2 =	vsub.f32 v2, v4  }
0x65a: {  	v30 =	vadd.s32 v28, v19;
	v0 =	vld [tilespmem:$0x1FB00]  }
0x65b: {  	[tilespmem:$0x1FE80] =	vst v2;
	v2 =	vld [tilespmem:$0x1FB10]  }
0x65c: {  	v1 =	vld.idx.msk [tilespmem:v1+s3+$0x0], $0xffff;
	_ =	sdelay $0x2  }
0x65d: {  	v34 =	vld.idx.msk [tilespmem:v30+s3+$0x0], $0xffff  }
0x65e: {  	v52 =	vor.u32 $0x2, v10;
	v0 =	vsub.f32 v0, v2  }
0x65f: {  	vm1 =	veq.f32 v1, v54;
	v1 =	vadd.s32 v28, v52  }
0x660: {  	v40 =	vshll.u32 v5, $0x3;
	[tilespmem:$0x1FEA0] =	vst v0;
	v0 =	vld.idx.msk [tilespmem:v8+s9+$0x0], $0xffff  }
0x661: {  	v9 =	vor.u32 v47, v8;
	v41 =	vor.u32 $0x1, v40;
	v11 =	vadd.s32 v47, v40  }
0x662: {  	v42 =	vor.u32 $0x2, v40;
	vm12 =	veq.f32 v36, v39;
	vm13 =	veq.f32 v34, v39  }
0x663: {  	[tilespmem:$0x1FFA0] =	vst v20;
	v7 =	vld.idx.msk [tilespmem:v55+s3+$0x0], $0xffff;
	v12 =	vadd.s32 v47, v41;
	v20 =	vnsel vm12, $0x4000, v10;
	v21 =	vnsel vm13, $0x4000, v19  }
0x664: {  	v45 =	vor.u32 $0x3, v40;
	v13 =	vadd.s32 v47, v42;
	v35 =	vmin.u32 v20, v21;
	v21 =	vld.idx.msk [tilespmem:v1+s3+$0x0], $0xffff  }
0x665: {  	v49 =	vor.u32 $0x4, v40;
	v15 =	vadd.s32 v47, v45;
	v2 =	vld [tilespmem:$0x1FB30];
	[tilespmem:$0x1FE10] =	vst v0;
	v0 =	vimm.f32 $-Inf  }
0x666: {  	v16 =	vadd.s32 v47, v49;
	v30 =	vor.u32 $0x5, v40;
	[tilespmem:v9+s3+$0x0] =	vst.idx.msk $0xffff, v0;
	v0 =	vld [tilespmem:$0x1FB20]  }
0x667: {  	vm3 =	veq.f32 v58, v54;
	v58 =	vor.u32 $0x3, v10;
	v17 =	vadd.s32 v47, v30;
	v25 =	vld.idx.msk [tilespmem:v11+s3+$0x0], $0xffff  }
0x668: {  	v37 =	vadd.s32 v28, v58;
	v57 =	vor.u32 $0x7, v40;
	v43 =	vld.idx.msk [tilespmem:v12+s3+$0x0], $0xffff  }
0x669: {  	v46 =	vadd.s32 v47, v57;
	v53 =	vld.idx.msk [tilespmem:v13+s3+$0x0], $0xffff  }
0x66a: {  	vm4 =	vmand vm5, vm4;
	v50 =	vld.idx.msk [tilespmem:v15+s3+$0x0], $0xffff;
	v15 =	vor.u32 $0x6, v10  }
0x66b: {  	vm0 =	veq.f32 v7, v54;
	v55 =	vor.u32 $0x6, v40;
	v32 =	vld.idx.msk [tilespmem:v16+s3+$0x0], $0xffff;
	v12 =	vadd.s32 v28, v15  }
0x66c: {  	v11 =	vld.idx.msk [tilespmem:v17+s3+$0x0], $0xffff;
	v17 =	vor.u32 $0x5, v10;
	v0 =	vsub.f32 v0, v2;
	v2 =	vadd.s32 v47, v55  }
0x66d: {  	vm2 =	veq.f32 v3, v54;
	v20 =	vld.idx.msk [tilespmem:v37+s3+$0x0], $0xffff;
	v13 =	vor.u32 $0x7, v10;
	v7 =	vadd.s32 v28, v17  }
0x66e: {  	[tilespmem:$0x1FFE0] =	vst v8;
	vm14 =	veq.f32 v21, v39;
	v16 =	vor.u32 $0x4, v10;
	v8 =	vld.idx.msk [tilespmem:v46+s3+$0x0], $0xffff;
	v6 =	vadd.s32 v28, v13  }
0x66f: {  	vm8 =	veq.f32 v25, v56;
	vm9 =	veq.f32 v43, v56;
	[tilespmem:$0x1FEE0] =	vst v0;
	v0 =	vadd.s32 v28, v16  }
0x670: {  	vm10 =	veq.f32 v53, v56;
	vm11 =	veq.f32 v50, v56;
	vm12 =	veq.f32 v32, v56;
	v12 =	vld.idx.msk [tilespmem:v12+s3+$0x0], $0xffff  }
0x671: {  	vm13 =	veq.f32 v11, v56;
	v4 =	vnsel vm8, $0x4000, v40;
	v37 =	vnsel vm9, $0x4000, v41;
	v9 =	vld.idx.msk [tilespmem:v2+s3+$0x0], $0xffff  }
0x672: {  	v3 =	vnsel vm10, $0x4000, v42;
	v7 =	vld.idx.msk [tilespmem:v7+s3+$0x0], $0xffff;
	v1 =	vnsel vm12, $0x4000, v49;
	v2 =	vnsel vm11, $0x4000, v45  }
0x673: {  	vm12 =	veq.f32 v8, v56;
	v4 =	vmin.u32 v4, v37;
	v2 =	vmin.u32 v3, v2;
	v3 =	vld.idx.msk [tilespmem:v6+s3+$0x0], $0xffff  }
0x674: {  	v38 =	vnsel vm12, $0x4000, v57;
	v6 =	vnsel vm14, $0x4000, v52;
	v46 =	vld.idx.msk [tilespmem:v0+s3+$0x0], $0xffff;
	v0 =	vnsel vm13, $0x4000, v30  }
0x675: {  	vm13 =	veq.f32 v20, v39;
	v2 =	vmin.u32 v4, v2;
	vm12 =	veq.f32 v12, v39  }
0x676: {  	v0 =	vmin.u32 v1, v0;
	v37 =	vnsel vm13, $0x4000, v58;
	vm15 =	veq.f32 v9, v56  }
0x677: {  	v4 =	vnsel vm12, $0x4000, v15;
	v6 =	vmin.u32 v6, v37;
	v1 =	vnsel vm15, $0x4000, v55  }
0x678: {  	vm15 =	veq.f32 v7, v39;
	vm13 =	veq.f32 v3, v39;
	v1 =	vmin.u32 v1, v38  }
0x679: {  	vm14 =	veq.f32 v46, v39;
	v37 =	vnsel vm13, $0x4000, v13;
	v0 =	vmin.u32 v0, v1  }
0x67a: {  	v1 =	vnsel vm14, $0x4000, v16;
	v0 =	vmin.u32 v2, v0;
	v2 =	vnsel vm15, $0x4000, v17  }
0x67b: {  	v1 =	vmin.u32 v1, v2;
	v2 =	vmin.u32 v4, v37;
	v37 =	vmin.u32 v0, $0x3F  }
0x67c: {  	vm6 =	vmand vm7, vm6;
	v0 =	vmin.u32 v35, v6;
	vm8 =	veq.s32 v40, v37  }
0x67d: {  	vm14 =	veq.s32 v41, v37;
	vm10 =	veq.s32 v42, v37;
	vm11 =	veq.s32 v45, v37  }
0x67e: {  	vm9 =	veq.s32 v49, v37;
	vm12 =	veq.s32 v30, v37;
	vm13 =	veq.s32 v55, v37  }
0x67f: {  	v1 =	vmin.u32 v1, v2;
	v4 =	vsel vm14, $0xFF800000, v43;
	vm14 =	veq.s32 v57, v37  }
0x680: {  	v50 =	vsel vm11, $0xFF800000, v50;
	v11 =	vsel vm12, $0xFF800000, v11;
	v57 =	vmin.u32 v0, v1  }
0x681: {  	vm11 =	veq.s32 v5, $0x5;
	vm12 =	veq.s32 v5, $0x6;
	v49 =	vmax.f32 v25, v4  }
0x682: {  	v8 =	vsel vm14, $0xFF800000, v8;
	v55 =	vmax.f32 v53, v50;
	v30 =	vmax.f32 v32, v11  }
0x683: {  	v38 =	vmin.u32 v57, $0x3F;
	v53 =	vadd.s32 $0x6, v44;
	v57 =	vimm.f32 $-Inf  }
0x684: {  	v4 =	vsel vm8, v4, v49;
	v9 =	vmax.f32 v9, v8;
	v6 =	vsel vm10, v50, v55  }
0x685: {  	v11 =	vsel vm9, v11, v30;
	vm8 =	veq.s32 v5, $0x2;
	vm9 =	veq.s32 v5, $0x3  }
0x686: {  	vm10 =	veq.s32 v5, $0x4;
	vm14 =	veq.s32 v58, v38;
	v8 =	vsel vm13, v8, v9  }
0x687: {  	v45 =	vadd.s32 v14, v53;
	v2 =	vmax.f32 v4, v6;
	v4 =	vmax.f32 v11, v8  }
0x688: {  	vm13 =	veq.s32 v5, $0x7;
	v20 =	vsel vm14, $0xFF800000, v20;
	v8 =	vmax.f32 v2, v4  }
0x689: {  	v21 =	vmax.f32 v21, v20;
	v4 =	vsel vm7, v24, v8;
	v40 =	vsel vm6, v8, v27  }
0x68a: {  	v25 =	vsel vm8, v8, v31;
	v1 =	vsel vm9, v8, v22;
	v2 =	vsel vm10, v8, v33  }
0x68b: {  	v9 =	vsel vm11, v8, v29;
	v0 =	vsel vm12, v8, v23;
	v29 =	vsel vm13, v8, v48  }
0x68c: {  	vm13 =	veq.s32 v10, v38;
	vm10 =	veq.s32 v19, v38;
	vm8 =	veq.s32 v52, v38  }
0x68d: {  	vm6 =	veq.s32 v16, v38;
	vm9 =	veq.s32 v17, v38;
	v5 =	vmax.f32 v4, v40  }
0x68e: {  	v24 =	vmax.f32 v25, v1;
	v27 =	vmax.f32 v2, v9;
	v32 =	vmax.f32 v0, v29  }
0x68f: {  	vm7 =	veq.s32 v15, v38;
	v5 =	vmax.f32 v5, v24;
	v33 =	vmax.f32 v27, v32  }
0x690: {  	v19 =	vadd.s32 $0x4, v44;
	v10 =	vadd.s32 $0x5, v44;
	v32 =	vmax.f32 v5, v33  }
0x691: {  	v22 =	vadd.s32 $0x7, v44;
	v5 =	vimm.s32 $0x7;
	vm15 =	veq.f32 v0, v32  }
0x692: {  	v48 =	vor.u32 v47, v37;
	vm11 =	veq.f32 v9, v32;
	v5 =	vsel vm15, $0x6, v5  }
0x693: {  	v35 =	vsel vm10, $0xFF800000, v34;
	vm12 =	veq.f32 v2, v32;
	v5 =	vsel vm11, $0x5, v5  }
0x694: {  	v42 =	vadd.s32 v14, v19;
	vm11 =	veq.f32 v1, v32;
	v5 =	vsel vm12, $0x4, v5  }
0x695: {  	v43 =	vadd.s32 v14, v10;
	vm15 =	veq.f32 v25, v32;
	v5 =	vsel vm11, $0x3, v5  }
0x696: {  	v20 =	vsel vm8, v20, v21;
	vm10 =	veq.f32 v40, v32;
	v5 =	vsel vm15, $0x2, v5  }
0x697: {  	v7 =	vsel vm9, $0xFF800000, v7;
	vm11 =	vne.f32 v4, v32;
	v5 =	vsel vm10, $0x1, v5  }
0x698: {  	v41 =	vmax.f32 v36, v35;
	v52 =	vmax.f32 v46, v7;
	v11 =	vnsel vm11, $0x0, v5  }
0x699: {  	v8 =	vsel vm13, v35, v41;
	v5 =	vadd.s32 v14, v22;
	v27 =	vshll.u32 v11, $0x3  }
0x69a: {  	v55 =	vld.idx.msk [tilespmem:v37+s9+$0x0], $0xffff;
	v7 =	vsel vm6, v7, v52;
	v31 =	vor.u32 $0x1, v27;
	v49 =	vadd.s32 v47, v27  }
0x69b: {  	v16 =	vld.idx.msk [tilespmem:v45+s3+$0x0], $0xffff;
	vm13 =	veq.s32 v18, $0x5;
	v33 =	vor.u32 $0x2, v27;
	v50 =	vadd.s32 v47, v31  }
0x69c: {  	v8 =	vmax.f32 v8, v20;
	v15 =	vld.idx.msk [tilespmem:v43+s3+$0x0], $0xffff;
	v21 =	vor.u32 $0x3, v27;
	v30 =	vadd.s32 v47, v33  }
0x69d: {  	vm12 =	veq.s32 v13, v38;
	v13 =	vld.idx.msk [tilespmem:v42+s3+$0x0], $0xffff;
	v34 =	vor.u32 $0x4, v27;
	v35 =	vadd.s32 v47, v21  }
0x69e: {  	[tilespmem:v48+s3+$0x0] =	vst.idx.msk $0xffff, v57;
	v3 =	vsel vm12, $0xFF800000, v3;
	v17 =	vor.u32 $0x5, v27;
	v58 =	vadd.s32 v47, v34;
	v5 =	vld.idx.msk [tilespmem:v5+s3+$0x0], $0xffff  }
0x69f: {  	[tilespmem:$0x1FEC0] =	vst v55;
	vm12 =	veq.s32 v18, $0x4;
	v45 =	vor.u32 $0x6, v27;
	v55 =	vadd.s32 v47, v17;
	v43 =	vld.idx.msk [tilespmem:v49+s3+$0x0], $0xffff  }
0x6a0: {  	v12 =	vmax.f32 v12, v3;
	v57 =	vadd.s32 v47, v45;
	v49 =	vor.u32 $0x7, v27;
	v48 =	vld.idx.msk [tilespmem:v50+s3+$0x0], $0xffff  }
0x6a1: {  	v3 =	vsel vm7, v3, v12;
	vm7 =	veq.f32 v16, v54;
	v12 =	vld.idx.msk [tilespmem:v30+s3+$0x0], $0xffff;
	v30 =	vadd.s32 v47, v49  }
0x6a2: {  	vm10 =	vmand vm11, vm10;
	v3 =	vmax.f32 v7, v3;
	vm9 =	veq.f32 v15, v54;
	v7 =	vld.idx.msk [tilespmem:v35+s3+$0x0], $0xffff  }
0x6a3: {  	vm8 =	veq.f32 v13, v54;
	v13 =	vmax.f32 v8, v3;
	v10 =	vnsel vm9, $0x4000, v10;
	v15 =	vld.idx.msk [tilespmem:v58+s3+$0x0], $0xffff  }
0x6a4: {  	[tilespmem:$0x1FFF0] =	vst v37;
	v37 =	vsel vm5, v61, v13;
	vm5 =	veq.s32 v18, $0x3;
	v16 =	vld.idx.msk [tilespmem:v55+s3+$0x0], $0xffff;
	v55 =	vsel vm4, v13, v26  }
0x6a5: {  	v20 =	vld.idx.msk [tilespmem:v57+s3+$0x0], $0xffff;
	vm4 =	veq.s32 v18, $0x2;
	v42 =	vmax.f32 v37, v55;
	vm14 =	veq.f32 v43, v32  }
0x6a6: {  	vm6 =	veq.f32 v5, v54;
	v35 =	vld.idx.msk [tilespmem:v30+s3+$0x0], $0xffff;
	vm15 =	veq.f32 v48, v32;
	v5 =	vnsel vm14, $0x4000, v27  }
0x6a7: {  	vm14 =	veq.f32 v12, v32;
	v8 =	vnsel vm15, $0x4000, v31;
	vm15 =	veq.f32 v7, v32  }
0x6a8: {  	v3 =	vld [tilespmem:$0x1FB80];
	v22 =	vnsel vm6, $0x4000, v22;
	v58 =	vnsel vm14, $0x4000, v33;
	v61 =	vnsel vm15, $0x4000, v21  }
0x6a9: {  	v26 =	vld [tilespmem:$0x1FB70];
	vm14 =	veq.f32 v15, v32;
	v5 =	vmin.u32 v5, v8;
	v58 =	vmin.u32 v58, v61  }
0x6aa: {  	v30 =	vnsel vm14, $0x4000, v34;
	vm14 =	veq.f32 v20, v32;
	v24 =	vmin.u32 v5, v58;
	v5 =	vld [tilespmem:$0x1FB40]  }
0x6ab: {  	vm15 =	veq.f32 v16, v32;
	v52 =	vnsel vm14, $0x4000, v45;
	vm14 =	veq.f32 v35, v32  }
0x6ac: {  	v46 =	vnsel vm15, $0x4000, v17;
	vm15 =	veq.s32 v18, $0x6;
	v57 =	vnsel vm14, $0x4000, v49  }
0x6ad: {  	v61 =	vmin.u32 v30, v46;
	v46 =	vsel vm4, v13, v60;
	v6 =	vmin.u32 v52, v57  }
0x6ae: {  	v8 =	vsel vm15, v13, v26;
	vm14 =	veq.s32 v18, $0x7;
	v41 =	vmin.u32 v61, v6  }
0x6af: {  	v3 =	vsel vm14, v13, v3;
	v30 =	vsel vm5, v13, v5;
	v5 =	vld [tilespmem:$0x1FB50];
	v36 =	vmin.u32 v24, v41  }
0x6b0: {  	v26 =	vmax.f32 v8, v3;
	v57 =	vmax.f32 v46, v30;
	v60 =	vmin.u32 v36, $0x3F  }
0x6b1: {  	v58 =	vmax.f32 v42, v57;
	vm4 =	veq.s32 v27, v60;
	vm5 =	veq.s32 v31, v60  }
0x6b2: {  	vm14 =	veq.s32 v17, v60;
	vm15 =	veq.s32 v45, v60;
	v45 =	vnsel vm3, $0x4000, v44  }
0x6b3: {  	v31 =	vor.u32 v28, v38;
	v44 =	vnsel vm8, $0x4000, v19;
	v16 =	vsel vm14, $0xFF800000, v16  }
0x6b4: {  	v6 =	vsel vm12, v13, v5;
	v5 =	vld [tilespmem:$0x1FB60];
	vm12 =	veq.s32 v33, v60;
	v33 =	vsel vm5, $0xFF800000, v48  }
0x6b5: {  	vm14 =	veq.s32 v11, $0x6;
	vm5 =	veq.s32 v34, v60;
	v34 =	vmax.f32 v43, v33  }
0x6b6: {  	v15 =	vmax.f32 v15, v16;
	v17 =	vsel vm4, v33, v34;
	vm4 =	veq.s32 v49, v60  }
0x6b7: {  	v10 =	vmin.u32 v44, v10;
	v42 =	vsel vm5, v16, v15;
	v41 =	vsel vm4, $0xFF800000, v35  }
0x6b8: {  	vm5 =	veq.s32 v11, $0x3;
	vm4 =	veq.s32 v11, $0x2;
	v20 =	vmax.f32 v20, v41  }
0x6b9: {  	v5 =	vsel vm13, v13, v5;
	vm13 =	veq.s32 v21, v60;
	v43 =	vsel vm15, v41, v20  }
0x6ba: {  	vm15 =	veq.s32 v11, $0x7;
	v24 =	vmax.f32 v6, v5;
	v7 =	vsel vm13, $0xFF800000, v7  }
0x6bb: {  	v13 =	vnsel vm1, $0x4000, v59;
	v36 =	vmax.f32 v24, v26;
	v12 =	vmax.f32 v12, v7  }
0x6bc: {  	vm13 =	veq.s32 v11, $0x5;
	v7 =	vsel vm12, v7, v12;
	v21 =	vmax.f32 v58, v36  }
0x6bd: {  	v12 =	vmax.f32 v42, v43;
	vm12 =	veq.s32 v11, $0x4;
	v7 =	vmax.f32 v17, v7  }
0x6be: {  	v58 =	vmin.u32 v45, v51;
	vm1 =	vne.f32 v37, v21;
	v7 =	vmax.f32 v7, v12  }
0x6bf: {  	v12 =	vsel vm2, v58, v45;
	v45 =	vor.u32 v47, v60;
	v15 =	vsel vm11, v4, v7  }
0x6c0: {  	v27 =	vsel vm10, v7, v40;
	v25 =	vsel vm4, v7, v25;
	v23 =	vsel vm5, v7, v1  }
0x6c1: {  	v26 =	vsel vm12, v7, v2;
	v18 =	vsel vm13, v7, v9;
	v24 =	vsel vm14, v7, v0;
	v0 =	vld [tilespmem:$0x1FB90]  }
0x6c2: {  	v42 =	vsel vm15, v7, v29;
	vm4 =	veq.f32 v8, v21;
	vm5 =	veq.f32 v5, v21  }
0x6c3: {  	vm10 =	veq.f32 v6, v21;
	vm11 =	veq.f32 v30, v21;
	v48 =	vmax.f32 v15, v27  }
0x6c4: {  	v49 =	vmax.f32 v25, v23;
	v50 =	vmax.f32 v26, v18;
	v52 =	vmax.f32 v24, v42  }
0x6c5: {  	vm14 =	veq.f32 v46, v21;
	v9 =	vmax.f32 v48, v49;
	v57 =	vmax.f32 v50, v52  }
0x6c6: {  	v17 =	vmax.f32 v9, v57;
	v61 =	vnsel vm0, $0x4000, v0;
	v0 =	vimm.s32 $0x7  }
0x6c7: {  	vm12 =	veq.f32 v24, v17;
	vm13 =	veq.f32 v18, v17;
	v9 =	vsel vm4, $0x6, v0  }
0x6c8: {  	vm15 =	veq.f32 v26, v17;
	v0 =	vimm.s32 $0x7;
	v7 =	vsel vm5, $0x5, v9  }
0x6c9: {  	vm2 =	veq.f32 v27, v17;
	v36 =	vsel vm12, $0x6, v0;
	v0 =	vld.idx.msk [tilespmem:v38+s9+$0x0], $0xffff;
	v7 =	vsel vm10, $0x4, v7  }
0x6ca: {  	vm0 =	veq.f32 v55, v21;
	v9 =	vsel vm13, $0x5, v36;
	v7 =	vsel vm11, $0x3, v7  }
0x6cb: {  	vm4 =	veq.f32 v23, v17;
	v9 =	vsel vm15, $0x4, v9;
	v7 =	vsel vm14, $0x2, v7  }
0x6cc: {  	vm5 =	veq.f32 v25, v17;
	v40 =	vsel vm4, $0x3, v9;
	v7 =	vsel vm0, $0x1, v7  }
0x6cd: {  	vm3 =	vne.f32 v15, v17;
	v20 =	vsel vm5, $0x2, v40;
	v9 =	vnsel vm1, $0x0, v7  }
0x6ce: {  	v20 =	vsel vm2, $0x1, v20;
	[tilespmem:$0x1FCC0] =	vst v0;
	v0 =	vimm.f32 $-Inf;
	v7 =	vshll.u32 v9, $0x3  }
0x6cf: {  	v48 =	vnsel vm3, $0x0, v20;
	[tilespmem:v31+s3+$0x0] =	vst.idx.msk $0xffff, v0;
	v0 =	vld.idx.msk [tilespmem:v60+s9+$0x0], $0xffff;
	v29 =	vor.u32 $0x1, v7;
	v41 =	vadd.s32 v28, v7  }
0x6d0: {  	v57 =	vnsel vm7, $0x4000, v53;
	v20 =	vshll.u32 v48, $0x3;
	v43 =	vadd.s32 v28, v29  }
0x6d1: {  	[tilespmem:$0x1FBA0] =	vst v55;
	v22 =	vmin.u32 v57, v22;
	v31 =	vor.u32 $0x1, v20;
	v55 =	vadd.s32 v47, v20  }
0x6d2: {  	v16 =	vmin.u32 v61, v13;
	v33 =	vor.u32 $0x2, v20;
	v58 =	vadd.s32 v47, v31  }
0x6d3: {  	[tilespmem:$0x1FBB0] =	vst v30;
	v12 =	vmin.u32 v12, v16;
	v34 =	vor.u32 $0x3, v20;
	v59 =	vadd.s32 v47, v33  }
0x6d4: {  	v16 =	vor.u32 $0x5, v20;
	v61 =	vadd.s32 v47, v34;
	[tilespmem:$0x1FED0] =	vst v0;
	v0 =	vimm.f32 $-Inf;
	v51 =	vld.idx.msk [tilespmem:v41+s3+$0x0], $0xffff  }
0x6d5: {  	v35 =	vor.u32 $0x6, v20;
	v11 =	vadd.s32 v47, v16;
	[tilespmem:v45+s3+$0x0] =	vst.idx.msk $0xffff, v0;
	v30 =	vld.idx.msk [tilespmem:v43+s3+$0x0], $0xffff  }
0x6d6: {  	v10 =	vmin.u32 v10, v22;
	v36 =	vor.u32 $0x7, v20;
	v49 =	vadd.s32 v47, v35;
	v22 =	vld.idx.msk [tilespmem:v55+s3+$0x0], $0xffff  }
0x6d7: {  	vm2 =	vmand vm3, vm2;
	v52 =	vadd.s32 v47, v36;
	v0 =	vmin.u32 v12, v10;
	v12 =	vld.idx.msk [tilespmem:v58+s3+$0x0], $0xffff  }
0x6d8: {  	[tilespmem:$0x1FBC0] =	vst v6;
	v50 =	vor.u32 $0x2, v7;
	v53 =	vor.u32 $0x3, v7;
	v41 =	vor.u32 $0x4, v20;
	v40 =	vld.idx.msk [tilespmem:v59+s3+$0x0], $0xffff  }
0x6d9: {  	[tilespmem:$0x1FBF0] =	vst v5;
	v5 =	vor.u32 $0x6, v7;
	v4 =	vor.u32 $0x7, v7;
	v6 =	vadd.s32 v47, v41;
	v43 =	vld.idx.msk [tilespmem:v61+s3+$0x0], $0xffff  }
0x6da: {  	vm7 =	veq.s32 v48, $0x3;
	v13 =	vadd.s32 v28, v53;
	v1 =	vadd.s32 v28, v5;
	v45 =	vld.idx.msk [tilespmem:v11+s3+$0x0], $0xffff  }
0x6db: {  	v19 =	vadd.s32 v28, v4;
	v55 =	vadd.s32 v28, v50;
	v58 =	vor.u32 $0x4, v7;
	v11 =	vld.idx.msk [tilespmem:v49+s3+$0x0], $0xffff  }
0x6dc: {  	[tilespmem:$0x1FFB0] =	vst v38;
	v61 =	vor.u32 $0x5, v7;
	v52 =	vld.idx.msk [tilespmem:v52+s3+$0x0], $0xffff;
	v38 =	vadd.s32 v28, v58;
	vm8 =	veq.f32 v51, v21  }
0x6dd: {  	[tilespmem:$0x1FC00] =	vst v0;
	v49 =	vadd.s32 v28, v61;
	vm9 =	veq.f32 v30, v21;
	v0 =	vnsel vm8, $0x4000, v7  }
0x6de: {  	[tilespmem:$0x1FBD0] =	vst v8;
	v57 =	vld.idx.msk [tilespmem:v6+s3+$0x0], $0xffff;
	vm10 =	veq.f32 v22, v17;
	v6 =	vnsel vm9, $0x4000, v29;
	vm11 =	veq.f32 v12, v17  }
0x6df: {  	v8 =	vld.idx.msk [tilespmem:v13+s3+$0x0], $0xffff;
	vm12 =	veq.f32 v40, v17;
	vm13 =	veq.f32 v43, v17;
	vm15 =	veq.f32 v45, v17  }
0x6e0: {  	v55 =	vld.idx.msk [tilespmem:v55+s3+$0x0], $0xffff;
	vm9 =	veq.f32 v11, v17;
	v6 =	vmin.u32 v0, v6;
	v0 =	vnsel vm10, $0x4000, v20  }
0x6e1: {  	v13 =	vnsel vm11, $0x4000, v31;
	v44 =	vld.idx.msk [tilespmem:v38+s3+$0x0], $0xffff;
	v38 =	vnsel vm12, $0x4000, v33;
	vm10 =	veq.f32 v52, v17  }
0x6e2: {  	[tilespmem:$0x1FBE0] =	vst v3;
	v49 =	vld.idx.msk [tilespmem:v49+s3+$0x0], $0xffff;
	v2 =	vnsel vm15, $0x4000, v16;
	v3 =	vmin.u32 v0, v13;
	v13 =	vnsel vm13, $0x4000, v34  }
0x6e3: {  	v0 =	vnsel vm10, $0x4000, v36;
	v10 =	vmin.u32 v38, v13;
	v13 =	vld.idx.msk [tilespmem:v1+s3+$0x0], $0xffff;
	v1 =	vnsel vm9, $0x4000, v35  }
0x6e4: {  	vm12 =	veq.f32 v8, v21;
	vm14 =	veq.f32 v57, v17;
	v0 =	vmin.u32 v1, v0  }
0x6e5: {  	v1 =	vmin.u32 v3, v10;
	v3 =	vld.idx.msk [tilespmem:v19+s3+$0x0], $0xffff;
	vm11 =	veq.f32 v55, v21;
	v38 =	vnsel vm14, $0x4000, v41  }
0x6e6: {  	v10 =	vnsel vm12, $0x4000, v53;
	v2 =	vmin.u32 v38, v2;
	vm13 =	veq.f32 v44, v21  }
0x6e7: {  	vm14 =	veq.f32 v49, v21;
	v0 =	vmin.u32 v2, v0;
	v2 =	vnsel vm11, $0x4000, v50  }
0x6e8: {  	v19 =	vnsel vm13, $0x4000, v58;
	v38 =	vnsel vm14, $0x4000, v61;
	v2 =	vmin.u32 v2, v10  }
0x6e9: {  	v19 =	vmin.u32 v19, v38;
	v0 =	vmin.u32 v1, v0;
	vm15 =	veq.f32 v13, v21  }
0x6ea: {  	v38 =	vmin.u32 v0, $0x3F;
	vm9 =	veq.f32 v3, v21;
	v0 =	vnsel vm15, $0x4000, v5  }
0x6eb: {  	vm10 =	veq.s32 v31, v38;
	v1 =	vnsel vm9, $0x4000, v4;
	vm11 =	veq.s32 v20, v38  }
0x6ec: {  	vm4 =	veq.s32 v33, v38;
	vm5 =	veq.s32 v34, v38;
	vm12 =	veq.s32 v41, v38  }
0x6ed: {  	vm13 =	veq.s32 v16, v38;
	vm14 =	veq.s32 v35, v38;
	vm15 =	veq.s32 v36, v38  }
0x6ee: {  	v0 =	vmin.u32 v0, v1;
	v1 =	vmin.u32 v6, v2;
	v2 =	vsel vm10, $0xFF800000, v12  }
0x6ef: {  	v35 =	vsel vm13, $0xFF800000, v45;
	v36 =	vsel vm15, $0xFF800000, v52;
	vm13 =	veq.s32 v48, $0x5  }
0x6f0: {  	vm15 =	veq.s32 v48, $0x7;
	v0 =	vmin.u32 v19, v0;
	v22 =	vmax.f32 v22, v2  }
0x6f1: {  	v41 =	vmax.f32 v57, v35;
	v11 =	vmax.f32 v11, v36;
	v2 =	vsel vm11, v2, v22  }
0x6f2: {  	v0 =	vmin.u32 v1, v0;
	v1 =	vsel vm5, $0xFF800000, v43;
	v6 =	vsel vm12, v35, v41  }
0x6f3: {  	v10 =	vsel vm14, v36, v11;
	vm5 =	veq.s32 v48, $0x2;
	v40 =	vmax.f32 v40, v1  }
0x6f4: {  	vm12 =	veq.s32 v48, $0x4;
	vm14 =	veq.s32 v48, $0x6;
	v1 =	vsel vm4, v1, v40  }
0x6f5: {  	v22 =	vmin.u32 v0, $0x3F;
	v0 =	vmax.f32 v2, v1;
	v1 =	vmax.f32 v6, v10  }
0x6f6: {  	vm4 =	veq.s32 v7, v22;
	vm6 =	veq.s32 v29, v22;
	v1 =	vmax.f32 v0, v1  }
0x6f7: {  	vm8 =	veq.s32 v58, v22;
	vm9 =	veq.s32 v61, v22;
	v59 =	vsel vm3, v15, v1  }
0x6f8: {  	v7 =	vsel vm2, v1, v27;
	v15 =	vsel vm5, v1, v25;
	v12 =	vsel vm7, v1, v23  }
0x6f9: {  	v25 =	vsel vm12, v1, v26;
	v48 =	vsel vm13, v1, v18;
	v0 =	vsel vm14, v1, v24  }
0x6fa: {  	v11 =	vsel vm15, v1, v42;
	vm7 =	veq.s32 v50, v22;
	vm2 =	veq.s32 v53, v22  }
0x6fb: {  	vm5 =	veq.s32 v5, v22;
	vm13 =	veq.s32 v4, v22;
	v1 =	vmax.f32 v59, v7  }
0x6fc: {  	v2 =	vmax.f32 v15, v12;
	v43 =	vmax.f32 v25, v48;
	v45 =	vmax.f32 v0, v11  }
0x6fd: {  	v3 =	vsel vm13, $0xFF800000, v3;
	v1 =	vmax.f32 v1, v2;
	v2 =	vmax.f32 v43, v45  }
0x6fe: {  	v50 =	vor.u32 v47, v38;
	v13 =	vmax.f32 v13, v3;
	v27 =	vmax.f32 v1, v2  }
0x6ff: {  	v1 =	vimm.s32 $0x7;
	v2 =	vsel vm6, $0xFF800000, v30;
	vm12 =	veq.f32 v0, v27  }
0x700: {  	v3 =	vsel vm5, v3, v13;
	vm14 =	veq.f32 v48, v27;
	v1 =	vsel vm12, $0x6, v1  }
0x701: {  	vm15 =	veq.f32 v25, v27;
	v4 =	vmax.f32 v51, v2;
	v1 =	vsel vm14, $0x5, v1  }
0x702: {  	vm6 =	veq.f32 v12, v27;
	vm11 =	veq.f32 v15, v27;
	v1 =	vsel vm15, $0x4, v1  }
0x703: {  	vm3 =	vne.f32 v59, v27;
	v2 =	vsel vm4, v2, v4;
	v1 =	vsel vm6, $0x3, v1  }
0x704: {  	v4 =	vsel vm2, $0xFF800000, v8;
	vm2 =	veq.f32 v7, v27;
	v1 =	vsel vm11, $0x2, v1  }
0x705: {  	vm4 =	veq.s32 v9, $0x2;
	v5 =	vmax.f32 v55, v4;
	v1 =	vsel vm2, $0x1, v1  }
0x706: {  	v42 =	vld [tilespmem:$0x1FBA0];
	v4 =	vsel vm7, v4, v5;
	v5 =	vsel vm9, $0xFF800000, v49;
	v1 =	vnsel vm3, $0x0, v1  }
0x707: {  	v43 =	vld [tilespmem:$0x1FBB0];
	v49 =	vmax.f32 v44, v5;
	v2 =	vmax.f32 v2, v4;
	v10 =	vshll.u32 v1, $0x3  }
0x708: {  	v45 =	vld [tilespmem:$0x1FBD0];
	v4 =	vimm.f32 $-Inf;
	v6 =	vor.u32 $0x1, v10;
	v51 =	vadd.s32 v47, v10  }
0x709: {  	v55 =	vld.idx.msk [tilespmem:v38+s9+$0x0], $0xffff;
	v5 =	vsel vm8, v5, v49;
	v20 =	vor.u32 $0x2, v10;
	v52 =	vadd.s32 v47, v6  }
0x70a: {  	v44 =	vld [tilespmem:$0x1FBC0];
	v3 =	vmax.f32 v5, v3;
	v23 =	vor.u32 $0x3, v10;
	v53 =	vadd.s32 v47, v20  }
0x70b: {  	v49 =	vld [tilespmem:$0x1FBF0];
	v2 =	vmax.f32 v2, v3;
	v26 =	vor.u32 $0x4, v10;
	v57 =	vadd.s32 v47, v23  }
0x70c: {  	[tilespmem:v50+s3+$0x0] =	vst.idx.msk $0xffff, v4;
	v35 =	vsel vm4, v2, v46;
	v46 =	vld [tilespmem:$0x1FBE0];
	v4 =	vor.u32 $0x5, v10;
	v58 =	vadd.s32 v47, v26  }
0x70d: {  	v16 =	vor.u32 $0x6, v10;
	v29 =	vadd.s32 v47, v4;
	v5 =	vld.idx.msk [tilespmem:v51+s3+$0x0], $0xffff  }
0x70e: {  	v30 =	vor.u32 $0x7, v10;
	v61 =	vadd.s32 v47, v16;
	v3 =	vld.idx.msk [tilespmem:v52+s3+$0x0], $0xffff  }
0x70f: {  	v31 =	vadd.s32 v47, v30;
	v24 =	vld.idx.msk [tilespmem:v53+s3+$0x0], $0xffff  }
0x710: {  	vm0 =	vmand vm1, vm0;
	vm13 =	veq.s32 v9, $0x5;
	vm5 =	veq.s32 v9, $0x3;
	v33 =	vld.idx.msk [tilespmem:v57+s3+$0x0], $0xffff  }
0x711: {  	vm12 =	veq.s32 v9, $0x4;
	vm14 =	veq.s32 v9, $0x6;
	vm15 =	veq.s32 v9, $0x7;
	v8 =	vld.idx.msk [tilespmem:v58+s3+$0x0], $0xffff  }
0x712: {  	v9 =	vsel vm1, v37, v2;
	v34 =	vsel vm0, v2, v42;
	v36 =	vsel vm5, v2, v43;
	v29 =	vld.idx.msk [tilespmem:v29+s3+$0x0], $0xffff  }
0x713: {  	v41 =	vsel vm14, v2, v45;
	v40 =	vsel vm12, v2, v44;
	v50 =	vmax.f32 v9, v34;
	v42 =	vld.idx.msk [tilespmem:v61+s3+$0x0], $0xffff  }
0x714: {  	v13 =	vsel vm15, v2, v46;
	v2 =	vsel vm13, v2, v49;
	v51 =	vmax.f32 v35, v36;
	v31 =	vld.idx.msk [tilespmem:v31+s3+$0x0], $0xffff  }
0x715: {  	v13 =	vmax.f32 v41, v13;
	v52 =	vmax.f32 v40, v2;
	v18 =	vmax.f32 v50, v51  }
0x716: {  	v13 =	vmax.f32 v52, v13;
	vm7 =	veq.f32 v5, v27;
	vm8 =	veq.f32 v3, v27  }
0x717: {  	v53 =	vnsel vm7, $0x4000, v10;
	vm9 =	veq.f32 v24, v27;
	vm10 =	veq.f32 v33, v27  }
0x718: {  	vm11 =	veq.f32 v8, v27;
	vm12 =	veq.f32 v29, v27;
	vm13 =	veq.f32 v42, v27  }
0x719: {  	[tilespmem:$0x1FF00] =	vst v55;
	vm14 =	veq.f32 v31, v27;
	v55 =	vnsel vm8, $0x4000, v6;
	v44 =	vnsel vm9, $0x4000, v20  }
0x71a: {  	v57 =	vnsel vm10, $0x4000, v23;
	v58 =	vnsel vm11, $0x4000, v26;
	v61 =	vnsel vm12, $0x4000, v4  }
0x71b: {  	v19 =	vnsel vm13, $0x4000, v16;
	v37 =	vnsel vm14, $0x4000, v30;
	v43 =	vmin.u32 v53, v55  }
0x71c: {  	v44 =	vmin.u32 v44, v57;
	v57 =	vmin.u32 v58, v61;
	v58 =	vmin.u32 v19, v37  }
0x71d: {  	v13 =	vmax.f32 v18, v13;
	v61 =	vmin.u32 v43, v44;
	v19 =	vmin.u32 v57, v58  }
0x71e: {  	vm1 =	veq.f32 v35, v13;
	v35 =	vmin.u32 v61, v19  }
0x71f: {  	v18 =	vmin.u32 v35, $0x3F  }
0x720: {  	vm5 =	veq.f32 v40, v13;
	vm6 =	veq.f32 v2, v13;
	vm7 =	veq.s32 v10, v18  }
0x721: {  	vm15 =	veq.s32 v6, v18;
	vm9 =	veq.s32 v20, v18;
	vm10 =	veq.s32 v23, v18  }
0x722: {  	vm8 =	veq.s32 v26, v18;
	vm11 =	veq.s32 v4, v18;
	vm12 =	veq.s32 v16, v18  }
0x723: {  	vm13 =	veq.s32 v30, v18;
	v2 =	vsel vm15, $0xFF800000, v3;
	v4 =	vsel vm11, $0xFF800000, v29  }
0x724: {  	vm11 =	veq.s32 v1, $0x5;
	v3 =	vmax.f32 v5, v2;
	v5 =	vsel vm13, $0xFF800000, v31  }
0x725: {  	v8 =	vmax.f32 v8, v4;
	vm13 =	veq.s32 v1, $0x7;
	v2 =	vsel vm7, v2, v3  }
0x726: {  	v3 =	vsel vm10, $0xFF800000, v33;
	v40 =	vmax.f32 v42, v5;
	v4 =	vsel vm8, v4, v8  }
0x727: {  	vm8 =	veq.s32 v1, $0x2;
	vm10 =	veq.s32 v1, $0x4;
	v37 =	vmax.f32 v24, v3  }
0x728: {  	v5 =	vsel vm12, v5, v40;
	vm12 =	veq.s32 v1, $0x6;
	v3 =	vsel vm9, v3, v37  }
0x729: {  	vm9 =	veq.s32 v1, $0x3;
	v1 =	vld [tilespmem:$0x1FE20];
	v2 =	vmax.f32 v2, v3;
	v3 =	vmax.f32 v4, v5  }
0x72a: {  	v4 =	vmax.f32 v2, v3;
	v2 =	vld [tilespmem:$0x1FE40];
	_ =	sdelay $0x4  }
0x72b: {  	v45 =	vadd.f32 v2, v1;
	v1 =	vld [tilespmem:$0x1FC00]  }
0x72c: {  	vm2 =	vmand vm3, vm2;
	vm7 =	veq.f32 v41, v13  }
0x72d: {  	v24 =	vsel vm3, v59, v4;
	v19 =	vsel vm2, v4, v7;
	v59 =	vsel vm8, v4, v15  }
0x72e: {  	v16 =	vsel vm9, v4, v12;
	v37 =	vsel vm10, v4, v25;
	v23 =	vsel vm11, v4, v48  }
0x72f: {  	v25 =	vsel vm12, v4, v0;
	v0 =	vimm.s32 $0x38;
	v46 =	vsel vm13, v4, v11  }
0x730: {  	v0 =	vsel vm7, $0x30, v0;
	v5 =	vmax.f32 v24, v19;
	v51 =	vmin.u32 v1, $0x3F;
	v1 =	vld [tilespmem:$0x1FE60]  }
0x731: {  	v42 =	vmax.f32 v59, v16;
	v43 =	vmax.f32 v37, v23;
	v44 =	vmax.f32 v25, v46  }
0x732: {  	v5 =	vmax.f32 v5, v42;
	v0 =	vsel vm6, $0x28, v0;
	v6 =	vmax.f32 v43, v44  }
0x733: {  	vm4 =	veq.f32 v36, v13;
	v0 =	vsel vm5, $0x20, v0;
	v48 =	vmax.f32 v5, v6  }
0x734: {  	vm9 =	veq.f32 v34, v13;
	v0 =	vsel vm4, $0x18, v0;
	vm11 =	veq.f32 v25, v48  }
0x735: {  	v0 =	vsel vm1, $0x10, v0;
	v5 =	vadd.f32 v1, v45;
	v1 =	vimm.s32 $0x7  }
0x736: {  	vm0 =	veq.f32 v9, v13;
	v0 =	vsel vm9, $0x8, v0;
	v49 =	vsel vm11, $0x6, v1;
	v1 =	vld.idx.msk [tilespmem:v22+s9+$0x0], $0xffff  }
0x737: {  	v6 =	vsel vm0, $0x0, v0;
	v0 =	vor.u32 v28, v22;
	_ =	sdelay $0x3  }
0x738: {  	[tilespmem:$0x1FCD0] =	vst v1;
	v1 =	vimm.f32 $-Inf  }
0x739: {  	[tilespmem:v0+s3+$0x0] =	vst.idx.msk $0xffff, v1;
	v0 =	vld [tilespmem:$0x1FE80];
	_ =	sdelay $0x1  }
0x73a: {  	v1 =	vld [tilespmem:$0x1FEA0];
	_ =	sdelay $0x2  }
0x73b: {  	v0 =	vadd.f32 v0, v5  }
0x73c: {  	v2 =	vld [tilespmem:$0x1FC20]  }
0x73d: {  	v0 =	vadd.f32 v1, v0;
	v1 =	vld [tilespmem:$0x1FC10];
	_ =	sdelay $0x1  }
0x73e: {  	vm10 =	veq.f32 v59, v48  }
0x73f: {  	vm12 =	veq.f32 v23, v48;
	vm13 =	veq.f32 v37, v48;
	vm14 =	veq.f32 v16, v48  }
0x740: {  	vm1 =	vne.f32 v24, v48;
	v50 =	vadd.s32 v28, v6;
	v11 =	vadd.s32 $0x1, v6  }
0x741: {  	v15 =	vadd.s32 $0x3, v6;
	v52 =	vadd.s32 v28, v11;
	v2 =	vsub.f32 v1, v2;
	v1 =	vld [tilespmem:$0x1FEE0]  }
0x742: {  	vm0 =	veq.f32 v19, v48;
	v7 =	vsel vm12, $0x5, v49;
	v5 =	vadd.s32 v28, v15  }
0x743: {  	v12 =	vadd.s32 $0x2, v6;
	v29 =	vadd.s32 $0x5, v6;
	v30 =	vld.idx.msk [tilespmem:v51+s9+$0x0], $0xffff;
	v7 =	vsel vm13, $0x4, v7  }
0x744: {  	v4 =	vld [tilespmem:$0x1FC30];
	v20 =	vadd.s32 $0x4, v6;
	v31 =	vadd.s32 v28, v29;
	v7 =	vsel vm14, $0x3, v7  }
0x745: {  	v35 =	vadd.s32 $0x6, v6;
	v53 =	vadd.s32 v28, v12;
	v7 =	vsel vm10, $0x2, v7;
	v26 =	vld.idx.msk [tilespmem:v50+s3+$0x0], $0xffff  }
0x746: {  	v55 =	vadd.s32 v28, v20;
	v7 =	vsel vm0, $0x1, v7;
	v33 =	vld.idx.msk [tilespmem:v52+s3+$0x0], $0xffff;
	v61 =	vadd.f32 v1, v0  }
0x747: {  	v40 =	vadd.s32 $0x7, v6;
	v57 =	vadd.s32 v28, v35;
	v34 =	vnsel vm1, $0x0, v7;
	v41 =	vld.idx.msk [tilespmem:v5+s3+$0x0], $0xffff  }
0x748: {  	v42 =	vshll.u32 v34, $0x3;
	v1 =	vsub.f32 v54, v30;
	v0 =	vld.idx.msk [tilespmem:v18+s9+$0x0], $0xffff;
	v10 =	vadd.f32 v2, v61  }
0x749: {  	v58 =	vor.u32 v47, v18;
	v5 =	vadd.s32 v28, v40;
	v30 =	vld.idx.msk [tilespmem:v31+s3+$0x0], $0xffff;
	v31 =	vor.u32 $0x2, v42  }
0x74a: {  	v36 =	vld.idx.msk [tilespmem:v53+s3+$0x0], $0xffff;
	v53 =	vadd.s32 v47, v31;
	v49 =	vadd.f32 v1, v10  }
0x74b: {  	v43 =	vld.idx.msk [tilespmem:v55+s3+$0x0], $0xffff  }
0x74c: {  	v9 =	vadd.f32 $9.999999680e-21, v49;
	v49 =	vld [tilespmem:$0x1FC40]  }
0x74d: {  	v44 =	vor.u32 $0x1, v42;
	v45 =	vadd.s32 v47, v42;
	v54 =	vld.idx.msk [tilespmem:v57+s3+$0x0], $0xffff;
	[tilespmem:$0x1FF30] =	vst v0;
	v0 =	vimm.f32 $-Inf  }
0x74e: {  	v55 =	vor.u32 $0x4, v42;
	v50 =	vadd.s32 v47, v44;
	v57 =	vld.idx.msk [tilespmem:v5+s3+$0x0], $0xffff;
	[tilespmem:v58+s3+$0x0] =	vst.idx.msk $0xffff, v0  }
0x74f: {  	v61 =	vadd.s32 v47, v55;
	v8 =	vld.idx.msk [tilespmem:v53+s3+$0x0], $0xffff  }
0x750: {  	v52 =	vor.u32 $0x3, v42;
	v53 =	vld [tilespmem:$0x1FC60]  }
0x751: {  	v7 =	vadd.s32 v47, v52;
	v10 =	vsub.f32 v4, v49;
	v4 =	vld [tilespmem:$0x1FC50]  }
0x752: {  	[tilespmem:$0x1FF20] =	vst v2;
	v2 =	vor.u32 $0x7, v42;
	v45 =	vld.idx.msk [tilespmem:v45+s3+$0x0], $0xffff  }
0x753: {  	v3 =	vor.u32 $0x6, v42;
	[tilespmem:$0x1FF50] =	vst v1;
	v1 =	vadd.s32 v47, v2;
	v50 =	vld.idx.msk [tilespmem:v50+s3+$0x0], $0xffff  }
0x754: {  	vm15 =	veq.f32 v26, v13;
	v58 =	vor.u32 $0x5, v42;
	v0 =	vadd.s32 v47, v3;
	v26 =	vld.idx.msk [tilespmem:v61+s3+$0x0], $0xffff  }
0x755: {  	v5 =	vadd.s32 v47, v58;
	v49 =	vld [tilespmem:$0x1FC80]  }
0x756: {  	(erf) = vrcp.f32 v9;
	v9 =	vsub.f32 v4, v53;
	v4 =	vld.idx.msk [tilespmem:v7+s3+$0x0], $0xffff  }
0x757: {  	vm7 =	veq.f32 v33, v13;
	v7 =	vld [tilespmem:$0x1FC70]  }
0x758: {  	vm12 =	veq.f32 v36, v13;
	v6 =	vnsel vm15, $0x4000, v6;
	vm13 =	veq.f32 v41, v13;
	v1 =	vld.idx.msk [tilespmem:v1+s3+$0x0], $0xffff  }
0x759: {  	v12 =	vnsel vm12, $0x4000, v12;
	v11 =	vmin.u32 v6, v11;
	v15 =	vnsel vm13, $0x4000, v15;
	v0 =	vld.idx.msk [tilespmem:v0+s3+$0x0], $0xffff  }
0x75a: {  	v6 =	vsel vm7, v11, v6;
	v11 =	vmin.u32 v12, v15;
	vm3 =	veq.f32 v30, v13;
	v5 =	vld.idx.msk [tilespmem:v5+s3+$0x0], $0xffff  }
0x75b: {  	vm4 =	veq.f32 v54, v13;
	vm5 =	veq.f32 v57, v13;
	vm14 =	veq.f32 v45, v48;
	v53 =	vld [tilespmem:$0x1FC90]  }
0x75c: {  	vm15 =	veq.f32 v50, v48;
	vm6 =	veq.f32 v8, v48;
	v49 =	vsub.f32 v7, v49;
	v7 =	vld [tilespmem:$0x1FCA0]  }
0x75d: {  	vm12 =	veq.f32 v26, v48;
	v30 =	vnsel vm14, $0x4000, v42;
	v54 =	vnsel vm15, $0x4000, v44  }
0x75e: {  	v15 =	vnsel vm6, $0x4000, v31;
	v57 =	vnsel vm12, $0x4000, v55;
	vm15 =	veq.f32 v1, v48  }
0x75f: {  	v12 =	vmin.u32 v30, v54;
	v54 =	vnsel vm15, $0x4000, v2;
	vm13 =	veq.f32 v5, v48  }
0x760: {  	vm14 =	veq.f32 v0, v48;
	v61 =	vnsel vm13, $0x4000, v58;
	vm7 =	veq.f32 v4, v48  }
0x761: {  	v30 =	vnsel vm7, $0x4000, v52;
	v53 =	vsub.f32 v53, v7;
	v7 =	vnsel vm14, $0x4000, v3  }
0x762: {  	v15 =	vmin.u32 v15, v30;
	v30 =	vmin.u32 v57, v61;
	v57 =	vmin.u32 v7, v54  }
0x763: {  	v12 =	vmin.u32 v12, v15;
	v61 =	vmin.u32 v30, v57  }
0x764: {  	vm0 =	vmand vm1, vm0;
	v12 =	vmin.u32 v12, v61  }
0x765: {  	vm2 =	veq.f32 v43, v13;
	v11 =	vmin.u32 v6, v11;
	v6 =	vmin.u32 v12, $0x3F  }
0x766: {  	v7 =	vnsel vm5, $0x4000, v40;
	vm11 =	veq.s32 v42, v6;
	vm12 =	veq.s32 v44, v6  }
0x767: {  	vm13 =	veq.s32 v31, v6;
	vm14 =	veq.s32 v52, v6;
	v40 =	vsel vm12, $0xFF800000, v50  }
0x768: {  	vm15 =	veq.s32 v55, v6;
	vm9 =	veq.s32 v58, v6;
	v41 =	vmax.f32 v45, v40  }
0x769: {  	vm10 =	veq.s32 v3, v6;
	vm12 =	veq.s32 v34, $0x2;
	v3 =	vsel vm11, v40, v41  }
0x76a: {  	vm11 =	veq.s32 v2, v6;
	v2 =	vsel vm14, $0xFF800000, v4;
	v4 =	vsel vm9, $0xFF800000, v5  }
0x76b: {  	vm14 =	veq.s32 v34, $0x4;
	vm9 =	veq.s32 v34, $0x6;
	v1 =	vsel vm11, $0xFF800000, v1  }
0x76c: {  	v5 =	vmax.f32 v8, v2;
	v42 =	vmax.f32 v26, v4;
	v0 =	vmax.f32 v0, v1  }
0x76d: {  	v2 =	vsel vm13, v2, v5;
	v4 =	vsel vm15, v4, v42;
	v0 =	vsel vm10, v1, v0  }
0x76e: {  	vm13 =	veq.s32 v34, $0x3;
	v1 =	vmax.f32 v3, v2;
	v0 =	vmax.f32 v4, v0  }
0x76f: {  	vm15 =	veq.s32 v34, $0x5;
	vm10 =	veq.s32 v34, $0x7;
	v0 =	vmax.f32 v1, v0  }
0x770: {  	v3 =	vsel vm1, v24, v0;
	v5 =	vsel vm0, v0, v19;
	v43 =	vsel vm12, v0, v59  }
0x771: {  	v44 =	vsel vm13, v0, v16;
	v45 =	vsel vm9, v0, v25;
	v1 =	vsel vm10, v0, v46  }
0x772: {  	v50 =	vsel vm14, v0, v37;
	v0 =	vsel vm15, v0, v23;
	v4 =	vmax.f32 v45, v1  }
0x773: {  	v54 =	vmax.f32 v3, v5;
	v55 =	vmax.f32 v43, v44;
	v57 =	vmax.f32 v50, v0  }
0x774: {  	v61 =	vld [tilespmem:$0x1FCF0];
	v23 =	vmax.f32 v54, v55;
	v4 =	vmax.f32 v57, v4  }
0x775: {  	v24 =	vld [tilespmem:$0x1FD10];
	v4 =	vmax.f32 v23, v4  }
0x776: {  	vm11 =	veq.f32 v3, v4;
	v3 =	vld [tilespmem:$0x1FD00];
	_ =	sdelay $0x2  }
0x777: {  	v31 =	vld [tilespmem:$0x1FCE0];
	_ =	sdelay $0x1  }
0x778: {  	v3 =	vmul.f32 v61, v3;
	_ =	sdelay $0x1  }
0x779: {  	[tilespmem:v24+s11+$0x0] =	vst.idx.msk $0xffff, v3;
	v3 =	vld [tilespmem:$0x1FD20]  }
0x77a: {  	v26 =	vld [tilespmem:$0x1FD30];
	v59 =	vor.u32 $0x2, v31;
	_ =	sdelay $0x1  }
0x77b: {  	v2 =	vld [tilespmem:$0x1FCB0];
	_ =	sdelay $0x1  }
0x77c: {  	v3 =	vmul.f32 v61, v3  }
0x77d: {  	v20 =	vnsel vm2, $0x4000, v20;
	v29 =	vnsel vm3, $0x4000, v29;
	v30 =	vnsel vm4, $0x4000, v35;
	[tilespmem:v59+s10+$0x0] =	vst.idx.msk $0xffff, v26  }
0x77e: {  	v20 =	vmin.u32 v20, v29;
	v29 =	vmin.u32 v30, v7;
	[tilespmem:v59+s11+$0x0] =	vst.idx.msk $0xffff, v3;
	v3 =	vld [tilespmem:$0x1FD40]  }
0x77f: {  	v35 =	vld [tilespmem:$0x1FD50];
	v36 =	vmin.u32 v20, v29;
	v12 =	vsub.f32 v62, v2;
	v62 =	vor.u32 $0x3, v31  }
0x780: {  	v11 =	vmin.u32 v11, v36  }
0x781: {  	v15 =	vmin.u32 v11, $0x3F;
	_ =	sdelay $0x1  }
0x782: {  	v52 =	vimm.s32 $0x38;
	v36 =	vld [tilespmem:$0x1FD70];
	vm13 =	veq.f32 v45, v4;
	v3 =	vmul.f32 v61, v3  }
0x783: {  	v37 =	vld [tilespmem:$0x1FD80];
	vm15 =	veq.f32 v0, v4;
	v0 =	vsel vm13, $0x30, v52;
	[tilespmem:v62+s10+$0x0] =	vst.idx.msk $0xffff, v35  }
0x784: {  	vm14 =	veq.f32 v50, v4;
	v0 =	vsel vm15, $0x28, v0;
	[tilespmem:v62+s11+$0x0] =	vst.idx.msk $0xffff, v3;
	v3 =	vld [tilespmem:$0x1FD60]  }
0x785: {  	v25 =	vor.u32 $0x4, v31;
	v2 =	vld.idx.msk [tilespmem:v15+s9+$0x0], $0xffff;
	vm6 =	veq.f32 v44, v4;
	v0 =	vsel vm14, $0x20, v0  }
0x786: {  	vm12 =	veq.f32 v43, v4;
	v0 =	vsel vm6, $0x18, v0  }
0x787: {  	v33 =	vadd.f32 v9, v10;
	v58 =	vld [tilespmem:$0x1FCD0];
	vm7 =	veq.f32 v5, v4;
	v0 =	vsel vm12, $0x10, v0  }
0x788: {  	v40 =	vor.u32 v47, v6;
	v8 =	vmul.f32 v61, v36;
	v42 =	vld [tilespmem:$0x1FDA0];
	v0 =	vsel vm7, $0x8, v0  }
0x789: {  	v34 =	vor.u32 $0x5, v31;
	v1 =	vld [tilespmem:$0x1FCC0];
	v0 =	vsel vm11, $0x0, v0;
	v3 =	vmul.f32 v61, v3  }
0x78a: {  	v36 =	vld [tilespmem:$0x1FE80];
	v2 =	vsub.f32 v13, v2;
	v13 =	vadd.s32 $0x1, v0;
	v41 =	vadd.s32 v47, v0;
	[tilespmem:v25+s10+$0x0] =	vst.idx.msk $0xffff, v37  }
0x78b: {  	v19 =	vadd.s32 $0x3, v0;
	v43 =	vadd.s32 v47, v13;
	[tilespmem:v25+s11+$0x0] =	vst.idx.msk $0xffff, v3;
	v3 =	vld [tilespmem:$0x1FD90]  }
0x78c: {  	v55 =	vld [tilespmem:$0x1FDB0];
	v5 =	vadd.f32 v49, v33;
	v44 =	vor.u32 $0x6, v31;
	v29 =	vadd.s32 v47, v19  }
0x78d: {  	v30 =	vimm.f32 $-Inf;
	v16 =	vsub.f32 v21, v58;
	v46 =	vor.u32 $0x7, v31;
	v25 =	vld.idx.msk [tilespmem:v6+s9+$0x0], $0xffff  }
0x78e: {  	v1 =	vsub.f32 v39, v1;
	v5 =	vadd.f32 v53, v5;
	v21 =	vadd.s32 $0x2, v0;
	[tilespmem:v40+s3+$0x0] =	vst.idx.msk $0xffff, v30;
	v40 =	vld [tilespmem:$0x1FDF0]  }
0x78f: {  	v26 =	vadd.s32 $0x4, v0;
	v33 =	vadd.s32 $0x6, v0;
	v45 =	vadd.s32 v47, v21;
	[tilespmem:v34+s10+$0x0] =	vst.idx.msk $0xffff, v42;
	v20 =	vld.idx.msk [tilespmem:v41+s3+$0x0], $0xffff  }
0x790: {  	v31 =	vadd.s32 v47, v26;
	v23 =	vld.idx.msk [tilespmem:v43+s3+$0x0], $0xffff;
	[tilespmem:v34+s11+$0x0] =	vst.idx.msk $0xffff, v8;
	v3 =	vmul.f32 v61, v3  }
0x791: {  	v5 =	vadd.f32 v12, v5;
	v54 =	vadd.s32 v47, v33;
	v58 =	vld.idx.msk [tilespmem:v29+s3+$0x0], $0xffff;
	[tilespmem:v44+s10+$0x0] =	vst.idx.msk $0xffff, v55  }
0x792: {  	[tilespmem:v44+s11+$0x0] =	vst.idx.msk $0xffff, v3;
	v3 =	vld [tilespmem:$0x1FDC0]  }
0x793: {  	v5 =	vadd.f32 v1, v5;
	v30 =	vadd.s32 $0x5, v0;
	v29 =	vld [tilespmem:$0x1FDD0]  }
0x794: {  	v50 =	vadd.s32 v47, v30;
	v24 =	vld.idx.msk [tilespmem:v45+s3+$0x0], $0xffff  }
0x795: {  	v5 =	vadd.f32 v16, v5;
	v31 =	vld.idx.msk [tilespmem:v31+s3+$0x0], $0xffff  }
0x796: {  	v35 =	vadd.s32 $0x7, v0;
	v62 =	vld.idx.msk [tilespmem:v54+s3+$0x0], $0xffff  }
0x797: {  	v5 =	vadd.f32 v2, v5;
	v57 =	vadd.s32 v47, v35;
	v42 =	vld [tilespmem:$0x1FE10];
	v3 =	vmul.f32 v61, v3  }
0x798: {  	[tilespmem:v46+s10+$0x0] =	vst.idx.msk $0xffff, v29;
	v29 =	vld [tilespmem:$0x1FDE0]  }
0x799: {  	v5 =	vadd.f32 $9.999999680e-21, v5;
	[tilespmem:v46+s11+$0x0] =	vst.idx.msk $0xffff, v3;
	v3 =	vld.idx.msk [tilespmem:v50+s3+$0x0], $0xffff  }
0x79a: {  	v59 =	vpop (erf);
	v45 =	vld [tilespmem:$0x1FE20]  }
0x79b: {  	(erf) = vrcp.f32 v5;
	v5 =	vmul.f32 $2.500000000e+00, v59;
	v41 =	vld [tilespmem:$0x1FE00]  }
0x79c: {  	v14 =	vor.u32 v14, v51;
	v43 =	vld.idx.msk [tilespmem:v57+s3+$0x0], $0xffff  }
0x79d: {  	v39 =	vmul.f32 v5, v36;
	v34 =	vsub.f32 v63, v42;
	v29 =	vshll.u32 v29, $0x3;
	v46 =	vld [tilespmem:$0x1FE30]  }
0x79e: {  	vm8 =	veq.f32 v20, v4;
	vm9 =	veq.f32 v23, v4;
	vm13 =	veq.f32 v3, v4;
	v3 =	vld [tilespmem:$0x1FE40]  }
0x79f: {  	v55 =	vld [tilespmem:$0x1FE50];
	v20 =	vmul.f32 v5, v45;
	vm10 =	veq.f32 v24, v4;
	v44 =	vor.u32 $0x1, v29  }
0x7a0: {  	v59 =	vld [tilespmem:$0x1FE60];
	vm11 =	veq.f32 v58, v4;
	vm12 =	veq.f32 v31, v4;
	v61 =	vimm.f32 $-Inf  }
0x7a1: {  	vm14 =	veq.f32 v62, v4;
	vm15 =	veq.f32 v43, v4;
	v62 =	vld [tilespmem:$0x1FE70];
	[tilespmem:v14+s3+$0x0] =	vst.idx.msk $0xffff, v61;
	v50 =	vor.u32 $0x2, v29  }
0x7a2: {  	v0 =	vnsel vm8, $0x4000, v0;
	v58 =	vnsel vm11, $0x4000, v19;
	v33 =	vnsel vm14, $0x4000, v33;
	[tilespmem:v29+s10+$0x0] =	vst.idx.msk $0xffff, v46  }
0x7a3: {  	v45 =	vld [tilespmem:$0x1FEC0];
	v35 =	vnsel vm15, $0x4000, v35;
	v54 =	vmin.u32 v0, v13;
	[tilespmem:v29+s11+$0x0] =	vst.idx.msk $0xffff, v20;
	v3 =	vmul.f32 v5, v3  }
0x7a4: {  	v19 =	vmin.u32 v33, v35;
	v14 =	vsub.f32 v40, v41;
	v40 =	vld [tilespmem:$0x1FE90];
	v57 =	vor.u32 $0x3, v29;
	[tilespmem:v44+s10+$0x0] =	vst.idx.msk $0xffff, v55  }
0x7a5: {  	v42 =	vld [tilespmem:$0x1FEA0];
	v63 =	vnsel vm12, $0x4000, v26;
	v0 =	vsel vm9, v54, v0;
	v61 =	vmul.f32 v5, v59;
	[tilespmem:v44+s11+$0x0] =	vst.idx.msk $0xffff, v3  }
0x7a6: {  	v24 =	vor.u32 $0x4, v29;
	v26 =	vnsel vm13, $0x4000, v30;
	v3 =	vnsel vm10, $0x4000, v21;
	v44 =	vld [tilespmem:$0x1FEB0];
	[tilespmem:v50+s10+$0x0] =	vst.idx.msk $0xffff, v62  }
0x7a7: {  	v54 =	vld [tilespmem:$0x1FEE0];
	v41 =	vor.u32 $0x5, v29;
	v8 =	vmin.u32 v63, v26;
	v3 =	vmin.u32 v3, v58;
	[tilespmem:v50+s11+$0x0] =	vst.idx.msk $0xffff, v61  }
0x7a8: {  	v0 =	vmin.u32 v0, v3;
	v3 =	vmin.u32 v8, v19;
	v19 =	vsub.f32 v56, v45;
	v56 =	vld [tilespmem:$0x1FEF0]  }
0x7a9: {  	v62 =	vld [tilespmem:$0x1FF20];
	[tilespmem:v57+s10+$0x0] =	vst.idx.msk $0xffff, v40  }
0x7aa: {  	v43 =	vmul.f32 v5, v42;
	v61 =	vld [tilespmem:$0x1FF10];
	v0 =	vmin.u32 v0, v3;
	v3 =	vor.u32 $0x6, v29;
	[tilespmem:v57+s11+$0x0] =	vst.idx.msk $0xffff, v39  }
0x7ab: {  	[tilespmem:v24+s10+$0x0] =	vst.idx.msk $0xffff, v44  }
0x7ac: {  	v55 =	vmul.f32 v5, v54;
	v50 =	vld [tilespmem:$0x1FED0];
	[tilespmem:v24+s11+$0x0] =	vst.idx.msk $0xffff, v43  }
0x7ad: {  	[tilespmem:v41+s10+$0x0] =	vst.idx.msk $0xffff, v56  }
0x7ae: {  	v58 =	vld [tilespmem:$0x1FF00];
	v63 =	vmul.f32 v5, v62;
	[tilespmem:v41+s11+$0x0] =	vst.idx.msk $0xffff, v55  }
0x7af: {  	v35 =	vld [tilespmem:$0x1FF30];
	v46 =	vadd.f32 v34, v14;
	v0 =	vmin.u32 v0, $0x3F;
	[tilespmem:v3+s10+$0x0] =	vst.idx.msk $0xffff, v61  }
0x7b0: {  	[tilespmem:v3+s11+$0x0] =	vst.idx.msk $0xffff, v63;
	v3 =	vld [tilespmem:$0x1FF40]  }
0x7b1: {  	v20 =	vadd.f32 v19, v46;
	v11 =	vsub.f32 v32, v50  }
0x7b2: {  	v33 =	vor.u32 v28, v15;
	v39 =	vld [tilespmem:$0x1FF50]  }
0x7b3: {  	v57 =	vor.u32 $0x7, v29;
	v13 =	vsub.f32 v17, v58;
	v59 =	vadd.f32 v11, v20  }
0x7b4: {  	v32 =	vld.idx.msk [tilespmem:v0+s9+$0x0], $0xffff  }
0x7b5: {  	v36 =	vsub.f32 v27, v35;
	v40 =	vpop (erf);
	v44 =	vld [tilespmem:$0x1FF60];
	v17 =	vadd.f32 v13, v59;
	v3 =	vshll.u32 v3, $0x3  }
0x7b6: {  	v37 =	vimm.f32 $-Inf;
	v25 =	vsub.f32 v48, v25;
	v20 =	vmul.f32 $2.500000000e+00, v40  }
0x7b7: {  	v48 =	vld [tilespmem:$0x1FF70];
	[tilespmem:v33+s3+$0x0] =	vst.idx.msk $0xffff, v37;
	v5 =	vmul.f32 v5, v39;
	v17 =	vadd.f32 v36, v17;
	v41 =	vor.u32 $0x1, v3  }
0x7b8: {  	[tilespmem:v57+s10+$0x0] =	vst.idx.msk $0xffff, v51;
	v42 =	vmul.f32 v20, v10  }
0x7b9: {  	v51 =	vld [tilespmem:$0x1FF80];
	[tilespmem:v57+s11+$0x0] =	vst.idx.msk $0xffff, v5;
	v4 =	vsub.f32 v4, v32;
	v5 =	vadd.f32 v25, v17;
	v43 =	vor.u32 $0x2, v3  }
0x7ba: {  	[tilespmem:v3+s10+$0x0] =	vst.idx.msk $0xffff, v44  }
0x7bb: {  	v55 =	vld [tilespmem:$0x1FF90];
	v45 =	vmul.f32 v20, v9;
	v46 =	vor.u32 $0x3, v3;
	v5 =	vadd.f32 v4, v5;
	[tilespmem:v3+s11+$0x0] =	vst.idx.msk $0xffff, v42  }
0x7bc: {  	[tilespmem:v41+s10+$0x0] =	vst.idx.msk $0xffff, v48  }
0x7bd: {  	v49 =	vmul.f32 v20, v49;
	v57 =	vld [tilespmem:$0x1FFA0];
	v50 =	vor.u32 $0x4, v3;
	v5 =	vadd.f32 $9.999999680e-21, v5;
	[tilespmem:v41+s11+$0x0] =	vst.idx.msk $0xffff, v45  }
0x7be: {  	[tilespmem:v43+s10+$0x0] =	vst.idx.msk $0xffff, v51  }
0x7bf: {  	(erf) = vrcp.f32 v5;
	v5 =	vmul.f32 v20, v53;
	[tilespmem:v43+s11+$0x0] =	vst.idx.msk $0xffff, v49  }
0x7c0: {  	[tilespmem:v46+s10+$0x0] =	vst.idx.msk $0xffff, v55  }
0x7c1: {  	[tilespmem:v46+s11+$0x0] =	vst.idx.msk $0xffff, v5;
	v5 =	vmul.f32 v20, v12  }
0x7c2: {  	[tilespmem:v50+s10+$0x0] =	vst.idx.msk $0xffff, v57  }
0x7c3: {  	v54 =	vor.u32 $0x5, v3;
	[tilespmem:v50+s11+$0x0] =	vst.idx.msk $0xffff, v5;
	v5 =	vld [tilespmem:$0x1FFB0];
	_ =	sdelay $0x3  }
0x7c4: {  	v56 =	vor.u32 $0x6, v3  }
0x7c5: {  	v58 =	vld [tilespmem:$0x1FFC0];
	[tilespmem:v54+s10+$0x0] =	vst.idx.msk $0xffff, v5;
	v5 =	vor.u32 v47, v0  }
0x7c6: {  	v1 =	vmul.f32 v20, v1;
	_ =	sdelay $0x1  }
0x7c7: {  	v3 =	vor.u32 $0x7, v3;
	[tilespmem:v54+s11+$0x0] =	vst.idx.msk $0xffff, v1  }
0x7c8: {  	v1 =	vmul.f32 v20, v16;
	[tilespmem:v56+s10+$0x0] =	vst.idx.msk $0xffff, v22  }
0x7c9: {  	v7 =	vshll.u32 v58, $0x3;
	[tilespmem:v5+s3+$0x0] =	vst.idx.msk $0xffff, v37;
	v5 =	vld [tilespmem:$0x1FFD0]  }
0x7ca: {  	[tilespmem:v56+s11+$0x0] =	vst.idx.msk $0xffff, v1;
	v1 =	vmul.f32 v20, v2;
	v2 =	vpop (erf)  }
0x7cb: {  	v61 =	vld [tilespmem:$0x1FFE0];
	v59 =	vor.u32 $0x1, v7;
	v2 =	vmul.f32 $2.500000000e+00, v2  }
0x7cc: {  	[tilespmem:v3+s10+$0x0] =	vst.idx.msk $0xffff, v15  }
0x7cd: {  	v63 =	vld [tilespmem:$0x1FFF0];
	[tilespmem:v3+s11+$0x0] =	vst.idx.msk $0xffff, v1;
	v3 =	vor.u32 $0x2, v7;
	v1 =	vmul.f32 v2, v14  }
0x7ce: {  	[tilespmem:v7+s10+$0x0] =	vst.idx.msk $0xffff, v5  }
0x7cf: {  	v5 =	vor.u32 $0x3, v7;
	[tilespmem:v7+s11+$0x0] =	vst.idx.msk $0xffff, v1;
	v1 =	vmul.f32 v2, v34  }
0x7d0: {  	[tilespmem:v59+s10+$0x0] =	vst.idx.msk $0xffff, v61  }
0x7d1: {  	v62 =	vor.u32 $0x4, v7;
	[tilespmem:v59+s11+$0x0] =	vst.idx.msk $0xffff, v1;
	v1 =	vmul.f32 v2, v19  }
0x7d2: {  	[tilespmem:v3+s10+$0x0] =	vst.idx.msk $0xffff, v63  }
0x7d3: {  	[tilespmem:v3+s11+$0x0] =	vst.idx.msk $0xffff, v1;
	v1 =	vmul.f32 v2, v11;
	v3 =	vor.u32 $0x5, v7  }
0x7d4: {  	[tilespmem:v5+s10+$0x0] =	vst.idx.msk $0xffff, v60  }
0x7d5: {  	[tilespmem:v5+s11+$0x0] =	vst.idx.msk $0xffff, v1;
	v1 =	vmul.f32 v2, v13;
	v5 =	vor.u32 $0x6, v7  }
0x7d6: {  	[tilespmem:v62+s10+$0x0] =	vst.idx.msk $0xffff, v38  }
0x7d7: {  	s13 =	sadd.s32 $0x4, s13;
	v7 =	vor.u32 $0x7, v7;
	[tilespmem:v62+s11+$0x0] =	vst.idx.msk $0xffff, v1;
	v1 =	vmul.f32 v2, v36  }
0x7d8: {  	p0 =	slt.u32 s13, $0x3C;
	[tilespmem:v3+s10+$0x0] =	vst.idx.msk $0xffff, v18  }
.Ltmp0:
0x7d9: {  	[tilespmem:v3+s11+$0x0] =	vst.idx.msk $0xffff, v1;
	v1 =	vmul.f32 v2, v25;
	(pc) =	sbr.rel @p0 .LBB2_2-.Ltmp0, $4  }
0x7da: {  	[tilespmem:v5+s10+$0x0] =	vst.idx.msk $0xffff, v6  }
0x7db: {  	[tilespmem:v5+s11+$0x0] =	vst.idx.msk $0xffff, v1;
	v1 =	vmul.f32 v2, v4  }
0x7dc: {  	[tilespmem:v7+s10+$0x0] =	vst.idx.msk $0xffff, v0  }
0x7dd: {  	s14 =	sadd.s32 $0x40, s14;
	v31 =	vimm.s32 $0x0;
	v3 =	vimm.s32 $0x7;
	v0 =	vlaneseq.u32;
	[tilespmem:v7+s11+$0x0] =	vst.idx.msk $0xffff, v1  }
0x7de: {  	[hbm4b:s5+s3] =	stream.linear.scatter [tilespmem:s10], [sflag:$0x1], $0x2000, $0x38;
	[tilespmem:$0x14080] =	vst v63  }
0x7df: {  	s12 =	sadd.s32 $0x1, s12;
	_ =	swait.ge [sflag:s8], $0x2000  }
0x7e0: {  	p0 =	sne.s32 s12, s7;
	[sflag:s8] =	ssyncset.done $0x0  }
.Ltmp1:
0x7e1: {  	[sflag:s8] =	ssyncadd.s32 $0xFFFFE000;
	(pc) =	sbr.rel @p0 .LBB2_1-.Ltmp1, $4  }
0x7e2: {  	[hbm4b:s6+s3] =	stream.linear.scatter [tilespmem:s11], [sflag:$0x1], $0x2000, $0x38;
	[tilespmem:$0x14080] =	vst v63  }
0x7e3: {  	_ =	swait.ge [sflag:s8], $0x2000  }
0x7e4: {  	[sflag:s8] =	ssyncset.done $0x0  }
0x7e5: {  	[sflag:s8] =	ssyncadd.s32 $0xFFFFE000  }
0x7e6: {  	_ =	sfence.sel $0x180000  }
0x7e7: {  	[bflag:$0x0] =	sbarrier.arrive $0xFFFF  }
0x7e8: {  	p0 =	sne.s32 s2, $0x0;
	_ =	strace $0x90000047  }
0x7e9: {  	s0 =	sadd.s32 @!p0 $0x100000, s0;
	[bflag:$0x2] =	sbarrier.arrive $0xFFFF  }
0x7ea: {  	[sflag:s0] =	ssyncadd.tile.s32 @!p0 $0x1;
	_ =	shalt  }
.Lfunc_end2:
_tile_overlayer_lowered:
.L_overlay_start_2:
0x7eb: {  	(tag) =	ssettag $0x2  }
0x7ec: {  	s0 =	rddreg [dreg:$0x0];
	s2 =	stileid.u32  }
0x7ed: {  	s1 =	rddreg [dreg:$0x1];
	p0 =	sne.s32 s2, $0x0  }
0x7ee: {  	s3 =	rddreg [dreg:$0x2];
	[bflag:$0x3] =	sbarrier.arrive $0xFFFF;
	s2 =	simm.s32 @!p0 $0x1C01  }
0x7ef: {  	[timem:s3], [sflag:s2] =	dma.local @!p0 [hbm:s0], s1  }
0x7f0: {  	s0 =	simm.s32 @!p0 $0x1  }
0x7f1: {  	_ =	swait.ge @!p0 [sflag:s0], s1  }
0x7f2: {  	s1 =	ssub.s32 @!p0 $0x0, s1;
	[sflag:s0] =	ssyncset.done @!p0 $0x0  }
0x7f3: {  	[sflag:s0] =	ssyncadd.s32 @!p0 s1  }
0x7f4: {  	[bflag:$0x3] =	sbarrier.arrive $0xFFFF  }
0x7f5: {  	_ =	shalt  }

</sc_bundles>
